<compile_context>
chip_gen: v7x
topology: tpu7x:2x2x1
jax: 0.10.2.dev20260603
libtpu: 0.0.44.dev20260713+nightly
codegen_flags: <defaults>
</compile_context>

<pallas_src>
import functools

import jax
import jax.numpy as jnp
from jax import lax
from jax.experimental import pallas as pl
from jax.experimental.pallas import tpu as pltpu
from jax.experimental.pallas import tpu_sc as plsc

N = 10000
M = 10112
C = 128
ACT = 8
G = N // ACT
E = 320000
LANES = 128
NSC = 2
NT = 16
NR = 2560
K0 = 120
K1 = (NR // NT) - K0
KMAX = max(K0, K1)
NRA = NR + KMAX
DRPT = NR // (NSC * NT)
EPAD = NR * LANES
STRIPE = M // NT


@functools.cache
def _sc_mesh():
    return plsc.VectorSubcoreMesh(core_axis_name="c", subcore_axis_name="s",
                                  num_cores=NSC, num_subcores=NT)



def _zero_rows(zb, n_rows, n_minor):
    def body(i, _):
        for u in range(n_minor // 16):
            zb[i, pl.ds(u * 16, 16)] = jnp.zeros((16,), jnp.float32)
        return 0
    lax.fori_loop(0, n_rows, body, 0)


def _zero_stripe(zb, sh, base, n_rows):
    done = 0
    while done + n_rows <= STRIPE:
        pltpu.sync_copy(zb, sh.at[pl.ds(base + done, n_rows)])
        done += n_rows
    if done < STRIPE:
        pltpu.sync_copy(zb.at[pl.ds(0, STRIPE - done)],
                        sh.at[pl.ds(base + done, STRIPE - done)])


def _sc_deg_body(dstr_h, deg_out, idx_v, ones_v, zb, deg_sh):
    cid = lax.axis_index("c")
    sid = lax.axis_index("s")

    def fill(i, _):
        ones_v[i, :] = jnp.ones((16,), jnp.float32)
        return 0
    lax.fori_loop(0, LANES, fill, 0)
    _zero_rows(zb, LANES, 16)
    _zero_stripe(zb, deg_sh, sid * STRIPE, LANES)
    plsc.subcore_barrier()

    r0 = (cid * NT + sid) * DRPT
    pltpu.sync_copy(dstr_h.at[pl.ds(r0, DRPT)], idx_v)

    def step(j, _):
        pltpu.sync_copy(ones_v, deg_sh.at[idx_v.at[j]], add=True)
        return 0
    lax.fori_loop(0, DRPT, step, 0)

    plsc.subcore_barrier()
    pltpu.sync_copy(deg_sh.at[pl.ds(sid * STRIPE, STRIPE)],
                    deg_out.at[cid, pl.ds(sid * STRIPE, STRIPE)])


def _sc_deg(dstr):
    run = pl.kernel(
        _sc_deg_body,
        out_type=jax.ShapeDtypeStruct((NSC, M, 16), jnp.float32),
        mesh=_sc_mesh(),
        scratch_types=[
            pltpu.VMEM((DRPT, LANES), jnp.int32),
            pltpu.VMEM((LANES, 16), jnp.float32),
            pltpu.VMEM((LANES, 16), jnp.float32),
            pltpu.VMEM_SHARED((M, 16), jnp.float32),
        ],
    )
    return run(dstr)


def _sc_gcn_body(z_h, srcr_h, dstr_h, yp_out, src_v, dst_v, buf, sem, y_sh):
    cid = lax.axis_index("c")
    sid = lax.axis_index("s")

    _zero_rows(buf, LANES, C)
    _zero_stripe(buf, y_sh, sid * STRIPE, LANES)
    plsc.subcore_barrier()

    def step(j, _):
        pltpu.async_copy(z_h.at[src_v.at[j]], buf, sem).wait()
        pltpu.sync_copy(buf, y_sh.at[dst_v.at[j]], add=True)
        return 0

    @pl.when(cid == 0)
    def _():
        r0 = sid * K0
        pltpu.sync_copy(srcr_h.at[pl.ds(r0, K0)], src_v.at[pl.ds(0, K0)])
        pltpu.sync_copy(dstr_h.at[pl.ds(r0, K0)], dst_v.at[pl.ds(0, K0)])
        lax.fori_loop(0, K0, step, 0)

    @pl.when(cid == 1)
    def _():
        r0 = NT * K0 + sid * K1
        pltpu.sync_copy(srcr_h.at[pl.ds(r0, K1)], src_v.at[pl.ds(0, K1)])
        pltpu.sync_copy(dstr_h.at[pl.ds(r0, K1)], dst_v.at[pl.ds(0, K1)])
        lax.fori_loop(0, K1, step, 0)

    plsc.subcore_barrier()
    pltpu.sync_copy(y_sh.at[pl.ds(sid * STRIPE, STRIPE)],
                    yp_out.at[cid, pl.ds(sid * STRIPE, STRIPE)])


def _sc_gcn(zs, srcr, dstr):
    run = pl.kernel(
        _sc_gcn_body,
        out_type=jax.ShapeDtypeStruct((NSC, M, C), jnp.float32),
        mesh=_sc_mesh(),
        scratch_types=[
            pltpu.VMEM((KMAX, LANES), jnp.int32),
            pltpu.VMEM((KMAX, LANES), jnp.int32),
            pltpu.VMEM((LANES, C), jnp.float32),
            pltpu.SemaphoreType.DMA,
            pltpu.VMEM_SHARED((M, C), jnp.float32),
        ],
    )
    return run(zs, srcr, dstr)



def _tc_first_body(deg_ref, x_ref, w_ref, dis_ref, zs_ref):
    deg = deg_ref[0, :, 0:1] + deg_ref[1, :, 0:1] + 1.0
    iot = lax.broadcasted_iota(jnp.int32, (M, 1), 0)
    dis = jnp.where(iot < N, lax.rsqrt(deg), 0.0)
    dis_ref[...] = dis
    zs_ref[...] = dis * jnp.dot(x_ref[...], w_ref[...],
                                preferred_element_type=jnp.float32)


def _tc_first(deg2, state_p, w1):
    return pl.pallas_call(
        _tc_first_body,
        out_shape=(jax.ShapeDtypeStruct((M, 1), jnp.float32),
                   jax.ShapeDtypeStruct((M, C), jnp.float32)),
    )(deg2, state_p, w1)


def _tc_mid_body(yp_ref, zs_ref, dis_ref, b_ref, w_ref, x_out, zs_out):
    dis = dis_ref[...]
    y = yp_ref[0] + yp_ref[1] + zs_ref[...]
    x = jnp.maximum(dis * y + b_ref[...], 0.0)
    x_out[...] = x
    zs_out[...] = dis * jnp.dot(x, w_ref[...],
                                preferred_element_type=jnp.float32)


def _tc_mid(yp, zs, dis, b_prev, w_next):
    return pl.pallas_call(
        _tc_mid_body,
        out_shape=(jax.ShapeDtypeStruct((M, C), jnp.float32),
                   jax.ShapeDtypeStruct((M, C), jnp.float32)),
    )(yp, zs, dis, b_prev, w_next)


def _tc_x5_body(yp_ref, zs_ref, dis_ref, b_ref, x_out):
    y = yp_ref[0] + yp_ref[1] + zs_ref[...]
    x_out[...] = jnp.maximum(dis_ref[...] * y + b_ref[...], 0.0)


def _tc_x5(yp, zs, dis, b_prev):
    return pl.pallas_call(
        _tc_x5_body,
        out_shape=jax.ShapeDtypeStruct((M, C), jnp.float32),
    )(yp, zs, dis, b_prev)


def _tc_final_body(x1, x2, x3, x4, x5_ref,
                   state_ref, act_ref, l1wt, l2wt, l3wt, l1b, l2b, l3b,
                   out_ref, y2_sc):
    x5 = x5_ref[...]
    w = l1wt[...]
    mm = functools.partial(jnp.dot, preferred_element_type=jnp.float32)
    y = mm(x1[0:N, :], w[0:C, :])
    y += mm(x2[0:N, :], w[C:2 * C, :])
    y += mm(x3[0:N, :], w[2 * C:3 * C, :])
    y += mm(x4[0:N, :], w[3 * C:4 * C, :])
    y += mm(x5[0:N, :], w[4 * C:5 * C, :])
    y += mm(state_ref[0:N, :], w[5 * C:6 * C, :])
    y += act_ref[...] * w[6 * C:6 * C + 1, :]
    y1 = jnp.maximum(y + l1b[...], 0.0)
    y2 = jnp.maximum(mm(y1, l2wt[...]) + l2b[...], 0.0)
    y2_sc[...] = y2
    acc = y2_sc[0:G, :]
    for j in range(1, ACT):
        acc += y2_sc[j * G:(j + 1) * G, :]
    out_ref[...] = mm(acc, l3wt[...]) + l3b[...]


def _tc_final(x1, x2, x3, x4, x5, state_p, act_col,
              l1wt, l2wt, l3wt, l1b, l2b, l3b):
    return pl.pallas_call(
        _tc_final_body,
        out_shape=jax.ShapeDtypeStruct((G, 1), jnp.float32),
        scratch_shapes=[pltpu.VMEM((N, 32), jnp.float32)],
    )(x1, x2, x3, x4, x5, state_p, act_col,
      l1wt, l2wt, l3wt, l1b, l2b, l3b)



def kernel(state, edge_index, action, W1, b1, W2, b2, W3, b3,
           lin1W, lin1b, lin2W, lin2b, lin3W, lin3b):
    state_p = state.reshape(G, ACT, C).transpose(1, 0, 2).reshape(N, C)
    state_p = jnp.concatenate(
        [state_p, jnp.zeros((M - N, C), jnp.float32)], axis=0)
    src = edge_index[0]
    dst = edge_index[1]
    srcp = (src % ACT) * G + src // ACT
    dstp = (dst % ACT) * G + dst // ACT
    pad_n = NRA * LANES - E
    srcr = jnp.concatenate(
        [srcp, jnp.full((pad_n,), N, jnp.int32)]).reshape(NRA, LANES)
    pad_dst = N + (jnp.arange(pad_n, dtype=jnp.int32) % (M - N))
    dstr = jnp.concatenate([dstp, pad_dst]).reshape(NRA, LANES)
    act_col = action.T.reshape(N, 1)

    deg2 = _sc_deg(dstr)
    dis, zs = _tc_first(deg2, state_p, W1)
    xs = []
    for b_prev, w_next in ((b1, W2), (b2, W3), (b3, W3), (b3, W3)):
        yp = _sc_gcn(zs, srcr, dstr)
        x_prev, zs = _tc_mid(yp, zs, dis, b_prev.reshape(1, C), w_next)
        xs.append(x_prev)
    yp5 = _sc_gcn(zs, srcr, dstr)
    x5 = _tc_x5(yp5, zs, dis, b3.reshape(1, C))
    out = _tc_final(xs[0], xs[1], xs[2], xs[3], x5, state_p, act_col,
                    lin1W.T, lin2W.T, lin3W.T,
                    lin1b.reshape(1, -1), lin2b.reshape(1, -1),
                    lin3b.reshape(1, 1))
    return out.reshape(G)

# --- scband reference (transcript-rebuilt; emitter-appended) ---
"""Pipeline reference for scband-gnncritic-11845519803074 (READ-ONLY COPY).

The authoritative reference and input builder live on the scoring server;
editing this copy changes nothing except your own understanding.
"""

import jax, jax.numpy as jnp
import numpy as np

N = 10000
E = 320000
C = 128
ACT = 8
H = 32
CONCAT = 6 * C + 1


def setup_inputs(seed: int = 0) -> dict:
    key = jax.random.key(seed)
    ks = jax.random.split(key, 16)
    s = 1.0 / np.sqrt(C)
    inp = {}
    inp['state'] = jax.random.normal(ks[0], (N, C), dtype=jnp.float32)
    inp['edge_index'] = jax.random.randint(ks[1], (2, E), 0, N, dtype=jnp.int32)
    inp['action'] = jax.random.normal(ks[2], (N // ACT, ACT), dtype=jnp.float32)
    # GCNConv params (conv4/conv5 are defined in the module but never used:
    # forward calls conv3 three times, a bug faithfully reproduced here)
    inp['W1'] = jax.random.uniform(ks[3], (C, C), jnp.float32, -s, s)
    inp['b1'] = jnp.zeros((C,), jnp.float32)
    inp['W2'] = jax.random.uniform(ks[4], (C, C), jnp.float32, -s, s)
    inp['b2'] = jnp.zeros((C,), jnp.float32)
    inp['W3'] = jax.random.uniform(ks[5], (C, C), jnp.float32, -s, s)
    inp['b3'] = jnp.zeros((C,), jnp.float32)
    s1 = 1.0 / np.sqrt(CONCAT)
    inp['lin1W'] = jax.random.uniform(ks[6], (H, CONCAT), jnp.float32, -s1, s1)
    inp['lin1b'] = jax.random.uniform(ks[7], (H,), jnp.float32, -s1, s1)
    s2 = 1.0 / np.sqrt(H)
    inp['lin2W'] = jax.random.uniform(ks[8], (H, H), jnp.float32, -s2, s2)
    inp['lin2b'] = jax.random.uniform(ks[9], (H,), jnp.float32, -s2, s2)
    inp['lin3W'] = jax.random.uniform(ks[10], (1, H), jnp.float32, -s2, s2)
    inp['lin3b'] = jax.random.uniform(ks[11], (1,), jnp.float32, -s2, s2)
    return inp


def gcn_conv(x, edge_index, W, b):
    # PyG GCNConv: add self-loops, symmetric norm D^-1/2 (A+I) D^-1/2 X W + b
    loop = jnp.arange(N, dtype=edge_index.dtype)
    src = jnp.concatenate([edge_index[0], loop])
    dst = jnp.concatenate([edge_index[1], loop])
    deg = jnp.zeros((N,), jnp.float32).at[dst].add(1.0)
    dis = jnp.where(deg > 0, deg ** -0.5, 0.0)
    norm = dis[src] * dis[dst]
    xw = x @ W
    msg = xw[src] * norm[:, None]
    out = jnp.zeros_like(xw).at[dst].add(msg)
    return out + b


def reference(state, edge_index, action, W1, b1, W2, b2, W3, b3, lin1W, lin1b, lin2W, lin2b, lin3W, lin3b):
    out1 = jax.nn.relu(gcn_conv(state, edge_index, W1, b1))
    out2 = jax.nn.relu(gcn_conv(out1, edge_index, W2, b2))
    out3 = jax.nn.relu(gcn_conv(out2, edge_index, W3, b3))
    out4 = jax.nn.relu(gcn_conv(out3, edge_index, W3, b3))
    out5 = jax.nn.relu(gcn_conv(out4, edge_index, W3, b3))
    r = lambda t: t.reshape(-1, ACT, C)
    concat = jnp.concatenate([r(out1), r(out2), r(out3), r(out4), r(out5), r(state), action[..., None]], axis=-1)
    x = jax.nn.relu(concat @ lin1W.T + lin1b)
    x = jax.nn.relu(x @ lin2W.T + lin2b)
    x = jnp.sum(x, axis=1)
    x = (x @ lin3W.T + lin3b).squeeze(-1)
    return x

if __name__ == "__main__":
    import jax
    _d = setup_inputs()
    print(jax.jit(kernel)(*tuple(_d.values())))

</pallas_src>

<mosaic_0001>
#map = affine_map<(d0, d1) -> (0, 0)>
#map1 = affine_map<(d0, d1) -> (0, 0, 0)>
module attributes {stable_mosaic.version = 14 : i64} {
  func.func @_sc_gcn_body(%arg0: i32, %arg1: i32, %arg2: memref<10112x128xf32, #tpu.memory_space<hbm>>, %arg3: memref<2680x128xi32, #tpu.memory_space<hbm>>, %arg4: memref<2680x128xi32, #tpu.memory_space<hbm>>, %arg5: memref<2x10112x128xf32, #tpu.memory_space<hbm>>, %arg6: memref<120x128xi32, #tpu.memory_space<vmem>>, %arg7: memref<120x128xi32, #tpu.memory_space<vmem>>, %arg8: memref<128x128xf32, #tpu.memory_space<vmem>>, %arg9: memref<!tpu.dma_semaphore, #tpu.memory_space<semaphore_mem>>, %arg10: memref<10112x128xf32, #tpu.memory_space<vmem_shared>>) attributes {dimension_semantics = [#tpu.dimension_semantics<core_parallel>, #tpu.dimension_semantics<subcore_parallel>], iteration_bounds = array<i64: 2, 16>, scalar_prefetch = 0 : i64, scratch_operands = 5 : i64, tpu.core_type = #tpu.core_type<sc_vector_subcore>, window_params = [{transform_indices = #map}, {transform_indices = #map}, {transform_indices = #map}, {transform_indices = #map1}]} {
    %scan3A = arith.constant 0 : i32
    %scan3A_0 = arith.constant 0 : i32
    %scan3A_1 = arith.constant 128 : i32
    %scan3A_2 = arith.addi %scan3A_0, %scan3A_1 : i32
    %scan3A_3 = arith.constant 1 : i32
    %scan3A_4 = scf.for %scan3A_28 = %scan3A_0 to %scan3A_2 step %scan3A_3 iter_args(%scan3A_29 = %scan3A) -> (i32)  : i32 {
      %broadcast_in_dim3A = arith.constant 0.000000e+00 : f32
      %broadcast_in_dim3A_30 = vector.broadcast %broadcast_in_dim3A : f32 to vector<16xf32>
      %swap3A = arith.index_cast %scan3A_28 : i32 to index
      %swap3A_31 = arith.constant 0 : index
      %swap3A_32 = tpu.vector_load %arg8[%swap3A, %swap3A_31] {strides = array<i32>} : memref<128x128xf32, #tpu.memory_space<vmem>>, vector<1x16xf32>,
      %swap3A_33 = vector.shape_cast %swap3A_32 : vector<1x16xf32> to vector<16xf32>
      %swap3A_34 = vector.shape_cast %broadcast_in_dim3A_30 : vector<16xf32> to vector<1x16xf32>
      tpu.vector_store %arg8[%swap3A, %swap3A_31], %swap3A_34 {strides = array<i32>} : memref<128x128xf32, #tpu.memory_space<vmem>>, vector<1x16xf32>,
      %broadcast_in_dim3A_35 = arith.constant 0.000000e+00 : f32
      %broadcast_in_dim3A_36 = vector.broadcast %broadcast_in_dim3A_35 : f32 to vector<16xf32>
      %swap3A_37 = arith.index_cast %scan3A_28 : i32 to index
      %swap3A_38 = arith.constant 16 : index
      %swap3A_39 = tpu.vector_load %arg8[%swap3A_37, %swap3A_38] {strides = array<i32>} : memref<128x128xf32, #tpu.memory_space<vmem>>, vector<1x16xf32>,
      %swap3A_40 = vector.shape_cast %swap3A_39 : vector<1x16xf32> to vector<16xf32>
      %swap3A_41 = vector.shape_cast %broadcast_in_dim3A_36 : vector<16xf32> to vector<1x16xf32>
      tpu.vector_store %arg8[%swap3A_37, %swap3A_38], %swap3A_41 {strides = array<i32>} : memref<128x128xf32, #tpu.memory_space<vmem>>, vector<1x16xf32>,
      %broadcast_in_dim3A_42 = arith.constant 0.000000e+00 : f32
      %broadcast_in_dim3A_43 = vector.broadcast %broadcast_in_dim3A_42 : f32 to vector<16xf32>
      %swap3A_44 = arith.index_cast %scan3A_28 : i32 to index
      %swap3A_45 = arith.constant 32 : index
      %swap3A_46 = tpu.vector_load %arg8[%swap3A_44, %swap3A_45] {strides = array<i32>} : memref<128x128xf32, #tpu.memory_space<vmem>>, vector<1x16xf32>,
      %swap3A_47 = vector.shape_cast %swap3A_46 : vector<1x16xf32> to vector<16xf32>
      %swap3A_48 = vector.shape_cast %broadcast_in_dim3A_43 : vector<16xf32> to vector<1x16xf32>
      tpu.vector_store %arg8[%swap3A_44, %swap3A_45], %swap3A_48 {strides = array<i32>} : memref<128x128xf32, #tpu.memory_space<vmem>>, vector<1x16xf32>,
      %broadcast_in_dim3A_49 = arith.constant 0.000000e+00 : f32
      %broadcast_in_dim3A_50 = vector.broadcast %broadcast_in_dim3A_49 : f32 to vector<16xf32>
      %swap3A_51 = arith.index_cast %scan3A_28 : i32 to index
      %swap3A_52 = arith.constant 48 : index
      %swap3A_53 = tpu.vector_load %arg8[%swap3A_51, %swap3A_52] {strides = array<i32>} : memref<128x128xf32, #tpu.memory_space<vmem>>, vector<1x16xf32>,
      %swap3A_54 = vector.shape_cast %swap3A_53 : vector<1x16xf32> to vector<16xf32>
      %swap3A_55 = vector.shape_cast %broadcast_in_dim3A_50 : vector<16xf32> to vector<1x16xf32>
      tpu.vector_store %arg8[%swap3A_51, %swap3A_52], %swap3A_55 {strides = array<i32>} : memref<128x128xf32, #tpu.memory_space<vmem>>, vector<1x16xf32>,
      %broadcast_in_dim3A_56 = arith.constant 0.000000e+00 : f32
      %broadcast_in_dim3A_57 = vector.broadcast %broadcast_in_dim3A_56 : f32 to vector<16xf32>
      %swap3A_58 = arith.index_cast %scan3A_28 : i32 to index
      %swap3A_59 = arith.constant 64 : index
      %swap3A_60 = tpu.vector_load %arg8[%swap3A_58, %swap3A_59] {strides = array<i32>} : memref<128x128xf32, #tpu.memory_space<vmem>>, vector<1x16xf32>,
      %swap3A_61 = vector.shape_cast %swap3A_60 : vector<1x16xf32> to vector<16xf32>
      %swap3A_62 = vector.shape_cast %broadcast_in_dim3A_57 : vector<16xf32> to vector<1x16xf32>
      tpu.vector_store %arg8[%swap3A_58, %swap3A_59], %swap3A_62 {strides = array<i32>} : memref<128x128xf32, #tpu.memory_space<vmem>>, vector<1x16xf32>,
      %broadcast_in_dim3A_63 = arith.constant 0.000000e+00 : f32
      %broadcast_in_dim3A_64 = vector.broadcast %broadcast_in_dim3A_63 : f32 to vector<16xf32>
      %swap3A_65 = arith.index_cast %scan3A_28 : i32 to index
      %swap3A_66 = arith.constant 80 : index
      %swap3A_67 = tpu.vector_load %arg8[%swap3A_65, %swap3A_66] {strides = array<i32>} : memref<128x128xf32, #tpu.memory_space<vmem>>, vector<1x16xf32>,
      %swap3A_68 = vector.shape_cast %swap3A_67 : vector<1x16xf32> to vector<16xf32>
      %swap3A_69 = vector.shape_cast %broadcast_in_dim3A_64 : vector<16xf32> to vector<1x16xf32>
      tpu.vector_store %arg8[%swap3A_65, %swap3A_66], %swap3A_69 {strides = array<i32>} : memref<128x128xf32, #tpu.memory_space<vmem>>, vector<1x16xf32>,
      %broadcast_in_dim3A_70 = arith.constant 0.000000e+00 : f32
      %broadcast_in_dim3A_71 = vector.broadcast %broadcast_in_dim3A_70 : f32 to vector<16xf32>
      %swap3A_72 = arith.index_cast %scan3A_28 : i32 to index
      %swap3A_73 = arith.constant 96 : index
      %swap3A_74 = tpu.vector_load %arg8[%swap3A_72, %swap3A_73] {strides = array<i32>} : memref<128x128xf32, #tpu.memory_space<vmem>>, vector<1x16xf32>,
      %swap3A_75 = vector.shape_cast %swap3A_74 : vector<1x16xf32> to vector<16xf32>
      %swap3A_76 = vector.shape_cast %broadcast_in_dim3A_71 : vector<16xf32> to vector<1x16xf32>
      tpu.vector_store %arg8[%swap3A_72, %swap3A_73], %swap3A_76 {strides = array<i32>} : memref<128x128xf32, #tpu.memory_space<vmem>>, vector<1x16xf32>,
      %broadcast_in_dim3A_77 = arith.constant 0.000000e+00 : f32
      %broadcast_in_dim3A_78 = vector.broadcast %broadcast_in_dim3A_77 : f32 to vector<16xf32>
      %swap3A_79 = arith.index_cast %scan3A_28 : i32 to index
      %swap3A_80 = arith.constant 112 : index
      %swap3A_81 = tpu.vector_load %arg8[%swap3A_79, %swap3A_80] {strides = array<i32>} : memref<128x128xf32, #tpu.memory_space<vmem>>, vector<1x16xf32>,
      %swap3A_82 = vector.shape_cast %swap3A_81 : vector<1x16xf32> to vector<16xf32>
      %swap3A_83 = vector.shape_cast %broadcast_in_dim3A_78 : vector<16xf32> to vector<1x16xf32>
      tpu.vector_store %arg8[%swap3A_79, %swap3A_80], %swap3A_83 {strides = array<i32>} : memref<128x128xf32, #tpu.memory_space<vmem>>, vector<1x16xf32>,
      %scan3A_84 = arith.constant 0 : i32
      scf.yield %scan3A_84 : i32
    }
    %scan3A_5 = arith.constant 128 : i32
    %mul3A = arith.constant 632 : i32
    %mul3A_6 = arith.muli %arg1, %mul3A : i32
    %add3A = arith.constant 0 : i32
    %add3A_7 = arith.addi %mul3A_6, %add3A : i32
    "tpu.region"() ({
      %run_scoped3A = tpu.sem_alloc : memref<!tpu.dma_semaphore, #tpu.memory_space<semaphore_mem>>
      %dma_start3A = arith.constant 0 : i32
      %dma_start3A_28 = tpu.memref_slice %arg10[%add3A_7, %dma_start3A] : memref<10112x128xf32, #tpu.memory_space<vmem_shared>> -> memref<128x128xf32, #tpu.memory_space<vmem_shared>>
      %dma_start3A_29 = arith.constant 0 : i32
      %dma_start3A_30 = tpu.memref_slice %arg10[%add3A_7, %dma_start3A_29] : memref<10112x128xf32, #tpu.memory_space<vmem_shared>> -> memref<128x128xf32, #tpu.memory_space<vmem_shared>>
      tpu.enqueue_dma source(%arg8 : memref<128x128xf32, #tpu.memory_space<vmem>>) target(%dma_start3A_30 : memref<128x128xf32, #tpu.memory_space<vmem_shared>>) target_semaphore(%run_scoped3A : memref<!tpu.dma_semaphore, #tpu.memory_space<semaphore_mem>>)
      %dma_wait3A = arith.constant 0 : i32
      %dma_wait3A_31 = tpu.memref_slice %arg10[%add3A_7, %dma_wait3A] : memref<10112x128xf32, #tpu.memory_space<vmem_shared>> -> memref<128x128xf32, #tpu.memory_space<vmem_shared>>
      %dma_wait3A_32 = arith.constant 0 : i32
      %dma_wait3A_33 = tpu.memref_slice %arg10[%add3A_7, %dma_wait3A_32] : memref<10112x128xf32, #tpu.memory_space<vmem_shared>> -> memref<128x128xf32, #tpu.memory_space<vmem_shared>>
      tpu.wait_dma2 semaphore(%run_scoped3A : memref<!tpu.dma_semaphore, #tpu.memory_space<semaphore_mem>>) src(%arg8 : memref<128x128xf32, #tpu.memory_space<vmem>>) dst(%dma_wait3A_33 : memref<128x128xf32, #tpu.memory_space<vmem_shared>>)
      tpu.yield
    }) : () -> ()
    %add3A_8 = arith.constant 128 : i32
    %add3A_9 = arith.addi %mul3A_6, %add3A_8 : i32
    "tpu.region"() ({
      %run_scoped3A = tpu.sem_alloc : memref<!tpu.dma_semaphore, #tpu.memory_space<semaphore_mem>>
      %dma_start3A = arith.constant 0 : i32
      %dma_start3A_28 = tpu.memref_slice %arg10[%add3A_9, %dma_start3A] : memref<10112x128xf32, #tpu.memory_space<vmem_shared>> -> memref<128x128xf32, #tpu.memory_space<vmem_shared>>
      %dma_start3A_29 = arith.constant 0 : i32
      %dma_start3A_30 = tpu.memref_slice %arg10[%add3A_9, %dma_start3A_29] : memref<10112x128xf32, #tpu.memory_space<vmem_shared>> -> memref<128x128xf32, #tpu.memory_space<vmem_shared>>
      tpu.enqueue_dma source(%arg8 : memref<128x128xf32, #tpu.memory_space<vmem>>) target(%dma_start3A_30 : memref<128x128xf32, #tpu.memory_space<vmem_shared>>) target_semaphore(%run_scoped3A : memref<!tpu.dma_semaphore, #tpu.memory_space<semaphore_mem>>)
      %dma_wait3A = arith.constant 0 : i32
      %dma_wait3A_31 = tpu.memref_slice %arg10[%add3A_9, %dma_wait3A] : memref<10112x128xf32, #tpu.memory_space<vmem_shared>> -> memref<128x128xf32, #tpu.memory_space<vmem_shared>>
      %dma_wait3A_32 = arith.constant 0 : i32
      %dma_wait3A_33 = tpu.memref_slice %arg10[%add3A_9, %dma_wait3A_32] : memref<10112x128xf32, #tpu.memory_space<vmem_shared>> -> memref<128x128xf32, #tpu.memory_space<vmem_shared>>
      tpu.wait_dma2 semaphore(%run_scoped3A : memref<!tpu.dma_semaphore, #tpu.memory_space<semaphore_mem>>) src(%arg8 : memref<128x128xf32, #tpu.memory_space<vmem>>) dst(%dma_wait3A_33 : memref<128x128xf32, #tpu.memory_space<vmem_shared>>)
      tpu.yield
    }) : () -> ()
    %add3A_10 = arith.constant 256 : i32
    %add3A_11 = arith.addi %mul3A_6, %add3A_10 : i32
    "tpu.region"() ({
      %run_scoped3A = tpu.sem_alloc : memref<!tpu.dma_semaphore, #tpu.memory_space<semaphore_mem>>
      %dma_start3A = arith.constant 0 : i32
      %dma_start3A_28 = tpu.memref_slice %arg10[%add3A_11, %dma_start3A] : memref<10112x128xf32, #tpu.memory_space<vmem_shared>> -> memref<128x128xf32, #tpu.memory_space<vmem_shared>>
      %dma_start3A_29 = arith.constant 0 : i32
      %dma_start3A_30 = tpu.memref_slice %arg10[%add3A_11, %dma_start3A_29] : memref<10112x128xf32, #tpu.memory_space<vmem_shared>> -> memref<128x128xf32, #tpu.memory_space<vmem_shared>>
      tpu.enqueue_dma source(%arg8 : memref<128x128xf32, #tpu.memory_space<vmem>>) target(%dma_start3A_30 : memref<128x128xf32, #tpu.memory_space<vmem_shared>>) target_semaphore(%run_scoped3A : memref<!tpu.dma_semaphore, #tpu.memory_space<semaphore_mem>>)
      %dma_wait3A = arith.constant 0 : i32
      %dma_wait3A_31 = tpu.memref_slice %arg10[%add3A_11, %dma_wait3A] : memref<10112x128xf32, #tpu.memory_space<vmem_shared>> -> memref<128x128xf32, #tpu.memory_space<vmem_shared>>
      %dma_wait3A_32 = arith.constant 0 : i32
      %dma_wait3A_33 = tpu.memref_slice %arg10[%add3A_11, %dma_wait3A_32] : memref<10112x128xf32, #tpu.memory_space<vmem_shared>> -> memref<128x128xf32, #tpu.memory_space<vmem_shared>>
      tpu.wait_dma2 semaphore(%run_scoped3A : memref<!tpu.dma_semaphore, #tpu.memory_space<semaphore_mem>>) src(%arg8 : memref<128x128xf32, #tpu.memory_space<vmem>>) dst(%dma_wait3A_33 : memref<128x128xf32, #tpu.memory_space<vmem_shared>>)
      tpu.yield
    }) : () -> ()
    %add3A_12 = arith.constant 384 : i32
    %add3A_13 = arith.addi %mul3A_6, %add3A_12 : i32
    "tpu.region"() ({
      %run_scoped3A = tpu.sem_alloc : memref<!tpu.dma_semaphore, #tpu.memory_space<semaphore_mem>>
      %dma_start3A = arith.constant 0 : i32
      %dma_start3A_28 = tpu.memref_slice %arg10[%add3A_13, %dma_start3A] : memref<10112x128xf32, #tpu.memory_space<vmem_shared>> -> memref<128x128xf32, #tpu.memory_space<vmem_shared>>
      %dma_start3A_29 = arith.constant 0 : i32
      %dma_start3A_30 = tpu.memref_slice %arg10[%add3A_13, %dma_start3A_29] : memref<10112x128xf32, #tpu.memory_space<vmem_shared>> -> memref<128x128xf32, #tpu.memory_space<vmem_shared>>
      tpu.enqueue_dma source(%arg8 : memref<128x128xf32, #tpu.memory_space<vmem>>) target(%dma_start3A_30 : memref<128x128xf32, #tpu.memory_space<vmem_shared>>) target_semaphore(%run_scoped3A : memref<!tpu.dma_semaphore, #tpu.memory_space<semaphore_mem>>)
      %dma_wait3A = arith.constant 0 : i32
      %dma_wait3A_31 = tpu.memref_slice %arg10[%add3A_13, %dma_wait3A] : memref<10112x128xf32, #tpu.memory_space<vmem_shared>> -> memref<128x128xf32, #tpu.memory_space<vmem_shared>>
      %dma_wait3A_32 = arith.constant 0 : i32
      %dma_wait3A_33 = tpu.memref_slice %arg10[%add3A_13, %dma_wait3A_32] : memref<10112x128xf32, #tpu.memory_space<vmem_shared>> -> memref<128x128xf32, #tpu.memory_space<vmem_shared>>
      tpu.wait_dma2 semaphore(%run_scoped3A : memref<!tpu.dma_semaphore, #tpu.memory_space<semaphore_mem>>) src(%arg8 : memref<128x128xf32, #tpu.memory_space<vmem>>) dst(%dma_wait3A_33 : memref<128x128xf32, #tpu.memory_space<vmem_shared>>)
      tpu.yield
    }) : () -> ()
    %add3A_14 = arith.constant 512 : i32
    %add3A_15 = arith.addi %mul3A_6, %add3A_14 : i32
    "tpu.region"() ({
      %run_scoped3A = tpu.sem_alloc : memref<!tpu.dma_semaphore, #tpu.memory_space<semaphore_mem>>
      %dma_start3A = arith.constant 0 : i32
      %dma_start3A_28 = arith.constant 0 : i32
      %dma_start3A_29 = tpu.memref_slice %arg8[%dma_start3A, %dma_start3A_28] : memref<128x128xf32, #tpu.memory_space<vmem>> -> memref<120x128xf32, #tpu.memory_space<vmem>>
      %dma_start3A_30 = arith.constant 0 : i32
      %dma_start3A_31 = tpu.memref_slice %arg10[%add3A_15, %dma_start3A_30] : memref<10112x128xf32, #tpu.memory_space<vmem_shared>> -> memref<120x128xf32, #tpu.memory_space<vmem_shared>>
      %dma_start3A_32 = arith.constant 0 : i32
      %dma_start3A_33 = tpu.memref_slice %arg10[%add3A_15, %dma_start3A_32] : memref<10112x128xf32, #tpu.memory_space<vmem_shared>> -> memref<120x128xf32, #tpu.memory_space<vmem_shared>>
      %dma_start3A_34 = arith.constant 0 : i32
      %dma_start3A_35 = arith.constant 0 : i32
      %dma_start3A_36 = tpu.memref_slice %arg8[%dma_start3A_34, %dma_start3A_35] : memref<128x128xf32, #tpu.memory_space<vmem>> -> memref<120x128xf32, #tpu.memory_space<vmem>>
      tpu.enqueue_dma source(%dma_start3A_36 : memref<120x128xf32, #tpu.memory_space<vmem>>) target(%dma_start3A_33 : memref<120x128xf32, #tpu.memory_space<vmem_shared>>) target_semaphore(%run_scoped3A : memref<!tpu.dma_semaphore, #tpu.memory_space<semaphore_mem>>)
      %dma_wait3A = arith.constant 0 : i32
      %dma_wait3A_37 = arith.constant 0 : i32
      %dma_wait3A_38 = tpu.memref_slice %arg8[%dma_wait3A, %dma_wait3A_37] : memref<128x128xf32, #tpu.memory_space<vmem>> -> memref<120x128xf32, #tpu.memory_space<vmem>>
      %dma_wait3A_39 = arith.constant 0 : i32
      %dma_wait3A_40 = tpu.memref_slice %arg10[%add3A_15, %dma_wait3A_39] : memref<10112x128xf32, #tpu.memory_space<vmem_shared>> -> memref<120x128xf32, #tpu.memory_space<vmem_shared>>
      %dma_wait3A_41 = arith.constant 0 : i32
      %dma_wait3A_42 = tpu.memref_slice %arg10[%add3A_15, %dma_wait3A_41] : memref<10112x128xf32, #tpu.memory_space<vmem_shared>> -> memref<120x128xf32, #tpu.memory_space<vmem_shared>>
      %dma_wait3A_43 = arith.constant 0 : i32
      %dma_wait3A_44 = arith.constant 0 : i32
      %dma_wait3A_45 = tpu.memref_slice %arg8[%dma_wait3A_43, %dma_wait3A_44] : memref<128x128xf32, #tpu.memory_space<vmem>> -> memref<120x128xf32, #tpu.memory_space<vmem>>
      tpu.wait_dma2 semaphore(%run_scoped3A : memref<!tpu.dma_semaphore, #tpu.memory_space<semaphore_mem>>) src(%dma_wait3A_45 : memref<120x128xf32, #tpu.memory_space<vmem>>) dst(%dma_wait3A_42 : memref<120x128xf32, #tpu.memory_space<vmem_shared>>)
      tpu.yield
    }) : () -> ()
    %barrier3A = arith.constant 0 : index
    tpu.barrier barrier_id(%barrier3A)
    %eq3A = arith.constant 0 : i32
    %eq3A_16 = arith.cmpi eq, %arg0, %eq3A : i32
    %convert_element_type3A = arith.extui %eq3A_16 : i1 to i32
    %cond3A = arith.constant 0 : i32
    %cond3A_17 = arith.cmpi ne, %convert_element_type3A, %cond3A : i32
    scf.if %cond3A_17 {
      %mul3A_28 = arith.constant 120 : i32
      %mul3A_29 = arith.muli %arg1, %mul3A_28 : i32
      "tpu.region"() ({
        %run_scoped3A = tpu.sem_alloc : memref<!tpu.dma_semaphore, #tpu.memory_space<semaphore_mem>>
        %dma_start3A = arith.constant 0 : i32
        %dma_start3A_37 = arith.constant 0 : i32
        %dma_start3A_38 = tpu.memref_slice %arg6[%dma_start3A, %dma_start3A_37] : memref<120x128xi32, #tpu.memory_space<vmem>> -> memref<120x128xi32, #tpu.memory_space<vmem>>
        %dma_start3A_39 = arith.constant 0 : i32
        %dma_start3A_40 = tpu.memref_slice %arg3[%mul3A_29, %dma_start3A_39] : memref<2680x128xi32, #tpu.memory_space<hbm>> -> memref<120x128xi32, #tpu.memory_space<hbm>>
        %dma_start3A_41 = arith.constant 0 : i32
        %dma_start3A_42 = arith.constant 0 : i32
        %dma_start3A_43 = tpu.memref_slice %arg6[%dma_start3A_41, %dma_start3A_42] : memref<120x128xi32, #tpu.memory_space<vmem>> -> memref<120x128xi32, #tpu.memory_space<vmem>>
        %dma_start3A_44 = arith.constant 0 : i32
        %dma_start3A_45 = tpu.memref_slice %arg3[%mul3A_29, %dma_start3A_44] : memref<2680x128xi32, #tpu.memory_space<hbm>> -> memref<120x128xi32, #tpu.memory_space<hbm>>
        tpu.enqueue_dma source(%dma_start3A_45 : memref<120x128xi32, #tpu.memory_space<hbm>>) target(%dma_start3A_43 : memref<120x128xi32, #tpu.memory_space<vmem>>) target_semaphore(%run_scoped3A : memref<!tpu.dma_semaphore, #tpu.memory_space<semaphore_mem>>)
        %dma_wait3A = arith.constant 0 : i32
        %dma_wait3A_46 = arith.constant 0 : i32
        %dma_wait3A_47 = tpu.memref_slice %arg6[%dma_wait3A, %dma_wait3A_46] : memref<120x128xi32, #tpu.memory_space<vmem>> -> memref<120x128xi32, #tpu.memory_space<vmem>>
        %dma_wait3A_48 = arith.constant 0 : i32
        %dma_wait3A_49 = tpu.memref_slice %arg3[%mul3A_29, %dma_wait3A_48] : memref<2680x128xi32, #tpu.memory_space<hbm>> -> memref<120x128xi32, #tpu.memory_space<hbm>>
        %dma_wait3A_50 = arith.constant 0 : i32
        %dma_wait3A_51 = arith.constant 0 : i32
        %dma_wait3A_52 = tpu.memref_slice %arg6[%dma_wait3A_50, %dma_wait3A_51] : memref<120x128xi32, #tpu.memory_space<vmem>> -> memref<120x128xi32, #tpu.memory_space<vmem>>
        %dma_wait3A_53 = arith.constant 0 : i32
        %dma_wait3A_54 = tpu.memref_slice %arg3[%mul3A_29, %dma_wait3A_53] : memref<2680x128xi32, #tpu.memory_space<hbm>> -> memref<120x128xi32, #tpu.memory_space<hbm>>
        tpu.wait_dma2 semaphore(%run_scoped3A : memref<!tpu.dma_semaphore, #tpu.memory_space<semaphore_mem>>) src(%dma_wait3A_54 : memref<120x128xi32, #tpu.memory_space<hbm>>) dst(%dma_wait3A_52 : memref<120x128xi32, #tpu.memory_space<vmem>>)
        tpu.yield
      }) : () -> ()
      "tpu.region"() ({
        %run_scoped3A = tpu.sem_alloc : memref<!tpu.dma_semaphore, #tpu.memory_space<semaphore_mem>>
        %dma_start3A = arith.constant 0 : i32
        %dma_start3A_37 = arith.constant 0 : i32
        %dma_start3A_38 = tpu.memref_slice %arg7[%dma_start3A, %dma_start3A_37] : memref<120x128xi32, #tpu.memory_space<vmem>> -> memref<120x128xi32, #tpu.memory_space<vmem>>
        %dma_start3A_39 = arith.constant 0 : i32
        %dma_start3A_40 = tpu.memref_slice %arg4[%mul3A_29, %dma_start3A_39] : memref<2680x128xi32, #tpu.memory_space<hbm>> -> memref<120x128xi32, #tpu.memory_space<hbm>>
        %dma_start3A_41 = arith.constant 0 : i32
        %dma_start3A_42 = arith.constant 0 : i32
        %dma_start3A_43 = tpu.memref_slice %arg7[%dma_start3A_41, %dma_start3A_42] : memref<120x128xi32, #tpu.memory_space<vmem>> -> memref<120x128xi32, #tpu.memory_space<vmem>>
        %dma_start3A_44 = arith.constant 0 : i32
        %dma_start3A_45 = tpu.memref_slice %arg4[%mul3A_29, %dma_start3A_44] : memref<2680x128xi32, #tpu.memory_space<hbm>> -> memref<120x128xi32, #tpu.memory_space<hbm>>
        tpu.enqueue_dma source(%dma_start3A_45 : memref<120x128xi32, #tpu.memory_space<hbm>>) target(%dma_start3A_43 : memref<120x128xi32, #tpu.memory_space<vmem>>) target_semaphore(%run_scoped3A : memref<!tpu.dma_semaphore, #tpu.memory_space<semaphore_mem>>)
        %dma_wait3A = arith.constant 0 : i32
        %dma_wait3A_46 = arith.constant 0 : i32
        %dma_wait3A_47 = tpu.memref_slice %arg7[%dma_wait3A, %dma_wait3A_46] : memref<120x128xi32, #tpu.memory_space<vmem>> -> memref<120x128xi32, #tpu.memory_space<vmem>>
        %dma_wait3A_48 = arith.constant 0 : i32
        %dma_wait3A_49 = tpu.memref_slice %arg4[%mul3A_29, %dma_wait3A_48] : memref<2680x128xi32, #tpu.memory_space<hbm>> -> memref<120x128xi32, #tpu.memory_space<hbm>>
        %dma_wait3A_50 = arith.constant 0 : i32
        %dma_wait3A_51 = arith.constant 0 : i32
        %dma_wait3A_52 = tpu.memref_slice %arg7[%dma_wait3A_50, %dma_wait3A_51] : memref<120x128xi32, #tpu.memory_space<vmem>> -> memref<120x128xi32, #tpu.memory_space<vmem>>
        %dma_wait3A_53 = arith.constant 0 : i32
        %dma_wait3A_54 = tpu.memref_slice %arg4[%mul3A_29, %dma_wait3A_53] : memref<2680x128xi32, #tpu.memory_space<hbm>> -> memref<120x128xi32, #tpu.memory_space<hbm>>
        tpu.wait_dma2 semaphore(%run_scoped3A : memref<!tpu.dma_semaphore, #tpu.memory_space<semaphore_mem>>) src(%dma_wait3A_54 : memref<120x128xi32, #tpu.memory_space<hbm>>) dst(%dma_wait3A_52 : memref<120x128xi32, #tpu.memory_space<vmem>>)
        tpu.yield
      }) : () -> ()
      %scan3A_30 = arith.constant 0 : i32
      %scan3A_31 = arith.constant 0 : i32
      %scan3A_32 = arith.constant 120 : i32
      %scan3A_33 = arith.addi %scan3A_31, %scan3A_32 : i32
      %scan3A_34 = arith.constant 1 : i32
      %scan3A_35 = scf.for %scan3A_37 = %scan3A_31 to %scan3A_33 step %scan3A_34 iter_args(%scan3A_38 = %scan3A_30) -> (i32)  : i32 {
        %dma_start3A = arith.constant 0 : i32
        %dma_start3A_39 = tpu.memref_slice %arg6[%scan3A_37, %dma_start3A] : memref<120x128xi32, #tpu.memory_space<vmem>> -> memref<1x128xi32, #tpu.memory_space<vmem>>
        %dma_start3A_40 = tpu.memref_squeeze %dma_start3A_39 : memref<1x128xi32, #tpu.memory_space<vmem>> -> memref<128xi32, #tpu.memory_space<vmem>>
        %dma_start3A_41 = arith.constant 0 : i32
        %dma_start3A_42 = arith.constant 0 : i32
        %dma_start3A_43 = tpu.memref_slice %arg2[%dma_start3A_41, %dma_start3A_42] : memref<10112x128xf32, #tpu.memory_space<hbm>> -> memref<10112x128xf32, #tpu.memory_space<hbm>>
        tpu.enqueue_indirect_dma source(%dma_start3A_43 : memref<10112x128xf32, #tpu.memory_space<hbm>>) target(%arg8 : memref<128x128xf32, #tpu.memory_space<vmem>>) offsets(%dma_start3A_40 : memref<128xi32, #tpu.memory_space<vmem>>) semaphore(%arg9 : memref<!tpu.dma_semaphore, #tpu.memory_space<semaphore_mem>>)
        %dma_wait3A = arith.constant 0 : i32
        %dma_wait3A_44 = tpu.memref_slice %arg6[%scan3A_37, %dma_wait3A] : memref<120x128xi32, #tpu.memory_space<vmem>> -> memref<1x128xi32, #tpu.memory_space<vmem>>
        %dma_wait3A_45 = tpu.memref_squeeze %dma_wait3A_44 : memref<1x128xi32, #tpu.memory_space<vmem>> -> memref<128xi32, #tpu.memory_space<vmem>>
        %dma_wait3A_46 = arith.constant 0 : i32
        %dma_wait3A_47 = arith.constant 0 : i32
        %dma_wait3A_48 = tpu.memref_slice %arg2[%dma_wait3A_46, %dma_wait3A_47] : memref<10112x128xf32, #tpu.memory_space<hbm>> -> memref<10112x128xf32, #tpu.memory_space<hbm>>
        tpu.wait_indirect_dma semaphore(%arg9 : memref<!tpu.dma_semaphore, #tpu.memory_space<semaphore_mem>>) src(%dma_wait3A_48 : memref<10112x128xf32, #tpu.memory_space<hbm>>) dst(%arg8 : memref<128x128xf32, #tpu.memory_space<vmem>>)
        "tpu.region"() ({
          %run_scoped3A = tpu.sem_alloc : memref<!tpu.dma_semaphore, #tpu.memory_space<semaphore_mem>>
          %dma_start3A_50 = arith.constant 0 : i32
          %dma_start3A_51 = tpu.memref_slice %arg7[%scan3A_37, %dma_start3A_50] : memref<120x128xi32, #tpu.memory_space<vmem>> -> memref<1x128xi32, #tpu.memory_space<vmem>>
          %dma_start3A_52 = tpu.memref_squeeze %dma_start3A_51 : memref<1x128xi32, #tpu.memory_space<vmem>> -> memref<128xi32, #tpu.memory_space<vmem>>
          %dma_start3A_53 = arith.constant 0 : i32
          %dma_start3A_54 = arith.constant 0 : i32
          %dma_start3A_55 = tpu.memref_slice %arg10[%dma_start3A_53, %dma_start3A_54] : memref<10112x128xf32, #tpu.memory_space<vmem_shared>> -> memref<10112x128xf32, #tpu.memory_space<vmem_shared>>
          tpu.enqueue_indirect_dma source(%arg8 : memref<128x128xf32, #tpu.memory_space<vmem>>) target(%dma_start3A_55 : memref<10112x128xf32, #tpu.memory_space<vmem_shared>>) offsets(%dma_start3A_52 : memref<128xi32, #tpu.memory_space<vmem>>) semaphore(%run_scoped3A : memref<!tpu.dma_semaphore, #tpu.memory_space<semaphore_mem>>) {add = true}
          %dma_wait3A_56 = arith.constant 0 : i32
          %dma_wait3A_57 = tpu.memref_slice %arg7[%scan3A_37, %dma_wait3A_56] : memref<120x128xi32, #tpu.memory_space<vmem>> -> memref<1x128xi32, #tpu.memory_space<vmem>>
          %dma_wait3A_58 = tpu.memref_squeeze %dma_wait3A_57 : memref<1x128xi32, #tpu.memory_space<vmem>> -> memref<128xi32, #tpu.memory_space<vmem>>
          %dma_wait3A_59 = arith.constant 0 : i32
          %dma_wait3A_60 = arith.constant 0 : i32
          %dma_wait3A_61 = tpu.memref_slice %arg10[%dma_wait3A_59, %dma_wait3A_60] : memref<10112x128xf32, #tpu.memory_space<vmem_shared>> -> memref<10112x128xf32, #tpu.memory_space<vmem_shared>>
          tpu.wait_indirect_dma semaphore(%run_scoped3A : memref<!tpu.dma_semaphore, #tpu.memory_space<semaphore_mem>>) src(%arg8 : memref<128x128xf32, #tpu.memory_space<vmem>>) dst(%dma_wait3A_61 : memref<10112x128xf32, #tpu.memory_space<vmem_shared>>)
          tpu.yield
        }) : () -> ()
        %scan3A_49 = arith.constant 0 : i32
        scf.yield %scan3A_49 : i32
      }
      %scan3A_36 = arith.constant 120 : i32
    } else {
    }
    %eq3A_18 = arith.constant 1 : i32
    %eq3A_19 = arith.cmpi eq, %arg0, %eq3A_18 : i32
    %convert_element_type3A_20 = arith.extui %eq3A_19 : i1 to i32
    %cond3A_21 = arith.constant 0 : i32
    %cond3A_22 = arith.cmpi ne, %convert_element_type3A_20, %cond3A_21 : i32
    scf.if %cond3A_22 {
      %mul3A_28 = arith.constant 40 : i32
      %mul3A_29 = arith.muli %arg1, %mul3A_28 : i32
      %add3A_30 = arith.constant 1920 : i32
      %add3A_31 = arith.addi %add3A_30, %mul3A_29 : i32
      "tpu.region"() ({
        %run_scoped3A = tpu.sem_alloc : memref<!tpu.dma_semaphore, #tpu.memory_space<semaphore_mem>>
        %dma_start3A = arith.constant 0 : i32
        %dma_start3A_39 = arith.constant 0 : i32
        %dma_start3A_40 = tpu.memref_slice %arg6[%dma_start3A, %dma_start3A_39] : memref<120x128xi32, #tpu.memory_space<vmem>> -> memref<40x128xi32, #tpu.memory_space<vmem>>
        %dma_start3A_41 = arith.constant 0 : i32
        %dma_start3A_42 = tpu.memref_slice %arg3[%add3A_31, %dma_start3A_41] : memref<2680x128xi32, #tpu.memory_space<hbm>> -> memref<40x128xi32, #tpu.memory_space<hbm>>
        %dma_start3A_43 = arith.constant 0 : i32
        %dma_start3A_44 = arith.constant 0 : i32
        %dma_start3A_45 = tpu.memref_slice %arg6[%dma_start3A_43, %dma_start3A_44] : memref<120x128xi32, #tpu.memory_space<vmem>> -> memref<40x128xi32, #tpu.memory_space<vmem>>
        %dma_start3A_46 = arith.constant 0 : i32
        %dma_start3A_47 = tpu.memref_slice %arg3[%add3A_31, %dma_start3A_46] : memref<2680x128xi32, #tpu.memory_space<hbm>> -> memref<40x128xi32, #tpu.memory_space<hbm>>
        tpu.enqueue_dma source(%dma_start3A_47 : memref<40x128xi32, #tpu.memory_space<hbm>>) target(%dma_start3A_45 : memref<40x128xi32, #tpu.memory_space<vmem>>) target_semaphore(%run_scoped3A : memref<!tpu.dma_semaphore, #tpu.memory_space<semaphore_mem>>)
        %dma_wait3A = arith.constant 0 : i32
        %dma_wait3A_48 = arith.constant 0 : i32
        %dma_wait3A_49 = tpu.memref_slice %arg6[%dma_wait3A, %dma_wait3A_48] : memref<120x128xi32, #tpu.memory_space<vmem>> -> memref<40x128xi32, #tpu.memory_space<vmem>>
        %dma_wait3A_50 = arith.constant 0 : i32
        %dma_wait3A_51 = tpu.memref_slice %arg3[%add3A_31, %dma_wait3A_50] : memref<2680x128xi32, #tpu.memory_space<hbm>> -> memref<40x128xi32, #tpu.memory_space<hbm>>
        %dma_wait3A_52 = arith.constant 0 : i32
        %dma_wait3A_53 = arith.constant 0 : i32
        %dma_wait3A_54 = tpu.memref_slice %arg6[%dma_wait3A_52, %dma_wait3A_53] : memref<120x128xi32, #tpu.memory_space<vmem>> -> memref<40x128xi32, #tpu.memory_space<vmem>>
        %dma_wait3A_55 = arith.constant 0 : i32
        %dma_wait3A_56 = tpu.memref_slice %arg3[%add3A_31, %dma_wait3A_55] : memref<2680x128xi32, #tpu.memory_space<hbm>> -> memref<40x128xi32, #tpu.memory_space<hbm>>
        tpu.wait_dma2 semaphore(%run_scoped3A : memref<!tpu.dma_semaphore, #tpu.memory_space<semaphore_mem>>) src(%dma_wait3A_56 : memref<40x128xi32, #tpu.memory_space<hbm>>) dst(%dma_wait3A_54 : memref<40x128xi32, #tpu.memory_space<vmem>>)
        tpu.yield
      }) : () -> ()
      "tpu.region"() ({
        %run_scoped3A = tpu.sem_alloc : memref<!tpu.dma_semaphore, #tpu.memory_space<semaphore_mem>>
        %dma_start3A = arith.constant 0 : i32
        %dma_start3A_39 = arith.constant 0 : i32
        %dma_start3A_40 = tpu.memref_slice %arg7[%dma_start3A, %dma_start3A_39] : memref<120x128xi32, #tpu.memory_space<vmem>> -> memref<40x128xi32, #tpu.memory_space<vmem>>
        %dma_start3A_41 = arith.constant 0 : i32
        %dma_start3A_42 = tpu.memref_slice %arg4[%add3A_31, %dma_start3A_41] : memref<2680x128xi32, #tpu.memory_space<hbm>> -> memref<40x128xi32, #tpu.memory_space<hbm>>
        %dma_start3A_43 = arith.constant 0 : i32
        %dma_start3A_44 = arith.constant 0 : i32
        %dma_start3A_45 = tpu.memref_slice %arg7[%dma_start3A_43, %dma_start3A_44] : memref<120x128xi32, #tpu.memory_space<vmem>> -> memref<40x128xi32, #tpu.memory_space<vmem>>
        %dma_start3A_46 = arith.constant 0 : i32
        %dma_start3A_47 = tpu.memref_slice %arg4[%add3A_31, %dma_start3A_46] : memref<2680x128xi32, #tpu.memory_space<hbm>> -> memref<40x128xi32, #tpu.memory_space<hbm>>
        tpu.enqueue_dma source(%dma_start3A_47 : memref<40x128xi32, #tpu.memory_space<hbm>>) target(%dma_start3A_45 : memref<40x128xi32, #tpu.memory_space<vmem>>) target_semaphore(%run_scoped3A : memref<!tpu.dma_semaphore, #tpu.memory_space<semaphore_mem>>)
        %dma_wait3A = arith.constant 0 : i32
        %dma_wait3A_48 = arith.constant 0 : i32
        %dma_wait3A_49 = tpu.memref_slice %arg7[%dma_wait3A, %dma_wait3A_48] : memref<120x128xi32, #tpu.memory_space<vmem>> -> memref<40x128xi32, #tpu.memory_space<vmem>>
        %dma_wait3A_50 = arith.constant 0 : i32
        %dma_wait3A_51 = tpu.memref_slice %arg4[%add3A_31, %dma_wait3A_50] : memref<2680x128xi32, #tpu.memory_space<hbm>> -> memref<40x128xi32, #tpu.memory_space<hbm>>
        %dma_wait3A_52 = arith.constant 0 : i32
        %dma_wait3A_53 = arith.constant 0 : i32
        %dma_wait3A_54 = tpu.memref_slice %arg7[%dma_wait3A_52, %dma_wait3A_53] : memref<120x128xi32, #tpu.memory_space<vmem>> -> memref<40x128xi32, #tpu.memory_space<vmem>>
        %dma_wait3A_55 = arith.constant 0 : i32
        %dma_wait3A_56 = tpu.memref_slice %arg4[%add3A_31, %dma_wait3A_55] : memref<2680x128xi32, #tpu.memory_space<hbm>> -> memref<40x128xi32, #tpu.memory_space<hbm>>
        tpu.wait_dma2 semaphore(%run_scoped3A : memref<!tpu.dma_semaphore, #tpu.memory_space<semaphore_mem>>) src(%dma_wait3A_56 : memref<40x128xi32, #tpu.memory_space<hbm>>) dst(%dma_wait3A_54 : memref<40x128xi32, #tpu.memory_space<vmem>>)
        tpu.yield
      }) : () -> ()
      %scan3A_32 = arith.constant 0 : i32
      %scan3A_33 = arith.constant 0 : i32
      %scan3A_34 = arith.constant 40 : i32
      %scan3A_35 = arith.addi %scan3A_33, %scan3A_34 : i32
      %scan3A_36 = arith.constant 1 : i32
      %scan3A_37 = scf.for %scan3A_39 = %scan3A_33 to %scan3A_35 step %scan3A_36 iter_args(%scan3A_40 = %scan3A_32) -> (i32)  : i32 {
        %dma_start3A = arith.constant 0 : i32
        %dma_start3A_41 = tpu.memref_slice %arg6[%scan3A_39, %dma_start3A] : memref<120x128xi32, #tpu.memory_space<vmem>> -> memref<1x128xi32, #tpu.memory_space<vmem>>
        %dma_start3A_42 = tpu.memref_squeeze %dma_start3A_41 : memref<1x128xi32, #tpu.memory_space<vmem>> -> memref<128xi32, #tpu.memory_space<vmem>>
        %dma_start3A_43 = arith.constant 0 : i32
        %dma_start3A_44 = arith.constant 0 : i32
        %dma_start3A_45 = tpu.memref_slice %arg2[%dma_start3A_43, %dma_start3A_44] : memref<10112x128xf32, #tpu.memory_space<hbm>> -> memref<10112x128xf32, #tpu.memory_space<hbm>>
        tpu.enqueue_indirect_dma source(%dma_start3A_45 : memref<10112x128xf32, #tpu.memory_space<hbm>>) target(%arg8 : memref<128x128xf32, #tpu.memory_space<vmem>>) offsets(%dma_start3A_42 : memref<128xi32, #tpu.memory_space<vmem>>) semaphore(%arg9 : memref<!tpu.dma_semaphore, #tpu.memory_space<semaphore_mem>>)
        %dma_wait3A = arith.constant 0 : i32
        %dma_wait3A_46 = tpu.memref_slice %arg6[%scan3A_39, %dma_wait3A] : memref<120x128xi32, #tpu.memory_space<vmem>> -> memref<1x128xi32, #tpu.memory_space<vmem>>
        %dma_wait3A_47 = tpu.memref_squeeze %dma_wait3A_46 : memref<1x128xi32, #tpu.memory_space<vmem>> -> memref<128xi32, #tpu.memory_space<vmem>>
        %dma_wait3A_48 = arith.constant 0 : i32
        %dma_wait3A_49 = arith.constant 0 : i32
        %dma_wait3A_50 = tpu.memref_slice %arg2[%dma_wait3A_48, %dma_wait3A_49] : memref<10112x128xf32, #tpu.memory_space<hbm>> -> memref<10112x128xf32, #tpu.memory_space<hbm>>
        tpu.wait_indirect_dma semaphore(%arg9 : memref<!tpu.dma_semaphore, #tpu.memory_space<semaphore_mem>>) src(%dma_wait3A_50 : memref<10112x128xf32, #tpu.memory_space<hbm>>) dst(%arg8 : memref<128x128xf32, #tpu.memory_space<vmem>>)
        "tpu.region"() ({
          %run_scoped3A = tpu.sem_alloc : memref<!tpu.dma_semaphore, #tpu.memory_space<semaphore_mem>>
          %dma_start3A_52 = arith.constant 0 : i32
          %dma_start3A_53 = tpu.memref_slice %arg7[%scan3A_39, %dma_start3A_52] : memref<120x128xi32, #tpu.memory_space<vmem>> -> memref<1x128xi32, #tpu.memory_space<vmem>>
          %dma_start3A_54 = tpu.memref_squeeze %dma_start3A_53 : memref<1x128xi32, #tpu.memory_space<vmem>> -> memref<128xi32, #tpu.memory_space<vmem>>
          %dma_start3A_55 = arith.constant 0 : i32
          %dma_start3A_56 = arith.constant 0 : i32
          %dma_start3A_57 = tpu.memref_slice %arg10[%dma_start3A_55, %dma_start3A_56] : memref<10112x128xf32, #tpu.memory_space<vmem_shared>> -> memref<10112x128xf32, #tpu.memory_space<vmem_shared>>
          tpu.enqueue_indirect_dma source(%arg8 : memref<128x128xf32, #tpu.memory_space<vmem>>) target(%dma_start3A_57 : memref<10112x128xf32, #tpu.memory_space<vmem_shared>>) offsets(%dma_start3A_54 : memref<128xi32, #tpu.memory_space<vmem>>) semaphore(%run_scoped3A : memref<!tpu.dma_semaphore, #tpu.memory_space<semaphore_mem>>) {add = true}
          %dma_wait3A_58 = arith.constant 0 : i32
          %dma_wait3A_59 = tpu.memref_slice %arg7[%scan3A_39, %dma_wait3A_58] : memref<120x128xi32, #tpu.memory_space<vmem>> -> memref<1x128xi32, #tpu.memory_space<vmem>>
          %dma_wait3A_60 = tpu.memref_squeeze %dma_wait3A_59 : memref<1x128xi32, #tpu.memory_space<vmem>> -> memref<128xi32, #tpu.memory_space<vmem>>
          %dma_wait3A_61 = arith.constant 0 : i32
          %dma_wait3A_62 = arith.constant 0 : i32
          %dma_wait3A_63 = tpu.memref_slice %arg10[%dma_wait3A_61, %dma_wait3A_62] : memref<10112x128xf32, #tpu.memory_space<vmem_shared>> -> memref<10112x128xf32, #tpu.memory_space<vmem_shared>>
          tpu.wait_indirect_dma semaphore(%run_scoped3A : memref<!tpu.dma_semaphore, #tpu.memory_space<semaphore_mem>>) src(%arg8 : memref<128x128xf32, #tpu.memory_space<vmem>>) dst(%dma_wait3A_63 : memref<10112x128xf32, #tpu.memory_space<vmem_shared>>)
          tpu.yield
        }) : () -> ()
        %scan3A_51 = arith.constant 0 : i32
        scf.yield %scan3A_51 : i32
      }
      %scan3A_38 = arith.constant 40 : i32
    } else {
    }
    %barrier3A_23 = arith.constant 0 : index
    tpu.barrier barrier_id(%barrier3A_23)
    %mul3A_24 = arith.constant 632 : i32
    %mul3A_25 = arith.muli %arg1, %mul3A_24 : i32
    %mul3A_26 = arith.constant 632 : i32
    %mul3A_27 = arith.muli %arg1, %mul3A_26 : i32
    "tpu.region"() ({
      %run_scoped3A = tpu.sem_alloc : memref<!tpu.dma_semaphore, #tpu.memory_space<semaphore_mem>>
      %dma_start3A = arith.constant 0 : i32
      %dma_start3A_28 = tpu.memref_slice %arg5[%arg0, %mul3A_27, %dma_start3A] : memref<2x10112x128xf32, #tpu.memory_space<hbm>> -> memref<1x632x128xf32, #tpu.memory_space<hbm>>
      %dma_start3A_29 = tpu.memref_squeeze %dma_start3A_28 : memref<1x632x128xf32, #tpu.memory_space<hbm>> -> memref<632x128xf32, #tpu.memory_space<hbm>>
      %dma_start3A_30 = arith.constant 0 : i32
      %dma_start3A_31 = tpu.memref_slice %arg10[%mul3A_25, %dma_start3A_30] : memref<10112x128xf32, #tpu.memory_space<vmem_shared>> -> memref<632x128xf32, #tpu.memory_space<vmem_shared>>
      tpu.enqueue_dma source(%dma_start3A_31 : memref<632x128xf32, #tpu.memory_space<vmem_shared>>) target(%dma_start3A_29 : memref<632x128xf32, #tpu.memory_space<hbm>>) target_semaphore(%run_scoped3A : memref<!tpu.dma_semaphore, #tpu.memory_space<semaphore_mem>>)
      %dma_wait3A = arith.constant 0 : i32
      %dma_wait3A_32 = tpu.memref_slice %arg5[%arg0, %mul3A_27, %dma_wait3A] : memref<2x10112x128xf32, #tpu.memory_space<hbm>> -> memref<1x632x128xf32, #tpu.memory_space<hbm>>
      %dma_wait3A_33 = tpu.memref_squeeze %dma_wait3A_32 : memref<1x632x128xf32, #tpu.memory_space<hbm>> -> memref<632x128xf32, #tpu.memory_space<hbm>>
      %dma_wait3A_34 = arith.constant 0 : i32
      %dma_wait3A_35 = tpu.memref_slice %arg10[%mul3A_25, %dma_wait3A_34] : memref<10112x128xf32, #tpu.memory_space<vmem_shared>> -> memref<632x128xf32, #tpu.memory_space<vmem_shared>>
      tpu.wait_dma2 semaphore(%run_scoped3A : memref<!tpu.dma_semaphore, #tpu.memory_space<semaphore_mem>>) src(%dma_wait3A_35 : memref<632x128xf32, #tpu.memory_space<vmem_shared>>) dst(%dma_wait3A_33 : memref<632x128xf32, #tpu.memory_space<hbm>>)
      tpu.yield
    }) : () -> ()
    return
  }
}

#map = affine_map<(d0, d1) -> (0, 0)>
#map1 = affine_map<(d0, d1) -> (0, 0, 0)>
module attributes {stable_mosaic.version = 14 : i64} {
  func.func @_sc_deg_body(%arg0: i32, %arg1: i32, %arg2: memref<2680x128xi32, #tpu.memory_space<hbm>>, %arg3: memref<2x10112x16xf32, #tpu.memory_space<hbm>>, %arg4: memref<80x128xi32, #tpu.memory_space<vmem>>, %arg5: memref<128x16xf32, #tpu.memory_space<vmem>>, %arg6: memref<128x16xf32, #tpu.memory_space<vmem>>, %arg7: memref<10112x16xf32, #tpu.memory_space<vmem_shared>>) attributes {dimension_semantics = [#tpu.dimension_semantics<core_parallel>, #tpu.dimension_semantics<subcore_parallel>], iteration_bounds = array<i64: 2, 16>, scalar_prefetch = 0 : i64, scratch_operands = 4 : i64, tpu.core_type = #tpu.core_type<sc_vector_subcore>, window_params = [{transform_indices = #map}, {transform_indices = #map1}]} {
    %scan3A = arith.constant 0 : i32
    %scan3A_0 = arith.constant 0 : i32
    %scan3A_1 = arith.constant 128 : i32
    %scan3A_2 = arith.addi %scan3A_0, %scan3A_1 : i32
    %scan3A_3 = arith.constant 1 : i32
    %scan3A_4 = scf.for %scan3A_40 = %scan3A_0 to %scan3A_2 step %scan3A_3 iter_args(%scan3A_41 = %scan3A) -> (i32)  : i32 {
      %broadcast_in_dim3A = arith.constant 1.000000e+00 : f32
      %broadcast_in_dim3A_42 = vector.broadcast %broadcast_in_dim3A : f32 to vector<16xf32>
      %swap3A = arith.index_cast %scan3A_40 : i32 to index
      %swap3A_43 = arith.constant 0 : index
      %swap3A_44 = tpu.vector_load %arg5[%swap3A, %swap3A_43] {strides = array<i32>} : memref<128x16xf32, #tpu.memory_space<vmem>>, vector<1x16xf32>,
      %swap3A_45 = vector.shape_cast %swap3A_44 : vector<1x16xf32> to vector<16xf32>
      %swap3A_46 = vector.shape_cast %broadcast_in_dim3A_42 : vector<16xf32> to vector<1x16xf32>
      tpu.vector_store %arg5[%swap3A, %swap3A_43], %swap3A_46 {strides = array<i32>} : memref<128x16xf32, #tpu.memory_space<vmem>>, vector<1x16xf32>,
      %scan3A_47 = arith.constant 0 : i32
      scf.yield %scan3A_47 : i32
    }
    %scan3A_5 = arith.constant 128 : i32
    %scan3A_6 = arith.constant 0 : i32
    %scan3A_7 = arith.constant 0 : i32
    %scan3A_8 = arith.constant 128 : i32
    %scan3A_9 = arith.addi %scan3A_7, %scan3A_8 : i32
    %scan3A_10 = arith.constant 1 : i32
    %scan3A_11 = scf.for %scan3A_40 = %scan3A_7 to %scan3A_9 step %scan3A_10 iter_args(%scan3A_41 = %scan3A_6) -> (i32)  : i32 {
      %broadcast_in_dim3A = arith.constant 0.000000e+00 : f32
      %broadcast_in_dim3A_42 = vector.broadcast %broadcast_in_dim3A : f32 to vector<16xf32>
      %swap3A = arith.index_cast %scan3A_40 : i32 to index
      %swap3A_43 = arith.constant 0 : index
      %swap3A_44 = tpu.vector_load %arg6[%swap3A, %swap3A_43] {strides = array<i32>} : memref<128x16xf32, #tpu.memory_space<vmem>>, vector<1x16xf32>,
      %swap3A_45 = vector.shape_cast %swap3A_44 : vector<1x16xf32> to vector<16xf32>
      %swap3A_46 = vector.shape_cast %broadcast_in_dim3A_42 : vector<16xf32> to vector<1x16xf32>
      tpu.vector_store %arg6[%swap3A, %swap3A_43], %swap3A_46 {strides = array<i32>} : memref<128x16xf32, #tpu.memory_space<vmem>>, vector<1x16xf32>,
      %scan3A_47 = arith.constant 0 : i32
      scf.yield %scan3A_47 : i32
    }
    %scan3A_12 = arith.constant 128 : i32
    %mul3A = arith.constant 632 : i32
    %mul3A_13 = arith.muli %arg1, %mul3A : i32
    %add3A = arith.constant 0 : i32
    %add3A_14 = arith.addi %mul3A_13, %add3A : i32
    "tpu.region"() ({
      %run_scoped3A = tpu.sem_alloc : memref<!tpu.dma_semaphore, #tpu.memory_space<semaphore_mem>>
      %dma_start3A = arith.constant 0 : i32
      %dma_start3A_40 = tpu.memref_slice %arg7[%add3A_14, %dma_start3A] : memref<10112x16xf32, #tpu.memory_space<vmem_shared>> -> memref<128x16xf32, #tpu.memory_space<vmem_shared>>
      %dma_start3A_41 = arith.constant 0 : i32
      %dma_start3A_42 = tpu.memref_slice %arg7[%add3A_14, %dma_start3A_41] : memref<10112x16xf32, #tpu.memory_space<vmem_shared>> -> memref<128x16xf32, #tpu.memory_space<vmem_shared>>
      tpu.enqueue_dma source(%arg6 : memref<128x16xf32, #tpu.memory_space<vmem>>) target(%dma_start3A_42 : memref<128x16xf32, #tpu.memory_space<vmem_shared>>) target_semaphore(%run_scoped3A : memref<!tpu.dma_semaphore, #tpu.memory_space<semaphore_mem>>)
      %dma_wait3A = arith.constant 0 : i32
      %dma_wait3A_43 = tpu.memref_slice %arg7[%add3A_14, %dma_wait3A] : memref<10112x16xf32, #tpu.memory_space<vmem_shared>> -> memref<128x16xf32, #tpu.memory_space<vmem_shared>>
      %dma_wait3A_44 = arith.constant 0 : i32
      %dma_wait3A_45 = tpu.memref_slice %arg7[%add3A_14, %dma_wait3A_44] : memref<10112x16xf32, #tpu.memory_space<vmem_shared>> -> memref<128x16xf32, #tpu.memory_space<vmem_shared>>
      tpu.wait_dma2 semaphore(%run_scoped3A : memref<!tpu.dma_semaphore, #tpu.memory_space<semaphore_mem>>) src(%arg6 : memref<128x16xf32, #tpu.memory_space<vmem>>) dst(%dma_wait3A_45 : memref<128x16xf32, #tpu.memory_space<vmem_shared>>)
      tpu.yield
    }) : () -> ()
    %add3A_15 = arith.constant 128 : i32
    %add3A_16 = arith.addi %mul3A_13, %add3A_15 : i32
    "tpu.region"() ({
      %run_scoped3A = tpu.sem_alloc : memref<!tpu.dma_semaphore, #tpu.memory_space<semaphore_mem>>
      %dma_start3A = arith.constant 0 : i32
      %dma_start3A_40 = tpu.memref_slice %arg7[%add3A_16, %dma_start3A] : memref<10112x16xf32, #tpu.memory_space<vmem_shared>> -> memref<128x16xf32, #tpu.memory_space<vmem_shared>>
      %dma_start3A_41 = arith.constant 0 : i32
      %dma_start3A_42 = tpu.memref_slice %arg7[%add3A_16, %dma_start3A_41] : memref<10112x16xf32, #tpu.memory_space<vmem_shared>> -> memref<128x16xf32, #tpu.memory_space<vmem_shared>>
      tpu.enqueue_dma source(%arg6 : memref<128x16xf32, #tpu.memory_space<vmem>>) target(%dma_start3A_42 : memref<128x16xf32, #tpu.memory_space<vmem_shared>>) target_semaphore(%run_scoped3A : memref<!tpu.dma_semaphore, #tpu.memory_space<semaphore_mem>>)
      %dma_wait3A = arith.constant 0 : i32
      %dma_wait3A_43 = tpu.memref_slice %arg7[%add3A_16, %dma_wait3A] : memref<10112x16xf32, #tpu.memory_space<vmem_shared>> -> memref<128x16xf32, #tpu.memory_space<vmem_shared>>
      %dma_wait3A_44 = arith.constant 0 : i32
      %dma_wait3A_45 = tpu.memref_slice %arg7[%add3A_16, %dma_wait3A_44] : memref<10112x16xf32, #tpu.memory_space<vmem_shared>> -> memref<128x16xf32, #tpu.memory_space<vmem_shared>>
      tpu.wait_dma2 semaphore(%run_scoped3A : memref<!tpu.dma_semaphore, #tpu.memory_space<semaphore_mem>>) src(%arg6 : memref<128x16xf32, #tpu.memory_space<vmem>>) dst(%dma_wait3A_45 : memref<128x16xf32, #tpu.memory_space<vmem_shared>>)
      tpu.yield
    }) : () -> ()
    %add3A_17 = arith.constant 256 : i32
    %add3A_18 = arith.addi %mul3A_13, %add3A_17 : i32
    "tpu.region"() ({
      %run_scoped3A = tpu.sem_alloc : memref<!tpu.dma_semaphore, #tpu.memory_space<semaphore_mem>>
      %dma_start3A = arith.constant 0 : i32
      %dma_start3A_40 = tpu.memref_slice %arg7[%add3A_18, %dma_start3A] : memref<10112x16xf32, #tpu.memory_space<vmem_shared>> -> memref<128x16xf32, #tpu.memory_space<vmem_shared>>
      %dma_start3A_41 = arith.constant 0 : i32
      %dma_start3A_42 = tpu.memref_slice %arg7[%add3A_18, %dma_start3A_41] : memref<10112x16xf32, #tpu.memory_space<vmem_shared>> -> memref<128x16xf32, #tpu.memory_space<vmem_shared>>
      tpu.enqueue_dma source(%arg6 : memref<128x16xf32, #tpu.memory_space<vmem>>) target(%dma_start3A_42 : memref<128x16xf32, #tpu.memory_space<vmem_shared>>) target_semaphore(%run_scoped3A : memref<!tpu.dma_semaphore, #tpu.memory_space<semaphore_mem>>)
      %dma_wait3A = arith.constant 0 : i32
      %dma_wait3A_43 = tpu.memref_slice %arg7[%add3A_18, %dma_wait3A] : memref<10112x16xf32, #tpu.memory_space<vmem_shared>> -> memref<128x16xf32, #tpu.memory_space<vmem_shared>>
      %dma_wait3A_44 = arith.constant 0 : i32
      %dma_wait3A_45 = tpu.memref_slice %arg7[%add3A_18, %dma_wait3A_44] : memref<10112x16xf32, #tpu.memory_space<vmem_shared>> -> memref<128x16xf32, #tpu.memory_space<vmem_shared>>
      tpu.wait_dma2 semaphore(%run_scoped3A : memref<!tpu.dma_semaphore, #tpu.memory_space<semaphore_mem>>) src(%arg6 : memref<128x16xf32, #tpu.memory_space<vmem>>) dst(%dma_wait3A_45 : memref<128x16xf32, #tpu.memory_space<vmem_shared>>)
      tpu.yield
    }) : () -> ()
    %add3A_19 = arith.constant 384 : i32
    %add3A_20 = arith.addi %mul3A_13, %add3A_19 : i32
    "tpu.region"() ({
      %run_scoped3A = tpu.sem_alloc : memref<!tpu.dma_semaphore, #tpu.memory_space<semaphore_mem>>
      %dma_start3A = arith.constant 0 : i32
      %dma_start3A_40 = tpu.memref_slice %arg7[%add3A_20, %dma_start3A] : memref<10112x16xf32, #tpu.memory_space<vmem_shared>> -> memref<128x16xf32, #tpu.memory_space<vmem_shared>>
      %dma_start3A_41 = arith.constant 0 : i32
      %dma_start3A_42 = tpu.memref_slice %arg7[%add3A_20, %dma_start3A_41] : memref<10112x16xf32, #tpu.memory_space<vmem_shared>> -> memref<128x16xf32, #tpu.memory_space<vmem_shared>>
      tpu.enqueue_dma source(%arg6 : memref<128x16xf32, #tpu.memory_space<vmem>>) target(%dma_start3A_42 : memref<128x16xf32, #tpu.memory_space<vmem_shared>>) target_semaphore(%run_scoped3A : memref<!tpu.dma_semaphore, #tpu.memory_space<semaphore_mem>>)
      %dma_wait3A = arith.constant 0 : i32
      %dma_wait3A_43 = tpu.memref_slice %arg7[%add3A_20, %dma_wait3A] : memref<10112x16xf32, #tpu.memory_space<vmem_shared>> -> memref<128x16xf32, #tpu.memory_space<vmem_shared>>
      %dma_wait3A_44 = arith.constant 0 : i32
      %dma_wait3A_45 = tpu.memref_slice %arg7[%add3A_20, %dma_wait3A_44] : memref<10112x16xf32, #tpu.memory_space<vmem_shared>> -> memref<128x16xf32, #tpu.memory_space<vmem_shared>>
      tpu.wait_dma2 semaphore(%run_scoped3A : memref<!tpu.dma_semaphore, #tpu.memory_space<semaphore_mem>>) src(%arg6 : memref<128x16xf32, #tpu.memory_space<vmem>>) dst(%dma_wait3A_45 : memref<128x16xf32, #tpu.memory_space<vmem_shared>>)
      tpu.yield
    }) : () -> ()
    %add3A_21 = arith.constant 512 : i32
    %add3A_22 = arith.addi %mul3A_13, %add3A_21 : i32
    "tpu.region"() ({
      %run_scoped3A = tpu.sem_alloc : memref<!tpu.dma_semaphore, #tpu.memory_space<semaphore_mem>>
      %dma_start3A = arith.constant 0 : i32
      %dma_start3A_40 = arith.constant 0 : i32
      %dma_start3A_41 = tpu.memref_slice %arg6[%dma_start3A, %dma_start3A_40] : memref<128x16xf32, #tpu.memory_space<vmem>> -> memref<120x16xf32, #tpu.memory_space<vmem>>
      %dma_start3A_42 = arith.constant 0 : i32
      %dma_start3A_43 = tpu.memref_slice %arg7[%add3A_22, %dma_start3A_42] : memref<10112x16xf32, #tpu.memory_space<vmem_shared>> -> memref<120x16xf32, #tpu.memory_space<vmem_shared>>
      %dma_start3A_44 = arith.constant 0 : i32
      %dma_start3A_45 = tpu.memref_slice %arg7[%add3A_22, %dma_start3A_44] : memref<10112x16xf32, #tpu.memory_space<vmem_shared>> -> memref<120x16xf32, #tpu.memory_space<vmem_shared>>
      %dma_start3A_46 = arith.constant 0 : i32
      %dma_start3A_47 = arith.constant 0 : i32
      %dma_start3A_48 = tpu.memref_slice %arg6[%dma_start3A_46, %dma_start3A_47] : memref<128x16xf32, #tpu.memory_space<vmem>> -> memref<120x16xf32, #tpu.memory_space<vmem>>
      tpu.enqueue_dma source(%dma_start3A_48 : memref<120x16xf32, #tpu.memory_space<vmem>>) target(%dma_start3A_45 : memref<120x16xf32, #tpu.memory_space<vmem_shared>>) target_semaphore(%run_scoped3A : memref<!tpu.dma_semaphore, #tpu.memory_space<semaphore_mem>>)
      %dma_wait3A = arith.constant 0 : i32
      %dma_wait3A_49 = arith.constant 0 : i32
      %dma_wait3A_50 = tpu.memref_slice %arg6[%dma_wait3A, %dma_wait3A_49] : memref<128x16xf32, #tpu.memory_space<vmem>> -> memref<120x16xf32, #tpu.memory_space<vmem>>
      %dma_wait3A_51 = arith.constant 0 : i32
      %dma_wait3A_52 = tpu.memref_slice %arg7[%add3A_22, %dma_wait3A_51] : memref<10112x16xf32, #tpu.memory_space<vmem_shared>> -> memref<120x16xf32, #tpu.memory_space<vmem_shared>>
      %dma_wait3A_53 = arith.constant 0 : i32
      %dma_wait3A_54 = tpu.memref_slice %arg7[%add3A_22, %dma_wait3A_53] : memref<10112x16xf32, #tpu.memory_space<vmem_shared>> -> memref<120x16xf32, #tpu.memory_space<vmem_shared>>
      %dma_wait3A_55 = arith.constant 0 : i32
      %dma_wait3A_56 = arith.constant 0 : i32
      %dma_wait3A_57 = tpu.memref_slice %arg6[%dma_wait3A_55, %dma_wait3A_56] : memref<128x16xf32, #tpu.memory_space<vmem>> -> memref<120x16xf32, #tpu.memory_space<vmem>>
      tpu.wait_dma2 semaphore(%run_scoped3A : memref<!tpu.dma_semaphore, #tpu.memory_space<semaphore_mem>>) src(%dma_wait3A_57 : memref<120x16xf32, #tpu.memory_space<vmem>>) dst(%dma_wait3A_54 : memref<120x16xf32, #tpu.memory_space<vmem_shared>>)
      tpu.yield
    }) : () -> ()
    %barrier3A = arith.constant 0 : index
    tpu.barrier barrier_id(%barrier3A)
    %mul3A_23 = arith.constant 16 : i32
    %mul3A_24 = arith.muli %arg0, %mul3A_23 : i32
    %add3A_25 = arith.addi %mul3A_24, %arg1 : i32
    %mul3A_26 = arith.constant 80 : i32
    %mul3A_27 = arith.muli %add3A_25, %mul3A_26 : i32
    "tpu.region"() ({
      %run_scoped3A = tpu.sem_alloc : memref<!tpu.dma_semaphore, #tpu.memory_space<semaphore_mem>>
      %dma_start3A = arith.constant 0 : i32
      %dma_start3A_40 = tpu.memref_slice %arg2[%mul3A_27, %dma_start3A] : memref<2680x128xi32, #tpu.memory_space<hbm>> -> memref<80x128xi32, #tpu.memory_space<hbm>>
      %dma_start3A_41 = arith.constant 0 : i32
      %dma_start3A_42 = tpu.memref_slice %arg2[%mul3A_27, %dma_start3A_41] : memref<2680x128xi32, #tpu.memory_space<hbm>> -> memref<80x128xi32, #tpu.memory_space<hbm>>
      tpu.enqueue_dma source(%dma_start3A_42 : memref<80x128xi32, #tpu.memory_space<hbm>>) target(%arg4 : memref<80x128xi32, #tpu.memory_space<vmem>>) target_semaphore(%run_scoped3A : memref<!tpu.dma_semaphore, #tpu.memory_space<semaphore_mem>>)
      %dma_wait3A = arith.constant 0 : i32
      %dma_wait3A_43 = tpu.memref_slice %arg2[%mul3A_27, %dma_wait3A] : memref<2680x128xi32, #tpu.memory_space<hbm>> -> memref<80x128xi32, #tpu.memory_space<hbm>>
      %dma_wait3A_44 = arith.constant 0 : i32
      %dma_wait3A_45 = tpu.memref_slice %arg2[%mul3A_27, %dma_wait3A_44] : memref<2680x128xi32, #tpu.memory_space<hbm>> -> memref<80x128xi32, #tpu.memory_space<hbm>>
      tpu.wait_dma2 semaphore(%run_scoped3A : memref<!tpu.dma_semaphore, #tpu.memory_space<semaphore_mem>>) src(%dma_wait3A_45 : memref<80x128xi32, #tpu.memory_space<hbm>>) dst(%arg4 : memref<80x128xi32, #tpu.memory_space<vmem>>)
      tpu.yield
    }) : () -> ()
    %scan3A_28 = arith.constant 0 : i32
    %scan3A_29 = arith.constant 0 : i32
    %scan3A_30 = arith.constant 80 : i32
    %scan3A_31 = arith.addi %scan3A_29, %scan3A_30 : i32
    %scan3A_32 = arith.constant 1 : i32
    %scan3A_33 = scf.for %scan3A_40 = %scan3A_29 to %scan3A_31 step %scan3A_32 iter_args(%scan3A_41 = %scan3A_28) -> (i32)  : i32 {
      "tpu.region"() ({
        %run_scoped3A = tpu.sem_alloc : memref<!tpu.dma_semaphore, #tpu.memory_space<semaphore_mem>>
        %dma_start3A = arith.constant 0 : i32
        %dma_start3A_43 = tpu.memref_slice %arg4[%scan3A_40, %dma_start3A] : memref<80x128xi32, #tpu.memory_space<vmem>> -> memref<1x128xi32, #tpu.memory_space<vmem>>
        %dma_start3A_44 = tpu.memref_squeeze %dma_start3A_43 : memref<1x128xi32, #tpu.memory_space<vmem>> -> memref<128xi32, #tpu.memory_space<vmem>>
        %dma_start3A_45 = arith.constant 0 : i32
        %dma_start3A_46 = arith.constant 0 : i32
        %dma_start3A_47 = tpu.memref_slice %arg7[%dma_start3A_45, %dma_start3A_46] : memref<10112x16xf32, #tpu.memory_space<vmem_shared>> -> memref<10112x16xf32, #tpu.memory_space<vmem_shared>>
        tpu.enqueue_indirect_dma source(%arg5 : memref<128x16xf32, #tpu.memory_space<vmem>>) target(%dma_start3A_47 : memref<10112x16xf32, #tpu.memory_space<vmem_shared>>) offsets(%dma_start3A_44 : memref<128xi32, #tpu.memory_space<vmem>>) semaphore(%run_scoped3A : memref<!tpu.dma_semaphore, #tpu.memory_space<semaphore_mem>>) {add = true}
        %dma_wait3A = arith.constant 0 : i32
        %dma_wait3A_48 = tpu.memref_slice %arg4[%scan3A_40, %dma_wait3A] : memref<80x128xi32, #tpu.memory_space<vmem>> -> memref<1x128xi32, #tpu.memory_space<vmem>>
        %dma_wait3A_49 = tpu.memref_squeeze %dma_wait3A_48 : memref<1x128xi32, #tpu.memory_space<vmem>> -> memref<128xi32, #tpu.memory_space<vmem>>
        %dma_wait3A_50 = arith.constant 0 : i32
        %dma_wait3A_51 = arith.constant 0 : i32
        %dma_wait3A_52 = tpu.memref_slice %arg7[%dma_wait3A_50, %dma_wait3A_51] : memref<10112x16xf32, #tpu.memory_space<vmem_shared>> -> memref<10112x16xf32, #tpu.memory_space<vmem_shared>>
        tpu.wait_indirect_dma semaphore(%run_scoped3A : memref<!tpu.dma_semaphore, #tpu.memory_space<semaphore_mem>>) src(%arg5 : memref<128x16xf32, #tpu.memory_space<vmem>>) dst(%dma_wait3A_52 : memref<10112x16xf32, #tpu.memory_space<vmem_shared>>)
        tpu.yield
      }) : () -> ()
      %scan3A_42 = arith.constant 0 : i32
      scf.yield %scan3A_42 : i32
    }
    %scan3A_34 = arith.constant 80 : i32
    %barrier3A_35 = arith.constant 0 : index
    tpu.barrier barrier_id(%barrier3A_35)
    %mul3A_36 = arith.constant 632 : i32
    %mul3A_37 = arith.muli %arg1, %mul3A_36 : i32
    %mul3A_38 = arith.constant 632 : i32
    %mul3A_39 = arith.muli %arg1, %mul3A_38 : i32
    "tpu.region"() ({
      %run_scoped3A = tpu.sem_alloc : memref<!tpu.dma_semaphore, #tpu.memory_space<semaphore_mem>>
      %dma_start3A = arith.constant 0 : i32
      %dma_start3A_40 = tpu.memref_slice %arg3[%arg0, %mul3A_39, %dma_start3A] : memref<2x10112x16xf32, #tpu.memory_space<hbm>> -> memref<1x632x16xf32, #tpu.memory_space<hbm>>
      %dma_start3A_41 = tpu.memref_squeeze %dma_start3A_40 : memref<1x632x16xf32, #tpu.memory_space<hbm>> -> memref<632x16xf32, #tpu.memory_space<hbm>>
      %dma_start3A_42 = arith.constant 0 : i32
      %dma_start3A_43 = tpu.memref_slice %arg7[%mul3A_37, %dma_start3A_42] : memref<10112x16xf32, #tpu.memory_space<vmem_shared>> -> memref<632x16xf32, #tpu.memory_space<vmem_shared>>
      tpu.enqueue_dma source(%dma_start3A_43 : memref<632x16xf32, #tpu.memory_space<vmem_shared>>) target(%dma_start3A_41 : memref<632x16xf32, #tpu.memory_space<hbm>>) target_semaphore(%run_scoped3A : memref<!tpu.dma_semaphore, #tpu.memory_space<semaphore_mem>>)
      %dma_wait3A = arith.constant 0 : i32
      %dma_wait3A_44 = tpu.memref_slice %arg3[%arg0, %mul3A_39, %dma_wait3A] : memref<2x10112x16xf32, #tpu.memory_space<hbm>> -> memref<1x632x16xf32, #tpu.memory_space<hbm>>
      %dma_wait3A_45 = tpu.memref_squeeze %dma_wait3A_44 : memref<1x632x16xf32, #tpu.memory_space<hbm>> -> memref<632x16xf32, #tpu.memory_space<hbm>>
      %dma_wait3A_46 = arith.constant 0 : i32
      %dma_wait3A_47 = tpu.memref_slice %arg7[%mul3A_37, %dma_wait3A_46] : memref<10112x16xf32, #tpu.memory_space<vmem_shared>> -> memref<632x16xf32, #tpu.memory_space<vmem_shared>>
      tpu.wait_dma2 semaphore(%run_scoped3A : memref<!tpu.dma_semaphore, #tpu.memory_space<semaphore_mem>>) src(%dma_wait3A_47 : memref<632x16xf32, #tpu.memory_space<vmem_shared>>) dst(%dma_wait3A_45 : memref<632x16xf32, #tpu.memory_space<hbm>>)
      tpu.yield
    }) : () -> ()
    return
  }
}

#map = affine_map<(d0, d1) -> (0, 0)>
#map1 = affine_map<(d0, d1) -> (0, 0, 0)>
module attributes {stable_mosaic.version = 14 : i64} {
  func.func @_sc_gcn_body(%arg0: i32, %arg1: i32, %arg2: memref<10112x128xf32, #tpu.memory_space<hbm>>, %arg3: memref<2680x128xi32, #tpu.memory_space<hbm>>, %arg4: memref<2680x128xi32, #tpu.memory_space<hbm>>, %arg5: memref<2x10112x128xf32, #tpu.memory_space<hbm>>, %arg6: memref<120x128xi32, #tpu.memory_space<vmem>>, %arg7: memref<120x128xi32, #tpu.memory_space<vmem>>, %arg8: memref<128x128xf32, #tpu.memory_space<vmem>>, %arg9: memref<!tpu.dma_semaphore, #tpu.memory_space<semaphore_mem>>, %arg10: memref<10112x128xf32, #tpu.memory_space<vmem_shared>>) attributes {dimension_semantics = [#tpu.dimension_semantics<core_parallel>, #tpu.dimension_semantics<subcore_parallel>], iteration_bounds = array<i64: 2, 16>, scalar_prefetch = 0 : i64, scratch_operands = 5 : i64, tpu.core_type = #tpu.core_type<sc_vector_subcore>, window_params = [{transform_indices = #map}, {transform_indices = #map}, {transform_indices = #map}, {transform_indices = #map1}]} {
    %scan3A = arith.constant 0 : i32
    %scan3A_0 = arith.constant 0 : i32
    %scan3A_1 = arith.constant 128 : i32
    %scan3A_2 = arith.addi %scan3A_0, %scan3A_1 : i32
    %scan3A_3 = arith.constant 1 : i32
    %scan3A_4 = scf.for %scan3A_28 = %scan3A_0 to %scan3A_2 step %scan3A_3 iter_args(%scan3A_29 = %scan3A) -> (i32)  : i32 {
      %broadcast_in_dim3A = arith.constant 0.000000e+00 : f32
      %broadcast_in_dim3A_30 = vector.broadcast %broadcast_in_dim3A : f32 to vector<16xf32>
      %swap3A = arith.index_cast %scan3A_28 : i32 to index
      %swap3A_31 = arith.constant 0 : index
      %swap3A_32 = tpu.vector_load %arg8[%swap3A, %swap3A_31] {strides = array<i32>} : memref<128x128xf32, #tpu.memory_space<vmem>>, vector<1x16xf32>,
      %swap3A_33 = vector.shape_cast %swap3A_32 : vector<1x16xf32> to vector<16xf32>
      %swap3A_34 = vector.shape_cast %broadcast_in_dim3A_30 : vector<16xf32> to vector<1x16xf32>
      tpu.vector_store %arg8[%swap3A, %swap3A_31], %swap3A_34 {strides = array<i32>} : memref<128x128xf32, #tpu.memory_space<vmem>>, vector<1x16xf32>,
      %broadcast_in_dim3A_35 = arith.constant 0.000000e+00 : f32
      %broadcast_in_dim3A_36 = vector.broadcast %broadcast_in_dim3A_35 : f32 to vector<16xf32>
      %swap3A_37 = arith.index_cast %scan3A_28 : i32 to index
      %swap3A_38 = arith.constant 16 : index
      %swap3A_39 = tpu.vector_load %arg8[%swap3A_37, %swap3A_38] {strides = array<i32>} : memref<128x128xf32, #tpu.memory_space<vmem>>, vector<1x16xf32>,
      %swap3A_40 = vector.shape_cast %swap3A_39 : vector<1x16xf32> to vector<16xf32>
      %swap3A_41 = vector.shape_cast %broadcast_in_dim3A_36 : vector<16xf32> to vector<1x16xf32>
      tpu.vector_store %arg8[%swap3A_37, %swap3A_38], %swap3A_41 {strides = array<i32>} : memref<128x128xf32, #tpu.memory_space<vmem>>, vector<1x16xf32>,
      %broadcast_in_dim3A_42 = arith.constant 0.000000e+00 : f32
      %broadcast_in_dim3A_43 = vector.broadcast %broadcast_in_dim3A_42 : f32 to vector<16xf32>
      %swap3A_44 = arith.index_cast %scan3A_28 : i32 to index
      %swap3A_45 = arith.constant 32 : index
      %swap3A_46 = tpu.vector_load %arg8[%swap3A_44, %swap3A_45] {strides = array<i32>} : memref<128x128xf32, #tpu.memory_space<vmem>>, vector<1x16xf32>,
      %swap3A_47 = vector.shape_cast %swap3A_46 : vector<1x16xf32> to vector<16xf32>
      %swap3A_48 = vector.shape_cast %broadcast_in_dim3A_43 : vector<16xf32> to vector<1x16xf32>
      tpu.vector_store %arg8[%swap3A_44, %swap3A_45], %swap3A_48 {strides = array<i32>} : memref<128x128xf32, #tpu.memory_space<vmem>>, vector<1x16xf32>,
      %broadcast_in_dim3A_49 = arith.constant 0.000000e+00 : f32
      %broadcast_in_dim3A_50 = vector.broadcast %broadcast_in_dim3A_49 : f32 to vector<16xf32>
      %swap3A_51 = arith.index_cast %scan3A_28 : i32 to index
      %swap3A_52 = arith.constant 48 : index
      %swap3A_53 = tpu.vector_load %arg8[%swap3A_51, %swap3A_52] {strides = array<i32>} : memref<128x128xf32, #tpu.memory_space<vmem>>, vector<1x16xf32>,
      %swap3A_54 = vector.shape_cast %swap3A_53 : vector<1x16xf32> to vector<16xf32>
      %swap3A_55 = vector.shape_cast %broadcast_in_dim3A_50 : vector<16xf32> to vector<1x16xf32>
      tpu.vector_store %arg8[%swap3A_51, %swap3A_52], %swap3A_55 {strides = array<i32>} : memref<128x128xf32, #tpu.memory_space<vmem>>, vector<1x16xf32>,
      %broadcast_in_dim3A_56 = arith.constant 0.000000e+00 : f32
      %broadcast_in_dim3A_57 = vector.broadcast %broadcast_in_dim3A_56 : f32 to vector<16xf32>
      %swap3A_58 = arith.index_cast %scan3A_28 : i32 to index
      %swap3A_59 = arith.constant 64 : index
      %swap3A_60 = tpu.vector_load %arg8[%swap3A_58, %swap3A_59] {strides = array<i32>} : memref<128x128xf32, #tpu.memory_space<vmem>>, vector<1x16xf32>,
      %swap3A_61 = vector.shape_cast %swap3A_60 : vector<1x16xf32> to vector<16xf32>
      %swap3A_62 = vector.shape_cast %broadcast_in_dim3A_57 : vector<16xf32> to vector<1x16xf32>
      tpu.vector_store %arg8[%swap3A_58, %swap3A_59], %swap3A_62 {strides = array<i32>} : memref<128x128xf32, #tpu.memory_space<vmem>>, vector<1x16xf32>,
      %broadcast_in_dim3A_63 = arith.constant 0.000000e+00 : f32
      %broadcast_in_dim3A_64 = vector.broadcast %broadcast_in_dim3A_63 : f32 to vector<16xf32>
      %swap3A_65 = arith.index_cast %scan3A_28 : i32 to index
      %swap3A_66 = arith.constant 80 : index
      %swap3A_67 = tpu.vector_load %arg8[%swap3A_65, %swap3A_66] {strides = array<i32>} : memref<128x128xf32, #tpu.memory_space<vmem>>, vector<1x16xf32>,
      %swap3A_68 = vector.shape_cast %swap3A_67 : vector<1x16xf32> to vector<16xf32>
      %swap3A_69 = vector.shape_cast %broadcast_in_dim3A_64 : vector<16xf32> to vector<1x16xf32>
      tpu.vector_store %arg8[%swap3A_65, %swap3A_66], %swap3A_69 {strides = array<i32>} : memref<128x128xf32, #tpu.memory_space<vmem>>, vector<1x16xf32>,
      %broadcast_in_dim3A_70 = arith.constant 0.000000e+00 : f32
      %broadcast_in_dim3A_71 = vector.broadcast %broadcast_in_dim3A_70 : f32 to vector<16xf32>
      %swap3A_72 = arith.index_cast %scan3A_28 : i32 to index
      %swap3A_73 = arith.constant 96 : index
      %swap3A_74 = tpu.vector_load %arg8[%swap3A_72, %swap3A_73] {strides = array<i32>} : memref<128x128xf32, #tpu.memory_space<vmem>>, vector<1x16xf32>,
      %swap3A_75 = vector.shape_cast %swap3A_74 : vector<1x16xf32> to vector<16xf32>
      %swap3A_76 = vector.shape_cast %broadcast_in_dim3A_71 : vector<16xf32> to vector<1x16xf32>
      tpu.vector_store %arg8[%swap3A_72, %swap3A_73], %swap3A_76 {strides = array<i32>} : memref<128x128xf32, #tpu.memory_space<vmem>>, vector<1x16xf32>,
      %broadcast_in_dim3A_77 = arith.constant 0.000000e+00 : f32
      %broadcast_in_dim3A_78 = vector.broadcast %broadcast_in_dim3A_77 : f32 to vector<16xf32>
      %swap3A_79 = arith.index_cast %scan3A_28 : i32 to index
      %swap3A_80 = arith.constant 112 : index
      %swap3A_81 = tpu.vector_load %arg8[%swap3A_79, %swap3A_80] {strides = array<i32>} : memref<128x128xf32, #tpu.memory_space<vmem>>, vector<1x16xf32>,
      %swap3A_82 = vector.shape_cast %swap3A_81 : vector<1x16xf32> to vector<16xf32>
      %swap3A_83 = vector.shape_cast %broadcast_in_dim3A_78 : vector<16xf32> to vector<1x16xf32>
      tpu.vector_store %arg8[%swap3A_79, %swap3A_80], %swap3A_83 {strides = array<i32>} : memref<128x128xf32, #tpu.memory_space<vmem>>, vector<1x16xf32>,
      %scan3A_84 = arith.constant 0 : i32
      scf.yield %scan3A_84 : i32
    }
    %scan3A_5 = arith.constant 128 : i32
    %mul3A = arith.constant 632 : i32
    %mul3A_6 = arith.muli %arg1, %mul3A : i32
    %add3A = arith.constant 0 : i32
    %add3A_7 = arith.addi %mul3A_6, %add3A : i32
    "tpu.region"() ({
      %run_scoped3A = tpu.sem_alloc : memref<!tpu.dma_semaphore, #tpu.memory_space<semaphore_mem>>
      %dma_start3A = arith.constant 0 : i32
      %dma_start3A_28 = tpu.memref_slice %arg10[%add3A_7, %dma_start3A] : memref<10112x128xf32, #tpu.memory_space<vmem_shared>> -> memref<128x128xf32, #tpu.memory_space<vmem_shared>>
      %dma_start3A_29 = arith.constant 0 : i32
      %dma_start3A_30 = tpu.memref_slice %arg10[%add3A_7, %dma_start3A_29] : memref<10112x128xf32, #tpu.memory_space<vmem_shared>> -> memref<128x128xf32, #tpu.memory_space<vmem_shared>>
      tpu.enqueue_dma source(%arg8 : memref<128x128xf32, #tpu.memory_space<vmem>>) target(%dma_start3A_30 : memref<128x128xf32, #tpu.memory_space<vmem_shared>>) target_semaphore(%run_scoped3A : memref<!tpu.dma_semaphore, #tpu.memory_space<semaphore_mem>>)
      %dma_wait3A = arith.constant 0 : i32
      %dma_wait3A_31 = tpu.memref_slice %arg10[%add3A_7, %dma_wait3A] : memref<10112x128xf32, #tpu.memory_space<vmem_shared>> -> memref<128x128xf32, #tpu.memory_space<vmem_shared>>
      %dma_wait3A_32 = arith.constant 0 : i32
      %dma_wait3A_33 = tpu.memref_slice %arg10[%add3A_7, %dma_wait3A_32] : memref<10112x128xf32, #tpu.memory_space<vmem_shared>> -> memref<128x128xf32, #tpu.memory_space<vmem_shared>>
      tpu.wait_dma2 semaphore(%run_scoped3A : memref<!tpu.dma_semaphore, #tpu.memory_space<semaphore_mem>>) src(%arg8 : memref<128x128xf32, #tpu.memory_space<vmem>>) dst(%dma_wait3A_33 : memref<128x128xf32, #tpu.memory_space<vmem_shared>>)
      tpu.yield
    }) : () -> ()
    %add3A_8 = arith.constant 128 : i32
    %add3A_9 = arith.addi %mul3A_6, %add3A_8 : i32
    "tpu.region"() ({
      %run_scoped3A = tpu.sem_alloc : memref<!tpu.dma_semaphore, #tpu.memory_space<semaphore_mem>>
      %dma_start3A = arith.constant 0 : i32
      %dma_start3A_28 = tpu.memref_slice %arg10[%add3A_9, %dma_start3A] : memref<10112x128xf32, #tpu.memory_space<vmem_shared>> -> memref<128x128xf32, #tpu.memory_space<vmem_shared>>
      %dma_start3A_29 = arith.constant 0 : i32
      %dma_start3A_30 = tpu.memref_slice %arg10[%add3A_9, %dma_start3A_29] : memref<10112x128xf32, #tpu.memory_space<vmem_shared>> -> memref<128x128xf32, #tpu.memory_space<vmem_shared>>
      tpu.enqueue_dma source(%arg8 : memref<128x128xf32, #tpu.memory_space<vmem>>) target(%dma_start3A_30 : memref<128x128xf32, #tpu.memory_space<vmem_shared>>) target_semaphore(%run_scoped3A : memref<!tpu.dma_semaphore, #tpu.memory_space<semaphore_mem>>)
      %dma_wait3A = arith.constant 0 : i32
      %dma_wait3A_31 = tpu.memref_slice %arg10[%add3A_9, %dma_wait3A] : memref<10112x128xf32, #tpu.memory_space<vmem_shared>> -> memref<128x128xf32, #tpu.memory_space<vmem_shared>>
      %dma_wait3A_32 = arith.constant 0 : i32
      %dma_wait3A_33 = tpu.memref_slice %arg10[%add3A_9, %dma_wait3A_32] : memref<10112x128xf32, #tpu.memory_space<vmem_shared>> -> memref<128x128xf32, #tpu.memory_space<vmem_shared>>
      tpu.wait_dma2 semaphore(%run_scoped3A : memref<!tpu.dma_semaphore, #tpu.memory_space<semaphore_mem>>) src(%arg8 : memref<128x128xf32, #tpu.memory_space<vmem>>) dst(%dma_wait3A_33 : memref<128x128xf32, #tpu.memory_space<vmem_shared>>)
      tpu.yield
    }) : () -> ()
    %add3A_10 = arith.constant 256 : i32
    %add3A_11 = arith.addi %mul3A_6, %add3A_10 : i32
    "tpu.region"() ({
      %run_scoped3A = tpu.sem_alloc : memref<!tpu.dma_semaphore, #tpu.memory_space<semaphore_mem>>
      %dma_start3A = arith.constant 0 : i32
      %dma_start3A_28 = tpu.memref_slice %arg10[%add3A_11, %dma_start3A] : memref<10112x128xf32, #tpu.memory_space<vmem_shared>> -> memref<128x128xf32, #tpu.memory_space<vmem_shared>>
      %dma_start3A_29 = arith.constant 0 : i32
      %dma_start3A_30 = tpu.memref_slice %arg10[%add3A_11, %dma_start3A_29] : memref<10112x128xf32, #tpu.memory_space<vmem_shared>> -> memref<128x128xf32, #tpu.memory_space<vmem_shared>>
      tpu.enqueue_dma source(%arg8 : memref<128x128xf32, #tpu.memory_space<vmem>>) target(%dma_start3A_30 : memref<128x128xf32, #tpu.memory_space<vmem_shared>>) target_semaphore(%run_scoped3A : memref<!tpu.dma_semaphore, #tpu.memory_space<semaphore_mem>>)
      %dma_wait3A = arith.constant 0 : i32
      %dma_wait3A_31 = tpu.memref_slice %arg10[%add3A_11, %dma_wait3A] : memref<10112x128xf32, #tpu.memory_space<vmem_shared>> -> memref<128x128xf32, #tpu.memory_space<vmem_shared>>
      %dma_wait3A_32 = arith.constant 0 : i32
      %dma_wait3A_33 = tpu.memref_slice %arg10[%add3A_11, %dma_wait3A_32] : memref<10112x128xf32, #tpu.memory_space<vmem_shared>> -> memref<128x128xf32, #tpu.memory_space<vmem_shared>>
      tpu.wait_dma2 semaphore(%run_scoped3A : memref<!tpu.dma_semaphore, #tpu.memory_space<semaphore_mem>>) src(%arg8 : memref<128x128xf32, #tpu.memory_space<vmem>>) dst(%dma_wait3A_33 : memref<128x128xf32, #tpu.memory_space<vmem_shared>>)
      tpu.yield
    }) : () -> ()
    %add3A_12 = arith.constant 384 : i32
    %add3A_13 = arith.addi %mul3A_6, %add3A_12 : i32
    "tpu.region"() ({
      %run_scoped3A = tpu.sem_alloc : memref<!tpu.dma_semaphore, #tpu.memory_space<semaphore_mem>>
      %dma_start3A = arith.constant 0 : i32
      %dma_start3A_28 = tpu.memref_slice %arg10[%add3A_13, %dma_start3A] : memref<10112x128xf32, #tpu.memory_space<vmem_shared>> -> memref<128x128xf32, #tpu.memory_space<vmem_shared>>
      %dma_start3A_29 = arith.constant 0 : i32
      %dma_start3A_30 = tpu.memref_slice %arg10[%add3A_13, %dma_start3A_29] : memref<10112x128xf32, #tpu.memory_space<vmem_shared>> -> memref<128x128xf32, #tpu.memory_space<vmem_shared>>
      tpu.enqueue_dma source(%arg8 : memref<128x128xf32, #tpu.memory_space<vmem>>) target(%dma_start3A_30 : memref<128x128xf32, #tpu.memory_space<vmem_shared>>) target_semaphore(%run_scoped3A : memref<!tpu.dma_semaphore, #tpu.memory_space<semaphore_mem>>)
      %dma_wait3A = arith.constant 0 : i32
      %dma_wait3A_31 = tpu.memref_slice %arg10[%add3A_13, %dma_wait3A] : memref<10112x128xf32, #tpu.memory_space<vmem_shared>> -> memref<128x128xf32, #tpu.memory_space<vmem_shared>>
      %dma_wait3A_32 = arith.constant 0 : i32
      %dma_wait3A_33 = tpu.memref_slice %arg10[%add3A_13, %dma_wait3A_32] : memref<10112x128xf32, #tpu.memory_space<vmem_shared>> -> memref<128x128xf32, #tpu.memory_space<vmem_shared>>
      tpu.wait_dma2 semaphore(%run_scoped3A : memref<!tpu.dma_semaphore, #tpu.memory_space<semaphore_mem>>) src(%arg8 : memref<128x128xf32, #tpu.memory_space<vmem>>) dst(%dma_wait3A_33 : memref<128x128xf32, #tpu.memory_space<vmem_shared>>)
      tpu.yield
    }) : () -> ()
    %add3A_14 = arith.constant 512 : i32
    %add3A_15 = arith.addi %mul3A_6, %add3A_14 : i32
    "tpu.region"() ({
      %run_scoped3A = tpu.sem_alloc : memref<!tpu.dma_semaphore, #tpu.memory_space<semaphore_mem>>
      %dma_start3A = arith.constant 0 : i32
      %dma_start3A_28 = arith.constant 0 : i32
      %dma_start3A_29 = tpu.memref_slice %arg8[%dma_start3A, %dma_start3A_28] : memref<128x128xf32, #tpu.memory_space<vmem>> -> memref<120x128xf32, #tpu.memory_space<vmem>>
      %dma_start3A_30 = arith.constant 0 : i32
      %dma_start3A_31 = tpu.memref_slice %arg10[%add3A_15, %dma_start3A_30] : memref<10112x128xf32, #tpu.memory_space<vmem_shared>> -> memref<120x128xf32, #tpu.memory_space<vmem_shared>>
      %dma_start3A_32 = arith.constant 0 : i32
      %dma_start3A_33 = tpu.memref_slice %arg10[%add3A_15, %dma_start3A_32] : memref<10112x128xf32, #tpu.memory_space<vmem_shared>> -> memref<120x128xf32, #tpu.memory_space<vmem_shared>>
      %dma_start3A_34 = arith.constant 0 : i32
      %dma_start3A_35 = arith.constant 0 : i32
      %dma_start3A_36 = tpu.memref_slice %arg8[%dma_start3A_34, %dma_start3A_35] : memref<128x128xf32, #tpu.memory_space<vmem>> -> memref<120x128xf32, #tpu.memory_space<vmem>>
      tpu.enqueue_dma source(%dma_start3A_36 : memref<120x128xf32, #tpu.memory_space<vmem>>) target(%dma_start3A_33 : memref<120x128xf32, #tpu.memory_space<vmem_shared>>) target_semaphore(%run_scoped3A : memref<!tpu.dma_semaphore, #tpu.memory_space<semaphore_mem>>)
      %dma_wait3A = arith.constant 0 : i32
      %dma_wait3A_37 = arith.constant 0 : i32
      %dma_wait3A_38 = tpu.memref_slice %arg8[%dma_wait3A, %dma_wait3A_37] : memref<128x128xf32, #tpu.memory_space<vmem>> -> memref<120x128xf32, #tpu.memory_space<vmem>>
      %dma_wait3A_39 = arith.constant 0 : i32
      %dma_wait3A_40 = tpu.memref_slice %arg10[%add3A_15, %dma_wait3A_39] : memref<10112x128xf32, #tpu.memory_space<vmem_shared>> -> memref<120x128xf32, #tpu.memory_space<vmem_shared>>
      %dma_wait3A_41 = arith.constant 0 : i32
      %dma_wait3A_42 = tpu.memref_slice %arg10[%add3A_15, %dma_wait3A_41] : memref<10112x128xf32, #tpu.memory_space<vmem_shared>> -> memref<120x128xf32, #tpu.memory_space<vmem_shared>>
      %dma_wait3A_43 = arith.constant 0 : i32
      %dma_wait3A_44 = arith.constant 0 : i32
      %dma_wait3A_45 = tpu.memref_slice %arg8[%dma_wait3A_43, %dma_wait3A_44] : memref<128x128xf32, #tpu.memory_space<vmem>> -> memref<120x128xf32, #tpu.memory_space<vmem>>
      tpu.wait_dma2 semaphore(%run_scoped3A : memref<!tpu.dma_semaphore, #tpu.memory_space<semaphore_mem>>) src(%dma_wait3A_45 : memref<120x128xf32, #tpu.memory_space<vmem>>) dst(%dma_wait3A_42 : memref<120x128xf32, #tpu.memory_space<vmem_shared>>)
      tpu.yield
    }) : () -> ()
    %barrier3A = arith.constant 0 : index
    tpu.barrier barrier_id(%barrier3A)
    %eq3A = arith.constant 0 : i32
    %eq3A_16 = arith.cmpi eq, %arg0, %eq3A : i32
    %convert_element_type3A = arith.extui %eq3A_16 : i1 to i32
    %cond3A = arith.constant 0 : i32
    %cond3A_17 = arith.cmpi ne, %convert_element_type3A, %cond3A : i32
    scf.if %cond3A_17 {
      %mul3A_28 = arith.constant 120 : i32
      %mul3A_29 = arith.muli %arg1, %mul3A_28 : i32
      "tpu.region"() ({
        %run_scoped3A = tpu.sem_alloc : memref<!tpu.dma_semaphore, #tpu.memory_space<semaphore_mem>>
        %dma_start3A = arith.constant 0 : i32
        %dma_start3A_37 = arith.constant 0 : i32
        %dma_start3A_38 = tpu.memref_slice %arg6[%dma_start3A, %dma_start3A_37] : memref<120x128xi32, #tpu.memory_space<vmem>> -> memref<120x128xi32, #tpu.memory_space<vmem>>
        %dma_start3A_39 = arith.constant 0 : i32
        %dma_start3A_40 = tpu.memref_slice %arg3[%mul3A_29, %dma_start3A_39] : memref<2680x128xi32, #tpu.memory_space<hbm>> -> memref<120x128xi32, #tpu.memory_space<hbm>>
        %dma_start3A_41 = arith.constant 0 : i32
        %dma_start3A_42 = arith.constant 0 : i32
        %dma_start3A_43 = tpu.memref_slice %arg6[%dma_start3A_41, %dma_start3A_42] : memref<120x128xi32, #tpu.memory_space<vmem>> -> memref<120x128xi32, #tpu.memory_space<vmem>>
        %dma_start3A_44 = arith.constant 0 : i32
        %dma_start3A_45 = tpu.memref_slice %arg3[%mul3A_29, %dma_start3A_44] : memref<2680x128xi32, #tpu.memory_space<hbm>> -> memref<120x128xi32, #tpu.memory_space<hbm>>
        tpu.enqueue_dma source(%dma_start3A_45 : memref<120x128xi32, #tpu.memory_space<hbm>>) target(%dma_start3A_43 : memref<120x128xi32, #tpu.memory_space<vmem>>) target_semaphore(%run_scoped3A : memref<!tpu.dma_semaphore, #tpu.memory_space<semaphore_mem>>)
        %dma_wait3A = arith.constant 0 : i32
        %dma_wait3A_46 = arith.constant 0 : i32
        %dma_wait3A_47 = tpu.memref_slice %arg6[%dma_wait3A, %dma_wait3A_46] : memref<120x128xi32, #tpu.memory_space<vmem>> -> memref<120x128xi32, #tpu.memory_space<vmem>>
        %dma_wait3A_48 = arith.constant 0 : i32
        %dma_wait3A_49 = tpu.memref_slice %arg3[%mul3A_29, %dma_wait3A_48] : memref<2680x128xi32, #tpu.memory_space<hbm>> -> memref<120x128xi32, #tpu.memory_space<hbm>>
        %dma_wait3A_50 = arith.constant 0 : i32
        %dma_wait3A_51 = arith.constant 0 : i32
        %dma_wait3A_52 = tpu.memref_slice %arg6[%dma_wait3A_50, %dma_wait3A_51] : memref<120x128xi32, #tpu.memory_space<vmem>> -> memref<120x128xi32, #tpu.memory_space<vmem>>
        %dma_wait3A_53 = arith.constant 0 : i32
        %dma_wait3A_54 = tpu.memref_slice %arg3[%mul3A_29, %dma_wait3A_53] : memref<2680x128xi32, #tpu.memory_space<hbm>> -> memref<120x128xi32, #tpu.memory_space<hbm>>
        tpu.wait_dma2 semaphore(%run_scoped3A : memref<!tpu.dma_semaphore, #tpu.memory_space<semaphore_mem>>) src(%dma_wait3A_54 : memref<120x128xi32, #tpu.memory_space<hbm>>) dst(%dma_wait3A_52 : memref<120x128xi32, #tpu.memory_space<vmem>>)
        tpu.yield
      }) : () -> ()
      "tpu.region"() ({
        %run_scoped3A = tpu.sem_alloc : memref<!tpu.dma_semaphore, #tpu.memory_space<semaphore_mem>>
        %dma_start3A = arith.constant 0 : i32
        %dma_start3A_37 = arith.constant 0 : i32
        %dma_start3A_38 = tpu.memref_slice %arg7[%dma_start3A, %dma_start3A_37] : memref<120x128xi32, #tpu.memory_space<vmem>> -> memref<120x128xi32, #tpu.memory_space<vmem>>
        %dma_start3A_39 = arith.constant 0 : i32
        %dma_start3A_40 = tpu.memref_slice %arg4[%mul3A_29, %dma_start3A_39] : memref<2680x128xi32, #tpu.memory_space<hbm>> -> memref<120x128xi32, #tpu.memory_space<hbm>>
        %dma_start3A_41 = arith.constant 0 : i32
        %dma_start3A_42 = arith.constant 0 : i32
        %dma_start3A_43 = tpu.memref_slice %arg7[%dma_start3A_41, %dma_start3A_42] : memref<120x128xi32, #tpu.memory_space<vmem>> -> memref<120x128xi32, #tpu.memory_space<vmem>>
        %dma_start3A_44 = arith.constant 0 : i32
        %dma_start3A_45 = tpu.memref_slice %arg4[%mul3A_29, %dma_start3A_44] : memref<2680x128xi32, #tpu.memory_space<hbm>> -> memref<120x128xi32, #tpu.memory_space<hbm>>
        tpu.enqueue_dma source(%dma_start3A_45 : memref<120x128xi32, #tpu.memory_space<hbm>>) target(%dma_start3A_43 : memref<120x128xi32, #tpu.memory_space<vmem>>) target_semaphore(%run_scoped3A : memref<!tpu.dma_semaphore, #tpu.memory_space<semaphore_mem>>)
        %dma_wait3A = arith.constant 0 : i32
        %dma_wait3A_46 = arith.constant 0 : i32
        %dma_wait3A_47 = tpu.memref_slice %arg7[%dma_wait3A, %dma_wait3A_46] : memref<120x128xi32, #tpu.memory_space<vmem>> -> memref<120x128xi32, #tpu.memory_space<vmem>>
        %dma_wait3A_48 = arith.constant 0 : i32
        %dma_wait3A_49 = tpu.memref_slice %arg4[%mul3A_29, %dma_wait3A_48] : memref<2680x128xi32, #tpu.memory_space<hbm>> -> memref<120x128xi32, #tpu.memory_space<hbm>>
        %dma_wait3A_50 = arith.constant 0 : i32
        %dma_wait3A_51 = arith.constant 0 : i32
        %dma_wait3A_52 = tpu.memref_slice %arg7[%dma_wait3A_50, %dma_wait3A_51] : memref<120x128xi32, #tpu.memory_space<vmem>> -> memref<120x128xi32, #tpu.memory_space<vmem>>
        %dma_wait3A_53 = arith.constant 0 : i32
        %dma_wait3A_54 = tpu.memref_slice %arg4[%mul3A_29, %dma_wait3A_53] : memref<2680x128xi32, #tpu.memory_space<hbm>> -> memref<120x128xi32, #tpu.memory_space<hbm>>
        tpu.wait_dma2 semaphore(%run_scoped3A : memref<!tpu.dma_semaphore, #tpu.memory_space<semaphore_mem>>) src(%dma_wait3A_54 : memref<120x128xi32, #tpu.memory_space<hbm>>) dst(%dma_wait3A_52 : memref<120x128xi32, #tpu.memory_space<vmem>>)
        tpu.yield
      }) : () -> ()
      %scan3A_30 = arith.constant 0 : i32
      %scan3A_31 = arith.constant 0 : i32
      %scan3A_32 = arith.constant 120 : i32
      %scan3A_33 = arith.addi %scan3A_31, %scan3A_32 : i32
      %scan3A_34 = arith.constant 1 : i32
      %scan3A_35 = scf.for %scan3A_37 = %scan3A_31 to %scan3A_33 step %scan3A_34 iter_args(%scan3A_38 = %scan3A_30) -> (i32)  : i32 {
        %dma_start3A = arith.constant 0 : i32
        %dma_start3A_39 = tpu.memref_slice %arg6[%scan3A_37, %dma_start3A] : memref<120x128xi32, #tpu.memory_space<vmem>> -> memref<1x128xi32, #tpu.memory_space<vmem>>
        %dma_start3A_40 = tpu.memref_squeeze %dma_start3A_39 : memref<1x128xi32, #tpu.memory_space<vmem>> -> memref<128xi32, #tpu.memory_space<vmem>>
        %dma_start3A_41 = arith.constant 0 : i32
        %dma_start3A_42 = arith.constant 0 : i32
        %dma_start3A_43 = tpu.memref_slice %arg2[%dma_start3A_41, %dma_start3A_42] : memref<10112x128xf32, #tpu.memory_space<hbm>> -> memref<10112x128xf32, #tpu.memory_space<hbm>>
        tpu.enqueue_indirect_dma source(%dma_start3A_43 : memref<10112x128xf32, #tpu.memory_space<hbm>>) target(%arg8 : memref<128x128xf32, #tpu.memory_space<vmem>>) offsets(%dma_start3A_40 : memref<128xi32, #tpu.memory_space<vmem>>) semaphore(%arg9 : memref<!tpu.dma_semaphore, #tpu.memory_space<semaphore_mem>>)
        %dma_wait3A = arith.constant 0 : i32
        %dma_wait3A_44 = tpu.memref_slice %arg6[%scan3A_37, %dma_wait3A] : memref<120x128xi32, #tpu.memory_space<vmem>> -> memref<1x128xi32, #tpu.memory_space<vmem>>
        %dma_wait3A_45 = tpu.memref_squeeze %dma_wait3A_44 : memref<1x128xi32, #tpu.memory_space<vmem>> -> memref<128xi32, #tpu.memory_space<vmem>>
        %dma_wait3A_46 = arith.constant 0 : i32
        %dma_wait3A_47 = arith.constant 0 : i32
        %dma_wait3A_48 = tpu.memref_slice %arg2[%dma_wait3A_46, %dma_wait3A_47] : memref<10112x128xf32, #tpu.memory_space<hbm>> -> memref<10112x128xf32, #tpu.memory_space<hbm>>
        tpu.wait_indirect_dma semaphore(%arg9 : memref<!tpu.dma_semaphore, #tpu.memory_space<semaphore_mem>>) src(%dma_wait3A_48 : memref<10112x128xf32, #tpu.memory_space<hbm>>) dst(%arg8 : memref<128x128xf32, #tpu.memory_space<vmem>>)
        "tpu.region"() ({
          %run_scoped3A = tpu.sem_alloc : memref<!tpu.dma_semaphore, #tpu.memory_space<semaphore_mem>>
          %dma_start3A_50 = arith.constant 0 : i32
          %dma_start3A_51 = tpu.memref_slice %arg7[%scan3A_37, %dma_start3A_50] : memref<120x128xi32, #tpu.memory_space<vmem>> -> memref<1x128xi32, #tpu.memory_space<vmem>>
          %dma_start3A_52 = tpu.memref_squeeze %dma_start3A_51 : memref<1x128xi32, #tpu.memory_space<vmem>> -> memref<128xi32, #tpu.memory_space<vmem>>
          %dma_start3A_53 = arith.constant 0 : i32
          %dma_start3A_54 = arith.constant 0 : i32
          %dma_start3A_55 = tpu.memref_slice %arg10[%dma_start3A_53, %dma_start3A_54] : memref<10112x128xf32, #tpu.memory_space<vmem_shared>> -> memref<10112x128xf32, #tpu.memory_space<vmem_shared>>
          tpu.enqueue_indirect_dma source(%arg8 : memref<128x128xf32, #tpu.memory_space<vmem>>) target(%dma_start3A_55 : memref<10112x128xf32, #tpu.memory_space<vmem_shared>>) offsets(%dma_start3A_52 : memref<128xi32, #tpu.memory_space<vmem>>) semaphore(%run_scoped3A : memref<!tpu.dma_semaphore, #tpu.memory_space<semaphore_mem>>) {add = true}
          %dma_wait3A_56 = arith.constant 0 : i32
          %dma_wait3A_57 = tpu.memref_slice %arg7[%scan3A_37, %dma_wait3A_56] : memref<120x128xi32, #tpu.memory_space<vmem>> -> memref<1x128xi32, #tpu.memory_space<vmem>>
          %dma_wait3A_58 = tpu.memref_squeeze %dma_wait3A_57 : memref<1x128xi32, #tpu.memory_space<vmem>> -> memref<128xi32, #tpu.memory_space<vmem>>
          %dma_wait3A_59 = arith.constant 0 : i32
          %dma_wait3A_60 = arith.constant 0 : i32
          %dma_wait3A_61 = tpu.memref_slice %arg10[%dma_wait3A_59, %dma_wait3A_60] : memref<10112x128xf32, #tpu.memory_space<vmem_shared>> -> memref<10112x128xf32, #tpu.memory_space<vmem_shared>>
          tpu.wait_indirect_dma semaphore(%run_scoped3A : memref<!tpu.dma_semaphore, #tpu.memory_space<semaphore_mem>>) src(%arg8 : memref<128x128xf32, #tpu.memory_space<vmem>>) dst(%dma_wait3A_61 : memref<10112x128xf32, #tpu.memory_space<vmem_shared>>)
          tpu.yield
        }) : () -> ()
        %scan3A_49 = arith.constant 0 : i32
        scf.yield %scan3A_49 : i32
      }
      %scan3A_36 = arith.constant 120 : i32
    } else {
    }
    %eq3A_18 = arith.constant 1 : i32
    %eq3A_19 = arith.cmpi eq, %arg0, %eq3A_18 : i32
    %convert_element_type3A_20 = arith.extui %eq3A_19 : i1 to i32
    %cond3A_21 = arith.constant 0 : i32
    %cond3A_22 = arith.cmpi ne, %convert_element_type3A_20, %cond3A_21 : i32
    scf.if %cond3A_22 {
      %mul3A_28 = arith.constant 40 : i32
      %mul3A_29 = arith.muli %arg1, %mul3A_28 : i32
      %add3A_30 = arith.constant 1920 : i32
      %add3A_31 = arith.addi %add3A_30, %mul3A_29 : i32
      "tpu.region"() ({
        %run_scoped3A = tpu.sem_alloc : memref<!tpu.dma_semaphore, #tpu.memory_space<semaphore_mem>>
        %dma_start3A = arith.constant 0 : i32
        %dma_start3A_39 = arith.constant 0 : i32
        %dma_start3A_40 = tpu.memref_slice %arg6[%dma_start3A, %dma_start3A_39] : memref<120x128xi32, #tpu.memory_space<vmem>> -> memref<40x128xi32, #tpu.memory_space<vmem>>
        %dma_start3A_41 = arith.constant 0 : i32
        %dma_start3A_42 = tpu.memref_slice %arg3[%add3A_31, %dma_start3A_41] : memref<2680x128xi32, #tpu.memory_space<hbm>> -> memref<40x128xi32, #tpu.memory_space<hbm>>
        %dma_start3A_43 = arith.constant 0 : i32
        %dma_start3A_44 = arith.constant 0 : i32
        %dma_start3A_45 = tpu.memref_slice %arg6[%dma_start3A_43, %dma_start3A_44] : memref<120x128xi32, #tpu.memory_space<vmem>> -> memref<40x128xi32, #tpu.memory_space<vmem>>
        %dma_start3A_46 = arith.constant 0 : i32
        %dma_start3A_47 = tpu.memref_slice %arg3[%add3A_31, %dma_start3A_46] : memref<2680x128xi32, #tpu.memory_space<hbm>> -> memref<40x128xi32, #tpu.memory_space<hbm>>
        tpu.enqueue_dma source(%dma_start3A_47 : memref<40x128xi32, #tpu.memory_space<hbm>>) target(%dma_start3A_45 : memref<40x128xi32, #tpu.memory_space<vmem>>) target_semaphore(%run_scoped3A : memref<!tpu.dma_semaphore, #tpu.memory_space<semaphore_mem>>)
        %dma_wait3A = arith.constant 0 : i32
        %dma_wait3A_48 = arith.constant 0 : i32
        %dma_wait3A_49 = tpu.memref_slice %arg6[%dma_wait3A, %dma_wait3A_48] : memref<120x128xi32, #tpu.memory_space<vmem>> -> memref<40x128xi32, #tpu.memory_space<vmem>>
        %dma_wait3A_50 = arith.constant 0 : i32
        %dma_wait3A_51 = tpu.memref_slice %arg3[%add3A_31, %dma_wait3A_50] : memref<2680x128xi32, #tpu.memory_space<hbm>> -> memref<40x128xi32, #tpu.memory_space<hbm>>
        %dma_wait3A_52 = arith.constant 0 : i32
        %dma_wait3A_53 = arith.constant 0 : i32
        %dma_wait3A_54 = tpu.memref_slice %arg6[%dma_wait3A_52, %dma_wait3A_53] : memref<120x128xi32, #tpu.memory_space<vmem>> -> memref<40x128xi32, #tpu.memory_space<vmem>>
        %dma_wait3A_55 = arith.constant 0 : i32
        %dma_wait3A_56 = tpu.memref_slice %arg3[%add3A_31, %dma_wait3A_55] : memref<2680x128xi32, #tpu.memory_space<hbm>> -> memref<40x128xi32, #tpu.memory_space<hbm>>
        tpu.wait_dma2 semaphore(%run_scoped3A : memref<!tpu.dma_semaphore, #tpu.memory_space<semaphore_mem>>) src(%dma_wait3A_56 : memref<40x128xi32, #tpu.memory_space<hbm>>) dst(%dma_wait3A_54 : memref<40x128xi32, #tpu.memory_space<vmem>>)
        tpu.yield
      }) : () -> ()
      "tpu.region"() ({
        %run_scoped3A = tpu.sem_alloc : memref<!tpu.dma_semaphore, #tpu.memory_space<semaphore_mem>>
        %dma_start3A = arith.constant 0 : i32
        %dma_start3A_39 = arith.constant 0 : i32
        %dma_start3A_40 = tpu.memref_slice %arg7[%dma_start3A, %dma_start3A_39] : memref<120x128xi32, #tpu.memory_space<vmem>> -> memref<40x128xi32, #tpu.memory_space<vmem>>
        %dma_start3A_41 = arith.constant 0 : i32
        %dma_start3A_42 = tpu.memref_slice %arg4[%add3A_31, %dma_start3A_41] : memref<2680x128xi32, #tpu.memory_space<hbm>> -> memref<40x128xi32, #tpu.memory_space<hbm>>
        %dma_start3A_43 = arith.constant 0 : i32
        %dma_start3A_44 = arith.constant 0 : i32
        %dma_start3A_45 = tpu.memref_slice %arg7[%dma_start3A_43, %dma_start3A_44] : memref<120x128xi32, #tpu.memory_space<vmem>> -> memref<40x128xi32, #tpu.memory_space<vmem>>
        %dma_start3A_46 = arith.constant 0 : i32
        %dma_start3A_47 = tpu.memref_slice %arg4[%add3A_31, %dma_start3A_46] : memref<2680x128xi32, #tpu.memory_space<hbm>> -> memref<40x128xi32, #tpu.memory_space<hbm>>
        tpu.enqueue_dma source(%dma_start3A_47 : memref<40x128xi32, #tpu.memory_space<hbm>>) target(%dma_start3A_45 : memref<40x128xi32, #tpu.memory_space<vmem>>) target_semaphore(%run_scoped3A : memref<!tpu.dma_semaphore, #tpu.memory_space<semaphore_mem>>)
        %dma_wait3A = arith.constant 0 : i32
        %dma_wait3A_48 = arith.constant 0 : i32
        %dma_wait3A_49 = tpu.memref_slice %arg7[%dma_wait3A, %dma_wait3A_48] : memref<120x128xi32, #tpu.memory_space<vmem>> -> memref<40x128xi32, #tpu.memory_space<vmem>>
        %dma_wait3A_50 = arith.constant 0 : i32
        %dma_wait3A_51 = tpu.memref_slice %arg4[%add3A_31, %dma_wait3A_50] : memref<2680x128xi32, #tpu.memory_space<hbm>> -> memref<40x128xi32, #tpu.memory_space<hbm>>
        %dma_wait3A_52 = arith.constant 0 : i32
        %dma_wait3A_53 = arith.constant 0 : i32
        %dma_wait3A_54 = tpu.memref_slice %arg7[%dma_wait3A_52, %dma_wait3A_53] : memref<120x128xi32, #tpu.memory_space<vmem>> -> memref<40x128xi32, #tpu.memory_space<vmem>>
        %dma_wait3A_55 = arith.constant 0 : i32
        %dma_wait3A_56 = tpu.memref_slice %arg4[%add3A_31, %dma_wait3A_55] : memref<2680x128xi32, #tpu.memory_space<hbm>> -> memref<40x128xi32, #tpu.memory_space<hbm>>
        tpu.wait_dma2 semaphore(%run_scoped3A : memref<!tpu.dma_semaphore, #tpu.memory_space<semaphore_mem>>) src(%dma_wait3A_56 : memref<40x128xi32, #tpu.memory_space<hbm>>) dst(%dma_wait3A_54 : memref<40x128xi32, #tpu.memory_space<vmem>>)
        tpu.yield
      }) : () -> ()
      %scan3A_32 = arith.constant 0 : i32
      %scan3A_33 = arith.constant 0 : i32
      %scan3A_34 = arith.constant 40 : i32
      %scan3A_35 = arith.addi %scan3A_33, %scan3A_34 : i32
      %scan3A_36 = arith.constant 1 : i32
      %scan3A_37 = scf.for %scan3A_39 = %scan3A_33 to %scan3A_35 step %scan3A_36 iter_args(%scan3A_40 = %scan3A_32) -> (i32)  : i32 {
        %dma_start3A = arith.constant 0 : i32
        %dma_start3A_41 = tpu.memref_slice %arg6[%scan3A_39, %dma_start3A] : memref<120x128xi32, #tpu.memory_space<vmem>> -> memref<1x128xi32, #tpu.memory_space<vmem>>
        %dma_start3A_42 = tpu.memref_squeeze %dma_start3A_41 : memref<1x128xi32, #tpu.memory_space<vmem>> -> memref<128xi32, #tpu.memory_space<vmem>>
        %dma_start3A_43 = arith.constant 0 : i32
        %dma_start3A_44 = arith.constant 0 : i32
        %dma_start3A_45 = tpu.memref_slice %arg2[%dma_start3A_43, %dma_start3A_44] : memref<10112x128xf32, #tpu.memory_space<hbm>> -> memref<10112x128xf32, #tpu.memory_space<hbm>>
        tpu.enqueue_indirect_dma source(%dma_start3A_45 : memref<10112x128xf32, #tpu.memory_space<hbm>>) target(%arg8 : memref<128x128xf32, #tpu.memory_space<vmem>>) offsets(%dma_start3A_42 : memref<128xi32, #tpu.memory_space<vmem>>) semaphore(%arg9 : memref<!tpu.dma_semaphore, #tpu.memory_space<semaphore_mem>>)
        %dma_wait3A = arith.constant 0 : i32
        %dma_wait3A_46 = tpu.memref_slice %arg6[%scan3A_39, %dma_wait3A] : memref<120x128xi32, #tpu.memory_space<vmem>> -> memref<1x128xi32, #tpu.memory_space<vmem>>
        %dma_wait3A_47 = tpu.memref_squeeze %dma_wait3A_46 : memref<1x128xi32, #tpu.memory_space<vmem>> -> memref<128xi32, #tpu.memory_space<vmem>>
        %dma_wait3A_48 = arith.constant 0 : i32
        %dma_wait3A_49 = arith.constant 0 : i32
        %dma_wait3A_50 = tpu.memref_slice %arg2[%dma_wait3A_48, %dma_wait3A_49] : memref<10112x128xf32, #tpu.memory_space<hbm>> -> memref<10112x128xf32, #tpu.memory_space<hbm>>
        tpu.wait_indirect_dma semaphore(%arg9 : memref<!tpu.dma_semaphore, #tpu.memory_space<semaphore_mem>>) src(%dma_wait3A_50 : memref<10112x128xf32, #tpu.memory_space<hbm>>) dst(%arg8 : memref<128x128xf32, #tpu.memory_space<vmem>>)
        "tpu.region"() ({
          %run_scoped3A = tpu.sem_alloc : memref<!tpu.dma_semaphore, #tpu.memory_space<semaphore_mem>>
          %dma_start3A_52 = arith.constant 0 : i32
          %dma_start3A_53 = tpu.memref_slice %arg7[%scan3A_39, %dma_start3A_52] : memref<120x128xi32, #tpu.memory_space<vmem>> -> memref<1x128xi32, #tpu.memory_space<vmem>>
          %dma_start3A_54 = tpu.memref_squeeze %dma_start3A_53 : memref<1x128xi32, #tpu.memory_space<vmem>> -> memref<128xi32, #tpu.memory_space<vmem>>
          %dma_start3A_55 = arith.constant 0 : i32
          %dma_start3A_56 = arith.constant 0 : i32
          %dma_start3A_57 = tpu.memref_slice %arg10[%dma_start3A_55, %dma_start3A_56] : memref<10112x128xf32, #tpu.memory_space<vmem_shared>> -> memref<10112x128xf32, #tpu.memory_space<vmem_shared>>
          tpu.enqueue_indirect_dma source(%arg8 : memref<128x128xf32, #tpu.memory_space<vmem>>) target(%dma_start3A_57 : memref<10112x128xf32, #tpu.memory_space<vmem_shared>>) offsets(%dma_start3A_54 : memref<128xi32, #tpu.memory_space<vmem>>) semaphore(%run_scoped3A : memref<!tpu.dma_semaphore, #tpu.memory_space<semaphore_mem>>) {add = true}
          %dma_wait3A_58 = arith.constant 0 : i32
          %dma_wait3A_59 = tpu.memref_slice %arg7[%scan3A_39, %dma_wait3A_58] : memref<120x128xi32, #tpu.memory_space<vmem>> -> memref<1x128xi32, #tpu.memory_space<vmem>>
          %dma_wait3A_60 = tpu.memref_squeeze %dma_wait3A_59 : memref<1x128xi32, #tpu.memory_space<vmem>> -> memref<128xi32, #tpu.memory_space<vmem>>
          %dma_wait3A_61 = arith.constant 0 : i32
          %dma_wait3A_62 = arith.constant 0 : i32
          %dma_wait3A_63 = tpu.memref_slice %arg10[%dma_wait3A_61, %dma_wait3A_62] : memref<10112x128xf32, #tpu.memory_space<vmem_shared>> -> memref<10112x128xf32, #tpu.memory_space<vmem_shared>>
          tpu.wait_indirect_dma semaphore(%run_scoped3A : memref<!tpu.dma_semaphore, #tpu.memory_space<semaphore_mem>>) src(%arg8 : memref<128x128xf32, #tpu.memory_space<vmem>>) dst(%dma_wait3A_63 : memref<10112x128xf32, #tpu.memory_space<vmem_shared>>)
          tpu.yield
        }) : () -> ()
        %scan3A_51 = arith.constant 0 : i32
        scf.yield %scan3A_51 : i32
      }
      %scan3A_38 = arith.constant 40 : i32
    } else {
    }
    %barrier3A_23 = arith.constant 0 : index
    tpu.barrier barrier_id(%barrier3A_23)
    %mul3A_24 = arith.constant 632 : i32
    %mul3A_25 = arith.muli %arg1, %mul3A_24 : i32
    %mul3A_26 = arith.constant 632 : i32
    %mul3A_27 = arith.muli %arg1, %mul3A_26 : i32
    "tpu.region"() ({
      %run_scoped3A = tpu.sem_alloc : memref<!tpu.dma_semaphore, #tpu.memory_space<semaphore_mem>>
      %dma_start3A = arith.constant 0 : i32
      %dma_start3A_28 = tpu.memref_slice %arg5[%arg0, %mul3A_27, %dma_start3A] : memref<2x10112x128xf32, #tpu.memory_space<hbm>> -> memref<1x632x128xf32, #tpu.memory_space<hbm>>
      %dma_start3A_29 = tpu.memref_squeeze %dma_start3A_28 : memref<1x632x128xf32, #tpu.memory_space<hbm>> -> memref<632x128xf32, #tpu.memory_space<hbm>>
      %dma_start3A_30 = arith.constant 0 : i32
      %dma_start3A_31 = tpu.memref_slice %arg10[%mul3A_25, %dma_start3A_30] : memref<10112x128xf32, #tpu.memory_space<vmem_shared>> -> memref<632x128xf32, #tpu.memory_space<vmem_shared>>
      tpu.enqueue_dma source(%dma_start3A_31 : memref<632x128xf32, #tpu.memory_space<vmem_shared>>) target(%dma_start3A_29 : memref<632x128xf32, #tpu.memory_space<hbm>>) target_semaphore(%run_scoped3A : memref<!tpu.dma_semaphore, #tpu.memory_space<semaphore_mem>>)
      %dma_wait3A = arith.constant 0 : i32
      %dma_wait3A_32 = tpu.memref_slice %arg5[%arg0, %mul3A_27, %dma_wait3A] : memref<2x10112x128xf32, #tpu.memory_space<hbm>> -> memref<1x632x128xf32, #tpu.memory_space<hbm>>
      %dma_wait3A_33 = tpu.memref_squeeze %dma_wait3A_32 : memref<1x632x128xf32, #tpu.memory_space<hbm>> -> memref<632x128xf32, #tpu.memory_space<hbm>>
      %dma_wait3A_34 = arith.constant 0 : i32
      %dma_wait3A_35 = tpu.memref_slice %arg10[%mul3A_25, %dma_wait3A_34] : memref<10112x128xf32, #tpu.memory_space<vmem_shared>> -> memref<632x128xf32, #tpu.memory_space<vmem_shared>>
      tpu.wait_dma2 semaphore(%run_scoped3A : memref<!tpu.dma_semaphore, #tpu.memory_space<semaphore_mem>>) src(%dma_wait3A_35 : memref<632x128xf32, #tpu.memory_space<vmem_shared>>) dst(%dma_wait3A_33 : memref<632x128xf32, #tpu.memory_space<hbm>>)
      tpu.yield
    }) : () -> ()
    return
  }
}

#map = affine_map<(d0, d1) -> (0, 0)>
#map1 = affine_map<(d0, d1) -> (0, 0, 0)>
module attributes {stable_mosaic.version = 14 : i64} {
  func.func @_sc_gcn_body(%arg0: i32, %arg1: i32, %arg2: memref<10112x128xf32, #tpu.memory_space<hbm>>, %arg3: memref<2680x128xi32, #tpu.memory_space<hbm>>, %arg4: memref<2680x128xi32, #tpu.memory_space<hbm>>, %arg5: memref<2x10112x128xf32, #tpu.memory_space<hbm>>, %arg6: memref<120x128xi32, #tpu.memory_space<vmem>>, %arg7: memref<120x128xi32, #tpu.memory_space<vmem>>, %arg8: memref<128x128xf32, #tpu.memory_space<vmem>>, %arg9: memref<!tpu.dma_semaphore, #tpu.memory_space<semaphore_mem>>, %arg10: memref<10112x128xf32, #tpu.memory_space<vmem_shared>>) attributes {dimension_semantics = [#tpu.dimension_semantics<core_parallel>, #tpu.dimension_semantics<subcore_parallel>], iteration_bounds = array<i64: 2, 16>, scalar_prefetch = 0 : i64, scratch_operands = 5 : i64, tpu.core_type = #tpu.core_type<sc_vector_subcore>, window_params = [{transform_indices = #map}, {transform_indices = #map}, {transform_indices = #map}, {transform_indices = #map1}]} {
    %scan3A = arith.constant 0 : i32
    %scan3A_0 = arith.constant 0 : i32
    %scan3A_1 = arith.constant 128 : i32
    %scan3A_2 = arith.addi %scan3A_0, %scan3A_1 : i32
    %scan3A_3 = arith.constant 1 : i32
    %scan3A_4 = scf.for %scan3A_28 = %scan3A_0 to %scan3A_2 step %scan3A_3 iter_args(%scan3A_29 = %scan3A) -> (i32)  : i32 {
      %broadcast_in_dim3A = arith.constant 0.000000e+00 : f32
      %broadcast_in_dim3A_30 = vector.broadcast %broadcast_in_dim3A : f32 to vector<16xf32>
      %swap3A = arith.index_cast %scan3A_28 : i32 to index
      %swap3A_31 = arith.constant 0 : index
      %swap3A_32 = tpu.vector_load %arg8[%swap3A, %swap3A_31] {strides = array<i32>} : memref<128x128xf32, #tpu.memory_space<vmem>>, vector<1x16xf32>,
      %swap3A_33 = vector.shape_cast %swap3A_32 : vector<1x16xf32> to vector<16xf32>
      %swap3A_34 = vector.shape_cast %broadcast_in_dim3A_30 : vector<16xf32> to vector<1x16xf32>
      tpu.vector_store %arg8[%swap3A, %swap3A_31], %swap3A_34 {strides = array<i32>} : memref<128x128xf32, #tpu.memory_space<vmem>>, vector<1x16xf32>,
      %broadcast_in_dim3A_35 = arith.constant 0.000000e+00 : f32
      %broadcast_in_dim3A_36 = vector.broadcast %broadcast_in_dim3A_35 : f32 to vector<16xf32>
      %swap3A_37 = arith.index_cast %scan3A_28 : i32 to index
      %swap3A_38 = arith.constant 16 : index
      %swap3A_39 = tpu.vector_load %arg8[%swap3A_37, %swap3A_38] {strides = array<i32>} : memref<128x128xf32, #tpu.memory_space<vmem>>, vector<1x16xf32>,
      %swap3A_40 = vector.shape_cast %swap3A_39 : vector<1x16xf32> to vector<16xf32>
      %swap3A_41 = vector.shape_cast %broadcast_in_dim3A_36 : vector<16xf32> to vector<1x16xf32>
      tpu.vector_store %arg8[%swap3A_37, %swap3A_38], %swap3A_41 {strides = array<i32>} : memref<128x128xf32, #tpu.memory_space<vmem>>, vector<1x16xf32>,
      %broadcast_in_dim3A_42 = arith.constant 0.000000e+00 : f32
      %broadcast_in_dim3A_43 = vector.broadcast %broadcast_in_dim3A_42 : f32 to vector<16xf32>
      %swap3A_44 = arith.index_cast %scan3A_28 : i32 to index
      %swap3A_45 = arith.constant 32 : index
      %swap3A_46 = tpu.vector_load %arg8[%swap3A_44, %swap3A_45] {strides = array<i32>} : memref<128x128xf32, #tpu.memory_space<vmem>>, vector<1x16xf32>,
      %swap3A_47 = vector.shape_cast %swap3A_46 : vector<1x16xf32> to vector<16xf32>
      %swap3A_48 = vector.shape_cast %broadcast_in_dim3A_43 : vector<16xf32> to vector<1x16xf32>
      tpu.vector_store %arg8[%swap3A_44, %swap3A_45], %swap3A_48 {strides = array<i32>} : memref<128x128xf32, #tpu.memory_space<vmem>>, vector<1x16xf32>,
      %broadcast_in_dim3A_49 = arith.constant 0.000000e+00 : f32
      %broadcast_in_dim3A_50 = vector.broadcast %broadcast_in_dim3A_49 : f32 to vector<16xf32>
      %swap3A_51 = arith.index_cast %scan3A_28 : i32 to index
      %swap3A_52 = arith.constant 48 : index
      %swap3A_53 = tpu.vector_load %arg8[%swap3A_51, %swap3A_52] {strides = array<i32>} : memref<128x128xf32, #tpu.memory_space<vmem>>, vector<1x16xf32>,
      %swap3A_54 = vector.shape_cast %swap3A_53 : vector<1x16xf32> to vector<16xf32>
      %swap3A_55 = vector.shape_cast %broadcast_in_dim3A_50 : vector<16xf32> to vector<1x16xf32>
      tpu.vector_store %arg8[%swap3A_51, %swap3A_52], %swap3A_55 {strides = array<i32>} : memref<128x128xf32, #tpu.memory_space<vmem>>, vector<1x16xf32>,
      %broadcast_in_dim3A_56 = arith.constant 0.000000e+00 : f32
      %broadcast_in_dim3A_57 = vector.broadcast %broadcast_in_dim3A_56 : f32 to vector<16xf32>
      %swap3A_58 = arith.index_cast %scan3A_28 : i32 to index
      %swap3A_59 = arith.constant 64 : index
      %swap3A_60 = tpu.vector_load %arg8[%swap3A_58, %swap3A_59] {strides = array<i32>} : memref<128x128xf32, #tpu.memory_space<vmem>>, vector<1x16xf32>,
      %swap3A_61 = vector.shape_cast %swap3A_60 : vector<1x16xf32> to vector<16xf32>
      %swap3A_62 = vector.shape_cast %broadcast_in_dim3A_57 : vector<16xf32> to vector<1x16xf32>
      tpu.vector_store %arg8[%swap3A_58, %swap3A_59], %swap3A_62 {strides = array<i32>} : memref<128x128xf32, #tpu.memory_space<vmem>>, vector<1x16xf32>,
      %broadcast_in_dim3A_63 = arith.constant 0.000000e+00 : f32
      %broadcast_in_dim3A_64 = vector.broadcast %broadcast_in_dim3A_63 : f32 to vector<16xf32>
      %swap3A_65 = arith.index_cast %scan3A_28 : i32 to index
      %swap3A_66 = arith.constant 80 : index
      %swap3A_67 = tpu.vector_load %arg8[%swap3A_65, %swap3A_66] {strides = array<i32>} : memref<128x128xf32, #tpu.memory_space<vmem>>, vector<1x16xf32>,
      %swap3A_68 = vector.shape_cast %swap3A_67 : vector<1x16xf32> to vector<16xf32>
      %swap3A_69 = vector.shape_cast %broadcast_in_dim3A_64 : vector<16xf32> to vector<1x16xf32>
      tpu.vector_store %arg8[%swap3A_65, %swap3A_66], %swap3A_69 {strides = array<i32>} : memref<128x128xf32, #tpu.memory_space<vmem>>, vector<1x16xf32>,
      %broadcast_in_dim3A_70 = arith.constant 0.000000e+00 : f32
      %broadcast_in_dim3A_71 = vector.broadcast %broadcast_in_dim3A_70 : f32 to vector<16xf32>
      %swap3A_72 = arith.index_cast %scan3A_28 : i32 to index
      %swap3A_73 = arith.constant 96 : index
      %swap3A_74 = tpu.vector_load %arg8[%swap3A_72, %swap3A_73] {strides = array<i32>} : memref<128x128xf32, #tpu.memory_space<vmem>>, vector<1x16xf32>,
      %swap3A_75 = vector.shape_cast %swap3A_74 : vector<1x16xf32> to vector<16xf32>
      %swap3A_76 = vector.shape_cast %broadcast_in_dim3A_71 : vector<16xf32> to vector<1x16xf32>
      tpu.vector_store %arg8[%swap3A_72, %swap3A_73], %swap3A_76 {strides = array<i32>} : memref<128x128xf32, #tpu.memory_space<vmem>>, vector<1x16xf32>,
      %broadcast_in_dim3A_77 = arith.constant 0.000000e+00 : f32
      %broadcast_in_dim3A_78 = vector.broadcast %broadcast_in_dim3A_77 : f32 to vector<16xf32>
      %swap3A_79 = arith.index_cast %scan3A_28 : i32 to index
      %swap3A_80 = arith.constant 112 : index
      %swap3A_81 = tpu.vector_load %arg8[%swap3A_79, %swap3A_80] {strides = array<i32>} : memref<128x128xf32, #tpu.memory_space<vmem>>, vector<1x16xf32>,
      %swap3A_82 = vector.shape_cast %swap3A_81 : vector<1x16xf32> to vector<16xf32>
      %swap3A_83 = vector.shape_cast %broadcast_in_dim3A_78 : vector<16xf32> to vector<1x16xf32>
      tpu.vector_store %arg8[%swap3A_79, %swap3A_80], %swap3A_83 {strides = array<i32>} : memref<128x128xf32, #tpu.memory_space<vmem>>, vector<1x16xf32>,
      %scan3A_84 = arith.constant 0 : i32
      scf.yield %scan3A_84 : i32
    }
    %scan3A_5 = arith.constant 128 : i32
    %mul3A = arith.constant 632 : i32
    %mul3A_6 = arith.muli %arg1, %mul3A : i32
    %add3A = arith.constant 0 : i32
    %add3A_7 = arith.addi %mul3A_6, %add3A : i32
    "tpu.region"() ({
      %run_scoped3A = tpu.sem_alloc : memref<!tpu.dma_semaphore, #tpu.memory_space<semaphore_mem>>
      %dma_start3A = arith.constant 0 : i32
      %dma_start3A_28 = tpu.memref_slice %arg10[%add3A_7, %dma_start3A] : memref<10112x128xf32, #tpu.memory_space<vmem_shared>> -> memref<128x128xf32, #tpu.memory_space<vmem_shared>>
      %dma_start3A_29 = arith.constant 0 : i32
      %dma_start3A_30 = tpu.memref_slice %arg10[%add3A_7, %dma_start3A_29] : memref<10112x128xf32, #tpu.memory_space<vmem_shared>> -> memref<128x128xf32, #tpu.memory_space<vmem_shared>>
      tpu.enqueue_dma source(%arg8 : memref<128x128xf32, #tpu.memory_space<vmem>>) target(%dma_start3A_30 : memref<128x128xf32, #tpu.memory_space<vmem_shared>>) target_semaphore(%run_scoped3A : memref<!tpu.dma_semaphore, #tpu.memory_space<semaphore_mem>>)
      %dma_wait3A = arith.constant 0 : i32
      %dma_wait3A_31 = tpu.memref_slice %arg10[%add3A_7, %dma_wait3A] : memref<10112x128xf32, #tpu.memory_space<vmem_shared>> -> memref<128x128xf32, #tpu.memory_space<vmem_shared>>
      %dma_wait3A_32 = arith.constant 0 : i32
      %dma_wait3A_33 = tpu.memref_slice %arg10[%add3A_7, %dma_wait3A_32] : memref<10112x128xf32, #tpu.memory_space<vmem_shared>> -> memref<128x128xf32, #tpu.memory_space<vmem_shared>>
      tpu.wait_dma2 semaphore(%run_scoped3A : memref<!tpu.dma_semaphore, #tpu.memory_space<semaphore_mem>>) src(%arg8 : memref<128x128xf32, #tpu.memory_space<vmem>>) dst(%dma_wait3A_33 : memref<128x128xf32, #tpu.memory_space<vmem_shared>>)
      tpu.yield
    }) : () -> ()
    %add3A_8 = arith.constant 128 : i32
    %add3A_9 = arith.addi %mul3A_6, %add3A_8 : i32
    "tpu.region"() ({
      %run_scoped3A = tpu.sem_alloc : memref<!tpu.dma_semaphore, #tpu.memory_space<semaphore_mem>>
      %dma_start3A = arith.constant 0 : i32
      %dma_start3A_28 = tpu.memref_slice %arg10[%add3A_9, %dma_start3A] : memref<10112x128xf32, #tpu.memory_space<vmem_shared>> -> memref<128x128xf32, #tpu.memory_space<vmem_shared>>
      %dma_start3A_29 = arith.constant 0 : i32
      %dma_start3A_30 = tpu.memref_slice %arg10[%add3A_9, %dma_start3A_29] : memref<10112x128xf32, #tpu.memory_space<vmem_shared>> -> memref<128x128xf32, #tpu.memory_space<vmem_shared>>
      tpu.enqueue_dma source(%arg8 : memref<128x128xf32, #tpu.memory_space<vmem>>) target(%dma_start3A_30 : memref<128x128xf32, #tpu.memory_space<vmem_shared>>) target_semaphore(%run_scoped3A : memref<!tpu.dma_semaphore, #tpu.memory_space<semaphore_mem>>)
      %dma_wait3A = arith.constant 0 : i32
      %dma_wait3A_31 = tpu.memref_slice %arg10[%add3A_9, %dma_wait3A] : memref<10112x128xf32, #tpu.memory_space<vmem_shared>> -> memref<128x128xf32, #tpu.memory_space<vmem_shared>>
      %dma_wait3A_32 = arith.constant 0 : i32
      %dma_wait3A_33 = tpu.memref_slice %arg10[%add3A_9, %dma_wait3A_32] : memref<10112x128xf32, #tpu.memory_space<vmem_shared>> -> memref<128x128xf32, #tpu.memory_space<vmem_shared>>
      tpu.wait_dma2 semaphore(%run_scoped3A : memref<!tpu.dma_semaphore, #tpu.memory_space<semaphore_mem>>) src(%arg8 : memref<128x128xf32, #tpu.memory_space<vmem>>) dst(%dma_wait3A_33 : memref<128x128xf32, #tpu.memory_space<vmem_shared>>)
      tpu.yield
    }) : () -> ()
    %add3A_10 = arith.constant 256 : i32
    %add3A_11 = arith.addi %mul3A_6, %add3A_10 : i32
    "tpu.region"() ({
      %run_scoped3A = tpu.sem_alloc : memref<!tpu.dma_semaphore, #tpu.memory_space<semaphore_mem>>
      %dma_start3A = arith.constant 0 : i32
      %dma_start3A_28 = tpu.memref_slice %arg10[%add3A_11, %dma_start3A] : memref<10112x128xf32, #tpu.memory_space<vmem_shared>> -> memref<128x128xf32, #tpu.memory_space<vmem_shared>>
      %dma_start3A_29 = arith.constant 0 : i32
      %dma_start3A_30 = tpu.memref_slice %arg10[%add3A_11, %dma_start3A_29] : memref<10112x128xf32, #tpu.memory_space<vmem_shared>> -> memref<128x128xf32, #tpu.memory_space<vmem_shared>>
      tpu.enqueue_dma source(%arg8 : memref<128x128xf32, #tpu.memory_space<vmem>>) target(%dma_start3A_30 : memref<128x128xf32, #tpu.memory_space<vmem_shared>>) target_semaphore(%run_scoped3A : memref<!tpu.dma_semaphore, #tpu.memory_space<semaphore_mem>>)
      %dma_wait3A = arith.constant 0 : i32
      %dma_wait3A_31 = tpu.memref_slice %arg10[%add3A_11, %dma_wait3A] : memref<10112x128xf32, #tpu.memory_space<vmem_shared>> -> memref<128x128xf32, #tpu.memory_space<vmem_shared>>
      %dma_wait3A_32 = arith.constant 0 : i32
      %dma_wait3A_33 = tpu.memref_slice %arg10[%add3A_11, %dma_wait3A_32] : memref<10112x128xf32, #tpu.memory_space<vmem_shared>> -> memref<128x128xf32, #tpu.memory_space<vmem_shared>>
      tpu.wait_dma2 semaphore(%run_scoped3A : memref<!tpu.dma_semaphore, #tpu.memory_space<semaphore_mem>>) src(%arg8 : memref<128x128xf32, #tpu.memory_space<vmem>>) dst(%dma_wait3A_33 : memref<128x128xf32, #tpu.memory_space<vmem_shared>>)
      tpu.yield
    }) : () -> ()
    %add3A_12 = arith.constant 384 : i32
    %add3A_13 = arith.addi %mul3A_6, %add3A_12 : i32
    "tpu.region"() ({
      %run_scoped3A = tpu.sem_alloc : memref<!tpu.dma_semaphore, #tpu.memory_space<semaphore_mem>>
      %dma_start3A = arith.constant 0 : i32
      %dma_start3A_28 = tpu.memref_slice %arg10[%add3A_13, %dma_start3A] : memref<10112x128xf32, #tpu.memory_space<vmem_shared>> -> memref<128x128xf32, #tpu.memory_space<vmem_shared>>
      %dma_start3A_29 = arith.constant 0 : i32
      %dma_start3A_30 = tpu.memref_slice %arg10[%add3A_13, %dma_start3A_29] : memref<10112x128xf32, #tpu.memory_space<vmem_shared>> -> memref<128x128xf32, #tpu.memory_space<vmem_shared>>
      tpu.enqueue_dma source(%arg8 : memref<128x128xf32, #tpu.memory_space<vmem>>) target(%dma_start3A_30 : memref<128x128xf32, #tpu.memory_space<vmem_shared>>) target_semaphore(%run_scoped3A : memref<!tpu.dma_semaphore, #tpu.memory_space<semaphore_mem>>)
      %dma_wait3A = arith.constant 0 : i32
      %dma_wait3A_31 = tpu.memref_slice %arg10[%add3A_13, %dma_wait3A] : memref<10112x128xf32, #tpu.memory_space<vmem_shared>> -> memref<128x128xf32, #tpu.memory_space<vmem_shared>>
      %dma_wait3A_32 = arith.constant 0 : i32
      %dma_wait3A_33 = tpu.memref_slice %arg10[%add3A_13, %dma_wait3A_32] : memref<10112x128xf32, #tpu.memory_space<vmem_shared>> -> memref<128x128xf32, #tpu.memory_space<vmem_shared>>
      tpu.wait_dma2 semaphore(%run_scoped3A : memref<!tpu.dma_semaphore, #tpu.memory_space<semaphore_mem>>) src(%arg8 : memref<128x128xf32, #tpu.memory_space<vmem>>) dst(%dma_wait3A_33 : memref<128x128xf32, #tpu.memory_space<vmem_shared>>)
      tpu.yield
    }) : () -> ()
    %add3A_14 = arith.constant 512 : i32
    %add3A_15 = arith.addi %mul3A_6, %add3A_14 : i32
    "tpu.region"() ({
      %run_scoped3A = tpu.sem_alloc : memref<!tpu.dma_semaphore, #tpu.memory_space<semaphore_mem>>
      %dma_start3A = arith.constant 0 : i32
      %dma_start3A_28 = arith.constant 0 : i32
      %dma_start3A_29 = tpu.memref_slice %arg8[%dma_start3A, %dma_start3A_28] : memref<128x128xf32, #tpu.memory_space<vmem>> -> memref<120x128xf32, #tpu.memory_space<vmem>>
      %dma_start3A_30 = arith.constant 0 : i32
      %dma_start3A_31 = tpu.memref_slice %arg10[%add3A_15, %dma_start3A_30] : memref<10112x128xf32, #tpu.memory_space<vmem_shared>> -> memref<120x128xf32, #tpu.memory_space<vmem_shared>>
      %dma_start3A_32 = arith.constant 0 : i32
      %dma_start3A_33 = tpu.memref_slice %arg10[%add3A_15, %dma_start3A_32] : memref<10112x128xf32, #tpu.memory_space<vmem_shared>> -> memref<120x128xf32, #tpu.memory_space<vmem_shared>>
      %dma_start3A_34 = arith.constant 0 : i32
      %dma_start3A_35 = arith.constant 0 : i32
      %dma_start3A_36 = tpu.memref_slice %arg8[%dma_start3A_34, %dma_start3A_35] : memref<128x128xf32, #tpu.memory_space<vmem>> -> memref<120x128xf32, #tpu.memory_space<vmem>>
      tpu.enqueue_dma source(%dma_start3A_36 : memref<120x128xf32, #tpu.memory_space<vmem>>) target(%dma_start3A_33 : memref<120x128xf32, #tpu.memory_space<vmem_shared>>) target_semaphore(%run_scoped3A : memref<!tpu.dma_semaphore, #tpu.memory_space<semaphore_mem>>)
      %dma_wait3A = arith.constant 0 : i32
      %dma_wait3A_37 = arith.constant 0 : i32
      %dma_wait3A_38 = tpu.memref_slice %arg8[%dma_wait3A, %dma_wait3A_37] : memref<128x128xf32, #tpu.memory_space<vmem>> -> memref<120x128xf32, #tpu.memory_space<vmem>>
      %dma_wait3A_39 = arith.constant 0 : i32
      %dma_wait3A_40 = tpu.memref_slice %arg10[%add3A_15, %dma_wait3A_39] : memref<10112x128xf32, #tpu.memory_space<vmem_shared>> -> memref<120x128xf32, #tpu.memory_space<vmem_shared>>
      %dma_wait3A_41 = arith.constant 0 : i32
      %dma_wait3A_42 = tpu.memref_slice %arg10[%add3A_15, %dma_wait3A_41] : memref<10112x128xf32, #tpu.memory_space<vmem_shared>> -> memref<120x128xf32, #tpu.memory_space<vmem_shared>>
      %dma_wait3A_43 = arith.constant 0 : i32
      %dma_wait3A_44 = arith.constant 0 : i32
      %dma_wait3A_45 = tpu.memref_slice %arg8[%dma_wait3A_43, %dma_wait3A_44] : memref<128x128xf32, #tpu.memory_space<vmem>> -> memref<120x128xf32, #tpu.memory_space<vmem>>
      tpu.wait_dma2 semaphore(%run_scoped3A : memref<!tpu.dma_semaphore, #tpu.memory_space<semaphore_mem>>) src(%dma_wait3A_45 : memref<120x128xf32, #tpu.memory_space<vmem>>) dst(%dma_wait3A_42 : memref<120x128xf32, #tpu.memory_space<vmem_shared>>)
      tpu.yield
    }) : () -> ()
    %barrier3A = arith.constant 0 : index
    tpu.barrier barrier_id(%barrier3A)
    %eq3A = arith.constant 0 : i32
    %eq3A_16 = arith.cmpi eq, %arg0, %eq3A : i32
    %convert_element_type3A = arith.extui %eq3A_16 : i1 to i32
    %cond3A = arith.constant 0 : i32
    %cond3A_17 = arith.cmpi ne, %convert_element_type3A, %cond3A : i32
    scf.if %cond3A_17 {
      %mul3A_28 = arith.constant 120 : i32
      %mul3A_29 = arith.muli %arg1, %mul3A_28 : i32
      "tpu.region"() ({
        %run_scoped3A = tpu.sem_alloc : memref<!tpu.dma_semaphore, #tpu.memory_space<semaphore_mem>>
        %dma_start3A = arith.constant 0 : i32
        %dma_start3A_37 = arith.constant 0 : i32
        %dma_start3A_38 = tpu.memref_slice %arg6[%dma_start3A, %dma_start3A_37] : memref<120x128xi32, #tpu.memory_space<vmem>> -> memref<120x128xi32, #tpu.memory_space<vmem>>
        %dma_start3A_39 = arith.constant 0 : i32
        %dma_start3A_40 = tpu.memref_slice %arg3[%mul3A_29, %dma_start3A_39] : memref<2680x128xi32, #tpu.memory_space<hbm>> -> memref<120x128xi32, #tpu.memory_space<hbm>>
        %dma_start3A_41 = arith.constant 0 : i32
        %dma_start3A_42 = arith.constant 0 : i32
        %dma_start3A_43 = tpu.memref_slice %arg6[%dma_start3A_41, %dma_start3A_42] : memref<120x128xi32, #tpu.memory_space<vmem>> -> memref<120x128xi32, #tpu.memory_space<vmem>>
        %dma_start3A_44 = arith.constant 0 : i32
        %dma_start3A_45 = tpu.memref_slice %arg3[%mul3A_29, %dma_start3A_44] : memref<2680x128xi32, #tpu.memory_space<hbm>> -> memref<120x128xi32, #tpu.memory_space<hbm>>
        tpu.enqueue_dma source(%dma_start3A_45 : memref<120x128xi32, #tpu.memory_space<hbm>>) target(%dma_start3A_43 : memref<120x128xi32, #tpu.memory_space<vmem>>) target_semaphore(%run_scoped3A : memref<!tpu.dma_semaphore, #tpu.memory_space<semaphore_mem>>)
        %dma_wait3A = arith.constant 0 : i32
        %dma_wait3A_46 = arith.constant 0 : i32
        %dma_wait3A_47 = tpu.memref_slice %arg6[%dma_wait3A, %dma_wait3A_46] : memref<120x128xi32, #tpu.memory_space<vmem>> -> memref<120x128xi32, #tpu.memory_space<vmem>>
        %dma_wait3A_48 = arith.constant 0 : i32
        %dma_wait3A_49 = tpu.memref_slice %arg3[%mul3A_29, %dma_wait3A_48] : memref<2680x128xi32, #tpu.memory_space<hbm>> -> memref<120x128xi32, #tpu.memory_space<hbm>>
        %dma_wait3A_50 = arith.constant 0 : i32
        %dma_wait3A_51 = arith.constant 0 : i32
        %dma_wait3A_52 = tpu.memref_slice %arg6[%dma_wait3A_50, %dma_wait3A_51] : memref<120x128xi32, #tpu.memory_space<vmem>> -> memref<120x128xi32, #tpu.memory_space<vmem>>
        %dma_wait3A_53 = arith.constant 0 : i32
        %dma_wait3A_54 = tpu.memref_slice %arg3[%mul3A_29, %dma_wait3A_53] : memref<2680x128xi32, #tpu.memory_space<hbm>> -> memref<120x128xi32, #tpu.memory_space<hbm>>
        tpu.wait_dma2 semaphore(%run_scoped3A : memref<!tpu.dma_semaphore, #tpu.memory_space<semaphore_mem>>) src(%dma_wait3A_54 : memref<120x128xi32, #tpu.memory_space<hbm>>) dst(%dma_wait3A_52 : memref<120x128xi32, #tpu.memory_space<vmem>>)
        tpu.yield
      }) : () -> ()
      "tpu.region"() ({
        %run_scoped3A = tpu.sem_alloc : memref<!tpu.dma_semaphore, #tpu.memory_space<semaphore_mem>>
        %dma_start3A = arith.constant 0 : i32
        %dma_start3A_37 = arith.constant 0 : i32
        %dma_start3A_38 = tpu.memref_slice %arg7[%dma_start3A, %dma_start3A_37] : memref<120x128xi32, #tpu.memory_space<vmem>> -> memref<120x128xi32, #tpu.memory_space<vmem>>
        %dma_start3A_39 = arith.constant 0 : i32
        %dma_start3A_40 = tpu.memref_slice %arg4[%mul3A_29, %dma_start3A_39] : memref<2680x128xi32, #tpu.memory_space<hbm>> -> memref<120x128xi32, #tpu.memory_space<hbm>>
        %dma_start3A_41 = arith.constant 0 : i32
        %dma_start3A_42 = arith.constant 0 : i32
        %dma_start3A_43 = tpu.memref_slice %arg7[%dma_start3A_41, %dma_start3A_42] : memref<120x128xi32, #tpu.memory_space<vmem>> -> memref<120x128xi32, #tpu.memory_space<vmem>>
        %dma_start3A_44 = arith.constant 0 : i32
        %dma_start3A_45 = tpu.memref_slice %arg4[%mul3A_29, %dma_start3A_44] : memref<2680x128xi32, #tpu.memory_space<hbm>> -> memref<120x128xi32, #tpu.memory_space<hbm>>
        tpu.enqueue_dma source(%dma_start3A_45 : memref<120x128xi32, #tpu.memory_space<hbm>>) target(%dma_start3A_43 : memref<120x128xi32, #tpu.memory_space<vmem>>) target_semaphore(%run_scoped3A : memref<!tpu.dma_semaphore, #tpu.memory_space<semaphore_mem>>)
        %dma_wait3A = arith.constant 0 : i32
        %dma_wait3A_46 = arith.constant 0 : i32
        %dma_wait3A_47 = tpu.memref_slice %arg7[%dma_wait3A, %dma_wait3A_46] : memref<120x128xi32, #tpu.memory_space<vmem>> -> memref<120x128xi32, #tpu.memory_space<vmem>>
        %dma_wait3A_48 = arith.constant 0 : i32
        %dma_wait3A_49 = tpu.memref_slice %arg4[%mul3A_29, %dma_wait3A_48] : memref<2680x128xi32, #tpu.memory_space<hbm>> -> memref<120x128xi32, #tpu.memory_space<hbm>>
        %dma_wait3A_50 = arith.constant 0 : i32
        %dma_wait3A_51 = arith.constant 0 : i32
        %dma_wait3A_52 = tpu.memref_slice %arg7[%dma_wait3A_50, %dma_wait3A_51] : memref<120x128xi32, #tpu.memory_space<vmem>> -> memref<120x128xi32, #tpu.memory_space<vmem>>
        %dma_wait3A_53 = arith.constant 0 : i32
        %dma_wait3A_54 = tpu.memref_slice %arg4[%mul3A_29, %dma_wait3A_53] : memref<2680x128xi32, #tpu.memory_space<hbm>> -> memref<120x128xi32, #tpu.memory_space<hbm>>
        tpu.wait_dma2 semaphore(%run_scoped3A : memref<!tpu.dma_semaphore, #tpu.memory_space<semaphore_mem>>) src(%dma_wait3A_54 : memref<120x128xi32, #tpu.memory_space<hbm>>) dst(%dma_wait3A_52 : memref<120x128xi32, #tpu.memory_space<vmem>>)
        tpu.yield
      }) : () -> ()
      %scan3A_30 = arith.constant 0 : i32
      %scan3A_31 = arith.constant 0 : i32
      %scan3A_32 = arith.constant 120 : i32
      %scan3A_33 = arith.addi %scan3A_31, %scan3A_32 : i32
      %scan3A_34 = arith.constant 1 : i32
      %scan3A_35 = scf.for %scan3A_37 = %scan3A_31 to %scan3A_33 step %scan3A_34 iter_args(%scan3A_38 = %scan3A_30) -> (i32)  : i32 {
        %dma_start3A = arith.constant 0 : i32
        %dma_start3A_39 = tpu.memref_slice %arg6[%scan3A_37, %dma_start3A] : memref<120x128xi32, #tpu.memory_space<vmem>> -> memref<1x128xi32, #tpu.memory_space<vmem>>
        %dma_start3A_40 = tpu.memref_squeeze %dma_start3A_39 : memref<1x128xi32, #tpu.memory_space<vmem>> -> memref<128xi32, #tpu.memory_space<vmem>>
        %dma_start3A_41 = arith.constant 0 : i32
        %dma_start3A_42 = arith.constant 0 : i32
        %dma_start3A_43 = tpu.memref_slice %arg2[%dma_start3A_41, %dma_start3A_42] : memref<10112x128xf32, #tpu.memory_space<hbm>> -> memref<10112x128xf32, #tpu.memory_space<hbm>>
        tpu.enqueue_indirect_dma source(%dma_start3A_43 : memref<10112x128xf32, #tpu.memory_space<hbm>>) target(%arg8 : memref<128x128xf32, #tpu.memory_space<vmem>>) offsets(%dma_start3A_40 : memref<128xi32, #tpu.memory_space<vmem>>) semaphore(%arg9 : memref<!tpu.dma_semaphore, #tpu.memory_space<semaphore_mem>>)
        %dma_wait3A = arith.constant 0 : i32
        %dma_wait3A_44 = tpu.memref_slice %arg6[%scan3A_37, %dma_wait3A] : memref<120x128xi32, #tpu.memory_space<vmem>> -> memref<1x128xi32, #tpu.memory_space<vmem>>
        %dma_wait3A_45 = tpu.memref_squeeze %dma_wait3A_44 : memref<1x128xi32, #tpu.memory_space<vmem>> -> memref<128xi32, #tpu.memory_space<vmem>>
        %dma_wait3A_46 = arith.constant 0 : i32
        %dma_wait3A_47 = arith.constant 0 : i32
        %dma_wait3A_48 = tpu.memref_slice %arg2[%dma_wait3A_46, %dma_wait3A_47] : memref<10112x128xf32, #tpu.memory_space<hbm>> -> memref<10112x128xf32, #tpu.memory_space<hbm>>
        tpu.wait_indirect_dma semaphore(%arg9 : memref<!tpu.dma_semaphore, #tpu.memory_space<semaphore_mem>>) src(%dma_wait3A_48 : memref<10112x128xf32, #tpu.memory_space<hbm>>) dst(%arg8 : memref<128x128xf32, #tpu.memory_space<vmem>>)
        "tpu.region"() ({
          %run_scoped3A = tpu.sem_alloc : memref<!tpu.dma_semaphore, #tpu.memory_space<semaphore_mem>>
          %dma_start3A_50 = arith.constant 0 : i32
          %dma_start3A_51 = tpu.memref_slice %arg7[%scan3A_37, %dma_start3A_50] : memref<120x128xi32, #tpu.memory_space<vmem>> -> memref<1x128xi32, #tpu.memory_space<vmem>>
          %dma_start3A_52 = tpu.memref_squeeze %dma_start3A_51 : memref<1x128xi32, #tpu.memory_space<vmem>> -> memref<128xi32, #tpu.memory_space<vmem>>
          %dma_start3A_53 = arith.constant 0 : i32
          %dma_start3A_54 = arith.constant 0 : i32
          %dma_start3A_55 = tpu.memref_slice %arg10[%dma_start3A_53, %dma_start3A_54] : memref<10112x128xf32, #tpu.memory_space<vmem_shared>> -> memref<10112x128xf32, #tpu.memory_space<vmem_shared>>
          tpu.enqueue_indirect_dma source(%arg8 : memref<128x128xf32, #tpu.memory_space<vmem>>) target(%dma_start3A_55 : memref<10112x128xf32, #tpu.memory_space<vmem_shared>>) offsets(%dma_start3A_52 : memref<128xi32, #tpu.memory_space<vmem>>) semaphore(%run_scoped3A : memref<!tpu.dma_semaphore, #tpu.memory_space<semaphore_mem>>) {add = true}
          %dma_wait3A_56 = arith.constant 0 : i32
          %dma_wait3A_57 = tpu.memref_slice %arg7[%scan3A_37, %dma_wait3A_56] : memref<120x128xi32, #tpu.memory_space<vmem>> -> memref<1x128xi32, #tpu.memory_space<vmem>>
          %dma_wait3A_58 = tpu.memref_squeeze %dma_wait3A_57 : memref<1x128xi32, #tpu.memory_space<vmem>> -> memref<128xi32, #tpu.memory_space<vmem>>
          %dma_wait3A_59 = arith.constant 0 : i32
          %dma_wait3A_60 = arith.constant 0 : i32
          %dma_wait3A_61 = tpu.memref_slice %arg10[%dma_wait3A_59, %dma_wait3A_60] : memref<10112x128xf32, #tpu.memory_space<vmem_shared>> -> memref<10112x128xf32, #tpu.memory_space<vmem_shared>>
          tpu.wait_indirect_dma semaphore(%run_scoped3A : memref<!tpu.dma_semaphore, #tpu.memory_space<semaphore_mem>>) src(%arg8 : memref<128x128xf32, #tpu.memory_space<vmem>>) dst(%dma_wait3A_61 : memref<10112x128xf32, #tpu.memory_space<vmem_shared>>)
          tpu.yield
        }) : () -> ()
        %scan3A_49 = arith.constant 0 : i32
        scf.yield %scan3A_49 : i32
      }
      %scan3A_36 = arith.constant 120 : i32
    } else {
    }
    %eq3A_18 = arith.constant 1 : i32
    %eq3A_19 = arith.cmpi eq, %arg0, %eq3A_18 : i32
    %convert_element_type3A_20 = arith.extui %eq3A_19 : i1 to i32
    %cond3A_21 = arith.constant 0 : i32
    %cond3A_22 = arith.cmpi ne, %convert_element_type3A_20, %cond3A_21 : i32
    scf.if %cond3A_22 {
      %mul3A_28 = arith.constant 40 : i32
      %mul3A_29 = arith.muli %arg1, %mul3A_28 : i32
      %add3A_30 = arith.constant 1920 : i32
      %add3A_31 = arith.addi %add3A_30, %mul3A_29 : i32
      "tpu.region"() ({
        %run_scoped3A = tpu.sem_alloc : memref<!tpu.dma_semaphore, #tpu.memory_space<semaphore_mem>>
        %dma_start3A = arith.constant 0 : i32
        %dma_start3A_39 = arith.constant 0 : i32
        %dma_start3A_40 = tpu.memref_slice %arg6[%dma_start3A, %dma_start3A_39] : memref<120x128xi32, #tpu.memory_space<vmem>> -> memref<40x128xi32, #tpu.memory_space<vmem>>
        %dma_start3A_41 = arith.constant 0 : i32
        %dma_start3A_42 = tpu.memref_slice %arg3[%add3A_31, %dma_start3A_41] : memref<2680x128xi32, #tpu.memory_space<hbm>> -> memref<40x128xi32, #tpu.memory_space<hbm>>
        %dma_start3A_43 = arith.constant 0 : i32
        %dma_start3A_44 = arith.constant 0 : i32
        %dma_start3A_45 = tpu.memref_slice %arg6[%dma_start3A_43, %dma_start3A_44] : memref<120x128xi32, #tpu.memory_space<vmem>> -> memref<40x128xi32, #tpu.memory_space<vmem>>
        %dma_start3A_46 = arith.constant 0 : i32
        %dma_start3A_47 = tpu.memref_slice %arg3[%add3A_31, %dma_start3A_46] : memref<2680x128xi32, #tpu.memory_space<hbm>> -> memref<40x128xi32, #tpu.memory_space<hbm>>
        tpu.enqueue_dma source(%dma_start3A_47 : memref<40x128xi32, #tpu.memory_space<hbm>>) target(%dma_start3A_45 : memref<40x128xi32, #tpu.memory_space<vmem>>) target_semaphore(%run_scoped3A : memref<!tpu.dma_semaphore, #tpu.memory_space<semaphore_mem>>)
        %dma_wait3A = arith.constant 0 : i32
        %dma_wait3A_48 = arith.constant 0 : i32
        %dma_wait3A_49 = tpu.memref_slice %arg6[%dma_wait3A, %dma_wait3A_48] : memref<120x128xi32, #tpu.memory_space<vmem>> -> memref<40x128xi32, #tpu.memory_space<vmem>>
        %dma_wait3A_50 = arith.constant 0 : i32
        %dma_wait3A_51 = tpu.memref_slice %arg3[%add3A_31, %dma_wait3A_50] : memref<2680x128xi32, #tpu.memory_space<hbm>> -> memref<40x128xi32, #tpu.memory_space<hbm>>
        %dma_wait3A_52 = arith.constant 0 : i32
        %dma_wait3A_53 = arith.constant 0 : i32
        %dma_wait3A_54 = tpu.memref_slice %arg6[%dma_wait3A_52, %dma_wait3A_53] : memref<120x128xi32, #tpu.memory_space<vmem>> -> memref<40x128xi32, #tpu.memory_space<vmem>>
        %dma_wait3A_55 = arith.constant 0 : i32
        %dma_wait3A_56 = tpu.memref_slice %arg3[%add3A_31, %dma_wait3A_55] : memref<2680x128xi32, #tpu.memory_space<hbm>> -> memref<40x128xi32, #tpu.memory_space<hbm>>
        tpu.wait_dma2 semaphore(%run_scoped3A : memref<!tpu.dma_semaphore, #tpu.memory_space<semaphore_mem>>) src(%dma_wait3A_56 : memref<40x128xi32, #tpu.memory_space<hbm>>) dst(%dma_wait3A_54 : memref<40x128xi32, #tpu.memory_space<vmem>>)
        tpu.yield
      }) : () -> ()
      "tpu.region"() ({
        %run_scoped3A = tpu.sem_alloc : memref<!tpu.dma_semaphore, #tpu.memory_space<semaphore_mem>>
        %dma_start3A = arith.constant 0 : i32
        %dma_start3A_39 = arith.constant 0 : i32
        %dma_start3A_40 = tpu.memref_slice %arg7[%dma_start3A, %dma_start3A_39] : memref<120x128xi32, #tpu.memory_space<vmem>> -> memref<40x128xi32, #tpu.memory_space<vmem>>
        %dma_start3A_41 = arith.constant 0 : i32
        %dma_start3A_42 = tpu.memref_slice %arg4[%add3A_31, %dma_start3A_41] : memref<2680x128xi32, #tpu.memory_space<hbm>> -> memref<40x128xi32, #tpu.memory_space<hbm>>
        %dma_start3A_43 = arith.constant 0 : i32
        %dma_start3A_44 = arith.constant 0 : i32
        %dma_start3A_45 = tpu.memref_slice %arg7[%dma_start3A_43, %dma_start3A_44] : memref<120x128xi32, #tpu.memory_space<vmem>> -> memref<40x128xi32, #tpu.memory_space<vmem>>
        %dma_start3A_46 = arith.constant 0 : i32
        %dma_start3A_47 = tpu.memref_slice %arg4[%add3A_31, %dma_start3A_46] : memref<2680x128xi32, #tpu.memory_space<hbm>> -> memref<40x128xi32, #tpu.memory_space<hbm>>
        tpu.enqueue_dma source(%dma_start3A_47 : memref<40x128xi32, #tpu.memory_space<hbm>>) target(%dma_start3A_45 : memref<40x128xi32, #tpu.memory_space<vmem>>) target_semaphore(%run_scoped3A : memref<!tpu.dma_semaphore, #tpu.memory_space<semaphore_mem>>)
        %dma_wait3A = arith.constant 0 : i32
        %dma_wait3A_48 = arith.constant 0 : i32
        %dma_wait3A_49 = tpu.memref_slice %arg7[%dma_wait3A, %dma_wait3A_48] : memref<120x128xi32, #tpu.memory_space<vmem>> -> memref<40x128xi32, #tpu.memory_space<vmem>>
        %dma_wait3A_50 = arith.constant 0 : i32
        %dma_wait3A_51 = tpu.memref_slice %arg4[%add3A_31, %dma_wait3A_50] : memref<2680x128xi32, #tpu.memory_space<hbm>> -> memref<40x128xi32, #tpu.memory_space<hbm>>
        %dma_wait3A_52 = arith.constant 0 : i32
        %dma_wait3A_53 = arith.constant 0 : i32
        %dma_wait3A_54 = tpu.memref_slice %arg7[%dma_wait3A_52, %dma_wait3A_53] : memref<120x128xi32, #tpu.memory_space<vmem>> -> memref<40x128xi32, #tpu.memory_space<vmem>>
        %dma_wait3A_55 = arith.constant 0 : i32
        %dma_wait3A_56 = tpu.memref_slice %arg4[%add3A_31, %dma_wait3A_55] : memref<2680x128xi32, #tpu.memory_space<hbm>> -> memref<40x128xi32, #tpu.memory_space<hbm>>
        tpu.wait_dma2 semaphore(%run_scoped3A : memref<!tpu.dma_semaphore, #tpu.memory_space<semaphore_mem>>) src(%dma_wait3A_56 : memref<40x128xi32, #tpu.memory_space<hbm>>) dst(%dma_wait3A_54 : memref<40x128xi32, #tpu.memory_space<vmem>>)
        tpu.yield
      }) : () -> ()
      %scan3A_32 = arith.constant 0 : i32
      %scan3A_33 = arith.constant 0 : i32
      %scan3A_34 = arith.constant 40 : i32
      %scan3A_35 = arith.addi %scan3A_33, %scan3A_34 : i32
      %scan3A_36 = arith.constant 1 : i32
      %scan3A_37 = scf.for %scan3A_39 = %scan3A_33 to %scan3A_35 step %scan3A_36 iter_args(%scan3A_40 = %scan3A_32) -> (i32)  : i32 {
        %dma_start3A = arith.constant 0 : i32
        %dma_start3A_41 = tpu.memref_slice %arg6[%scan3A_39, %dma_start3A] : memref<120x128xi32, #tpu.memory_space<vmem>> -> memref<1x128xi32, #tpu.memory_space<vmem>>
        %dma_start3A_42 = tpu.memref_squeeze %dma_start3A_41 : memref<1x128xi32, #tpu.memory_space<vmem>> -> memref<128xi32, #tpu.memory_space<vmem>>
        %dma_start3A_43 = arith.constant 0 : i32
        %dma_start3A_44 = arith.constant 0 : i32
        %dma_start3A_45 = tpu.memref_slice %arg2[%dma_start3A_43, %dma_start3A_44] : memref<10112x128xf32, #tpu.memory_space<hbm>> -> memref<10112x128xf32, #tpu.memory_space<hbm>>
        tpu.enqueue_indirect_dma source(%dma_start3A_45 : memref<10112x128xf32, #tpu.memory_space<hbm>>) target(%arg8 : memref<128x128xf32, #tpu.memory_space<vmem>>) offsets(%dma_start3A_42 : memref<128xi32, #tpu.memory_space<vmem>>) semaphore(%arg9 : memref<!tpu.dma_semaphore, #tpu.memory_space<semaphore_mem>>)
        %dma_wait3A = arith.constant 0 : i32
        %dma_wait3A_46 = tpu.memref_slice %arg6[%scan3A_39, %dma_wait3A] : memref<120x128xi32, #tpu.memory_space<vmem>> -> memref<1x128xi32, #tpu.memory_space<vmem>>
        %dma_wait3A_47 = tpu.memref_squeeze %dma_wait3A_46 : memref<1x128xi32, #tpu.memory_space<vmem>> -> memref<128xi32, #tpu.memory_space<vmem>>
        %dma_wait3A_48 = arith.constant 0 : i32
        %dma_wait3A_49 = arith.constant 0 : i32
        %dma_wait3A_50 = tpu.memref_slice %arg2[%dma_wait3A_48, %dma_wait3A_49] : memref<10112x128xf32, #tpu.memory_space<hbm>> -> memref<10112x128xf32, #tpu.memory_space<hbm>>
        tpu.wait_indirect_dma semaphore(%arg9 : memref<!tpu.dma_semaphore, #tpu.memory_space<semaphore_mem>>) src(%dma_wait3A_50 : memref<10112x128xf32, #tpu.memory_space<hbm>>) dst(%arg8 : memref<128x128xf32, #tpu.memory_space<vmem>>)
        "tpu.region"() ({
          %run_scoped3A = tpu.sem_alloc : memref<!tpu.dma_semaphore, #tpu.memory_space<semaphore_mem>>
          %dma_start3A_52 = arith.constant 0 : i32
          %dma_start3A_53 = tpu.memref_slice %arg7[%scan3A_39, %dma_start3A_52] : memref<120x128xi32, #tpu.memory_space<vmem>> -> memref<1x128xi32, #tpu.memory_space<vmem>>
          %dma_start3A_54 = tpu.memref_squeeze %dma_start3A_53 : memref<1x128xi32, #tpu.memory_space<vmem>> -> memref<128xi32, #tpu.memory_space<vmem>>
          %dma_start3A_55 = arith.constant 0 : i32
          %dma_start3A_56 = arith.constant 0 : i32
          %dma_start3A_57 = tpu.memref_slice %arg10[%dma_start3A_55, %dma_start3A_56] : memref<10112x128xf32, #tpu.memory_space<vmem_shared>> -> memref<10112x128xf32, #tpu.memory_space<vmem_shared>>
          tpu.enqueue_indirect_dma source(%arg8 : memref<128x128xf32, #tpu.memory_space<vmem>>) target(%dma_start3A_57 : memref<10112x128xf32, #tpu.memory_space<vmem_shared>>) offsets(%dma_start3A_54 : memref<128xi32, #tpu.memory_space<vmem>>) semaphore(%run_scoped3A : memref<!tpu.dma_semaphore, #tpu.memory_space<semaphore_mem>>) {add = true}
          %dma_wait3A_58 = arith.constant 0 : i32
          %dma_wait3A_59 = tpu.memref_slice %arg7[%scan3A_39, %dma_wait3A_58] : memref<120x128xi32, #tpu.memory_space<vmem>> -> memref<1x128xi32, #tpu.memory_space<vmem>>
          %dma_wait3A_60 = tpu.memref_squeeze %dma_wait3A_59 : memref<1x128xi32, #tpu.memory_space<vmem>> -> memref<128xi32, #tpu.memory_space<vmem>>
          %dma_wait3A_61 = arith.constant 0 : i32
          %dma_wait3A_62 = arith.constant 0 : i32
          %dma_wait3A_63 = tpu.memref_slice %arg10[%dma_wait3A_61, %dma_wait3A_62] : memref<10112x128xf32, #tpu.memory_space<vmem_shared>> -> memref<10112x128xf32, #tpu.memory_space<vmem_shared>>
          tpu.wait_indirect_dma semaphore(%run_scoped3A : memref<!tpu.dma_semaphore, #tpu.memory_space<semaphore_mem>>) src(%arg8 : memref<128x128xf32, #tpu.memory_space<vmem>>) dst(%dma_wait3A_63 : memref<10112x128xf32, #tpu.memory_space<vmem_shared>>)
          tpu.yield
        }) : () -> ()
        %scan3A_51 = arith.constant 0 : i32
        scf.yield %scan3A_51 : i32
      }
      %scan3A_38 = arith.constant 40 : i32
    } else {
    }
    %barrier3A_23 = arith.constant 0 : index
    tpu.barrier barrier_id(%barrier3A_23)
    %mul3A_24 = arith.constant 632 : i32
    %mul3A_25 = arith.muli %arg1, %mul3A_24 : i32
    %mul3A_26 = arith.constant 632 : i32
    %mul3A_27 = arith.muli %arg1, %mul3A_26 : i32
    "tpu.region"() ({
      %run_scoped3A = tpu.sem_alloc : memref<!tpu.dma_semaphore, #tpu.memory_space<semaphore_mem>>
      %dma_start3A = arith.constant 0 : i32
      %dma_start3A_28 = tpu.memref_slice %arg5[%arg0, %mul3A_27, %dma_start3A] : memref<2x10112x128xf32, #tpu.memory_space<hbm>> -> memref<1x632x128xf32, #tpu.memory_space<hbm>>
      %dma_start3A_29 = tpu.memref_squeeze %dma_start3A_28 : memref<1x632x128xf32, #tpu.memory_space<hbm>> -> memref<632x128xf32, #tpu.memory_space<hbm>>
      %dma_start3A_30 = arith.constant 0 : i32
      %dma_start3A_31 = tpu.memref_slice %arg10[%mul3A_25, %dma_start3A_30] : memref<10112x128xf32, #tpu.memory_space<vmem_shared>> -> memref<632x128xf32, #tpu.memory_space<vmem_shared>>
      tpu.enqueue_dma source(%dma_start3A_31 : memref<632x128xf32, #tpu.memory_space<vmem_shared>>) target(%dma_start3A_29 : memref<632x128xf32, #tpu.memory_space<hbm>>) target_semaphore(%run_scoped3A : memref<!tpu.dma_semaphore, #tpu.memory_space<semaphore_mem>>)
      %dma_wait3A = arith.constant 0 : i32
      %dma_wait3A_32 = tpu.memref_slice %arg5[%arg0, %mul3A_27, %dma_wait3A] : memref<2x10112x128xf32, #tpu.memory_space<hbm>> -> memref<1x632x128xf32, #tpu.memory_space<hbm>>
      %dma_wait3A_33 = tpu.memref_squeeze %dma_wait3A_32 : memref<1x632x128xf32, #tpu.memory_space<hbm>> -> memref<632x128xf32, #tpu.memory_space<hbm>>
      %dma_wait3A_34 = arith.constant 0 : i32
      %dma_wait3A_35 = tpu.memref_slice %arg10[%mul3A_25, %dma_wait3A_34] : memref<10112x128xf32, #tpu.memory_space<vmem_shared>> -> memref<632x128xf32, #tpu.memory_space<vmem_shared>>
      tpu.wait_dma2 semaphore(%run_scoped3A : memref<!tpu.dma_semaphore, #tpu.memory_space<semaphore_mem>>) src(%dma_wait3A_35 : memref<632x128xf32, #tpu.memory_space<vmem_shared>>) dst(%dma_wait3A_33 : memref<632x128xf32, #tpu.memory_space<hbm>>)
      tpu.yield
    }) : () -> ()
    return
  }
}

#map = affine_map<(d0, d1) -> (0, 0)>
#map1 = affine_map<(d0, d1) -> (0, 0, 0)>
module attributes {stable_mosaic.version = 14 : i64} {
  func.func @_sc_gcn_body(%arg0: i32, %arg1: i32, %arg2: memref<10112x128xf32, #tpu.memory_space<hbm>>, %arg3: memref<2680x128xi32, #tpu.memory_space<hbm>>, %arg4: memref<2680x128xi32, #tpu.memory_space<hbm>>, %arg5: memref<2x10112x128xf32, #tpu.memory_space<hbm>>, %arg6: memref<120x128xi32, #tpu.memory_space<vmem>>, %arg7: memref<120x128xi32, #tpu.memory_space<vmem>>, %arg8: memref<128x128xf32, #tpu.memory_space<vmem>>, %arg9: memref<!tpu.dma_semaphore, #tpu.memory_space<semaphore_mem>>, %arg10: memref<10112x128xf32, #tpu.memory_space<vmem_shared>>) attributes {dimension_semantics = [#tpu.dimension_semantics<core_parallel>, #tpu.dimension_semantics<subcore_parallel>], iteration_bounds = array<i64: 2, 16>, scalar_prefetch = 0 : i64, scratch_operands = 5 : i64, tpu.core_type = #tpu.core_type<sc_vector_subcore>, window_params = [{transform_indices = #map}, {transform_indices = #map}, {transform_indices = #map}, {transform_indices = #map1}]} {
    %scan3A = arith.constant 0 : i32
    %scan3A_0 = arith.constant 0 : i32
    %scan3A_1 = arith.constant 128 : i32
    %scan3A_2 = arith.addi %scan3A_0, %scan3A_1 : i32
    %scan3A_3 = arith.constant 1 : i32
    %scan3A_4 = scf.for %scan3A_28 = %scan3A_0 to %scan3A_2 step %scan3A_3 iter_args(%scan3A_29 = %scan3A) -> (i32)  : i32 {
      %broadcast_in_dim3A = arith.constant 0.000000e+00 : f32
      %broadcast_in_dim3A_30 = vector.broadcast %broadcast_in_dim3A : f32 to vector<16xf32>
      %swap3A = arith.index_cast %scan3A_28 : i32 to index
      %swap3A_31 = arith.constant 0 : index
      %swap3A_32 = tpu.vector_load %arg8[%swap3A, %swap3A_31] {strides = array<i32>} : memref<128x128xf32, #tpu.memory_space<vmem>>, vector<1x16xf32>,
      %swap3A_33 = vector.shape_cast %swap3A_32 : vector<1x16xf32> to vector<16xf32>
      %swap3A_34 = vector.shape_cast %broadcast_in_dim3A_30 : vector<16xf32> to vector<1x16xf32>
      tpu.vector_store %arg8[%swap3A, %swap3A_31], %swap3A_34 {strides = array<i32>} : memref<128x128xf32, #tpu.memory_space<vmem>>, vector<1x16xf32>,
      %broadcast_in_dim3A_35 = arith.constant 0.000000e+00 : f32
      %broadcast_in_dim3A_36 = vector.broadcast %broadcast_in_dim3A_35 : f32 to vector<16xf32>
      %swap3A_37 = arith.index_cast %scan3A_28 : i32 to index
      %swap3A_38 = arith.constant 16 : index
      %swap3A_39 = tpu.vector_load %arg8[%swap3A_37, %swap3A_38] {strides = array<i32>} : memref<128x128xf32, #tpu.memory_space<vmem>>, vector<1x16xf32>,
      %swap3A_40 = vector.shape_cast %swap3A_39 : vector<1x16xf32> to vector<16xf32>
      %swap3A_41 = vector.shape_cast %broadcast_in_dim3A_36 : vector<16xf32> to vector<1x16xf32>
      tpu.vector_store %arg8[%swap3A_37, %swap3A_38], %swap3A_41 {strides = array<i32>} : memref<128x128xf32, #tpu.memory_space<vmem>>, vector<1x16xf32>,
      %broadcast_in_dim3A_42 = arith.constant 0.000000e+00 : f32
      %broadcast_in_dim3A_43 = vector.broadcast %broadcast_in_dim3A_42 : f32 to vector<16xf32>
      %swap3A_44 = arith.index_cast %scan3A_28 : i32 to index
      %swap3A_45 = arith.constant 32 : index
      %swap3A_46 = tpu.vector_load %arg8[%swap3A_44, %swap3A_45] {strides = array<i32>} : memref<128x128xf32, #tpu.memory_space<vmem>>, vector<1x16xf32>,
      %swap3A_47 = vector.shape_cast %swap3A_46 : vector<1x16xf32> to vector<16xf32>
      %swap3A_48 = vector.shape_cast %broadcast_in_dim3A_43 : vector<16xf32> to vector<1x16xf32>
      tpu.vector_store %arg8[%swap3A_44, %swap3A_45], %swap3A_48 {strides = array<i32>} : memref<128x128xf32, #tpu.memory_space<vmem>>, vector<1x16xf32>,
      %broadcast_in_dim3A_49 = arith.constant 0.000000e+00 : f32
      %broadcast_in_dim3A_50 = vector.broadcast %broadcast_in_dim3A_49 : f32 to vector<16xf32>
      %swap3A_51 = arith.index_cast %scan3A_28 : i32 to index
      %swap3A_52 = arith.constant 48 : index
      %swap3A_53 = tpu.vector_load %arg8[%swap3A_51, %swap3A_52] {strides = array<i32>} : memref<128x128xf32, #tpu.memory_space<vmem>>, vector<1x16xf32>,
      %swap3A_54 = vector.shape_cast %swap3A_53 : vector<1x16xf32> to vector<16xf32>
      %swap3A_55 = vector.shape_cast %broadcast_in_dim3A_50 : vector<16xf32> to vector<1x16xf32>
      tpu.vector_store %arg8[%swap3A_51, %swap3A_52], %swap3A_55 {strides = array<i32>} : memref<128x128xf32, #tpu.memory_space<vmem>>, vector<1x16xf32>,
      %broadcast_in_dim3A_56 = arith.constant 0.000000e+00 : f32
      %broadcast_in_dim3A_57 = vector.broadcast %broadcast_in_dim3A_56 : f32 to vector<16xf32>
      %swap3A_58 = arith.index_cast %scan3A_28 : i32 to index
      %swap3A_59 = arith.constant 64 : index
      %swap3A_60 = tpu.vector_load %arg8[%swap3A_58, %swap3A_59] {strides = array<i32>} : memref<128x128xf32, #tpu.memory_space<vmem>>, vector<1x16xf32>,
      %swap3A_61 = vector.shape_cast %swap3A_60 : vector<1x16xf32> to vector<16xf32>
      %swap3A_62 = vector.shape_cast %broadcast_in_dim3A_57 : vector<16xf32> to vector<1x16xf32>
      tpu.vector_store %arg8[%swap3A_58, %swap3A_59], %swap3A_62 {strides = array<i32>} : memref<128x128xf32, #tpu.memory_space<vmem>>, vector<1x16xf32>,
      %broadcast_in_dim3A_63 = arith.constant 0.000000e+00 : f32
      %broadcast_in_dim3A_64 = vector.broadcast %broadcast_in_dim3A_63 : f32 to vector<16xf32>
      %swap3A_65 = arith.index_cast %scan3A_28 : i32 to index
      %swap3A_66 = arith.constant 80 : index
      %swap3A_67 = tpu.vector_load %arg8[%swap3A_65, %swap3A_66] {strides = array<i32>} : memref<128x128xf32, #tpu.memory_space<vmem>>, vector<1x16xf32>,
      %swap3A_68 = vector.shape_cast %swap3A_67 : vector<1x16xf32> to vector<16xf32>
      %swap3A_69 = vector.shape_cast %broadcast_in_dim3A_64 : vector<16xf32> to vector<1x16xf32>
      tpu.vector_store %arg8[%swap3A_65, %swap3A_66], %swap3A_69 {strides = array<i32>} : memref<128x128xf32, #tpu.memory_space<vmem>>, vector<1x16xf32>,
      %broadcast_in_dim3A_70 = arith.constant 0.000000e+00 : f32
      %broadcast_in_dim3A_71 = vector.broadcast %broadcast_in_dim3A_70 : f32 to vector<16xf32>
      %swap3A_72 = arith.index_cast %scan3A_28 : i32 to index
      %swap3A_73 = arith.constant 96 : index
      %swap3A_74 = tpu.vector_load %arg8[%swap3A_72, %swap3A_73] {strides = array<i32>} : memref<128x128xf32, #tpu.memory_space<vmem>>, vector<1x16xf32>,
      %swap3A_75 = vector.shape_cast %swap3A_74 : vector<1x16xf32> to vector<16xf32>
      %swap3A_76 = vector.shape_cast %broadcast_in_dim3A_71 : vector<16xf32> to vector<1x16xf32>
      tpu.vector_store %arg8[%swap3A_72, %swap3A_73], %swap3A_76 {strides = array<i32>} : memref<128x128xf32, #tpu.memory_space<vmem>>, vector<1x16xf32>,
      %broadcast_in_dim3A_77 = arith.constant 0.000000e+00 : f32
      %broadcast_in_dim3A_78 = vector.broadcast %broadcast_in_dim3A_77 : f32 to vector<16xf32>
      %swap3A_79 = arith.index_cast %scan3A_28 : i32 to index
      %swap3A_80 = arith.constant 112 : index
      %swap3A_81 = tpu.vector_load %arg8[%swap3A_79, %swap3A_80] {strides = array<i32>} : memref<128x128xf32, #tpu.memory_space<vmem>>, vector<1x16xf32>,
      %swap3A_82 = vector.shape_cast %swap3A_81 : vector<1x16xf32> to vector<16xf32>
      %swap3A_83 = vector.shape_cast %broadcast_in_dim3A_78 : vector<16xf32> to vector<1x16xf32>
      tpu.vector_store %arg8[%swap3A_79, %swap3A_80], %swap3A_83 {strides = array<i32>} : memref<128x128xf32, #tpu.memory_space<vmem>>, vector<1x16xf32>,
      %scan3A_84 = arith.constant 0 : i32
      scf.yield %scan3A_84 : i32
    }
    %scan3A_5 = arith.constant 128 : i32
    %mul3A = arith.constant 632 : i32
    %mul3A_6 = arith.muli %arg1, %mul3A : i32
    %add3A = arith.constant 0 : i32
    %add3A_7 = arith.addi %mul3A_6, %add3A : i32
    "tpu.region"() ({
      %run_scoped3A = tpu.sem_alloc : memref<!tpu.dma_semaphore, #tpu.memory_space<semaphore_mem>>
      %dma_start3A = arith.constant 0 : i32
      %dma_start3A_28 = tpu.memref_slice %arg10[%add3A_7, %dma_start3A] : memref<10112x128xf32, #tpu.memory_space<vmem_shared>> -> memref<128x128xf32, #tpu.memory_space<vmem_shared>>
      %dma_start3A_29 = arith.constant 0 : i32
      %dma_start3A_30 = tpu.memref_slice %arg10[%add3A_7, %dma_start3A_29] : memref<10112x128xf32, #tpu.memory_space<vmem_shared>> -> memref<128x128xf32, #tpu.memory_space<vmem_shared>>
      tpu.enqueue_dma source(%arg8 : memref<128x128xf32, #tpu.memory_space<vmem>>) target(%dma_start3A_30 : memref<128x128xf32, #tpu.memory_space<vmem_shared>>) target_semaphore(%run_scoped3A : memref<!tpu.dma_semaphore, #tpu.memory_space<semaphore_mem>>)
      %dma_wait3A = arith.constant 0 : i32
      %dma_wait3A_31 = tpu.memref_slice %arg10[%add3A_7, %dma_wait3A] : memref<10112x128xf32, #tpu.memory_space<vmem_shared>> -> memref<128x128xf32, #tpu.memory_space<vmem_shared>>
      %dma_wait3A_32 = arith.constant 0 : i32
      %dma_wait3A_33 = tpu.memref_slice %arg10[%add3A_7, %dma_wait3A_32] : memref<10112x128xf32, #tpu.memory_space<vmem_shared>> -> memref<128x128xf32, #tpu.memory_space<vmem_shared>>
      tpu.wait_dma2 semaphore(%run_scoped3A : memref<!tpu.dma_semaphore, #tpu.memory_space<semaphore_mem>>) src(%arg8 : memref<128x128xf32, #tpu.memory_space<vmem>>) dst(%dma_wait3A_33 : memref<128x128xf32, #tpu.memory_space<vmem_shared>>)
      tpu.yield
    }) : () -> ()
    %add3A_8 = arith.constant 128 : i32
    %add3A_9 = arith.addi %mul3A_6, %add3A_8 : i32
    "tpu.region"() ({
      %run_scoped3A = tpu.sem_alloc : memref<!tpu.dma_semaphore, #tpu.memory_space<semaphore_mem>>
      %dma_start3A = arith.constant 0 : i32
      %dma_start3A_28 = tpu.memref_slice %arg10[%add3A_9, %dma_start3A] : memref<10112x128xf32, #tpu.memory_space<vmem_shared>> -> memref<128x128xf32, #tpu.memory_space<vmem_shared>>
      %dma_start3A_29 = arith.constant 0 : i32
      %dma_start3A_30 = tpu.memref_slice %arg10[%add3A_9, %dma_start3A_29] : memref<10112x128xf32, #tpu.memory_space<vmem_shared>> -> memref<128x128xf32, #tpu.memory_space<vmem_shared>>
      tpu.enqueue_dma source(%arg8 : memref<128x128xf32, #tpu.memory_space<vmem>>) target(%dma_start3A_30 : memref<128x128xf32, #tpu.memory_space<vmem_shared>>) target_semaphore(%run_scoped3A : memref<!tpu.dma_semaphore, #tpu.memory_space<semaphore_mem>>)
      %dma_wait3A = arith.constant 0 : i32
      %dma_wait3A_31 = tpu.memref_slice %arg10[%add3A_9, %dma_wait3A] : memref<10112x128xf32, #tpu.memory_space<vmem_shared>> -> memref<128x128xf32, #tpu.memory_space<vmem_shared>>
      %dma_wait3A_32 = arith.constant 0 : i32
      %dma_wait3A_33 = tpu.memref_slice %arg10[%add3A_9, %dma_wait3A_32] : memref<10112x128xf32, #tpu.memory_space<vmem_shared>> -> memref<128x128xf32, #tpu.memory_space<vmem_shared>>
      tpu.wait_dma2 semaphore(%run_scoped3A : memref<!tpu.dma_semaphore, #tpu.memory_space<semaphore_mem>>) src(%arg8 : memref<128x128xf32, #tpu.memory_space<vmem>>) dst(%dma_wait3A_33 : memref<128x128xf32, #tpu.memory_space<vmem_shared>>)
      tpu.yield
    }) : () -> ()
    %add3A_10 = arith.constant 256 : i32
    %add3A_11 = arith.addi %mul3A_6, %add3A_10 : i32
    "tpu.region"() ({
      %run_scoped3A = tpu.sem_alloc : memref<!tpu.dma_semaphore, #tpu.memory_space<semaphore_mem>>
      %dma_start3A = arith.constant 0 : i32
      %dma_start3A_28 = tpu.memref_slice %arg10[%add3A_11, %dma_start3A] : memref<10112x128xf32, #tpu.memory_space<vmem_shared>> -> memref<128x128xf32, #tpu.memory_space<vmem_shared>>
      %dma_start3A_29 = arith.constant 0 : i32
      %dma_start3A_30 = tpu.memref_slice %arg10[%add3A_11, %dma_start3A_29] : memref<10112x128xf32, #tpu.memory_space<vmem_shared>> -> memref<128x128xf32, #tpu.memory_space<vmem_shared>>
      tpu.enqueue_dma source(%arg8 : memref<128x128xf32, #tpu.memory_space<vmem>>) target(%dma_start3A_30 : memref<128x128xf32, #tpu.memory_space<vmem_shared>>) target_semaphore(%run_scoped3A : memref<!tpu.dma_semaphore, #tpu.memory_space<semaphore_mem>>)
      %dma_wait3A = arith.constant 0 : i32
      %dma_wait3A_31 = tpu.memref_slice %arg10[%add3A_11, %dma_wait3A] : memref<10112x128xf32, #tpu.memory_space<vmem_shared>> -> memref<128x128xf32, #tpu.memory_space<vmem_shared>>
      %dma_wait3A_32 = arith.constant 0 : i32
      %dma_wait3A_33 = tpu.memref_slice %arg10[%add3A_11, %dma_wait3A_32] : memref<10112x128xf32, #tpu.memory_space<vmem_shared>> -> memref<128x128xf32, #tpu.memory_space<vmem_shared>>
      tpu.wait_dma2 semaphore(%run_scoped3A : memref<!tpu.dma_semaphore, #tpu.memory_space<semaphore_mem>>) src(%arg8 : memref<128x128xf32, #tpu.memory_space<vmem>>) dst(%dma_wait3A_33 : memref<128x128xf32, #tpu.memory_space<vmem_shared>>)
      tpu.yield
    }) : () -> ()
    %add3A_12 = arith.constant 384 : i32
    %add3A_13 = arith.addi %mul3A_6, %add3A_12 : i32
    "tpu.region"() ({
      %run_scoped3A = tpu.sem_alloc : memref<!tpu.dma_semaphore, #tpu.memory_space<semaphore_mem>>
      %dma_start3A = arith.constant 0 : i32
      %dma_start3A_28 = tpu.memref_slice %arg10[%add3A_13, %dma_start3A] : memref<10112x128xf32, #tpu.memory_space<vmem_shared>> -> memref<128x128xf32, #tpu.memory_space<vmem_shared>>
      %dma_start3A_29 = arith.constant 0 : i32
      %dma_start3A_30 = tpu.memref_slice %arg10[%add3A_13, %dma_start3A_29] : memref<10112x128xf32, #tpu.memory_space<vmem_shared>> -> memref<128x128xf32, #tpu.memory_space<vmem_shared>>
      tpu.enqueue_dma source(%arg8 : memref<128x128xf32, #tpu.memory_space<vmem>>) target(%dma_start3A_30 : memref<128x128xf32, #tpu.memory_space<vmem_shared>>) target_semaphore(%run_scoped3A : memref<!tpu.dma_semaphore, #tpu.memory_space<semaphore_mem>>)
      %dma_wait3A = arith.constant 0 : i32
      %dma_wait3A_31 = tpu.memref_slice %arg10[%add3A_13, %dma_wait3A] : memref<10112x128xf32, #tpu.memory_space<vmem_shared>> -> memref<128x128xf32, #tpu.memory_space<vmem_shared>>
      %dma_wait3A_32 = arith.constant 0 : i32
      %dma_wait3A_33 = tpu.memref_slice %arg10[%add3A_13, %dma_wait3A_32] : memref<10112x128xf32, #tpu.memory_space<vmem_shared>> -> memref<128x128xf32, #tpu.memory_space<vmem_shared>>
      tpu.wait_dma2 semaphore(%run_scoped3A : memref<!tpu.dma_semaphore, #tpu.memory_space<semaphore_mem>>) src(%arg8 : memref<128x128xf32, #tpu.memory_space<vmem>>) dst(%dma_wait3A_33 : memref<128x128xf32, #tpu.memory_space<vmem_shared>>)
      tpu.yield
    }) : () -> ()
    %add3A_14 = arith.constant 512 : i32
    %add3A_15 = arith.addi %mul3A_6, %add3A_14 : i32
    "tpu.region"() ({
      %run_scoped3A = tpu.sem_alloc : memref<!tpu.dma_semaphore, #tpu.memory_space<semaphore_mem>>
      %dma_start3A = arith.constant 0 : i32
      %dma_start3A_28 = arith.constant 0 : i32
      %dma_start3A_29 = tpu.memref_slice %arg8[%dma_start3A, %dma_start3A_28] : memref<128x128xf32, #tpu.memory_space<vmem>> -> memref<120x128xf32, #tpu.memory_space<vmem>>
      %dma_start3A_30 = arith.constant 0 : i32
      %dma_start3A_31 = tpu.memref_slice %arg10[%add3A_15, %dma_start3A_30] : memref<10112x128xf32, #tpu.memory_space<vmem_shared>> -> memref<120x128xf32, #tpu.memory_space<vmem_shared>>
      %dma_start3A_32 = arith.constant 0 : i32
      %dma_start3A_33 = tpu.memref_slice %arg10[%add3A_15, %dma_start3A_32] : memref<10112x128xf32, #tpu.memory_space<vmem_shared>> -> memref<120x128xf32, #tpu.memory_space<vmem_shared>>
      %dma_start3A_34 = arith.constant 0 : i32
      %dma_start3A_35 = arith.constant 0 : i32
      %dma_start3A_36 = tpu.memref_slice %arg8[%dma_start3A_34, %dma_start3A_35] : memref<128x128xf32, #tpu.memory_space<vmem>> -> memref<120x128xf32, #tpu.memory_space<vmem>>
      tpu.enqueue_dma source(%dma_start3A_36 : memref<120x128xf32, #tpu.memory_space<vmem>>) target(%dma_start3A_33 : memref<120x128xf32, #tpu.memory_space<vmem_shared>>) target_semaphore(%run_scoped3A : memref<!tpu.dma_semaphore, #tpu.memory_space<semaphore_mem>>)
      %dma_wait3A = arith.constant 0 : i32
      %dma_wait3A_37 = arith.constant 0 : i32
      %dma_wait3A_38 = tpu.memref_slice %arg8[%dma_wait3A, %dma_wait3A_37] : memref<128x128xf32, #tpu.memory_space<vmem>> -> memref<120x128xf32, #tpu.memory_space<vmem>>
      %dma_wait3A_39 = arith.constant 0 : i32
      %dma_wait3A_40 = tpu.memref_slice %arg10[%add3A_15, %dma_wait3A_39] : memref<10112x128xf32, #tpu.memory_space<vmem_shared>> -> memref<120x128xf32, #tpu.memory_space<vmem_shared>>
      %dma_wait3A_41 = arith.constant 0 : i32
      %dma_wait3A_42 = tpu.memref_slice %arg10[%add3A_15, %dma_wait3A_41] : memref<10112x128xf32, #tpu.memory_space<vmem_shared>> -> memref<120x128xf32, #tpu.memory_space<vmem_shared>>
      %dma_wait3A_43 = arith.constant 0 : i32
      %dma_wait3A_44 = arith.constant 0 : i32
      %dma_wait3A_45 = tpu.memref_slice %arg8[%dma_wait3A_43, %dma_wait3A_44] : memref<128x128xf32, #tpu.memory_space<vmem>> -> memref<120x128xf32, #tpu.memory_space<vmem>>
      tpu.wait_dma2 semaphore(%run_scoped3A : memref<!tpu.dma_semaphore, #tpu.memory_space<semaphore_mem>>) src(%dma_wait3A_45 : memref<120x128xf32, #tpu.memory_space<vmem>>) dst(%dma_wait3A_42 : memref<120x128xf32, #tpu.memory_space<vmem_shared>>)
      tpu.yield
    }) : () -> ()
    %barrier3A = arith.constant 0 : index
    tpu.barrier barrier_id(%barrier3A)
    %eq3A = arith.constant 0 : i32
    %eq3A_16 = arith.cmpi eq, %arg0, %eq3A : i32
    %convert_element_type3A = arith.extui %eq3A_16 : i1 to i32
    %cond3A = arith.constant 0 : i32
    %cond3A_17 = arith.cmpi ne, %convert_element_type3A, %cond3A : i32
    scf.if %cond3A_17 {
      %mul3A_28 = arith.constant 120 : i32
      %mul3A_29 = arith.muli %arg1, %mul3A_28 : i32
      "tpu.region"() ({
        %run_scoped3A = tpu.sem_alloc : memref<!tpu.dma_semaphore, #tpu.memory_space<semaphore_mem>>
        %dma_start3A = arith.constant 0 : i32
        %dma_start3A_37 = arith.constant 0 : i32
        %dma_start3A_38 = tpu.memref_slice %arg6[%dma_start3A, %dma_start3A_37] : memref<120x128xi32, #tpu.memory_space<vmem>> -> memref<120x128xi32, #tpu.memory_space<vmem>>
        %dma_start3A_39 = arith.constant 0 : i32
        %dma_start3A_40 = tpu.memref_slice %arg3[%mul3A_29, %dma_start3A_39] : memref<2680x128xi32, #tpu.memory_space<hbm>> -> memref<120x128xi32, #tpu.memory_space<hbm>>
        %dma_start3A_41 = arith.constant 0 : i32
        %dma_start3A_42 = arith.constant 0 : i32
        %dma_start3A_43 = tpu.memref_slice %arg6[%dma_start3A_41, %dma_start3A_42] : memref<120x128xi32, #tpu.memory_space<vmem>> -> memref<120x128xi32, #tpu.memory_space<vmem>>
        %dma_start3A_44 = arith.constant 0 : i32
        %dma_start3A_45 = tpu.memref_slice %arg3[%mul3A_29, %dma_start3A_44] : memref<2680x128xi32, #tpu.memory_space<hbm>> -> memref<120x128xi32, #tpu.memory_space<hbm>>
        tpu.enqueue_dma source(%dma_start3A_45 : memref<120x128xi32, #tpu.memory_space<hbm>>) target(%dma_start3A_43 : memref<120x128xi32, #tpu.memory_space<vmem>>) target_semaphore(%run_scoped3A : memref<!tpu.dma_semaphore, #tpu.memory_space<semaphore_mem>>)
        %dma_wait3A = arith.constant 0 : i32
        %dma_wait3A_46 = arith.constant 0 : i32
        %dma_wait3A_47 = tpu.memref_slice %arg6[%dma_wait3A, %dma_wait3A_46] : memref<120x128xi32, #tpu.memory_space<vmem>> -> memref<120x128xi32, #tpu.memory_space<vmem>>
        %dma_wait3A_48 = arith.constant 0 : i32
        %dma_wait3A_49 = tpu.memref_slice %arg3[%mul3A_29, %dma_wait3A_48] : memref<2680x128xi32, #tpu.memory_space<hbm>> -> memref<120x128xi32, #tpu.memory_space<hbm>>
        %dma_wait3A_50 = arith.constant 0 : i32
        %dma_wait3A_51 = arith.constant 0 : i32
        %dma_wait3A_52 = tpu.memref_slice %arg6[%dma_wait3A_50, %dma_wait3A_51] : memref<120x128xi32, #tpu.memory_space<vmem>> -> memref<120x128xi32, #tpu.memory_space<vmem>>
        %dma_wait3A_53 = arith.constant 0 : i32
        %dma_wait3A_54 = tpu.memref_slice %arg3[%mul3A_29, %dma_wait3A_53] : memref<2680x128xi32, #tpu.memory_space<hbm>> -> memref<120x128xi32, #tpu.memory_space<hbm>>
        tpu.wait_dma2 semaphore(%run_scoped3A : memref<!tpu.dma_semaphore, #tpu.memory_space<semaphore_mem>>) src(%dma_wait3A_54 : memref<120x128xi32, #tpu.memory_space<hbm>>) dst(%dma_wait3A_52 : memref<120x128xi32, #tpu.memory_space<vmem>>)
        tpu.yield
      }) : () -> ()
      "tpu.region"() ({
        %run_scoped3A = tpu.sem_alloc : memref<!tpu.dma_semaphore, #tpu.memory_space<semaphore_mem>>
        %dma_start3A = arith.constant 0 : i32
        %dma_start3A_37 = arith.constant 0 : i32
        %dma_start3A_38 = tpu.memref_slice %arg7[%dma_start3A, %dma_start3A_37] : memref<120x128xi32, #tpu.memory_space<vmem>> -> memref<120x128xi32, #tpu.memory_space<vmem>>
        %dma_start3A_39 = arith.constant 0 : i32
        %dma_start3A_40 = tpu.memref_slice %arg4[%mul3A_29, %dma_start3A_39] : memref<2680x128xi32, #tpu.memory_space<hbm>> -> memref<120x128xi32, #tpu.memory_space<hbm>>
        %dma_start3A_41 = arith.constant 0 : i32
        %dma_start3A_42 = arith.constant 0 : i32
        %dma_start3A_43 = tpu.memref_slice %arg7[%dma_start3A_41, %dma_start3A_42] : memref<120x128xi32, #tpu.memory_space<vmem>> -> memref<120x128xi32, #tpu.memory_space<vmem>>
        %dma_start3A_44 = arith.constant 0 : i32
        %dma_start3A_45 = tpu.memref_slice %arg4[%mul3A_29, %dma_start3A_44] : memref<2680x128xi32, #tpu.memory_space<hbm>> -> memref<120x128xi32, #tpu.memory_space<hbm>>
        tpu.enqueue_dma source(%dma_start3A_45 : memref<120x128xi32, #tpu.memory_space<hbm>>) target(%dma_start3A_43 : memref<120x128xi32, #tpu.memory_space<vmem>>) target_semaphore(%run_scoped3A : memref<!tpu.dma_semaphore, #tpu.memory_space<semaphore_mem>>)
        %dma_wait3A = arith.constant 0 : i32
        %dma_wait3A_46 = arith.constant 0 : i32
        %dma_wait3A_47 = tpu.memref_slice %arg7[%dma_wait3A, %dma_wait3A_46] : memref<120x128xi32, #tpu.memory_space<vmem>> -> memref<120x128xi32, #tpu.memory_space<vmem>>
        %dma_wait3A_48 = arith.constant 0 : i32
        %dma_wait3A_49 = tpu.memref_slice %arg4[%mul3A_29, %dma_wait3A_48] : memref<2680x128xi32, #tpu.memory_space<hbm>> -> memref<120x128xi32, #tpu.memory_space<hbm>>
        %dma_wait3A_50 = arith.constant 0 : i32
        %dma_wait3A_51 = arith.constant 0 : i32
        %dma_wait3A_52 = tpu.memref_slice %arg7[%dma_wait3A_50, %dma_wait3A_51] : memref<120x128xi32, #tpu.memory_space<vmem>> -> memref<120x128xi32, #tpu.memory_space<vmem>>
        %dma_wait3A_53 = arith.constant 0 : i32
        %dma_wait3A_54 = tpu.memref_slice %arg4[%mul3A_29, %dma_wait3A_53] : memref<2680x128xi32, #tpu.memory_space<hbm>> -> memref<120x128xi32, #tpu.memory_space<hbm>>
        tpu.wait_dma2 semaphore(%run_scoped3A : memref<!tpu.dma_semaphore, #tpu.memory_space<semaphore_mem>>) src(%dma_wait3A_54 : memref<120x128xi32, #tpu.memory_space<hbm>>) dst(%dma_wait3A_52 : memref<120x128xi32, #tpu.memory_space<vmem>>)
        tpu.yield
      }) : () -> ()
      %scan3A_30 = arith.constant 0 : i32
      %scan3A_31 = arith.constant 0 : i32
      %scan3A_32 = arith.constant 120 : i32
      %scan3A_33 = arith.addi %scan3A_31, %scan3A_32 : i32
      %scan3A_34 = arith.constant 1 : i32
      %scan3A_35 = scf.for %scan3A_37 = %scan3A_31 to %scan3A_33 step %scan3A_34 iter_args(%scan3A_38 = %scan3A_30) -> (i32)  : i32 {
        %dma_start3A = arith.constant 0 : i32
        %dma_start3A_39 = tpu.memref_slice %arg6[%scan3A_37, %dma_start3A] : memref<120x128xi32, #tpu.memory_space<vmem>> -> memref<1x128xi32, #tpu.memory_space<vmem>>
        %dma_start3A_40 = tpu.memref_squeeze %dma_start3A_39 : memref<1x128xi32, #tpu.memory_space<vmem>> -> memref<128xi32, #tpu.memory_space<vmem>>
        %dma_start3A_41 = arith.constant 0 : i32
        %dma_start3A_42 = arith.constant 0 : i32
        %dma_start3A_43 = tpu.memref_slice %arg2[%dma_start3A_41, %dma_start3A_42] : memref<10112x128xf32, #tpu.memory_space<hbm>> -> memref<10112x128xf32, #tpu.memory_space<hbm>>
        tpu.enqueue_indirect_dma source(%dma_start3A_43 : memref<10112x128xf32, #tpu.memory_space<hbm>>) target(%arg8 : memref<128x128xf32, #tpu.memory_space<vmem>>) offsets(%dma_start3A_40 : memref<128xi32, #tpu.memory_space<vmem>>) semaphore(%arg9 : memref<!tpu.dma_semaphore, #tpu.memory_space<semaphore_mem>>)
        %dma_wait3A = arith.constant 0 : i32
        %dma_wait3A_44 = tpu.memref_slice %arg6[%scan3A_37, %dma_wait3A] : memref<120x128xi32, #tpu.memory_space<vmem>> -> memref<1x128xi32, #tpu.memory_space<vmem>>
        %dma_wait3A_45 = tpu.memref_squeeze %dma_wait3A_44 : memref<1x128xi32, #tpu.memory_space<vmem>> -> memref<128xi32, #tpu.memory_space<vmem>>
        %dma_wait3A_46 = arith.constant 0 : i32
        %dma_wait3A_47 = arith.constant 0 : i32
        %dma_wait3A_48 = tpu.memref_slice %arg2[%dma_wait3A_46, %dma_wait3A_47] : memref<10112x128xf32, #tpu.memory_space<hbm>> -> memref<10112x128xf32, #tpu.memory_space<hbm>>
        tpu.wait_indirect_dma semaphore(%arg9 : memref<!tpu.dma_semaphore, #tpu.memory_space<semaphore_mem>>) src(%dma_wait3A_48 : memref<10112x128xf32, #tpu.memory_space<hbm>>) dst(%arg8 : memref<128x128xf32, #tpu.memory_space<vmem>>)
        "tpu.region"() ({
          %run_scoped3A = tpu.sem_alloc : memref<!tpu.dma_semaphore, #tpu.memory_space<semaphore_mem>>
          %dma_start3A_50 = arith.constant 0 : i32
          %dma_start3A_51 = tpu.memref_slice %arg7[%scan3A_37, %dma_start3A_50] : memref<120x128xi32, #tpu.memory_space<vmem>> -> memref<1x128xi32, #tpu.memory_space<vmem>>
          %dma_start3A_52 = tpu.memref_squeeze %dma_start3A_51 : memref<1x128xi32, #tpu.memory_space<vmem>> -> memref<128xi32, #tpu.memory_space<vmem>>
          %dma_start3A_53 = arith.constant 0 : i32
          %dma_start3A_54 = arith.constant 0 : i32
          %dma_start3A_55 = tpu.memref_slice %arg10[%dma_start3A_53, %dma_start3A_54] : memref<10112x128xf32, #tpu.memory_space<vmem_shared>> -> memref<10112x128xf32, #tpu.memory_space<vmem_shared>>
          tpu.enqueue_indirect_dma source(%arg8 : memref<128x128xf32, #tpu.memory_space<vmem>>) target(%dma_start3A_55 : memref<10112x128xf32, #tpu.memory_space<vmem_shared>>) offsets(%dma_start3A_52 : memref<128xi32, #tpu.memory_space<vmem>>) semaphore(%run_scoped3A : memref<!tpu.dma_semaphore, #tpu.memory_space<semaphore_mem>>) {add = true}
          %dma_wait3A_56 = arith.constant 0 : i32
          %dma_wait3A_57 = tpu.memref_slice %arg7[%scan3A_37, %dma_wait3A_56] : memref<120x128xi32, #tpu.memory_space<vmem>> -> memref<1x128xi32, #tpu.memory_space<vmem>>
          %dma_wait3A_58 = tpu.memref_squeeze %dma_wait3A_57 : memref<1x128xi32, #tpu.memory_space<vmem>> -> memref<128xi32, #tpu.memory_space<vmem>>
          %dma_wait3A_59 = arith.constant 0 : i32
          %dma_wait3A_60 = arith.constant 0 : i32
          %dma_wait3A_61 = tpu.memref_slice %arg10[%dma_wait3A_59, %dma_wait3A_60] : memref<10112x128xf32, #tpu.memory_space<vmem_shared>> -> memref<10112x128xf32, #tpu.memory_space<vmem_shared>>
          tpu.wait_indirect_dma semaphore(%run_scoped3A : memref<!tpu.dma_semaphore, #tpu.memory_space<semaphore_mem>>) src(%arg8 : memref<128x128xf32, #tpu.memory_space<vmem>>) dst(%dma_wait3A_61 : memref<10112x128xf32, #tpu.memory_space<vmem_shared>>)
          tpu.yield
        }) : () -> ()
        %scan3A_49 = arith.constant 0 : i32
        scf.yield %scan3A_49 : i32
      }
      %scan3A_36 = arith.constant 120 : i32
    } else {
    }
    %eq3A_18 = arith.constant 1 : i32
    %eq3A_19 = arith.cmpi eq, %arg0, %eq3A_18 : i32
    %convert_element_type3A_20 = arith.extui %eq3A_19 : i1 to i32
    %cond3A_21 = arith.constant 0 : i32
    %cond3A_22 = arith.cmpi ne, %convert_element_type3A_20, %cond3A_21 : i32
    scf.if %cond3A_22 {
      %mul3A_28 = arith.constant 40 : i32
      %mul3A_29 = arith.muli %arg1, %mul3A_28 : i32
      %add3A_30 = arith.constant 1920 : i32
      %add3A_31 = arith.addi %add3A_30, %mul3A_29 : i32
      "tpu.region"() ({
        %run_scoped3A = tpu.sem_alloc : memref<!tpu.dma_semaphore, #tpu.memory_space<semaphore_mem>>
        %dma_start3A = arith.constant 0 : i32
        %dma_start3A_39 = arith.constant 0 : i32
        %dma_start3A_40 = tpu.memref_slice %arg6[%dma_start3A, %dma_start3A_39] : memref<120x128xi32, #tpu.memory_space<vmem>> -> memref<40x128xi32, #tpu.memory_space<vmem>>
        %dma_start3A_41 = arith.constant 0 : i32
        %dma_start3A_42 = tpu.memref_slice %arg3[%add3A_31, %dma_start3A_41] : memref<2680x128xi32, #tpu.memory_space<hbm>> -> memref<40x128xi32, #tpu.memory_space<hbm>>
        %dma_start3A_43 = arith.constant 0 : i32
        %dma_start3A_44 = arith.constant 0 : i32
        %dma_start3A_45 = tpu.memref_slice %arg6[%dma_start3A_43, %dma_start3A_44] : memref<120x128xi32, #tpu.memory_space<vmem>> -> memref<40x128xi32, #tpu.memory_space<vmem>>
        %dma_start3A_46 = arith.constant 0 : i32
        %dma_start3A_47 = tpu.memref_slice %arg3[%add3A_31, %dma_start3A_46] : memref<2680x128xi32, #tpu.memory_space<hbm>> -> memref<40x128xi32, #tpu.memory_space<hbm>>
        tpu.enqueue_dma source(%dma_start3A_47 : memref<40x128xi32, #tpu.memory_space<hbm>>) target(%dma_start3A_45 : memref<40x128xi32, #tpu.memory_space<vmem>>) target_semaphore(%run_scoped3A : memref<!tpu.dma_semaphore, #tpu.memory_space<semaphore_mem>>)
        %dma_wait3A = arith.constant 0 : i32
        %dma_wait3A_48 = arith.constant 0 : i32
        %dma_wait3A_49 = tpu.memref_slice %arg6[%dma_wait3A, %dma_wait3A_48] : memref<120x128xi32, #tpu.memory_space<vmem>> -> memref<40x128xi32, #tpu.memory_space<vmem>>
        %dma_wait3A_50 = arith.constant 0 : i32
        %dma_wait3A_51 = tpu.memref_slice %arg3[%add3A_31, %dma_wait3A_50] : memref<2680x128xi32, #tpu.memory_space<hbm>> -> memref<40x128xi32, #tpu.memory_space<hbm>>
        %dma_wait3A_52 = arith.constant 0 : i32
        %dma_wait3A_53 = arith.constant 0 : i32
        %dma_wait3A_54 = tpu.memref_slice %arg6[%dma_wait3A_52, %dma_wait3A_53] : memref<120x128xi32, #tpu.memory_space<vmem>> -> memref<40x128xi32, #tpu.memory_space<vmem>>
        %dma_wait3A_55 = arith.constant 0 : i32
        %dma_wait3A_56 = tpu.memref_slice %arg3[%add3A_31, %dma_wait3A_55] : memref<2680x128xi32, #tpu.memory_space<hbm>> -> memref<40x128xi32, #tpu.memory_space<hbm>>
        tpu.wait_dma2 semaphore(%run_scoped3A : memref<!tpu.dma_semaphore, #tpu.memory_space<semaphore_mem>>) src(%dma_wait3A_56 : memref<40x128xi32, #tpu.memory_space<hbm>>) dst(%dma_wait3A_54 : memref<40x128xi32, #tpu.memory_space<vmem>>)
        tpu.yield
      }) : () -> ()
      "tpu.region"() ({
        %run_scoped3A = tpu.sem_alloc : memref<!tpu.dma_semaphore, #tpu.memory_space<semaphore_mem>>
        %dma_start3A = arith.constant 0 : i32
        %dma_start3A_39 = arith.constant 0 : i32
        %dma_start3A_40 = tpu.memref_slice %arg7[%dma_start3A, %dma_start3A_39] : memref<120x128xi32, #tpu.memory_space<vmem>> -> memref<40x128xi32, #tpu.memory_space<vmem>>
        %dma_start3A_41 = arith.constant 0 : i32
        %dma_start3A_42 = tpu.memref_slice %arg4[%add3A_31, %dma_start3A_41] : memref<2680x128xi32, #tpu.memory_space<hbm>> -> memref<40x128xi32, #tpu.memory_space<hbm>>
        %dma_start3A_43 = arith.constant 0 : i32
        %dma_start3A_44 = arith.constant 0 : i32
        %dma_start3A_45 = tpu.memref_slice %arg7[%dma_start3A_43, %dma_start3A_44] : memref<120x128xi32, #tpu.memory_space<vmem>> -> memref<40x128xi32, #tpu.memory_space<vmem>>
        %dma_start3A_46 = arith.constant 0 : i32
        %dma_start3A_47 = tpu.memref_slice %arg4[%add3A_31, %dma_start3A_46] : memref<2680x128xi32, #tpu.memory_space<hbm>> -> memref<40x128xi32, #tpu.memory_space<hbm>>
        tpu.enqueue_dma source(%dma_start3A_47 : memref<40x128xi32, #tpu.memory_space<hbm>>) target(%dma_start3A_45 : memref<40x128xi32, #tpu.memory_space<vmem>>) target_semaphore(%run_scoped3A : memref<!tpu.dma_semaphore, #tpu.memory_space<semaphore_mem>>)
        %dma_wait3A = arith.constant 0 : i32
        %dma_wait3A_48 = arith.constant 0 : i32
        %dma_wait3A_49 = tpu.memref_slice %arg7[%dma_wait3A, %dma_wait3A_48] : memref<120x128xi32, #tpu.memory_space<vmem>> -> memref<40x128xi32, #tpu.memory_space<vmem>>
        %dma_wait3A_50 = arith.constant 0 : i32
        %dma_wait3A_51 = tpu.memref_slice %arg4[%add3A_31, %dma_wait3A_50] : memref<2680x128xi32, #tpu.memory_space<hbm>> -> memref<40x128xi32, #tpu.memory_space<hbm>>
        %dma_wait3A_52 = arith.constant 0 : i32
        %dma_wait3A_53 = arith.constant 0 : i32
        %dma_wait3A_54 = tpu.memref_slice %arg7[%dma_wait3A_52, %dma_wait3A_53] : memref<120x128xi32, #tpu.memory_space<vmem>> -> memref<40x128xi32, #tpu.memory_space<vmem>>
        %dma_wait3A_55 = arith.constant 0 : i32
        %dma_wait3A_56 = tpu.memref_slice %arg4[%add3A_31, %dma_wait3A_55] : memref<2680x128xi32, #tpu.memory_space<hbm>> -> memref<40x128xi32, #tpu.memory_space<hbm>>
        tpu.wait_dma2 semaphore(%run_scoped3A : memref<!tpu.dma_semaphore, #tpu.memory_space<semaphore_mem>>) src(%dma_wait3A_56 : memref<40x128xi32, #tpu.memory_space<hbm>>) dst(%dma_wait3A_54 : memref<40x128xi32, #tpu.memory_space<vmem>>)
        tpu.yield
      }) : () -> ()
      %scan3A_32 = arith.constant 0 : i32
      %scan3A_33 = arith.constant 0 : i32
      %scan3A_34 = arith.constant 40 : i32
      %scan3A_35 = arith.addi %scan3A_33, %scan3A_34 : i32
      %scan3A_36 = arith.constant 1 : i32
      %scan3A_37 = scf.for %scan3A_39 = %scan3A_33 to %scan3A_35 step %scan3A_36 iter_args(%scan3A_40 = %scan3A_32) -> (i32)  : i32 {
        %dma_start3A = arith.constant 0 : i32
        %dma_start3A_41 = tpu.memref_slice %arg6[%scan3A_39, %dma_start3A] : memref<120x128xi32, #tpu.memory_space<vmem>> -> memref<1x128xi32, #tpu.memory_space<vmem>>
        %dma_start3A_42 = tpu.memref_squeeze %dma_start3A_41 : memref<1x128xi32, #tpu.memory_space<vmem>> -> memref<128xi32, #tpu.memory_space<vmem>>
        %dma_start3A_43 = arith.constant 0 : i32
        %dma_start3A_44 = arith.constant 0 : i32
        %dma_start3A_45 = tpu.memref_slice %arg2[%dma_start3A_43, %dma_start3A_44] : memref<10112x128xf32, #tpu.memory_space<hbm>> -> memref<10112x128xf32, #tpu.memory_space<hbm>>
        tpu.enqueue_indirect_dma source(%dma_start3A_45 : memref<10112x128xf32, #tpu.memory_space<hbm>>) target(%arg8 : memref<128x128xf32, #tpu.memory_space<vmem>>) offsets(%dma_start3A_42 : memref<128xi32, #tpu.memory_space<vmem>>) semaphore(%arg9 : memref<!tpu.dma_semaphore, #tpu.memory_space<semaphore_mem>>)
        %dma_wait3A = arith.constant 0 : i32
        %dma_wait3A_46 = tpu.memref_slice %arg6[%scan3A_39, %dma_wait3A] : memref<120x128xi32, #tpu.memory_space<vmem>> -> memref<1x128xi32, #tpu.memory_space<vmem>>
        %dma_wait3A_47 = tpu.memref_squeeze %dma_wait3A_46 : memref<1x128xi32, #tpu.memory_space<vmem>> -> memref<128xi32, #tpu.memory_space<vmem>>
        %dma_wait3A_48 = arith.constant 0 : i32
        %dma_wait3A_49 = arith.constant 0 : i32
        %dma_wait3A_50 = tpu.memref_slice %arg2[%dma_wait3A_48, %dma_wait3A_49] : memref<10112x128xf32, #tpu.memory_space<hbm>> -> memref<10112x128xf32, #tpu.memory_space<hbm>>
        tpu.wait_indirect_dma semaphore(%arg9 : memref<!tpu.dma_semaphore, #tpu.memory_space<semaphore_mem>>) src(%dma_wait3A_50 : memref<10112x128xf32, #tpu.memory_space<hbm>>) dst(%arg8 : memref<128x128xf32, #tpu.memory_space<vmem>>)
        "tpu.region"() ({
          %run_scoped3A = tpu.sem_alloc : memref<!tpu.dma_semaphore, #tpu.memory_space<semaphore_mem>>
          %dma_start3A_52 = arith.constant 0 : i32
          %dma_start3A_53 = tpu.memref_slice %arg7[%scan3A_39, %dma_start3A_52] : memref<120x128xi32, #tpu.memory_space<vmem>> -> memref<1x128xi32, #tpu.memory_space<vmem>>
          %dma_start3A_54 = tpu.memref_squeeze %dma_start3A_53 : memref<1x128xi32, #tpu.memory_space<vmem>> -> memref<128xi32, #tpu.memory_space<vmem>>
          %dma_start3A_55 = arith.constant 0 : i32
          %dma_start3A_56 = arith.constant 0 : i32
          %dma_start3A_57 = tpu.memref_slice %arg10[%dma_start3A_55, %dma_start3A_56] : memref<10112x128xf32, #tpu.memory_space<vmem_shared>> -> memref<10112x128xf32, #tpu.memory_space<vmem_shared>>
          tpu.enqueue_indirect_dma source(%arg8 : memref<128x128xf32, #tpu.memory_space<vmem>>) target(%dma_start3A_57 : memref<10112x128xf32, #tpu.memory_space<vmem_shared>>) offsets(%dma_start3A_54 : memref<128xi32, #tpu.memory_space<vmem>>) semaphore(%run_scoped3A : memref<!tpu.dma_semaphore, #tpu.memory_space<semaphore_mem>>) {add = true}
          %dma_wait3A_58 = arith.constant 0 : i32
          %dma_wait3A_59 = tpu.memref_slice %arg7[%scan3A_39, %dma_wait3A_58] : memref<120x128xi32, #tpu.memory_space<vmem>> -> memref<1x128xi32, #tpu.memory_space<vmem>>
          %dma_wait3A_60 = tpu.memref_squeeze %dma_wait3A_59 : memref<1x128xi32, #tpu.memory_space<vmem>> -> memref<128xi32, #tpu.memory_space<vmem>>
          %dma_wait3A_61 = arith.constant 0 : i32
          %dma_wait3A_62 = arith.constant 0 : i32
          %dma_wait3A_63 = tpu.memref_slice %arg10[%dma_wait3A_61, %dma_wait3A_62] : memref<10112x128xf32, #tpu.memory_space<vmem_shared>> -> memref<10112x128xf32, #tpu.memory_space<vmem_shared>>
          tpu.wait_indirect_dma semaphore(%run_scoped3A : memref<!tpu.dma_semaphore, #tpu.memory_space<semaphore_mem>>) src(%arg8 : memref<128x128xf32, #tpu.memory_space<vmem>>) dst(%dma_wait3A_63 : memref<10112x128xf32, #tpu.memory_space<vmem_shared>>)
          tpu.yield
        }) : () -> ()
        %scan3A_51 = arith.constant 0 : i32
        scf.yield %scan3A_51 : i32
      }
      %scan3A_38 = arith.constant 40 : i32
    } else {
    }
    %barrier3A_23 = arith.constant 0 : index
    tpu.barrier barrier_id(%barrier3A_23)
    %mul3A_24 = arith.constant 632 : i32
    %mul3A_25 = arith.muli %arg1, %mul3A_24 : i32
    %mul3A_26 = arith.constant 632 : i32
    %mul3A_27 = arith.muli %arg1, %mul3A_26 : i32
    "tpu.region"() ({
      %run_scoped3A = tpu.sem_alloc : memref<!tpu.dma_semaphore, #tpu.memory_space<semaphore_mem>>
      %dma_start3A = arith.constant 0 : i32
      %dma_start3A_28 = tpu.memref_slice %arg5[%arg0, %mul3A_27, %dma_start3A] : memref<2x10112x128xf32, #tpu.memory_space<hbm>> -> memref<1x632x128xf32, #tpu.memory_space<hbm>>
      %dma_start3A_29 = tpu.memref_squeeze %dma_start3A_28 : memref<1x632x128xf32, #tpu.memory_space<hbm>> -> memref<632x128xf32, #tpu.memory_space<hbm>>
      %dma_start3A_30 = arith.constant 0 : i32
      %dma_start3A_31 = tpu.memref_slice %arg10[%mul3A_25, %dma_start3A_30] : memref<10112x128xf32, #tpu.memory_space<vmem_shared>> -> memref<632x128xf32, #tpu.memory_space<vmem_shared>>
      tpu.enqueue_dma source(%dma_start3A_31 : memref<632x128xf32, #tpu.memory_space<vmem_shared>>) target(%dma_start3A_29 : memref<632x128xf32, #tpu.memory_space<hbm>>) target_semaphore(%run_scoped3A : memref<!tpu.dma_semaphore, #tpu.memory_space<semaphore_mem>>)
      %dma_wait3A = arith.constant 0 : i32
      %dma_wait3A_32 = tpu.memref_slice %arg5[%arg0, %mul3A_27, %dma_wait3A] : memref<2x10112x128xf32, #tpu.memory_space<hbm>> -> memref<1x632x128xf32, #tpu.memory_space<hbm>>
      %dma_wait3A_33 = tpu.memref_squeeze %dma_wait3A_32 : memref<1x632x128xf32, #tpu.memory_space<hbm>> -> memref<632x128xf32, #tpu.memory_space<hbm>>
      %dma_wait3A_34 = arith.constant 0 : i32
      %dma_wait3A_35 = tpu.memref_slice %arg10[%mul3A_25, %dma_wait3A_34] : memref<10112x128xf32, #tpu.memory_space<vmem_shared>> -> memref<632x128xf32, #tpu.memory_space<vmem_shared>>
      tpu.wait_dma2 semaphore(%run_scoped3A : memref<!tpu.dma_semaphore, #tpu.memory_space<semaphore_mem>>) src(%dma_wait3A_35 : memref<632x128xf32, #tpu.memory_space<vmem_shared>>) dst(%dma_wait3A_33 : memref<632x128xf32, #tpu.memory_space<hbm>>)
      tpu.yield
    }) : () -> ()
    return
  }
}

#map = affine_map<(d0, d1) -> (0, 0)>
#map1 = affine_map<(d0, d1) -> (0, 0, 0)>
module attributes {stable_mosaic.version = 14 : i64} {
  func.func @_sc_gcn_body(%arg0: i32, %arg1: i32, %arg2: memref<10112x128xf32, #tpu.memory_space<hbm>>, %arg3: memref<2680x128xi32, #tpu.memory_space<hbm>>, %arg4: memref<2680x128xi32, #tpu.memory_space<hbm>>, %arg5: memref<2x10112x128xf32, #tpu.memory_space<hbm>>, %arg6: memref<120x128xi32, #tpu.memory_space<vmem>>, %arg7: memref<120x128xi32, #tpu.memory_space<vmem>>, %arg8: memref<128x128xf32, #tpu.memory_space<vmem>>, %arg9: memref<!tpu.dma_semaphore, #tpu.memory_space<semaphore_mem>>, %arg10: memref<10112x128xf32, #tpu.memory_space<vmem_shared>>) attributes {dimension_semantics = [#tpu.dimension_semantics<core_parallel>, #tpu.dimension_semantics<subcore_parallel>], iteration_bounds = array<i64: 2, 16>, scalar_prefetch = 0 : i64, scratch_operands = 5 : i64, tpu.core_type = #tpu.core_type<sc_vector_subcore>, window_params = [{transform_indices = #map}, {transform_indices = #map}, {transform_indices = #map}, {transform_indices = #map1}]} {
    %scan3A = arith.constant 0 : i32
    %scan3A_0 = arith.constant 0 : i32
    %scan3A_1 = arith.constant 128 : i32
    %scan3A_2 = arith.addi %scan3A_0, %scan3A_1 : i32
    %scan3A_3 = arith.constant 1 : i32
    %scan3A_4 = scf.for %scan3A_28 = %scan3A_0 to %scan3A_2 step %scan3A_3 iter_args(%scan3A_29 = %scan3A) -> (i32)  : i32 {
      %broadcast_in_dim3A = arith.constant 0.000000e+00 : f32
      %broadcast_in_dim3A_30 = vector.broadcast %broadcast_in_dim3A : f32 to vector<16xf32>
      %swap3A = arith.index_cast %scan3A_28 : i32 to index
      %swap3A_31 = arith.constant 0 : index
      %swap3A_32 = tpu.vector_load %arg8[%swap3A, %swap3A_31] {strides = array<i32>} : memref<128x128xf32, #tpu.memory_space<vmem>>, vector<1x16xf32>,
      %swap3A_33 = vector.shape_cast %swap3A_32 : vector<1x16xf32> to vector<16xf32>
      %swap3A_34 = vector.shape_cast %broadcast_in_dim3A_30 : vector<16xf32> to vector<1x16xf32>
      tpu.vector_store %arg8[%swap3A, %swap3A_31], %swap3A_34 {strides = array<i32>} : memref<128x128xf32, #tpu.memory_space<vmem>>, vector<1x16xf32>,
      %broadcast_in_dim3A_35 = arith.constant 0.000000e+00 : f32
      %broadcast_in_dim3A_36 = vector.broadcast %broadcast_in_dim3A_35 : f32 to vector<16xf32>
      %swap3A_37 = arith.index_cast %scan3A_28 : i32 to index
      %swap3A_38 = arith.constant 16 : index
      %swap3A_39 = tpu.vector_load %arg8[%swap3A_37, %swap3A_38] {strides = array<i32>} : memref<128x128xf32, #tpu.memory_space<vmem>>, vector<1x16xf32>,
      %swap3A_40 = vector.shape_cast %swap3A_39 : vector<1x16xf32> to vector<16xf32>
      %swap3A_41 = vector.shape_cast %broadcast_in_dim3A_36 : vector<16xf32> to vector<1x16xf32>
      tpu.vector_store %arg8[%swap3A_37, %swap3A_38], %swap3A_41 {strides = array<i32>} : memref<128x128xf32, #tpu.memory_space<vmem>>, vector<1x16xf32>,
      %broadcast_in_dim3A_42 = arith.constant 0.000000e+00 : f32
      %broadcast_in_dim3A_43 = vector.broadcast %broadcast_in_dim3A_42 : f32 to vector<16xf32>
      %swap3A_44 = arith.index_cast %scan3A_28 : i32 to index
      %swap3A_45 = arith.constant 32 : index
      %swap3A_46 = tpu.vector_load %arg8[%swap3A_44, %swap3A_45] {strides = array<i32>} : memref<128x128xf32, #tpu.memory_space<vmem>>, vector<1x16xf32>,
      %swap3A_47 = vector.shape_cast %swap3A_46 : vector<1x16xf32> to vector<16xf32>
      %swap3A_48 = vector.shape_cast %broadcast_in_dim3A_43 : vector<16xf32> to vector<1x16xf32>
      tpu.vector_store %arg8[%swap3A_44, %swap3A_45], %swap3A_48 {strides = array<i32>} : memref<128x128xf32, #tpu.memory_space<vmem>>, vector<1x16xf32>,
      %broadcast_in_dim3A_49 = arith.constant 0.000000e+00 : f32
      %broadcast_in_dim3A_50 = vector.broadcast %broadcast_in_dim3A_49 : f32 to vector<16xf32>
      %swap3A_51 = arith.index_cast %scan3A_28 : i32 to index
      %swap3A_52 = arith.constant 48 : index
      %swap3A_53 = tpu.vector_load %arg8[%swap3A_51, %swap3A_52] {strides = array<i32>} : memref<128x128xf32, #tpu.memory_space<vmem>>, vector<1x16xf32>,
      %swap3A_54 = vector.shape_cast %swap3A_53 : vector<1x16xf32> to vector<16xf32>
      %swap3A_55 = vector.shape_cast %broadcast_in_dim3A_50 : vector<16xf32> to vector<1x16xf32>
      tpu.vector_store %arg8[%swap3A_51, %swap3A_52], %swap3A_55 {strides = array<i32>} : memref<128x128xf32, #tpu.memory_space<vmem>>, vector<1x16xf32>,
      %broadcast_in_dim3A_56 = arith.constant 0.000000e+00 : f32
      %broadcast_in_dim3A_57 = vector.broadcast %broadcast_in_dim3A_56 : f32 to vector<16xf32>
      %swap3A_58 = arith.index_cast %scan3A_28 : i32 to index
      %swap3A_59 = arith.constant 64 : index
      %swap3A_60 = tpu.vector_load %arg8[%swap3A_58, %swap3A_59] {strides = array<i32>} : memref<128x128xf32, #tpu.memory_space<vmem>>, vector<1x16xf32>,
      %swap3A_61 = vector.shape_cast %swap3A_60 : vector<1x16xf32> to vector<16xf32>
      %swap3A_62 = vector.shape_cast %broadcast_in_dim3A_57 : vector<16xf32> to vector<1x16xf32>
      tpu.vector_store %arg8[%swap3A_58, %swap3A_59], %swap3A_62 {strides = array<i32>} : memref<128x128xf32, #tpu.memory_space<vmem>>, vector<1x16xf32>,
      %broadcast_in_dim3A_63 = arith.constant 0.000000e+00 : f32
      %broadcast_in_dim3A_64 = vector.broadcast %broadcast_in_dim3A_63 : f32 to vector<16xf32>
      %swap3A_65 = arith.index_cast %scan3A_28 : i32 to index
      %swap3A_66 = arith.constant 80 : index
      %swap3A_67 = tpu.vector_load %arg8[%swap3A_65, %swap3A_66] {strides = array<i32>} : memref<128x128xf32, #tpu.memory_space<vmem>>, vector<1x16xf32>,
      %swap3A_68 = vector.shape_cast %swap3A_67 : vector<1x16xf32> to vector<16xf32>
      %swap3A_69 = vector.shape_cast %broadcast_in_dim3A_64 : vector<16xf32> to vector<1x16xf32>
      tpu.vector_store %arg8[%swap3A_65, %swap3A_66], %swap3A_69 {strides = array<i32>} : memref<128x128xf32, #tpu.memory_space<vmem>>, vector<1x16xf32>,
      %broadcast_in_dim3A_70 = arith.constant 0.000000e+00 : f32
      %broadcast_in_dim3A_71 = vector.broadcast %broadcast_in_dim3A_70 : f32 to vector<16xf32>
      %swap3A_72 = arith.index_cast %scan3A_28 : i32 to index
      %swap3A_73 = arith.constant 96 : index
      %swap3A_74 = tpu.vector_load %arg8[%swap3A_72, %swap3A_73] {strides = array<i32>} : memref<128x128xf32, #tpu.memory_space<vmem>>, vector<1x16xf32>,
      %swap3A_75 = vector.shape_cast %swap3A_74 : vector<1x16xf32> to vector<16xf32>
      %swap3A_76 = vector.shape_cast %broadcast_in_dim3A_71 : vector<16xf32> to vector<1x16xf32>
      tpu.vector_store %arg8[%swap3A_72, %swap3A_73], %swap3A_76 {strides = array<i32>} : memref<128x128xf32, #tpu.memory_space<vmem>>, vector<1x16xf32>,
      %broadcast_in_dim3A_77 = arith.constant 0.000000e+00 : f32
      %broadcast_in_dim3A_78 = vector.broadcast %broadcast_in_dim3A_77 : f32 to vector<16xf32>
      %swap3A_79 = arith.index_cast %scan3A_28 : i32 to index
      %swap3A_80 = arith.constant 112 : index
      %swap3A_81 = tpu.vector_load %arg8[%swap3A_79, %swap3A_80] {strides = array<i32>} : memref<128x128xf32, #tpu.memory_space<vmem>>, vector<1x16xf32>,
      %swap3A_82 = vector.shape_cast %swap3A_81 : vector<1x16xf32> to vector<16xf32>
      %swap3A_83 = vector.shape_cast %broadcast_in_dim3A_78 : vector<16xf32> to vector<1x16xf32>
      tpu.vector_store %arg8[%swap3A_79, %swap3A_80], %swap3A_83 {strides = array<i32>} : memref<128x128xf32, #tpu.memory_space<vmem>>, vector<1x16xf32>,
      %scan3A_84 = arith.constant 0 : i32
      scf.yield %scan3A_84 : i32
    }
    %scan3A_5 = arith.constant 128 : i32
    %mul3A = arith.constant 632 : i32
    %mul3A_6 = arith.muli %arg1, %mul3A : i32
    %add3A = arith.constant 0 : i32
    %add3A_7 = arith.addi %mul3A_6, %add3A : i32
    "tpu.region"() ({
      %run_scoped3A = tpu.sem_alloc : memref<!tpu.dma_semaphore, #tpu.memory_space<semaphore_mem>>
      %dma_start3A = arith.constant 0 : i32
      %dma_start3A_28 = tpu.memref_slice %arg10[%add3A_7, %dma_start3A] : memref<10112x128xf32, #tpu.memory_space<vmem_shared>> -> memref<128x128xf32, #tpu.memory_space<vmem_shared>>
      %dma_start3A_29 = arith.constant 0 : i32
      %dma_start3A_30 = tpu.memref_slice %arg10[%add3A_7, %dma_start3A_29] : memref<10112x128xf32, #tpu.memory_space<vmem_shared>> -> memref<128x128xf32, #tpu.memory_space<vmem_shared>>
      tpu.enqueue_dma source(%arg8 : memref<128x128xf32, #tpu.memory_space<vmem>>) target(%dma_start3A_30 : memref<128x128xf32, #tpu.memory_space<vmem_shared>>) target_semaphore(%run_scoped3A : memref<!tpu.dma_semaphore, #tpu.memory_space<semaphore_mem>>)
      %dma_wait3A = arith.constant 0 : i32
      %dma_wait3A_31 = tpu.memref_slice %arg10[%add3A_7, %dma_wait3A] : memref<10112x128xf32, #tpu.memory_space<vmem_shared>> -> memref<128x128xf32, #tpu.memory_space<vmem_shared>>
      %dma_wait3A_32 = arith.constant 0 : i32
      %dma_wait3A_33 = tpu.memref_slice %arg10[%add3A_7, %dma_wait3A_32] : memref<10112x128xf32, #tpu.memory_space<vmem_shared>> -> memref<128x128xf32, #tpu.memory_space<vmem_shared>>
      tpu.wait_dma2 semaphore(%run_scoped3A : memref<!tpu.dma_semaphore, #tpu.memory_space<semaphore_mem>>) src(%arg8 : memref<128x128xf32, #tpu.memory_space<vmem>>) dst(%dma_wait3A_33 : memref<128x128xf32, #tpu.memory_space<vmem_shared>>)
      tpu.yield
    }) : () -> ()
    %add3A_8 = arith.constant 128 : i32
    %add3A_9 = arith.addi %mul3A_6, %add3A_8 : i32
    "tpu.region"() ({
      %run_scoped3A = tpu.sem_alloc : memref<!tpu.dma_semaphore, #tpu.memory_space<semaphore_mem>>
      %dma_start3A = arith.constant 0 : i32
      %dma_start3A_28 = tpu.memref_slice %arg10[%add3A_9, %dma_start3A] : memref<10112x128xf32, #tpu.memory_space<vmem_shared>> -> memref<128x128xf32, #tpu.memory_space<vmem_shared>>
      %dma_start3A_29 = arith.constant 0 : i32
      %dma_start3A_30 = tpu.memref_slice %arg10[%add3A_9, %dma_start3A_29] : memref<10112x128xf32, #tpu.memory_space<vmem_shared>> -> memref<128x128xf32, #tpu.memory_space<vmem_shared>>
      tpu.enqueue_dma source(%arg8 : memref<128x128xf32, #tpu.memory_space<vmem>>) target(%dma_start3A_30 : memref<128x128xf32, #tpu.memory_space<vmem_shared>>) target_semaphore(%run_scoped3A : memref<!tpu.dma_semaphore, #tpu.memory_space<semaphore_mem>>)
      %dma_wait3A = arith.constant 0 : i32
      %dma_wait3A_31 = tpu.memref_slice %arg10[%add3A_9, %dma_wait3A] : memref<10112x128xf32, #tpu.memory_space<vmem_shared>> -> memref<128x128xf32, #tpu.memory_space<vmem_shared>>
      %dma_wait3A_32 = arith.constant 0 : i32
      %dma_wait3A_33 = tpu.memref_slice %arg10[%add3A_9, %dma_wait3A_32] : memref<10112x128xf32, #tpu.memory_space<vmem_shared>> -> memref<128x128xf32, #tpu.memory_space<vmem_shared>>
      tpu.wait_dma2 semaphore(%run_scoped3A : memref<!tpu.dma_semaphore, #tpu.memory_space<semaphore_mem>>) src(%arg8 : memref<128x128xf32, #tpu.memory_space<vmem>>) dst(%dma_wait3A_33 : memref<128x128xf32, #tpu.memory_space<vmem_shared>>)
      tpu.yield
    }) : () -> ()
    %add3A_10 = arith.constant 256 : i32
    %add3A_11 = arith.addi %mul3A_6, %add3A_10 : i32
    "tpu.region"() ({
      %run_scoped3A = tpu.sem_alloc : memref<!tpu.dma_semaphore, #tpu.memory_space<semaphore_mem>>
      %dma_start3A = arith.constant 0 : i32
      %dma_start3A_28 = tpu.memref_slice %arg10[%add3A_11, %dma_start3A] : memref<10112x128xf32, #tpu.memory_space<vmem_shared>> -> memref<128x128xf32, #tpu.memory_space<vmem_shared>>
      %dma_start3A_29 = arith.constant 0 : i32
      %dma_start3A_30 = tpu.memref_slice %arg10[%add3A_11, %dma_start3A_29] : memref<10112x128xf32, #tpu.memory_space<vmem_shared>> -> memref<128x128xf32, #tpu.memory_space<vmem_shared>>
      tpu.enqueue_dma source(%arg8 : memref<128x128xf32, #tpu.memory_space<vmem>>) target(%dma_start3A_30 : memref<128x128xf32, #tpu.memory_space<vmem_shared>>) target_semaphore(%run_scoped3A : memref<!tpu.dma_semaphore, #tpu.memory_space<semaphore_mem>>)
      %dma_wait3A = arith.constant 0 : i32
      %dma_wait3A_31 = tpu.memref_slice %arg10[%add3A_11, %dma_wait3A] : memref<10112x128xf32, #tpu.memory_space<vmem_shared>> -> memref<128x128xf32, #tpu.memory_space<vmem_shared>>
      %dma_wait3A_32 = arith.constant 0 : i32
      %dma_wait3A_33 = tpu.memref_slice %arg10[%add3A_11, %dma_wait3A_32] : memref<10112x128xf32, #tpu.memory_space<vmem_shared>> -> memref<128x128xf32, #tpu.memory_space<vmem_shared>>
      tpu.wait_dma2 semaphore(%run_scoped3A : memref<!tpu.dma_semaphore, #tpu.memory_space<semaphore_mem>>) src(%arg8 : memref<128x128xf32, #tpu.memory_space<vmem>>) dst(%dma_wait3A_33 : memref<128x128xf32, #tpu.memory_space<vmem_shared>>)
      tpu.yield
    }) : () -> ()
    %add3A_12 = arith.constant 384 : i32
    %add3A_13 = arith.addi %mul3A_6, %add3A_12 : i32
    "tpu.region"() ({
      %run_scoped3A = tpu.sem_alloc : memref<!tpu.dma_semaphore, #tpu.memory_space<semaphore_mem>>
      %dma_start3A = arith.constant 0 : i32
      %dma_start3A_28 = tpu.memref_slice %arg10[%add3A_13, %dma_start3A] : memref<10112x128xf32, #tpu.memory_space<vmem_shared>> -> memref<128x128xf32, #tpu.memory_space<vmem_shared>>
      %dma_start3A_29 = arith.constant 0 : i32
      %dma_start3A_30 = tpu.memref_slice %arg10[%add3A_13, %dma_start3A_29] : memref<10112x128xf32, #tpu.memory_space<vmem_shared>> -> memref<128x128xf32, #tpu.memory_space<vmem_shared>>
      tpu.enqueue_dma source(%arg8 : memref<128x128xf32, #tpu.memory_space<vmem>>) target(%dma_start3A_30 : memref<128x128xf32, #tpu.memory_space<vmem_shared>>) target_semaphore(%run_scoped3A : memref<!tpu.dma_semaphore, #tpu.memory_space<semaphore_mem>>)
      %dma_wait3A = arith.constant 0 : i32
      %dma_wait3A_31 = tpu.memref_slice %arg10[%add3A_13, %dma_wait3A] : memref<10112x128xf32, #tpu.memory_space<vmem_shared>> -> memref<128x128xf32, #tpu.memory_space<vmem_shared>>
      %dma_wait3A_32 = arith.constant 0 : i32
      %dma_wait3A_33 = tpu.memref_slice %arg10[%add3A_13, %dma_wait3A_32] : memref<10112x128xf32, #tpu.memory_space<vmem_shared>> -> memref<128x128xf32, #tpu.memory_space<vmem_shared>>
      tpu.wait_dma2 semaphore(%run_scoped3A : memref<!tpu.dma_semaphore, #tpu.memory_space<semaphore_mem>>) src(%arg8 : memref<128x128xf32, #tpu.memory_space<vmem>>) dst(%dma_wait3A_33 : memref<128x128xf32, #tpu.memory_space<vmem_shared>>)
      tpu.yield
    }) : () -> ()
    %add3A_14 = arith.constant 512 : i32
    %add3A_15 = arith.addi %mul3A_6, %add3A_14 : i32
    "tpu.region"() ({
      %run_scoped3A = tpu.sem_alloc : memref<!tpu.dma_semaphore, #tpu.memory_space<semaphore_mem>>
      %dma_start3A = arith.constant 0 : i32
      %dma_start3A_28 = arith.constant 0 : i32
      %dma_start3A_29 = tpu.memref_slice %arg8[%dma_start3A, %dma_start3A_28] : memref<128x128xf32, #tpu.memory_space<vmem>> -> memref<120x128xf32, #tpu.memory_space<vmem>>
      %dma_start3A_30 = arith.constant 0 : i32
      %dma_start3A_31 = tpu.memref_slice %arg10[%add3A_15, %dma_start3A_30] : memref<10112x128xf32, #tpu.memory_space<vmem_shared>> -> memref<120x128xf32, #tpu.memory_space<vmem_shared>>
      %dma_start3A_32 = arith.constant 0 : i32
      %dma_start3A_33 = tpu.memref_slice %arg10[%add3A_15, %dma_start3A_32] : memref<10112x128xf32, #tpu.memory_space<vmem_shared>> -> memref<120x128xf32, #tpu.memory_space<vmem_shared>>
      %dma_start3A_34 = arith.constant 0 : i32
      %dma_start3A_35 = arith.constant 0 : i32
      %dma_start3A_36 = tpu.memref_slice %arg8[%dma_start3A_34, %dma_start3A_35] : memref<128x128xf32, #tpu.memory_space<vmem>> -> memref<120x128xf32, #tpu.memory_space<vmem>>
      tpu.enqueue_dma source(%dma_start3A_36 : memref<120x128xf32, #tpu.memory_space<vmem>>) target(%dma_start3A_33 : memref<120x128xf32, #tpu.memory_space<vmem_shared>>) target_semaphore(%run_scoped3A : memref<!tpu.dma_semaphore, #tpu.memory_space<semaphore_mem>>)
      %dma_wait3A = arith.constant 0 : i32
      %dma_wait3A_37 = arith.constant 0 : i32
      %dma_wait3A_38 = tpu.memref_slice %arg8[%dma_wait3A, %dma_wait3A_37] : memref<128x128xf32, #tpu.memory_space<vmem>> -> memref<120x128xf32, #tpu.memory_space<vmem>>
      %dma_wait3A_39 = arith.constant 0 : i32
      %dma_wait3A_40 = tpu.memref_slice %arg10[%add3A_15, %dma_wait3A_39] : memref<10112x128xf32, #tpu.memory_space<vmem_shared>> -> memref<120x128xf32, #tpu.memory_space<vmem_shared>>
      %dma_wait3A_41 = arith.constant 0 : i32
      %dma_wait3A_42 = tpu.memref_slice %arg10[%add3A_15, %dma_wait3A_41] : memref<10112x128xf32, #tpu.memory_space<vmem_shared>> -> memref<120x128xf32, #tpu.memory_space<vmem_shared>>
      %dma_wait3A_43 = arith.constant 0 : i32
      %dma_wait3A_44 = arith.constant 0 : i32
      %dma_wait3A_45 = tpu.memref_slice %arg8[%dma_wait3A_43, %dma_wait3A_44] : memref<128x128xf32, #tpu.memory_space<vmem>> -> memref<120x128xf32, #tpu.memory_space<vmem>>
      tpu.wait_dma2 semaphore(%run_scoped3A : memref<!tpu.dma_semaphore, #tpu.memory_space<semaphore_mem>>) src(%dma_wait3A_45 : memref<120x128xf32, #tpu.memory_space<vmem>>) dst(%dma_wait3A_42 : memref<120x128xf32, #tpu.memory_space<vmem_shared>>)
      tpu.yield
    }) : () -> ()
    %barrier3A = arith.constant 0 : index
    tpu.barrier barrier_id(%barrier3A)
    %eq3A = arith.constant 0 : i32
    %eq3A_16 = arith.cmpi eq, %arg0, %eq3A : i32
    %convert_element_type3A = arith.extui %eq3A_16 : i1 to i32
    %cond3A = arith.constant 0 : i32
    %cond3A_17 = arith.cmpi ne, %convert_element_type3A, %cond3A : i32
    scf.if %cond3A_17 {
      %mul3A_28 = arith.constant 120 : i32
      %mul3A_29 = arith.muli %arg1, %mul3A_28 : i32
      "tpu.region"() ({
        %run_scoped3A = tpu.sem_alloc : memref<!tpu.dma_semaphore, #tpu.memory_space<semaphore_mem>>
        %dma_start3A = arith.constant 0 : i32
        %dma_start3A_37 = arith.constant 0 : i32
        %dma_start3A_38 = tpu.memref_slice %arg6[%dma_start3A, %dma_start3A_37] : memref<120x128xi32, #tpu.memory_space<vmem>> -> memref<120x128xi32, #tpu.memory_space<vmem>>
        %dma_start3A_39 = arith.constant 0 : i32
        %dma_start3A_40 = tpu.memref_slice %arg3[%mul3A_29, %dma_start3A_39] : memref<2680x128xi32, #tpu.memory_space<hbm>> -> memref<120x128xi32, #tpu.memory_space<hbm>>
        %dma_start3A_41 = arith.constant 0 : i32
        %dma_start3A_42 = arith.constant 0 : i32
        %dma_start3A_43 = tpu.memref_slice %arg6[%dma_start3A_41, %dma_start3A_42] : memref<120x128xi32, #tpu.memory_space<vmem>> -> memref<120x128xi32, #tpu.memory_space<vmem>>
        %dma_start3A_44 = arith.constant 0 : i32
        %dma_start3A_45 = tpu.memref_slice %arg3[%mul3A_29, %dma_start3A_44] : memref<2680x128xi32, #tpu.memory_space<hbm>> -> memref<120x128xi32, #tpu.memory_space<hbm>>
        tpu.enqueue_dma source(%dma_start3A_45 : memref<120x128xi32, #tpu.memory_space<hbm>>) target(%dma_start3A_43 : memref<120x128xi32, #tpu.memory_space<vmem>>) target_semaphore(%run_scoped3A : memref<!tpu.dma_semaphore, #tpu.memory_space<semaphore_mem>>)
        %dma_wait3A = arith.constant 0 : i32
        %dma_wait3A_46 = arith.constant 0 : i32
        %dma_wait3A_47 = tpu.memref_slice %arg6[%dma_wait3A, %dma_wait3A_46] : memref<120x128xi32, #tpu.memory_space<vmem>> -> memref<120x128xi32, #tpu.memory_space<vmem>>
        %dma_wait3A_48 = arith.constant 0 : i32
        %dma_wait3A_49 = tpu.memref_slice %arg3[%mul3A_29, %dma_wait3A_48] : memref<2680x128xi32, #tpu.memory_space<hbm>> -> memref<120x128xi32, #tpu.memory_space<hbm>>
        %dma_wait3A_50 = arith.constant 0 : i32
        %dma_wait3A_51 = arith.constant 0 : i32
        %dma_wait3A_52 = tpu.memref_slice %arg6[%dma_wait3A_50, %dma_wait3A_51] : memref<120x128xi32, #tpu.memory_space<vmem>> -> memref<120x128xi32, #tpu.memory_space<vmem>>
        %dma_wait3A_53 = arith.constant 0 : i32
        %dma_wait3A_54 = tpu.memref_slice %arg3[%mul3A_29, %dma_wait3A_53] : memref<2680x128xi32, #tpu.memory_space<hbm>> -> memref<120x128xi32, #tpu.memory_space<hbm>>
        tpu.wait_dma2 semaphore(%run_scoped3A : memref<!tpu.dma_semaphore, #tpu.memory_space<semaphore_mem>>) src(%dma_wait3A_54 : memref<120x128xi32, #tpu.memory_space<hbm>>) dst(%dma_wait3A_52 : memref<120x128xi32, #tpu.memory_space<vmem>>)
        tpu.yield
      }) : () -> ()
      "tpu.region"() ({
        %run_scoped3A = tpu.sem_alloc : memref<!tpu.dma_semaphore, #tpu.memory_space<semaphore_mem>>
        %dma_start3A = arith.constant 0 : i32
        %dma_start3A_37 = arith.constant 0 : i32
        %dma_start3A_38 = tpu.memref_slice %arg7[%dma_start3A, %dma_start3A_37] : memref<120x128xi32, #tpu.memory_space<vmem>> -> memref<120x128xi32, #tpu.memory_space<vmem>>
        %dma_start3A_39 = arith.constant 0 : i32
        %dma_start3A_40 = tpu.memref_slice %arg4[%mul3A_29, %dma_start3A_39] : memref<2680x128xi32, #tpu.memory_space<hbm>> -> memref<120x128xi32, #tpu.memory_space<hbm>>
        %dma_start3A_41 = arith.constant 0 : i32
        %dma_start3A_42 = arith.constant 0 : i32
        %dma_start3A_43 = tpu.memref_slice %arg7[%dma_start3A_41, %dma_start3A_42] : memref<120x128xi32, #tpu.memory_space<vmem>> -> memref<120x128xi32, #tpu.memory_space<vmem>>
        %dma_start3A_44 = arith.constant 0 : i32
        %dma_start3A_45 = tpu.memref_slice %arg4[%mul3A_29, %dma_start3A_44] : memref<2680x128xi32, #tpu.memory_space<hbm>> -> memref<120x128xi32, #tpu.memory_space<hbm>>
        tpu.enqueue_dma source(%dma_start3A_45 : memref<120x128xi32, #tpu.memory_space<hbm>>) target(%dma_start3A_43 : memref<120x128xi32, #tpu.memory_space<vmem>>) target_semaphore(%run_scoped3A : memref<!tpu.dma_semaphore, #tpu.memory_space<semaphore_mem>>)
        %dma_wait3A = arith.constant 0 : i32
        %dma_wait3A_46 = arith.constant 0 : i32
        %dma_wait3A_47 = tpu.memref_slice %arg7[%dma_wait3A, %dma_wait3A_46] : memref<120x128xi32, #tpu.memory_space<vmem>> -> memref<120x128xi32, #tpu.memory_space<vmem>>
        %dma_wait3A_48 = arith.constant 0 : i32
        %dma_wait3A_49 = tpu.memref_slice %arg4[%mul3A_29, %dma_wait3A_48] : memref<2680x128xi32, #tpu.memory_space<hbm>> -> memref<120x128xi32, #tpu.memory_space<hbm>>
        %dma_wait3A_50 = arith.constant 0 : i32
        %dma_wait3A_51 = arith.constant 0 : i32
        %dma_wait3A_52 = tpu.memref_slice %arg7[%dma_wait3A_50, %dma_wait3A_51] : memref<120x128xi32, #tpu.memory_space<vmem>> -> memref<120x128xi32, #tpu.memory_space<vmem>>
        %dma_wait3A_53 = arith.constant 0 : i32
        %dma_wait3A_54 = tpu.memref_slice %arg4[%mul3A_29, %dma_wait3A_53] : memref<2680x128xi32, #tpu.memory_space<hbm>> -> memref<120x128xi32, #tpu.memory_space<hbm>>
        tpu.wait_dma2 semaphore(%run_scoped3A : memref<!tpu.dma_semaphore, #tpu.memory_space<semaphore_mem>>) src(%dma_wait3A_54 : memref<120x128xi32, #tpu.memory_space<hbm>>) dst(%dma_wait3A_52 : memref<120x128xi32, #tpu.memory_space<vmem>>)
        tpu.yield
      }) : () -> ()
      %scan3A_30 = arith.constant 0 : i32
      %scan3A_31 = arith.constant 0 : i32
      %scan3A_32 = arith.constant 120 : i32
      %scan3A_33 = arith.addi %scan3A_31, %scan3A_32 : i32
      %scan3A_34 = arith.constant 1 : i32
      %scan3A_35 = scf.for %scan3A_37 = %scan3A_31 to %scan3A_33 step %scan3A_34 iter_args(%scan3A_38 = %scan3A_30) -> (i32)  : i32 {
        %dma_start3A = arith.constant 0 : i32
        %dma_start3A_39 = tpu.memref_slice %arg6[%scan3A_37, %dma_start3A] : memref<120x128xi32, #tpu.memory_space<vmem>> -> memref<1x128xi32, #tpu.memory_space<vmem>>
        %dma_start3A_40 = tpu.memref_squeeze %dma_start3A_39 : memref<1x128xi32, #tpu.memory_space<vmem>> -> memref<128xi32, #tpu.memory_space<vmem>>
        %dma_start3A_41 = arith.constant 0 : i32
        %dma_start3A_42 = arith.constant 0 : i32
        %dma_start3A_43 = tpu.memref_slice %arg2[%dma_start3A_41, %dma_start3A_42] : memref<10112x128xf32, #tpu.memory_space<hbm>> -> memref<10112x128xf32, #tpu.memory_space<hbm>>
        tpu.enqueue_indirect_dma source(%dma_start3A_43 : memref<10112x128xf32, #tpu.memory_space<hbm>>) target(%arg8 : memref<128x128xf32, #tpu.memory_space<vmem>>) offsets(%dma_start3A_40 : memref<128xi32, #tpu.memory_space<vmem>>) semaphore(%arg9 : memref<!tpu.dma_semaphore, #tpu.memory_space<semaphore_mem>>)
        %dma_wait3A = arith.constant 0 : i32
        %dma_wait3A_44 = tpu.memref_slice %arg6[%scan3A_37, %dma_wait3A] : memref<120x128xi32, #tpu.memory_space<vmem>> -> memref<1x128xi32, #tpu.memory_space<vmem>>
        %dma_wait3A_45 = tpu.memref_squeeze %dma_wait3A_44 : memref<1x128xi32, #tpu.memory_space<vmem>> -> memref<128xi32, #tpu.memory_space<vmem>>
        %dma_wait3A_46 = arith.constant 0 : i32
        %dma_wait3A_47 = arith.constant 0 : i32
        %dma_wait3A_48 = tpu.memref_slice %arg2[%dma_wait3A_46, %dma_wait3A_47] : memref<10112x128xf32, #tpu.memory_space<hbm>> -> memref<10112x128xf32, #tpu.memory_space<hbm>>
        tpu.wait_indirect_dma semaphore(%arg9 : memref<!tpu.dma_semaphore, #tpu.memory_space<semaphore_mem>>) src(%dma_wait3A_48 : memref<10112x128xf32, #tpu.memory_space<hbm>>) dst(%arg8 : memref<128x128xf32, #tpu.memory_space<vmem>>)
        "tpu.region"() ({
          %run_scoped3A = tpu.sem_alloc : memref<!tpu.dma_semaphore, #tpu.memory_space<semaphore_mem>>
          %dma_start3A_50 = arith.constant 0 : i32
          %dma_start3A_51 = tpu.memref_slice %arg7[%scan3A_37, %dma_start3A_50] : memref<120x128xi32, #tpu.memory_space<vmem>> -> memref<1x128xi32, #tpu.memory_space<vmem>>
          %dma_start3A_52 = tpu.memref_squeeze %dma_start3A_51 : memref<1x128xi32, #tpu.memory_space<vmem>> -> memref<128xi32, #tpu.memory_space<vmem>>
          %dma_start3A_53 = arith.constant 0 : i32
          %dma_start3A_54 = arith.constant 0 : i32
          %dma_start3A_55 = tpu.memref_slice %arg10[%dma_start3A_53, %dma_start3A_54] : memref<10112x128xf32, #tpu.memory_space<vmem_shared>> -> memref<10112x128xf32, #tpu.memory_space<vmem_shared>>
          tpu.enqueue_indirect_dma source(%arg8 : memref<128x128xf32, #tpu.memory_space<vmem>>) target(%dma_start3A_55 : memref<10112x128xf32, #tpu.memory_space<vmem_shared>>) offsets(%dma_start3A_52 : memref<128xi32, #tpu.memory_space<vmem>>) semaphore(%run_scoped3A : memref<!tpu.dma_semaphore, #tpu.memory_space<semaphore_mem>>) {add = true}
          %dma_wait3A_56 = arith.constant 0 : i32
          %dma_wait3A_57 = tpu.memref_slice %arg7[%scan3A_37, %dma_wait3A_56] : memref<120x128xi32, #tpu.memory_space<vmem>> -> memref<1x128xi32, #tpu.memory_space<vmem>>
          %dma_wait3A_58 = tpu.memref_squeeze %dma_wait3A_57 : memref<1x128xi32, #tpu.memory_space<vmem>> -> memref<128xi32, #tpu.memory_space<vmem>>
          %dma_wait3A_59 = arith.constant 0 : i32
          %dma_wait3A_60 = arith.constant 0 : i32
          %dma_wait3A_61 = tpu.memref_slice %arg10[%dma_wait3A_59, %dma_wait3A_60] : memref<10112x128xf32, #tpu.memory_space<vmem_shared>> -> memref<10112x128xf32, #tpu.memory_space<vmem_shared>>
          tpu.wait_indirect_dma semaphore(%run_scoped3A : memref<!tpu.dma_semaphore, #tpu.memory_space<semaphore_mem>>) src(%arg8 : memref<128x128xf32, #tpu.memory_space<vmem>>) dst(%dma_wait3A_61 : memref<10112x128xf32, #tpu.memory_space<vmem_shared>>)
          tpu.yield
        }) : () -> ()
        %scan3A_49 = arith.constant 0 : i32
        scf.yield %scan3A_49 : i32
      }
      %scan3A_36 = arith.constant 120 : i32
    } else {
    }
    %eq3A_18 = arith.constant 1 : i32
    %eq3A_19 = arith.cmpi eq, %arg0, %eq3A_18 : i32
    %convert_element_type3A_20 = arith.extui %eq3A_19 : i1 to i32
    %cond3A_21 = arith.constant 0 : i32
    %cond3A_22 = arith.cmpi ne, %convert_element_type3A_20, %cond3A_21 : i32
    scf.if %cond3A_22 {
      %mul3A_28 = arith.constant 40 : i32
      %mul3A_29 = arith.muli %arg1, %mul3A_28 : i32
      %add3A_30 = arith.constant 1920 : i32
      %add3A_31 = arith.addi %add3A_30, %mul3A_29 : i32
      "tpu.region"() ({
        %run_scoped3A = tpu.sem_alloc : memref<!tpu.dma_semaphore, #tpu.memory_space<semaphore_mem>>
        %dma_start3A = arith.constant 0 : i32
        %dma_start3A_39 = arith.constant 0 : i32
        %dma_start3A_40 = tpu.memref_slice %arg6[%dma_start3A, %dma_start3A_39] : memref<120x128xi32, #tpu.memory_space<vmem>> -> memref<40x128xi32, #tpu.memory_space<vmem>>
        %dma_start3A_41 = arith.constant 0 : i32
        %dma_start3A_42 = tpu.memref_slice %arg3[%add3A_31, %dma_start3A_41] : memref<2680x128xi32, #tpu.memory_space<hbm>> -> memref<40x128xi32, #tpu.memory_space<hbm>>
        %dma_start3A_43 = arith.constant 0 : i32
        %dma_start3A_44 = arith.constant 0 : i32
        %dma_start3A_45 = tpu.memref_slice %arg6[%dma_start3A_43, %dma_start3A_44] : memref<120x128xi32, #tpu.memory_space<vmem>> -> memref<40x128xi32, #tpu.memory_space<vmem>>
        %dma_start3A_46 = arith.constant 0 : i32
        %dma_start3A_47 = tpu.memref_slice %arg3[%add3A_31, %dma_start3A_46] : memref<2680x128xi32, #tpu.memory_space<hbm>> -> memref<40x128xi32, #tpu.memory_space<hbm>>
        tpu.enqueue_dma source(%dma_start3A_47 : memref<40x128xi32, #tpu.memory_space<hbm>>) target(%dma_start3A_45 : memref<40x128xi32, #tpu.memory_space<vmem>>) target_semaphore(%run_scoped3A : memref<!tpu.dma_semaphore, #tpu.memory_space<semaphore_mem>>)
        %dma_wait3A = arith.constant 0 : i32
        %dma_wait3A_48 = arith.constant 0 : i32
        %dma_wait3A_49 = tpu.memref_slice %arg6[%dma_wait3A, %dma_wait3A_48] : memref<120x128xi32, #tpu.memory_space<vmem>> -> memref<40x128xi32, #tpu.memory_space<vmem>>
        %dma_wait3A_50 = arith.constant 0 : i32
        %dma_wait3A_51 = tpu.memref_slice %arg3[%add3A_31, %dma_wait3A_50] : memref<2680x128xi32, #tpu.memory_space<hbm>> -> memref<40x128xi32, #tpu.memory_space<hbm>>
        %dma_wait3A_52 = arith.constant 0 : i32
        %dma_wait3A_53 = arith.constant 0 : i32
        %dma_wait3A_54 = tpu.memref_slice %arg6[%dma_wait3A_52, %dma_wait3A_53] : memref<120x128xi32, #tpu.memory_space<vmem>> -> memref<40x128xi32, #tpu.memory_space<vmem>>
        %dma_wait3A_55 = arith.constant 0 : i32
        %dma_wait3A_56 = tpu.memref_slice %arg3[%add3A_31, %dma_wait3A_55] : memref<2680x128xi32, #tpu.memory_space<hbm>> -> memref<40x128xi32, #tpu.memory_space<hbm>>
        tpu.wait_dma2 semaphore(%run_scoped3A : memref<!tpu.dma_semaphore, #tpu.memory_space<semaphore_mem>>) src(%dma_wait3A_56 : memref<40x128xi32, #tpu.memory_space<hbm>>) dst(%dma_wait3A_54 : memref<40x128xi32, #tpu.memory_space<vmem>>)
        tpu.yield
      }) : () -> ()
      "tpu.region"() ({
        %run_scoped3A = tpu.sem_alloc : memref<!tpu.dma_semaphore, #tpu.memory_space<semaphore_mem>>
        %dma_start3A = arith.constant 0 : i32
        %dma_start3A_39 = arith.constant 0 : i32
        %dma_start3A_40 = tpu.memref_slice %arg7[%dma_start3A, %dma_start3A_39] : memref<120x128xi32, #tpu.memory_space<vmem>> -> memref<40x128xi32, #tpu.memory_space<vmem>>
        %dma_start3A_41 = arith.constant 0 : i32
        %dma_start3A_42 = tpu.memref_slice %arg4[%add3A_31, %dma_start3A_41] : memref<2680x128xi32, #tpu.memory_space<hbm>> -> memref<40x128xi32, #tpu.memory_space<hbm>>
        %dma_start3A_43 = arith.constant 0 : i32
        %dma_start3A_44 = arith.constant 0 : i32
        %dma_start3A_45 = tpu.memref_slice %arg7[%dma_start3A_43, %dma_start3A_44] : memref<120x128xi32, #tpu.memory_space<vmem>> -> memref<40x128xi32, #tpu.memory_space<vmem>>
        %dma_start3A_46 = arith.constant 0 : i32
        %dma_start3A_47 = tpu.memref_slice %arg4[%add3A_31, %dma_start3A_46] : memref<2680x128xi32, #tpu.memory_space<hbm>> -> memref<40x128xi32, #tpu.memory_space<hbm>>
        tpu.enqueue_dma source(%dma_start3A_47 : memref<40x128xi32, #tpu.memory_space<hbm>>) target(%dma_start3A_45 : memref<40x128xi32, #tpu.memory_space<vmem>>) target_semaphore(%run_scoped3A : memref<!tpu.dma_semaphore, #tpu.memory_space<semaphore_mem>>)
        %dma_wait3A = arith.constant 0 : i32
        %dma_wait3A_48 = arith.constant 0 : i32
        %dma_wait3A_49 = tpu.memref_slice %arg7[%dma_wait3A, %dma_wait3A_48] : memref<120x128xi32, #tpu.memory_space<vmem>> -> memref<40x128xi32, #tpu.memory_space<vmem>>
        %dma_wait3A_50 = arith.constant 0 : i32
        %dma_wait3A_51 = tpu.memref_slice %arg4[%add3A_31, %dma_wait3A_50] : memref<2680x128xi32, #tpu.memory_space<hbm>> -> memref<40x128xi32, #tpu.memory_space<hbm>>
        %dma_wait3A_52 = arith.constant 0 : i32
        %dma_wait3A_53 = arith.constant 0 : i32
        %dma_wait3A_54 = tpu.memref_slice %arg7[%dma_wait3A_52, %dma_wait3A_53] : memref<120x128xi32, #tpu.memory_space<vmem>> -> memref<40x128xi32, #tpu.memory_space<vmem>>
        %dma_wait3A_55 = arith.constant 0 : i32
        %dma_wait3A_56 = tpu.memref_slice %arg4[%add3A_31, %dma_wait3A_55] : memref<2680x128xi32, #tpu.memory_space<hbm>> -> memref<40x128xi32, #tpu.memory_space<hbm>>
        tpu.wait_dma2 semaphore(%run_scoped3A : memref<!tpu.dma_semaphore, #tpu.memory_space<semaphore_mem>>) src(%dma_wait3A_56 : memref<40x128xi32, #tpu.memory_space<hbm>>) dst(%dma_wait3A_54 : memref<40x128xi32, #tpu.memory_space<vmem>>)
        tpu.yield
      }) : () -> ()
      %scan3A_32 = arith.constant 0 : i32
      %scan3A_33 = arith.constant 0 : i32
      %scan3A_34 = arith.constant 40 : i32
      %scan3A_35 = arith.addi %scan3A_33, %scan3A_34 : i32
      %scan3A_36 = arith.constant 1 : i32
      %scan3A_37 = scf.for %scan3A_39 = %scan3A_33 to %scan3A_35 step %scan3A_36 iter_args(%scan3A_40 = %scan3A_32) -> (i32)  : i32 {
        %dma_start3A = arith.constant 0 : i32
        %dma_start3A_41 = tpu.memref_slice %arg6[%scan3A_39, %dma_start3A] : memref<120x128xi32, #tpu.memory_space<vmem>> -> memref<1x128xi32, #tpu.memory_space<vmem>>
        %dma_start3A_42 = tpu.memref_squeeze %dma_start3A_41 : memref<1x128xi32, #tpu.memory_space<vmem>> -> memref<128xi32, #tpu.memory_space<vmem>>
        %dma_start3A_43 = arith.constant 0 : i32
        %dma_start3A_44 = arith.constant 0 : i32
        %dma_start3A_45 = tpu.memref_slice %arg2[%dma_start3A_43, %dma_start3A_44] : memref<10112x128xf32, #tpu.memory_space<hbm>> -> memref<10112x128xf32, #tpu.memory_space<hbm>>
        tpu.enqueue_indirect_dma source(%dma_start3A_45 : memref<10112x128xf32, #tpu.memory_space<hbm>>) target(%arg8 : memref<128x128xf32, #tpu.memory_space<vmem>>) offsets(%dma_start3A_42 : memref<128xi32, #tpu.memory_space<vmem>>) semaphore(%arg9 : memref<!tpu.dma_semaphore, #tpu.memory_space<semaphore_mem>>)
        %dma_wait3A = arith.constant 0 : i32
        %dma_wait3A_46 = tpu.memref_slice %arg6[%scan3A_39, %dma_wait3A] : memref<120x128xi32, #tpu.memory_space<vmem>> -> memref<1x128xi32, #tpu.memory_space<vmem>>
        %dma_wait3A_47 = tpu.memref_squeeze %dma_wait3A_46 : memref<1x128xi32, #tpu.memory_space<vmem>> -> memref<128xi32, #tpu.memory_space<vmem>>
        %dma_wait3A_48 = arith.constant 0 : i32
        %dma_wait3A_49 = arith.constant 0 : i32
        %dma_wait3A_50 = tpu.memref_slice %arg2[%dma_wait3A_48, %dma_wait3A_49] : memref<10112x128xf32, #tpu.memory_space<hbm>> -> memref<10112x128xf32, #tpu.memory_space<hbm>>
        tpu.wait_indirect_dma semaphore(%arg9 : memref<!tpu.dma_semaphore, #tpu.memory_space<semaphore_mem>>) src(%dma_wait3A_50 : memref<10112x128xf32, #tpu.memory_space<hbm>>) dst(%arg8 : memref<128x128xf32, #tpu.memory_space<vmem>>)
        "tpu.region"() ({
          %run_scoped3A = tpu.sem_alloc : memref<!tpu.dma_semaphore, #tpu.memory_space<semaphore_mem>>
          %dma_start3A_52 = arith.constant 0 : i32
          %dma_start3A_53 = tpu.memref_slice %arg7[%scan3A_39, %dma_start3A_52] : memref<120x128xi32, #tpu.memory_space<vmem>> -> memref<1x128xi32, #tpu.memory_space<vmem>>
          %dma_start3A_54 = tpu.memref_squeeze %dma_start3A_53 : memref<1x128xi32, #tpu.memory_space<vmem>> -> memref<128xi32, #tpu.memory_space<vmem>>
          %dma_start3A_55 = arith.constant 0 : i32
          %dma_start3A_56 = arith.constant 0 : i32
          %dma_start3A_57 = tpu.memref_slice %arg10[%dma_start3A_55, %dma_start3A_56] : memref<10112x128xf32, #tpu.memory_space<vmem_shared>> -> memref<10112x128xf32, #tpu.memory_space<vmem_shared>>
          tpu.enqueue_indirect_dma source(%arg8 : memref<128x128xf32, #tpu.memory_space<vmem>>) target(%dma_start3A_57 : memref<10112x128xf32, #tpu.memory_space<vmem_shared>>) offsets(%dma_start3A_54 : memref<128xi32, #tpu.memory_space<vmem>>) semaphore(%run_scoped3A : memref<!tpu.dma_semaphore, #tpu.memory_space<semaphore_mem>>) {add = true}
          %dma_wait3A_58 = arith.constant 0 : i32
          %dma_wait3A_59 = tpu.memref_slice %arg7[%scan3A_39, %dma_wait3A_58] : memref<120x128xi32, #tpu.memory_space<vmem>> -> memref<1x128xi32, #tpu.memory_space<vmem>>
          %dma_wait3A_60 = tpu.memref_squeeze %dma_wait3A_59 : memref<1x128xi32, #tpu.memory_space<vmem>> -> memref<128xi32, #tpu.memory_space<vmem>>
          %dma_wait3A_61 = arith.constant 0 : i32
          %dma_wait3A_62 = arith.constant 0 : i32
          %dma_wait3A_63 = tpu.memref_slice %arg10[%dma_wait3A_61, %dma_wait3A_62] : memref<10112x128xf32, #tpu.memory_space<vmem_shared>> -> memref<10112x128xf32, #tpu.memory_space<vmem_shared>>
          tpu.wait_indirect_dma semaphore(%run_scoped3A : memref<!tpu.dma_semaphore, #tpu.memory_space<semaphore_mem>>) src(%arg8 : memref<128x128xf32, #tpu.memory_space<vmem>>) dst(%dma_wait3A_63 : memref<10112x128xf32, #tpu.memory_space<vmem_shared>>)
          tpu.yield
        }) : () -> ()
        %scan3A_51 = arith.constant 0 : i32
        scf.yield %scan3A_51 : i32
      }
      %scan3A_38 = arith.constant 40 : i32
    } else {
    }
    %barrier3A_23 = arith.constant 0 : index
    tpu.barrier barrier_id(%barrier3A_23)
    %mul3A_24 = arith.constant 632 : i32
    %mul3A_25 = arith.muli %arg1, %mul3A_24 : i32
    %mul3A_26 = arith.constant 632 : i32
    %mul3A_27 = arith.muli %arg1, %mul3A_26 : i32
    "tpu.region"() ({
      %run_scoped3A = tpu.sem_alloc : memref<!tpu.dma_semaphore, #tpu.memory_space<semaphore_mem>>
      %dma_start3A = arith.constant 0 : i32
      %dma_start3A_28 = tpu.memref_slice %arg5[%arg0, %mul3A_27, %dma_start3A] : memref<2x10112x128xf32, #tpu.memory_space<hbm>> -> memref<1x632x128xf32, #tpu.memory_space<hbm>>
      %dma_start3A_29 = tpu.memref_squeeze %dma_start3A_28 : memref<1x632x128xf32, #tpu.memory_space<hbm>> -> memref<632x128xf32, #tpu.memory_space<hbm>>
      %dma_start3A_30 = arith.constant 0 : i32
      %dma_start3A_31 = tpu.memref_slice %arg10[%mul3A_25, %dma_start3A_30] : memref<10112x128xf32, #tpu.memory_space<vmem_shared>> -> memref<632x128xf32, #tpu.memory_space<vmem_shared>>
      tpu.enqueue_dma source(%dma_start3A_31 : memref<632x128xf32, #tpu.memory_space<vmem_shared>>) target(%dma_start3A_29 : memref<632x128xf32, #tpu.memory_space<hbm>>) target_semaphore(%run_scoped3A : memref<!tpu.dma_semaphore, #tpu.memory_space<semaphore_mem>>)
      %dma_wait3A = arith.constant 0 : i32
      %dma_wait3A_32 = tpu.memref_slice %arg5[%arg0, %mul3A_27, %dma_wait3A] : memref<2x10112x128xf32, #tpu.memory_space<hbm>> -> memref<1x632x128xf32, #tpu.memory_space<hbm>>
      %dma_wait3A_33 = tpu.memref_squeeze %dma_wait3A_32 : memref<1x632x128xf32, #tpu.memory_space<hbm>> -> memref<632x128xf32, #tpu.memory_space<hbm>>
      %dma_wait3A_34 = arith.constant 0 : i32
      %dma_wait3A_35 = tpu.memref_slice %arg10[%mul3A_25, %dma_wait3A_34] : memref<10112x128xf32, #tpu.memory_space<vmem_shared>> -> memref<632x128xf32, #tpu.memory_space<vmem_shared>>
      tpu.wait_dma2 semaphore(%run_scoped3A : memref<!tpu.dma_semaphore, #tpu.memory_space<semaphore_mem>>) src(%dma_wait3A_35 : memref<632x128xf32, #tpu.memory_space<vmem_shared>>) dst(%dma_wait3A_33 : memref<632x128xf32, #tpu.memory_space<hbm>>)
      tpu.yield
    }) : () -> ()
    return
  }
}

module attributes {stable_mosaic.version = 14 : i64} {
  func.func @_tc_first_body(%arg0: memref<2x10112x16xf32, #tpu.memory_space<vmem>>, %arg1: memref<10112x128xf32, #tpu.memory_space<vmem>>, %arg2: memref<128x128xf32, #tpu.memory_space<vmem>>, %arg3: memref<10112x1xf32, #tpu.memory_space<vmem>>, %arg4: memref<10112x128xf32, #tpu.memory_space<vmem>>) attributes {dimension_semantics = [], scalar_prefetch = 0 : i64, scratch_operands = 0 : i64, tpu.core_type = #tpu.core_type<tc>} {
    %get3A = arith.constant 0 : index
    %get3A_0 = arith.constant 0 : index
    %get3A_1 = arith.constant 0 : index
    %get3A_2 = vector.load %arg0[%get3A, %get3A_0, %get3A_1] : memref<2x10112x16xf32, #tpu.memory_space<vmem>>, vector<1x10112x1xf32>
    %get3A_3 = vector.shape_cast %get3A_2 : vector<1x10112x1xf32> to vector<10112x1xf32>
    %get3A_4 = arith.constant 1 : index
    %get3A_5 = arith.constant 0 : index
    %get3A_6 = arith.constant 0 : index
    %get3A_7 = vector.load %arg0[%get3A_4, %get3A_5, %get3A_6] : memref<2x10112x16xf32, #tpu.memory_space<vmem>>, vector<1x10112x1xf32>
    %get3A_8 = vector.shape_cast %get3A_7 : vector<1x10112x1xf32> to vector<10112x1xf32>
    %add3A = arith.addf %get3A_3, %get3A_8 : vector<10112x1xf32>
    %add3A_9 = arith.constant 1.000000e+00 : f32
    %add3A_10 = vector.broadcast %add3A_9 : f32 to vector<10112x1xf32>
    %add3A_11 = arith.addf %add3A, %add3A_10 : vector<10112x1xf32>
    %iota3A = tpu.iota {dimensions = array<i32: 0>} : vector<10112x1xi32>
    %lt3A = arith.constant 10000 : i32
    %lt3A_12 = vector.broadcast %lt3A : i32 to vector<10112x1xi32>
    %lt3A_13 = arith.cmpi slt, %iota3A, %lt3A_12 : vector<10112x1xi32>
    %rsqrt3A = math.rsqrt %add3A_11 : vector<10112x1xf32>
    %jit3A = arith.constant 0.000000e+00 : f32
    %broadcast_in_dim3A = vector.broadcast %jit3A : f32 to vector<10112x1xf32>
    %select_n3A = arith.select %lt3A_13, %rsqrt3A, %broadcast_in_dim3A : vector<10112x1xi1>, vector<10112x1xf32>
    %swap3A = arith.constant 0 : index
    %swap3A_14 = arith.constant 0 : index
    %swap3A_15 = vector.load %arg3[%swap3A, %swap3A_14] : memref<10112x1xf32, #tpu.memory_space<vmem>>, vector<10112x1xf32>
    tpu.vector_store %arg3[%swap3A, %swap3A_14], %select_n3A {strides = array<i32>} : memref<10112x1xf32, #tpu.memory_space<vmem>>, vector<10112x1xf32>,
    %get3A_16 = arith.constant 0 : index
    %get3A_17 = arith.constant 0 : index
    %get3A_18 = vector.load %arg1[%get3A_16, %get3A_17] : memref<10112x128xf32, #tpu.memory_space<vmem>>, vector<10112x128xf32>
    %get3A_19 = arith.constant 0 : index
    %get3A_20 = arith.constant 0 : index
    %get3A_21 = vector.load %arg2[%get3A_19, %get3A_20] : memref<128x128xf32, #tpu.memory_space<vmem>>, vector<128x128xf32>
    %dot_general3A = arith.constant dense<0.000000e+00> : vector<10112x128xf32>
    %dot_general3A_22 = tpu.matmul %get3A_18, %get3A_21, %dot_general3A {dimension_numbers = #tpu.dot_dimension_numbers<[1], [0], [0], [1], [0, 0, 1, 1], [], []>, transpose_lhs_hint = false} : vector<10112x128xf32>, vector<128x128xf32>, vector<10112x128xf32> -> vector<10112x128xf32>
    %mul3A = vector.broadcast %select_n3A : vector<10112x1xf32> to vector<10112x128xf32>
    %mul3A_23 = arith.mulf %mul3A, %dot_general3A_22 : vector<10112x128xf32>
    %swap3A_24 = arith.constant 0 : index
    %swap3A_25 = arith.constant 0 : index
    %swap3A_26 = vector.load %arg4[%swap3A_24, %swap3A_25] : memref<10112x128xf32, #tpu.memory_space<vmem>>, vector<10112x128xf32>
    tpu.vector_store %arg4[%swap3A_24, %swap3A_25], %mul3A_23 {strides = array<i32>} : memref<10112x128xf32, #tpu.memory_space<vmem>>, vector<10112x128xf32>,
    return
  }
}

module attributes {stable_mosaic.version = 14 : i64} {
  func.func @_tc_mid_body(%arg0: memref<2x10112x128xf32, #tpu.memory_space<vmem>>, %arg1: memref<10112x128xf32, #tpu.memory_space<vmem>>, %arg2: memref<10112x1xf32, #tpu.memory_space<vmem>>, %arg3: memref<1x128xf32, #tpu.memory_space<vmem>>, %arg4: memref<128x128xf32, #tpu.memory_space<vmem>>, %arg5: memref<10112x128xf32, #tpu.memory_space<vmem>>, %arg6: memref<10112x128xf32, #tpu.memory_space<vmem>>) attributes {dimension_semantics = [], scalar_prefetch = 0 : i64, scratch_operands = 0 : i64, tpu.core_type = #tpu.core_type<tc>} {
    %get3A = arith.constant 0 : index
    %get3A_0 = arith.constant 0 : index
    %get3A_1 = vector.load %arg2[%get3A, %get3A_0] : memref<10112x1xf32, #tpu.memory_space<vmem>>, vector<10112x1xf32>
    %get3A_2 = arith.constant 0 : index
    %get3A_3 = arith.constant 0 : index
    %get3A_4 = arith.constant 0 : index
    %get3A_5 = vector.load %arg0[%get3A_2, %get3A_3, %get3A_4] : memref<2x10112x128xf32, #tpu.memory_space<vmem>>, vector<1x10112x128xf32>
    %get3A_6 = vector.shape_cast %get3A_5 : vector<1x10112x128xf32> to vector<10112x128xf32>
    %get3A_7 = arith.constant 1 : index
    %get3A_8 = arith.constant 0 : index
    %get3A_9 = arith.constant 0 : index
    %get3A_10 = vector.load %arg0[%get3A_7, %get3A_8, %get3A_9] : memref<2x10112x128xf32, #tpu.memory_space<vmem>>, vector<1x10112x128xf32>
    %get3A_11 = vector.shape_cast %get3A_10 : vector<1x10112x128xf32> to vector<10112x128xf32>
    %add3A = arith.addf %get3A_6, %get3A_11 : vector<10112x128xf32>
    %get3A_12 = arith.constant 0 : index
    %get3A_13 = arith.constant 0 : index
    %get3A_14 = vector.load %arg1[%get3A_12, %get3A_13] : memref<10112x128xf32, #tpu.memory_space<vmem>>, vector<10112x128xf32>
    %add3A_15 = arith.addf %add3A, %get3A_14 : vector<10112x128xf32>
    %mul3A = vector.broadcast %get3A_1 : vector<10112x1xf32> to vector<10112x128xf32>
    %mul3A_16 = arith.mulf %mul3A, %add3A_15 : vector<10112x128xf32>
    %get3A_17 = arith.constant 0 : index
    %get3A_18 = arith.constant 0 : index
    %get3A_19 = vector.load %arg3[%get3A_17, %get3A_18] : memref<1x128xf32, #tpu.memory_space<vmem>>, vector<1x128xf32>
    %add3A_20 = vector.broadcast %get3A_19 : vector<1x128xf32> to vector<10112x128xf32>
    %add3A_21 = arith.addf %mul3A_16, %add3A_20 : vector<10112x128xf32>
    %max3A = arith.constant 0.000000e+00 : f32
    %max3A_22 = vector.broadcast %max3A : f32 to vector<10112x128xf32>
    %max3A_23 = arith.maximumf %add3A_21, %max3A_22 : vector<10112x128xf32>
    %swap3A = arith.constant 0 : index
    %swap3A_24 = arith.constant 0 : index
    %swap3A_25 = vector.load %arg5[%swap3A, %swap3A_24] : memref<10112x128xf32, #tpu.memory_space<vmem>>, vector<10112x128xf32>
    tpu.vector_store %arg5[%swap3A, %swap3A_24], %max3A_23 {strides = array<i32>} : memref<10112x128xf32, #tpu.memory_space<vmem>>, vector<10112x128xf32>,
    %get3A_26 = arith.constant 0 : index
    %get3A_27 = arith.constant 0 : index
    %get3A_28 = vector.load %arg4[%get3A_26, %get3A_27] : memref<128x128xf32, #tpu.memory_space<vmem>>, vector<128x128xf32>
    %dot_general3A = arith.constant dense<0.000000e+00> : vector<10112x128xf32>
    %dot_general3A_29 = tpu.matmul %max3A_23, %get3A_28, %dot_general3A {dimension_numbers = #tpu.dot_dimension_numbers<[1], [0], [0], [1], [0, 0, 1, 1], [], []>, transpose_lhs_hint = false} : vector<10112x128xf32>, vector<128x128xf32>, vector<10112x128xf32> -> vector<10112x128xf32>
    %mul3A_30 = vector.broadcast %get3A_1 : vector<10112x1xf32> to vector<10112x128xf32>
    %mul3A_31 = arith.mulf %mul3A_30, %dot_general3A_29 : vector<10112x128xf32>
    %swap3A_32 = arith.constant 0 : index
    %swap3A_33 = arith.constant 0 : index
    %swap3A_34 = vector.load %arg6[%swap3A_32, %swap3A_33] : memref<10112x128xf32, #tpu.memory_space<vmem>>, vector<10112x128xf32>
    tpu.vector_store %arg6[%swap3A_32, %swap3A_33], %mul3A_31 {strides = array<i32>} : memref<10112x128xf32, #tpu.memory_space<vmem>>, vector<10112x128xf32>,
    return
  }
}

module attributes {stable_mosaic.version = 14 : i64} {
  func.func @_tc_x5_body(%arg0: memref<2x10112x128xf32, #tpu.memory_space<vmem>>, %arg1: memref<10112x128xf32, #tpu.memory_space<vmem>>, %arg2: memref<10112x1xf32, #tpu.memory_space<vmem>>, %arg3: memref<1x128xf32, #tpu.memory_space<vmem>>, %arg4: memref<10112x128xf32, #tpu.memory_space<vmem>>) attributes {dimension_semantics = [], scalar_prefetch = 0 : i64, scratch_operands = 0 : i64, tpu.core_type = #tpu.core_type<tc>} {
    %get3A = arith.constant 0 : index
    %get3A_0 = arith.constant 0 : index
    %get3A_1 = arith.constant 0 : index
    %get3A_2 = vector.load %arg0[%get3A, %get3A_0, %get3A_1] : memref<2x10112x128xf32, #tpu.memory_space<vmem>>, vector<1x10112x128xf32>
    %get3A_3 = vector.shape_cast %get3A_2 : vector<1x10112x128xf32> to vector<10112x128xf32>
    %get3A_4 = arith.constant 1 : index
    %get3A_5 = arith.constant 0 : index
    %get3A_6 = arith.constant 0 : index
    %get3A_7 = vector.load %arg0[%get3A_4, %get3A_5, %get3A_6] : memref<2x10112x128xf32, #tpu.memory_space<vmem>>, vector<1x10112x128xf32>
    %get3A_8 = vector.shape_cast %get3A_7 : vector<1x10112x128xf32> to vector<10112x128xf32>
    %add3A = arith.addf %get3A_3, %get3A_8 : vector<10112x128xf32>
    %get3A_9 = arith.constant 0 : index
    %get3A_10 = arith.constant 0 : index
    %get3A_11 = vector.load %arg1[%get3A_9, %get3A_10] : memref<10112x128xf32, #tpu.memory_space<vmem>>, vector<10112x128xf32>
    %add3A_12 = arith.addf %add3A, %get3A_11 : vector<10112x128xf32>
    %get3A_13 = arith.constant 0 : index
    %get3A_14 = arith.constant 0 : index
    %get3A_15 = vector.load %arg2[%get3A_13, %get3A_14] : memref<10112x1xf32, #tpu.memory_space<vmem>>, vector<10112x1xf32>
    %mul3A = vector.broadcast %get3A_15 : vector<10112x1xf32> to vector<10112x128xf32>
    %mul3A_16 = arith.mulf %mul3A, %add3A_12 : vector<10112x128xf32>
    %get3A_17 = arith.constant 0 : index
    %get3A_18 = arith.constant 0 : index
    %get3A_19 = vector.load %arg3[%get3A_17, %get3A_18] : memref<1x128xf32, #tpu.memory_space<vmem>>, vector<1x128xf32>
    %add3A_20 = vector.broadcast %get3A_19 : vector<1x128xf32> to vector<10112x128xf32>
    %add3A_21 = arith.addf %mul3A_16, %add3A_20 : vector<10112x128xf32>
    %max3A = arith.constant 0.000000e+00 : f32
    %max3A_22 = vector.broadcast %max3A : f32 to vector<10112x128xf32>
    %max3A_23 = arith.maximumf %add3A_21, %max3A_22 : vector<10112x128xf32>
    %swap3A = arith.constant 0 : index
    %swap3A_24 = arith.constant 0 : index
    %swap3A_25 = vector.load %arg4[%swap3A, %swap3A_24] : memref<10112x128xf32, #tpu.memory_space<vmem>>, vector<10112x128xf32>
    tpu.vector_store %arg4[%swap3A, %swap3A_24], %max3A_23 {strides = array<i32>} : memref<10112x128xf32, #tpu.memory_space<vmem>>, vector<10112x128xf32>,
    return
  }
}

module attributes {stable_mosaic.version = 14 : i64} {
  func.func @_tc_final_body(%arg0: memref<10112x128xf32, #tpu.memory_space<vmem>>, %arg1: memref<10112x128xf32, #tpu.memory_space<vmem>>, %arg2: memref<10112x128xf32, #tpu.memory_space<vmem>>, %arg3: memref<10112x128xf32, #tpu.memory_space<vmem>>, %arg4: memref<10112x128xf32, #tpu.memory_space<vmem>>, %arg5: memref<10112x128xf32, #tpu.memory_space<vmem>>, %arg6: memref<10000x1xf32, #tpu.memory_space<vmem>>, %arg7: memref<769x32xf32, #tpu.memory_space<vmem>>, %arg8: memref<32x32xf32, #tpu.memory_space<vmem>>, %arg9: memref<32x1xf32, #tpu.memory_space<vmem>>, %arg10: memref<1x32xf32, #tpu.memory_space<vmem>>, %arg11: memref<1x32xf32, #tpu.memory_space<vmem>>, %arg12: memref<1x1xf32, #tpu.memory_space<vmem>>, %arg13: memref<1250x1xf32, #tpu.memory_space<vmem>>, %arg14: memref<10000x32xf32, #tpu.memory_space<vmem>>) attributes {dimension_semantics = [], scalar_prefetch = 0 : i64, scratch_operands = 1 : i64, tpu.core_type = #tpu.core_type<tc>} {
    %get3A = arith.constant 0 : index
    %get3A_0 = arith.constant 0 : index
    %get3A_1 = vector.load %arg4[%get3A, %get3A_0] : memref<10112x128xf32, #tpu.memory_space<vmem>>, vector<10112x128xf32>
    %get3A_2 = arith.constant 0 : index
    %get3A_3 = arith.constant 0 : index
    %get3A_4 = vector.load %arg7[%get3A_2, %get3A_3] : memref<769x32xf32, #tpu.memory_space<vmem>>, vector<769x32xf32>
    %get3A_5 = arith.constant 0 : index
    %get3A_6 = arith.constant 0 : index
    %get3A_7 = vector.load %arg0[%get3A_5, %get3A_6] : memref<10112x128xf32, #tpu.memory_space<vmem>>, vector<10000x128xf32>
    %slice3A = vector.extract_strided_slice %get3A_4 {offsets = [0, 0], sizes = [128, 32], strides = [1, 1]} : vector<769x32xf32> to vector<128x32xf32>
    %dot_general3A = arith.constant dense<0.000000e+00> : vector<10000x32xf32>
    %dot_general3A_8 = tpu.matmul %get3A_7, %slice3A, %dot_general3A {dimension_numbers = #tpu.dot_dimension_numbers<[1], [0], [0], [1], [0, 0, 1, 1], [], []>, transpose_lhs_hint = false} : vector<10000x128xf32>, vector<128x32xf32>, vector<10000x32xf32> -> vector<10000x32xf32>
    %get3A_9 = arith.constant 0 : index
    %get3A_10 = arith.constant 0 : index
    %get3A_11 = vector.load %arg1[%get3A_9, %get3A_10] : memref<10112x128xf32, #tpu.memory_space<vmem>>, vector<10000x128xf32>
    %slice3A_12 = vector.extract_strided_slice %get3A_4 {offsets = [128, 0], sizes = [128, 32], strides = [1, 1]} : vector<769x32xf32> to vector<128x32xf32>
    %dot_general3A_13 = arith.constant dense<0.000000e+00> : vector<10000x32xf32>
    %dot_general3A_14 = tpu.matmul %get3A_11, %slice3A_12, %dot_general3A_13 {dimension_numbers = #tpu.dot_dimension_numbers<[1], [0], [0], [1], [0, 0, 1, 1], [], []>, transpose_lhs_hint = false} : vector<10000x128xf32>, vector<128x32xf32>, vector<10000x32xf32> -> vector<10000x32xf32>
    %add3A = arith.addf %dot_general3A_8, %dot_general3A_14 : vector<10000x32xf32>
    %get3A_15 = arith.constant 0 : index
    %get3A_16 = arith.constant 0 : index
    %get3A_17 = vector.load %arg2[%get3A_15, %get3A_16] : memref<10112x128xf32, #tpu.memory_space<vmem>>, vector<10000x128xf32>
    %slice3A_18 = vector.extract_strided_slice %get3A_4 {offsets = [256, 0], sizes = [128, 32], strides = [1, 1]} : vector<769x32xf32> to vector<128x32xf32>
    %dot_general3A_19 = arith.constant dense<0.000000e+00> : vector<10000x32xf32>
    %dot_general3A_20 = tpu.matmul %get3A_17, %slice3A_18, %dot_general3A_19 {dimension_numbers = #tpu.dot_dimension_numbers<[1], [0], [0], [1], [0, 0, 1, 1], [], []>, transpose_lhs_hint = false} : vector<10000x128xf32>, vector<128x32xf32>, vector<10000x32xf32> -> vector<10000x32xf32>
    %add3A_21 = arith.addf %add3A, %dot_general3A_20 : vector<10000x32xf32>
    %get3A_22 = arith.constant 0 : index
    %get3A_23 = arith.constant 0 : index
    %get3A_24 = vector.load %arg3[%get3A_22, %get3A_23] : memref<10112x128xf32, #tpu.memory_space<vmem>>, vector<10000x128xf32>
    %slice3A_25 = vector.extract_strided_slice %get3A_4 {offsets = [384, 0], sizes = [128, 32], strides = [1, 1]} : vector<769x32xf32> to vector<128x32xf32>
    %dot_general3A_26 = arith.constant dense<0.000000e+00> : vector<10000x32xf32>
    %dot_general3A_27 = tpu.matmul %get3A_24, %slice3A_25, %dot_general3A_26 {dimension_numbers = #tpu.dot_dimension_numbers<[1], [0], [0], [1], [0, 0, 1, 1], [], []>, transpose_lhs_hint = false} : vector<10000x128xf32>, vector<128x32xf32>, vector<10000x32xf32> -> vector<10000x32xf32>
    %add3A_28 = arith.addf %add3A_21, %dot_general3A_27 : vector<10000x32xf32>
    %slice3A_29 = vector.extract_strided_slice %get3A_1 {offsets = [0, 0], sizes = [10000, 128], strides = [1, 1]} : vector<10112x128xf32> to vector<10000x128xf32>
    %slice3A_30 = vector.extract_strided_slice %get3A_4 {offsets = [512, 0], sizes = [128, 32], strides = [1, 1]} : vector<769x32xf32> to vector<128x32xf32>
    %dot_general3A_31 = arith.constant dense<0.000000e+00> : vector<10000x32xf32>
    %dot_general3A_32 = tpu.matmul %slice3A_29, %slice3A_30, %dot_general3A_31 {dimension_numbers = #tpu.dot_dimension_numbers<[1], [0], [0], [1], [0, 0, 1, 1], [], []>, transpose_lhs_hint = false} : vector<10000x128xf32>, vector<128x32xf32>, vector<10000x32xf32> -> vector<10000x32xf32>
    %add3A_33 = arith.addf %add3A_28, %dot_general3A_32 : vector<10000x32xf32>
    %get3A_34 = arith.constant 0 : index
    %get3A_35 = arith.constant 0 : index
    %get3A_36 = vector.load %arg5[%get3A_34, %get3A_35] : memref<10112x128xf32, #tpu.memory_space<vmem>>, vector<10000x128xf32>
    %slice3A_37 = vector.extract_strided_slice %get3A_4 {offsets = [640, 0], sizes = [128, 32], strides = [1, 1]} : vector<769x32xf32> to vector<128x32xf32>
    %dot_general3A_38 = arith.constant dense<0.000000e+00> : vector<10000x32xf32>
    %dot_general3A_39 = tpu.matmul %get3A_36, %slice3A_37, %dot_general3A_38 {dimension_numbers = #tpu.dot_dimension_numbers<[1], [0], [0], [1], [0, 0, 1, 1], [], []>, transpose_lhs_hint = false} : vector<10000x128xf32>, vector<128x32xf32>, vector<10000x32xf32> -> vector<10000x32xf32>
    %add3A_40 = arith.addf %add3A_33, %dot_general3A_39 : vector<10000x32xf32>
    %get3A_41 = arith.constant 0 : index
    %get3A_42 = arith.constant 0 : index
    %get3A_43 = vector.load %arg6[%get3A_41, %get3A_42] : memref<10000x1xf32, #tpu.memory_space<vmem>>, vector<10000x1xf32>
    %slice3A_44 = vector.extract_strided_slice %get3A_4 {offsets = [768, 0], sizes = [1, 32], strides = [1, 1]} : vector<769x32xf32> to vector<1x32xf32>
    %mul3A = vector.broadcast %get3A_43 : vector<10000x1xf32> to vector<10000x32xf32>
    %mul3A_45 = vector.broadcast %slice3A_44 : vector<1x32xf32> to vector<10000x32xf32>
    %mul3A_46 = arith.mulf %mul3A, %mul3A_45 : vector<10000x32xf32>
    %add3A_47 = arith.addf %add3A_40, %mul3A_46 : vector<10000x32xf32>
    %get3A_48 = arith.constant 0 : index
    %get3A_49 = arith.constant 0 : index
    %get3A_50 = vector.load %arg10[%get3A_48, %get3A_49] : memref<1x32xf32, #tpu.memory_space<vmem>>, vector<1x32xf32>
    %add3A_51 = vector.broadcast %get3A_50 : vector<1x32xf32> to vector<10000x32xf32>
    %add3A_52 = arith.addf %add3A_47, %add3A_51 : vector<10000x32xf32>
    %max3A = arith.constant 0.000000e+00 : f32
    %max3A_53 = vector.broadcast %max3A : f32 to vector<10000x32xf32>
    %max3A_54 = arith.maximumf %add3A_52, %max3A_53 : vector<10000x32xf32>
    %get3A_55 = arith.constant 0 : index
    %get3A_56 = arith.constant 0 : index
    %get3A_57 = vector.load %arg8[%get3A_55, %get3A_56] : memref<32x32xf32, #tpu.memory_space<vmem>>, vector<32x32xf32>
    %dot_general3A_58 = arith.constant dense<0.000000e+00> : vector<10000x32xf32>
    %dot_general3A_59 = tpu.matmul %max3A_54, %get3A_57, %dot_general3A_58 {dimension_numbers = #tpu.dot_dimension_numbers<[1], [0], [0], [1], [0, 0, 1, 1], [], []>, transpose_lhs_hint = false} : vector<10000x32xf32>, vector<32x32xf32>, vector<10000x32xf32> -> vector<10000x32xf32>
    %get3A_60 = arith.constant 0 : index
    %get3A_61 = arith.constant 0 : index
    %get3A_62 = vector.load %arg11[%get3A_60, %get3A_61] : memref<1x32xf32, #tpu.memory_space<vmem>>, vector<1x32xf32>
    %add3A_63 = vector.broadcast %get3A_62 : vector<1x32xf32> to vector<10000x32xf32>
    %add3A_64 = arith.addf %dot_general3A_59, %add3A_63 : vector<10000x32xf32>
    %max3A_65 = arith.constant 0.000000e+00 : f32
    %max3A_66 = vector.broadcast %max3A_65 : f32 to vector<10000x32xf32>
    %max3A_67 = arith.maximumf %add3A_64, %max3A_66 : vector<10000x32xf32>
    %swap3A = arith.constant 0 : index
    %swap3A_68 = arith.constant 0 : index
    %swap3A_69 = vector.load %arg14[%swap3A, %swap3A_68] : memref<10000x32xf32, #tpu.memory_space<vmem>>, vector<10000x32xf32>
    tpu.vector_store %arg14[%swap3A, %swap3A_68], %max3A_67 {strides = array<i32>} : memref<10000x32xf32, #tpu.memory_space<vmem>>, vector<10000x32xf32>,
    %get3A_70 = arith.constant 0 : index
    %get3A_71 = arith.constant 0 : index
    %get3A_72 = vector.load %arg14[%get3A_70, %get3A_71] : memref<10000x32xf32, #tpu.memory_space<vmem>>, vector<1250x32xf32>
    %get3A_73 = arith.constant 1250 : index
    %get3A_74 = arith.constant 0 : index
    %get3A_75 = vector.load %arg14[%get3A_73, %get3A_74] : memref<10000x32xf32, #tpu.memory_space<vmem>>, vector<1250x32xf32>
    %add3A_76 = arith.addf %get3A_72, %get3A_75 : vector<1250x32xf32>
    %get3A_77 = arith.constant 2500 : index
    %get3A_78 = arith.constant 0 : index
    %get3A_79 = vector.load %arg14[%get3A_77, %get3A_78] : memref<10000x32xf32, #tpu.memory_space<vmem>>, vector<1250x32xf32>
    %add3A_80 = arith.addf %add3A_76, %get3A_79 : vector<1250x32xf32>
    %get3A_81 = arith.constant 3750 : index
    %get3A_82 = arith.constant 0 : index
    %get3A_83 = vector.load %arg14[%get3A_81, %get3A_82] : memref<10000x32xf32, #tpu.memory_space<vmem>>, vector<1250x32xf32>
    %add3A_84 = arith.addf %add3A_80, %get3A_83 : vector<1250x32xf32>
    %get3A_85 = arith.constant 5000 : index
    %get3A_86 = arith.constant 0 : index
    %get3A_87 = vector.load %arg14[%get3A_85, %get3A_86] : memref<10000x32xf32, #tpu.memory_space<vmem>>, vector<1250x32xf32>
    %add3A_88 = arith.addf %add3A_84, %get3A_87 : vector<1250x32xf32>
    %get3A_89 = arith.constant 6250 : index
    %get3A_90 = arith.constant 0 : index
    %get3A_91 = vector.load %arg14[%get3A_89, %get3A_90] : memref<10000x32xf32, #tpu.memory_space<vmem>>, vector<1250x32xf32>
    %add3A_92 = arith.addf %add3A_88, %get3A_91 : vector<1250x32xf32>
    %get3A_93 = arith.constant 7500 : index
    %get3A_94 = arith.constant 0 : index
    %get3A_95 = vector.load %arg14[%get3A_93, %get3A_94] : memref<10000x32xf32, #tpu.memory_space<vmem>>, vector<1250x32xf32>
    %add3A_96 = arith.addf %add3A_92, %get3A_95 : vector<1250x32xf32>
    %get3A_97 = arith.constant 8750 : index
    %get3A_98 = arith.constant 0 : index
    %get3A_99 = vector.load %arg14[%get3A_97, %get3A_98] : memref<10000x32xf32, #tpu.memory_space<vmem>>, vector<1250x32xf32>
    %add3A_100 = arith.addf %add3A_96, %get3A_99 : vector<1250x32xf32>
    %get3A_101 = arith.constant 0 : index
    %get3A_102 = arith.constant 0 : index
    %get3A_103 = vector.load %arg9[%get3A_101, %get3A_102] : memref<32x1xf32, #tpu.memory_space<vmem>>, vector<32x1xf32>
    %dot_general3A_104 = arith.constant dense<0.000000e+00> : vector<1250x1xf32>
    %dot_general3A_105 = tpu.matmul %add3A_100, %get3A_103, %dot_general3A_104 {dimension_numbers = #tpu.dot_dimension_numbers<[1], [0], [0], [1], [0, 0, 1, 1], [], []>, transpose_lhs_hint = false} : vector<1250x32xf32>, vector<32x1xf32>, vector<1250x1xf32> -> vector<1250x1xf32>
    %get3A_106 = arith.constant 0 : index
    %get3A_107 = arith.constant 0 : index
    %get3A_108 = vector.load %arg12[%get3A_106, %get3A_107] : memref<1x1xf32, #tpu.memory_space<vmem>>, vector<1x1xf32>
    %add3A_109 = vector.broadcast %get3A_108 : vector<1x1xf32> to vector<1250x1xf32>
    %add3A_110 = arith.addf %dot_general3A_105, %add3A_109 : vector<1250x1xf32>
    %swap3A_111 = arith.constant 0 : index
    %swap3A_112 = arith.constant 0 : index
    %swap3A_113 = vector.load %arg13[%swap3A_111, %swap3A_112] : memref<1250x1xf32, #tpu.memory_space<vmem>>, vector<1250x1xf32>
    tpu.vector_store %arg13[%swap3A_111, %swap3A_112], %add3A_110 {strides = array<i32>} : memref<1250x1xf32, #tpu.memory_space<vmem>>, vector<1250x1xf32>,
    return
  }
}

</mosaic_0001>

<sc_bundles>
// kernel: kernel.15.cloned.1.call-start
scs
__scs_entry_jumppad:
0x0: {  	(pc) =	sbr.rel $0x88, $3  }
0x1: {  	(tag) =	ssettag $0x0;
	lr =	simm.s32 $0x1  }
0x2: {  	[smem:$0x3F92] =	sst lr;
	_ =	strace $0xD0000000  }
0x3: {  	_ = 	snop  }
0x4: {  	_ = 	snop  }
0x5: {  	_ = 	snop  }
0x6: {  	_ = 	snop  }
0x7: {  	_ = 	snop  }
__scs_overlays_trampoline_lowered:
0x8: {  	[smem:$0x3FA1] =	sst s0  }
0x9: {  	[smem:$0x3FA2] =	sst s1  }
0xa: {  	[smem:$0x3FA3] =	sst s2  }
0xb: {  	[smem:$0x3FA4] =	sst s3  }
0xc: {  	[smem:$0x3FA5] =	sst s4  }
0xd: {  	[smem:$0x3FA6] =	sst s5  }
0xe: {  	[smem:$0x3FA7] =	sst s6  }
0xf: {  	[smem:$0x3FA8] =	sst s7  }
0x10: {  	[smem:$0x3FA9] =	sst s8  }
0x11: {  	[smem:$0x3FAA] =	sst s9;
	s0 =	simm.s32 @!p0 $0x0  }
0x12: {  	s1 =	sld [smem:$0x3F90];
	s0 =	simm.s32 @p0 $0x1  }
0x13: {  	[smem:$0x3FAB] =	sst s0;
	s0 =	simm.s32 @!p1 $0x0  }
0x14: {  	s2 =	sld [smem:$0x3F8F];
	s0 =	simm.s32 @p1 $0x1  }
0x15: {  	[smem:$0x3FAC] =	sst s0;
	s0 =	simm.s32 @!p2 $0x0  }
0x16: {  	s3 =	sld [smem:$0x3FDB];
	s0 =	simm.s32 @p2 $0x1  }
0x17: {  	s4 =	simm.s32 $0x1BF5;
	[smem:$0x3FAE] =	sst s0  }
0x18: {  	s0 =	sld [smem:$0x3F91];
	_ =	swait.ge [sflag:s4], $0x0  }
0x19: {  	s7 =	sld [smem:$0x3F92]  }
0x1a: {  	s8 =	sadd.s32 $0xFFFFE003, lr  }
0x1b: {  	s9 =	sadd.s32 $0xFFFFFEF7, lr;
	s5 =	simm.s32 $0xFFFFFFFF;
	p2 =	slt.u32 s8, $0xFFFFF086  }
0x1c: {  	p1 =	slt.u32 s9, $0xF7A;
	s5 =	simm.s32 @!p2 $0x0  }
0x1d: {  	s5 =	simm.s32 @p1 $0x1;
	p0 =	seq.s32 s7, s2  }
0x1e: {  	s7 =	smul.u32 @!p0 $0xF7A, s2;
	p2 =	seq.s32 @!p0 s5, $0x0  }
0x1f: {  	s9 =	smul.u32 $0xF7A, s1;
	s8 =	simm.s32 @!p0 $0x1BF5;
	p2 =	por !p2, p0  }
0x20: {  	[sflag:s8] =	ssyncset.s32 @!p0 $0xFFFFF086;
	s6 =	sadd.s32 @!p0 s3, s7;
	s7 =	simm.s32 @!p0 $0x108  }
0x21: {  	s3 =	sadd.s32 s3, s9;
	s6 =	sadd.s32 @!p0 $0x88, s6;
	s7 =	simm.s32 @p2 $0x1082  }
0x22: {  	[simem:s7], [sflag:s8] =	dma.local @!p0 [hbm:s6], $0xF7A  }
0x23: {  	s9 =	sor.u32 $0xD0000000, s2;
	s6 =	simm.s32 $0x108;
	_ =	swait.ge @!p0 [sflag:s8], $0x0  }
0x24: {  	s3 =	sadd.s32 $0x88, s3;
	s6 =	simm.s32 @!p1 $0x1082;
	[sflag:s4] =	ssyncset.s32 $0xFFFFF086  }
0x25: {  	[simem:s6], [sflag:s4] =	dma.local [hbm:s3], $0xF7A  }
0x26: {  	[smem:$0x3F92] =	sst s1;
	(tag) =	ssettag s2;
	_ =	strace s9  }
0x27: {  	s1 =	sld [smem:$0x3FA2]  }
0x28: {  	s2 =	sld [smem:$0x3FA3]  }
0x29: {  	s4 =	sld [smem:$0x3FA5]  }
0x2a: {  	p0 =	seq.s32 s5, $0x0;
	s5 =	sld [smem:$0x3FA6]  }
0x2b: {  	s6 =	sld [smem:$0x3FA7]  }
0x2c: {  	s7 =	sld [smem:$0x3FA8]  }
0x2d: {  	s3 =	simm.s32 $0x108;
	s8 =	sld [smem:$0x3FA9]  }
0x2e: {  	s3 =	simm.s32 @!p0 $0x1082;
	s9 =	sld [smem:$0x3FAA]  }
0x2f: {  	lr =	sadd.s32 s0, s3;
	s0 =	sld [smem:$0x3FA1]  }
0x30: {  	s3 =	sld [smem:$0x3FA4]  }
0x31: {  	[smem:$0x3FAD] =	sst s10  }
0x32: {  	s10 =	sld [smem:$0x3FAB];
	_ =	sdelay $0x3  }
0x33: {  	p0 =	seq.s32 s10, $0x1;
	s10 =	sld [smem:$0x3FAD];
	_ =	sdelay $0x3  }
0x34: {  	[smem:$0x3FAD] =	sst s10  }
0x35: {  	s10 =	sld [smem:$0x3FAC];
	_ =	sdelay $0x3  }
0x36: {  	p1 =	seq.s32 s10, $0x1;
	s10 =	sld [smem:$0x3FAD];
	_ =	sdelay $0x3  }
0x37: {  	[smem:$0x3FAD] =	sst s10  }
0x38: {  	s10 =	sld [smem:$0x3FAE]  }
0x39: {  	_ = 	snop;
	(pc) =	sbr.ind lr, $3  }
0x3a: {  	_ = 	snop  }
0x3b: {  	_ = 	snop  }
0x3c: {  	p2 =	seq.s32 s10, $0x1;
	s10 =	sld [smem:$0x3FAD]  }
0x3d: {  	_ =	shalt  }
0x3e: {  	_ =	shalt  }
0x3f: {  	_ =	shalt  }
0x40: {  	_ =	shalt  }
0x41: {  	_ =	shalt  }
0x42: {  	_ =	shalt  }
0x43: {  	_ =	shalt  }
0x44: {  	_ =	shalt  }
0x45: {  	_ =	shalt  }
0x46: {  	_ =	shalt  }
0x47: {  	_ =	shalt  }
0x48: {  	_ =	shalt  }
0x49: {  	_ =	shalt  }
0x4a: {  	_ =	shalt  }
0x4b: {  	_ =	shalt  }
0x4c: {  	_ =	shalt  }
0x4d: {  	_ =	shalt  }
0x4e: {  	_ =	shalt  }
0x4f: {  	_ =	shalt  }
0x50: {  	_ =	shalt  }
0x51: {  	_ =	shalt  }
0x52: {  	_ =	shalt  }
0x53: {  	_ =	shalt  }
0x54: {  	_ =	shalt  }
0x55: {  	_ =	shalt  }
0x56: {  	_ =	shalt  }
0x57: {  	_ =	shalt  }
0x58: {  	_ =	shalt  }
0x59: {  	_ =	shalt  }
0x5a: {  	_ =	shalt  }
0x5b: {  	_ =	shalt  }
0x5c: {  	_ =	shalt  }
0x5d: {  	_ =	shalt  }
0x5e: {  	_ =	shalt  }
0x5f: {  	_ =	shalt  }
0x60: {  	_ =	shalt  }
0x61: {  	_ =	shalt  }
0x62: {  	_ =	shalt  }
0x63: {  	_ =	shalt  }
0x64: {  	_ =	shalt  }
0x65: {  	_ =	shalt  }
0x66: {  	_ =	shalt  }
0x67: {  	_ =	shalt  }
0x68: {  	_ =	shalt  }
0x69: {  	_ =	shalt  }
0x6a: {  	_ =	shalt  }
0x6b: {  	_ =	shalt  }
0x6c: {  	_ =	shalt  }
0x6d: {  	_ =	shalt  }
0x6e: {  	_ =	shalt  }
0x6f: {  	_ =	shalt  }
0x70: {  	_ =	shalt  }
0x71: {  	_ =	shalt  }
0x72: {  	_ =	shalt  }
0x73: {  	_ =	shalt  }
0x74: {  	_ =	shalt  }
0x75: {  	_ =	shalt  }
0x76: {  	_ =	shalt  }
0x77: {  	_ =	shalt  }
0x78: {  	_ =	shalt  }
0x79: {  	_ =	shalt  }
0x7a: {  	_ =	shalt  }
0x7b: {  	_ =	shalt  }
0x7c: {  	_ =	shalt  }
0x7d: {  	_ =	shalt  }
0x7e: {  	_ =	shalt  }
0x7f: {  	_ =	shalt  }
0x80: {  	_ =	shalt  }
0x81: {  	_ =	shalt  }
0x82: {  	_ =	shalt  }
0x83: {  	_ =	shalt  }
0x84: {  	_ =	shalt  }
0x85: {  	_ =	shalt  }
0x86: {  	_ =	shalt  }
0x87: {  	_ =	shalt  }
.Lfunc_end0:
.L_simem_size_0:
called_computation_lowered:
.L_overlay_start_0:
0x88: {  	s2 =	sld [smem:$0x3FD9]  }
0x89: {  	s3 =	sld [smem:$0x3FFE];
	_ =	sdelay $0x1  }
0x8a: {  	s1 =	srdreg.scid  }
0x8b: {  	s0 =	sand.u32 $0x1, s1  }
0x8c: {  	s16 =	sshll.u32 s0, $0xA;
	s2 =	sadd.s32 s3, s2  }
0x8d: {  	s2 =	sadd.s32 s2, s16  }
0x8e: {  	[smem:$0x3FB9] =	sst s2  }
0x8f: {  	_ = 	snop  }
0x90: {  	(tm) =	ssettm $0x1  }
0x91: {  	s17 =	sld [smem:$0x3FFB];
	_ =	sdelay $0x3  }
0x92: {  	_ =	strace s17  }
0x93: {  	s2 =	sld [smem:$0x3FFC];
	_ =	sdelay $0x3  }
0x94: {  	_ =	strace s2  }
0x95: {  	s2 =	sld [smem:$0x3FFD];
	_ =	sdelay $0x3  }
0x96: {  	_ =	strace s2  }
0x97: {  	_ =	strace $0x8FFFFFFF  }
0x98: {  	s18 =	sld [smem:$0x3FDB];
	_ =	sdelay $0x1  }
0x99: {  	s19 =	simm.s32 $_scs_section_size  }
0x9a: {  	s4 =	simm.s32 $_size__tile_overlayer_lowered;
	s5 =	simm.s32 $_tile_overlayer_lowered  }
0x9b: {  	s22 =	simm.s32 $0x1BFF;
	s21 =	sshll.u32 s5, $0x1;
	s2 =	sadd.s32 s19, s18  }
0x9c: {  	s6 =	simm.s32 $0x0;
	s20 =	sshll.u32 s4, $0x1;
	s4 =	sadd.s32 s21, s2  }
0x9d: {  	[timem:s6], [sflag:s22] =	dma.local [hbm:s4], s20  }
0x9e: {  	_ =	swait.ge [sflag:s22], s20  }
0x9f: {  	s3 =	ssub.s32 $0x0, s20;
	[sflag:s22] =	ssyncset.done $0x0  }
0xa0: {  	[sflag:s22] =	ssyncadd.s32 s3;
	_ =	sdelay $0x1  }
0xa1: {  	s23 =	simm.s32 $0x1B8B  }
0xa2: {  	_ =	swait.ge [sflag:s23], $0x1  }
0xa3: {  	[sflag:s23] =	ssyncset.done $0x0  }
0xa4: {  	s25 =	simm.s32 $0x1B8E;
	s24 =	sld [smem:$0x3FFE];
	[sflag:s23] =	ssyncadd.s32 $0xFFFFFFFF  }
0xa5: {  	s26 =	simm.s32 $execute0_lowered;
	[smem:$0x3FD2] =	sst s25  }
0xa6: {  	s4 =	sshll.u32 s26, $0x1;
	_ =	strace $0x80000046;
	[dreg:$0x1] =	wrdreg $0xFFFFFFFF  }
0xa7: {  	s28 =	simm.s32 $_size_execute0_lowered;
	s2 =	sadd.s32 s2, s4;
	[dreg:$0x0] =	wrdreg $0x0  }
0xa8: {  	s4 =	sshll.u32 s28, $0x1;
	[dreg:$0x2] =	wrdreg s2  }
0xa9: {  	[dreg:$0x3] =	wrdreg s4  }
0xaa: {  	[dreg:$0x4] =	wrdreg $0xC0  }
0xab: {  	_ =	task [dreg:s6], $0x5FFFF  }
0xac: {  	[dreg:$0x1] =	wrdreg $0xFFFFFFFF  }
0xad: {  	[dreg:$0x0] =	wrdreg $0x60  }
0xae: {  	[dreg:$0x2] =	wrdreg s24  }
0xaf: {  	[dreg:$0x3] =	wrdreg $0xA8000  }
0xb0: {  	[dreg:$0x4] =	wrdreg $0x9  }
0xb1: {  	_ =	task.clear_ibuf [dreg:s6], $0x5FFFF;
	_ =	strace $0x90000046  }
0xb2: {  	s29 =	simm.s32 $0x9;
	_ =	strace $0x80000048  }
0xb3: {  	_ =	swait.ge [sflag:s29], $0x1  }
0xb4: {  	[sflag:s29] =	ssyncadd.s32 $0xFFFFFFFF  }
0xb5: {  	_ =	strace $0x90000048  }
0xb6: {  	_ =	sfence  }
0xb7: {  	s30 =	sld [smem:$0x0];
	_ =	sdelay $0x2  }
0xb8: {  	s31 =	sshll.u32 s1, $0xD;
	s1 =	sshrl.u32 s1, $0x2  }
0xb9: {  	s3 =	sand.u32 $0x4000, s31;
	s1 =	sadd.s32 s1, s30  }
0xba: {  	s0 =	sor.u32 s3, s0;
	s1 =	sshll.u32 s1, $0x11  }
0xbb: {  	s0 =	sor.u32 s1, s0  }
0xbc: {  	s0 =	sadd.s32 $0x8F2B, s0  }
0xbd: {  	[sflag:s0] =	ssyncadd.remote.s32 $0x1  }
0xbe: {  	_ =	sfence.sel $0xFFFF  }
0xbf: {  	[dreg:$0x0] =	wrdreg $0xFFFFFFFF;
	(pc) =	sbr.abs _section_cstart, $3  }
0xc0: {  	[dreg:$0x1] =	wrdreg $0xFFFFFFFF  }
0xc1: {  	_ =	task.clear_ibuf [dreg:s6], $0x2FFFF;
	_ =	strace $0x9FFFFFFF  }
0xc2: {  	(tm) =	ssettm $0x7FFFFFFF  }
0xc3: {  	_ =	shalt  }
tec
execute0_lowered:
.L_overlay_start_1:
0x0: {  	(tag) =	ssettag $0x1  }
0x1: {  	s0 =	srdreg.scid;
	s5 =	rddreg [dreg:$0x0]  }
0x2: {  	s2 =	rddreg [dreg:$0x1];
	s3 =	simm.s32 $0x0;
	s4 =	sand.u32 $0x1, s0  }
0x3: {  	s13 =	simm.s32 $0x1;
	s0 =	stileid.u32;
	s7 =	smul.u32 $0x13C000, s4  }
0x4: {  	s14 =	simm.s32 $0x80;
	s15 =	simm.s32 $0x2800;
	s8 =	smul.u32 $0x13C00, s0  }
0x5: {  	[smem:$0x7FF] =	sst s3;
	s1 =	sshll.u32 s4, $0x4;
	s9 =	smul.u32 $0x4F000, s0  }
0x6: {  	s29 =	ssub.s32 $0x2, s4;
	s16 =	sshll.u32 s0, $0x6;
	s1 =	sor.u32 s0, s1  }
0x7: {  	s31 =	sshrl.u32 s29, $0x1;
	s16 =	sor.u32 $0x1C01, s16;
	s6 =	smul.u32 $0x500, s1  }
0x8: {  	s1 =	rddreg [dreg:$0x2];
	_ =	strace $0x80000047;
	s30 =	sshrl.u32 s9, $0x2  }
0x9: {  	s28 =	sadd.s32 s8, s7;
	s12 =	ssub.s32 s29, s31;
	s4 =	sadd.s32 s30, s2  }
0xa: {  	s10 =	sadd.s32 s6, s5;
	s6 =	sshrl.u32 s28, $0x3;
	s7 =	sadd.s32 $0xC000, s4  }
0xb: {  	s8 =	sadd.s32 $0x10000, s4;
	s17 =	sshrl.u32 s4, $0x3;
	s11 =	sadd.s32 s6, s5  }
0xc: {  	s5 =	sadd.s32 $0x4000, s4;
	s6 =	sadd.s32 $0x8000, s4;
	s9 =	sadd.s32 $0x8600, s10  }
0xd: {  	v0 =	vimm.f32 $1.000000000e+00;
	v1 =	vimm.f32 $0.0e+00;
	s10 =	sadd.s32 $0x12E00, s11;
	s11 =	smax.u32 s12, $0x1;
	s12 =	simm.s32 $0x6800  }
.LBB2_1:
0xe: {  	s18 =	simm.s32 $0x0  }
.LBB2_2:
0xf: {  	p0 =	sne.s32 s18, $0xFE00  }
.Ltmp0:
0x10: {  	_ = 	snop;
	(pc) =	sbr.rel @p0 .LBB2_2-.Ltmp0, $3  }
0x11: {  	_ =	sdelay $0x1  }
0x12: {  	s19 =	sshra.s32 s18, $0x2  }
0x13: {  	s18 =	sadd.s32 $0x200, s18;
	[tilespmem:s19+$0x2800] =	vst v0  }
0x14: {  	s18 =	simm.s32 $0x200;
	s19 =	simm.s32 $0x0  }
.LBB2_4:
0x15: {  	p0 =	sne.s32 s18, $0xFE00;
	[tilespmem:s19+$0x6800] =	vst v1;
	s19 =	smov.u32 s18;
	s18 =	sadd.s32 $0x200, s18  }
.Ltmp1:
0x16: {  	(pc) =	sbr.rel @p0 .LBB2_4-.Ltmp1, $2  }
0x17: {  	_ =	sdelay $0x2  }
0x18: {  	s19 =	sshra.s32 s19, $0x2  }
0x19: {  	[tilespmem:s19+$0x6800] =	vst v1  }
0x1a: {  	[spmem:s4] =	stream.linear.scatter [tilespmem:s12], [sflag:$0x1], $0x4000, $0x38;
	[tilespmem:$0xCF80] =	vst v63  }
0x1b: {  	_ =	swait.ge [sflag:s13], $0x4000  }
0x1c: {  	[sflag:s13] =	ssyncset.done $0x0  }
0x1d: {  	[sflag:s13] =	ssyncadd.s32 $0xFFFFC000  }
0x1e: {  	[spmem:s5] =	stream.linear.scatter [tilespmem:s12], [sflag:$0x1], $0x4000, $0x38;
	[tilespmem:$0xCF80] =	vst v63  }
0x1f: {  	_ =	swait.ge [sflag:s13], $0x4000  }
0x20: {  	[sflag:s13] =	ssyncset.done $0x0  }
0x21: {  	[sflag:s13] =	ssyncadd.s32 $0xFFFFC000  }
0x22: {  	[spmem:s6] =	stream.linear.scatter [tilespmem:s12], [sflag:$0x1], $0x4000, $0x38;
	[tilespmem:$0xCF80] =	vst v63  }
0x23: {  	_ =	swait.ge [sflag:s13], $0x4000  }
0x24: {  	[sflag:s13] =	ssyncset.done $0x0  }
0x25: {  	[sflag:s13] =	ssyncadd.s32 $0xFFFFC000  }
0x26: {  	[spmem:s7] =	stream.linear.scatter [tilespmem:s12], [sflag:$0x1], $0x4000, $0x38;
	[tilespmem:$0xCF80] =	vst v63  }
0x27: {  	_ =	swait.ge [sflag:s13], $0x4000  }
0x28: {  	[sflag:s13] =	ssyncset.done $0x0  }
0x29: {  	[sflag:s13] =	ssyncadd.s32 $0xFFFFC000  }
0x2a: {  	[spmem:s8] =	stream.linear.scatter [tilespmem:s12], [sflag:$0x1], $0x3C00, $0x38;
	[tilespmem:$0xCF80] =	vst v63  }
0x2b: {  	_ =	swait.ge [sflag:s13], $0x3C00  }
0x2c: {  	[sflag:s13] =	ssyncset.done $0x0  }
0x2d: {  	[sflag:s13] =	ssyncadd.s32 $0xFFFFC400  }
0x2e: {  	s18 =	simm.s32 $0x0;
	[bflag:$0x0] =	sbarrier.arrive $0xFFFF  }
0x2f: {  	[tilespmem:s18], [sflag:$0x1] =	stream.linear.gather [hbm4b:s9+s18], $0x2800, $0x38;
	[tilespmem:$0xCF80] =	vst v63  }
0x30: {  	_ =	swait.ge [sflag:s13], $0x2800  }
0x31: {  	[sflag:s13] =	ssyncset.done $0x0  }
0x32: {  	s31 =	simm.s32 $0x0;
	[sflag:s13] =	ssyncadd.s32 $0xFFFFD800  }
0x33: {  	[spmem:s2] =	stream.indirect.scatter.add.f32 [tilespmem:s15], [sflag:$0x1], $0x10, s31, s14, $0xb8;
	[tilespmem:$0xCF80] =	vst v63  }
0x34: {  	_ =	swait.ge [sflag:s13], $0x800  }
0x35: {  	s18 =	simm.s32 $0x200;
	[sflag:s13] =	ssyncset.done $0x0  }
.LBB2_6:
0x36: {  	s19 =	sshra.s32 s18, $0x2;
	[sflag:s13] =	ssyncadd.s32 $0xFFFFF800;
	p0 =	sne.s32 s18, $0x9E00  }
0x37: {  	[spmem:s2] =	stream.indirect.scatter.add.f32 [tilespmem:s15], [sflag:$0x1], $0x10, s19, s14, $0xb8;
	[tilespmem:$0xCF80] =	vst v63  }
.Ltmp2:
0x38: {  	_ = 	snop;
	(pc) =	sbr.rel @p0 .LBB2_6-.Ltmp2, $4  }
0x39: {  	_ = 	snop  }
0x3a: {  	s18 =	sadd.s32 $0x200, s18  }
0x3b: {  	_ =	swait.ge [sflag:s13], $0x800  }
0x3c: {  	[sflag:s13] =	ssyncset.done $0x0  }
0x3d: {  	s3 =	sadd.s32 $0x1, s3  }
0x3e: {  	[sflag:s13] =	ssyncadd.s32 $0xFFFFF800;
	p0 =	sne.s32 s3, s11  }
.Ltmp3:
0x3f: {  	[bflag:$0x0] =	sbarrier.arrive $0xFFFF;
	(pc) =	sbr.rel @p0 .LBB2_1-.Ltmp3, $4  }
0x40: {  	[hbm:s10], [sflag:s16] =	dma.local [spmem:s17], $0x2780  }
0x41: {  	_ =	swait.ge [sflag:s13], $0x2780  }
0x42: {  	[sflag:s13] =	ssyncset.done $0x0  }
0x43: {  	[sflag:s13] =	ssyncadd.s32 $0xFFFFD880  }
0x44: {  	_ =	sfence.sel $0x180000  }
0x45: {  	[bflag:$0x0] =	sbarrier.arrive $0xFFFF  }
0x46: {  	p0 =	sne.s32 s0, $0x0;
	_ =	strace $0x90000047  }
0x47: {  	s0 =	sadd.s32 @!p0 $0x100000, s1;
	[bflag:$0x2] =	sbarrier.arrive $0xFFFF  }
0x48: {  	[sflag:s0] =	ssyncadd.tile.s32 @!p0 $0x1;
	_ =	shalt  }
.Lfunc_end2:
_tile_overlayer_lowered:
.L_overlay_start_2:
0x49: {  	(tag) =	ssettag $0x2  }
0x4a: {  	s0 =	rddreg [dreg:$0x0];
	s2 =	stileid.u32  }
0x4b: {  	s1 =	rddreg [dreg:$0x1];
	p0 =	sne.s32 s2, $0x0  }
0x4c: {  	s3 =	rddreg [dreg:$0x2];
	[bflag:$0x3] =	sbarrier.arrive $0xFFFF;
	s2 =	simm.s32 @!p0 $0x1C01  }
0x4d: {  	[timem:s3], [sflag:s2] =	dma.local @!p0 [hbm:s0], s1  }
0x4e: {  	s0 =	simm.s32 @!p0 $0x1  }
0x4f: {  	_ =	swait.ge @!p0 [sflag:s0], s1  }
0x50: {  	s1 =	ssub.s32 @!p0 $0x0, s1;
	[sflag:s0] =	ssyncset.done @!p0 $0x0  }
0x51: {  	[sflag:s0] =	ssyncadd.s32 @!p0 s1  }
0x52: {  	[bflag:$0x3] =	sbarrier.arrive $0xFFFF  }
0x53: {  	_ =	shalt  }

// kernel: kernel.18.cloned.1.call-start
scs
__scs_entry_jumppad:
0x0: {  	(pc) =	sbr.rel $0x88, $3  }
0x1: {  	(tag) =	ssettag $0x0;
	lr =	simm.s32 $0x1  }
0x2: {  	[smem:$0x3F92] =	sst lr;
	_ =	strace $0xD0000000  }
0x3: {  	_ = 	snop  }
0x4: {  	_ = 	snop  }
0x5: {  	_ = 	snop  }
0x6: {  	_ = 	snop  }
0x7: {  	_ = 	snop  }
__scs_overlays_trampoline_lowered:
0x8: {  	[smem:$0x3FA1] =	sst s0  }
0x9: {  	[smem:$0x3FA2] =	sst s1  }
0xa: {  	[smem:$0x3FA3] =	sst s2  }
0xb: {  	[smem:$0x3FA4] =	sst s3  }
0xc: {  	[smem:$0x3FA5] =	sst s4  }
0xd: {  	[smem:$0x3FA6] =	sst s5  }
0xe: {  	[smem:$0x3FA7] =	sst s6  }
0xf: {  	[smem:$0x3FA8] =	sst s7  }
0x10: {  	[smem:$0x3FA9] =	sst s8  }
0x11: {  	[smem:$0x3FAA] =	sst s9;
	s0 =	simm.s32 @!p0 $0x0  }
0x12: {  	s1 =	sld [smem:$0x3F90];
	s0 =	simm.s32 @p0 $0x1  }
0x13: {  	[smem:$0x3FAB] =	sst s0;
	s0 =	simm.s32 @!p1 $0x0  }
0x14: {  	s2 =	sld [smem:$0x3F8F];
	s0 =	simm.s32 @p1 $0x1  }
0x15: {  	[smem:$0x3FAC] =	sst s0;
	s0 =	simm.s32 @!p2 $0x0  }
0x16: {  	s3 =	sld [smem:$0x3FDB];
	s0 =	simm.s32 @p2 $0x1  }
0x17: {  	s4 =	simm.s32 $0x1BF5;
	[smem:$0x3FAE] =	sst s0  }
0x18: {  	s0 =	sld [smem:$0x3F91];
	_ =	swait.ge [sflag:s4], $0x0  }
0x19: {  	s7 =	sld [smem:$0x3F92]  }
0x1a: {  	s8 =	sadd.s32 $0xFFFFE003, lr  }
0x1b: {  	s9 =	sadd.s32 $0xFFFFFEF7, lr;
	s5 =	simm.s32 $0xFFFFFFFF;
	p2 =	slt.u32 s8, $0xFFFFF086  }
0x1c: {  	p1 =	slt.u32 s9, $0xF7A;
	s5 =	simm.s32 @!p2 $0x0  }
0x1d: {  	s5 =	simm.s32 @p1 $0x1;
	p0 =	seq.s32 s7, s2  }
0x1e: {  	s7 =	smul.u32 @!p0 $0xF7A, s2;
	p2 =	seq.s32 @!p0 s5, $0x0  }
0x1f: {  	s9 =	smul.u32 $0xF7A, s1;
	s8 =	simm.s32 @!p0 $0x1BF5;
	p2 =	por !p2, p0  }
0x20: {  	[sflag:s8] =	ssyncset.s32 @!p0 $0xFFFFF086;
	s6 =	sadd.s32 @!p0 s3, s7;
	s7 =	simm.s32 @!p0 $0x108  }
0x21: {  	s3 =	sadd.s32 s3, s9;
	s6 =	sadd.s32 @!p0 $0x88, s6;
	s7 =	simm.s32 @p2 $0x1082  }
0x22: {  	[simem:s7], [sflag:s8] =	dma.local @!p0 [hbm:s6], $0xF7A  }
0x23: {  	s9 =	sor.u32 $0xD0000000, s2;
	s6 =	simm.s32 $0x108;
	_ =	swait.ge @!p0 [sflag:s8], $0x0  }
0x24: {  	s3 =	sadd.s32 $0x88, s3;
	s6 =	simm.s32 @!p1 $0x1082;
	[sflag:s4] =	ssyncset.s32 $0xFFFFF086  }
0x25: {  	[simem:s6], [sflag:s4] =	dma.local [hbm:s3], $0xF7A  }
0x26: {  	[smem:$0x3F92] =	sst s1;
	(tag) =	ssettag s2;
	_ =	strace s9  }
0x27: {  	s1 =	sld [smem:$0x3FA2]  }
0x28: {  	s2 =	sld [smem:$0x3FA3]  }
0x29: {  	s4 =	sld [smem:$0x3FA5]  }
0x2a: {  	p0 =	seq.s32 s5, $0x0;
	s5 =	sld [smem:$0x3FA6]  }
0x2b: {  	s6 =	sld [smem:$0x3FA7]  }
0x2c: {  	s7 =	sld [smem:$0x3FA8]  }
0x2d: {  	s3 =	simm.s32 $0x108;
	s8 =	sld [smem:$0x3FA9]  }
0x2e: {  	s3 =	simm.s32 @!p0 $0x1082;
	s9 =	sld [smem:$0x3FAA]  }
0x2f: {  	lr =	sadd.s32 s0, s3;
	s0 =	sld [smem:$0x3FA1]  }
0x30: {  	s3 =	sld [smem:$0x3FA4]  }
0x31: {  	[smem:$0x3FAD] =	sst s10  }
0x32: {  	s10 =	sld [smem:$0x3FAB];
	_ =	sdelay $0x3  }
0x33: {  	p0 =	seq.s32 s10, $0x1;
	s10 =	sld [smem:$0x3FAD];
	_ =	sdelay $0x3  }
0x34: {  	[smem:$0x3FAD] =	sst s10  }
0x35: {  	s10 =	sld [smem:$0x3FAC];
	_ =	sdelay $0x3  }
0x36: {  	p1 =	seq.s32 s10, $0x1;
	s10 =	sld [smem:$0x3FAD];
	_ =	sdelay $0x3  }
0x37: {  	[smem:$0x3FAD] =	sst s10  }
0x38: {  	s10 =	sld [smem:$0x3FAE]  }
0x39: {  	_ = 	snop;
	(pc) =	sbr.ind lr, $3  }
0x3a: {  	_ = 	snop  }
0x3b: {  	_ = 	snop  }
0x3c: {  	p2 =	seq.s32 s10, $0x1;
	s10 =	sld [smem:$0x3FAD]  }
0x3d: {  	_ =	shalt  }
0x3e: {  	_ =	shalt  }
0x3f: {  	_ =	shalt  }
0x40: {  	_ =	shalt  }
0x41: {  	_ =	shalt  }
0x42: {  	_ =	shalt  }
0x43: {  	_ =	shalt  }
0x44: {  	_ =	shalt  }
0x45: {  	_ =	shalt  }
0x46: {  	_ =	shalt  }
0x47: {  	_ =	shalt  }
0x48: {  	_ =	shalt  }
0x49: {  	_ =	shalt  }
0x4a: {  	_ =	shalt  }
0x4b: {  	_ =	shalt  }
0x4c: {  	_ =	shalt  }
0x4d: {  	_ =	shalt  }
0x4e: {  	_ =	shalt  }
0x4f: {  	_ =	shalt  }
0x50: {  	_ =	shalt  }
0x51: {  	_ =	shalt  }
0x52: {  	_ =	shalt  }
0x53: {  	_ =	shalt  }
0x54: {  	_ =	shalt  }
0x55: {  	_ =	shalt  }
0x56: {  	_ =	shalt  }
0x57: {  	_ =	shalt  }
0x58: {  	_ =	shalt  }
0x59: {  	_ =	shalt  }
0x5a: {  	_ =	shalt  }
0x5b: {  	_ =	shalt  }
0x5c: {  	_ =	shalt  }
0x5d: {  	_ =	shalt  }
0x5e: {  	_ =	shalt  }
0x5f: {  	_ =	shalt  }
0x60: {  	_ =	shalt  }
0x61: {  	_ =	shalt  }
0x62: {  	_ =	shalt  }
0x63: {  	_ =	shalt  }
0x64: {  	_ =	shalt  }
0x65: {  	_ =	shalt  }
0x66: {  	_ =	shalt  }
0x67: {  	_ =	shalt  }
0x68: {  	_ =	shalt  }
0x69: {  	_ =	shalt  }
0x6a: {  	_ =	shalt  }
0x6b: {  	_ =	shalt  }
0x6c: {  	_ =	shalt  }
0x6d: {  	_ =	shalt  }
0x6e: {  	_ =	shalt  }
0x6f: {  	_ =	shalt  }
0x70: {  	_ =	shalt  }
0x71: {  	_ =	shalt  }
0x72: {  	_ =	shalt  }
0x73: {  	_ =	shalt  }
0x74: {  	_ =	shalt  }
0x75: {  	_ =	shalt  }
0x76: {  	_ =	shalt  }
0x77: {  	_ =	shalt  }
0x78: {  	_ =	shalt  }
0x79: {  	_ =	shalt  }
0x7a: {  	_ =	shalt  }
0x7b: {  	_ =	shalt  }
0x7c: {  	_ =	shalt  }
0x7d: {  	_ =	shalt  }
0x7e: {  	_ =	shalt  }
0x7f: {  	_ =	shalt  }
0x80: {  	_ =	shalt  }
0x81: {  	_ =	shalt  }
0x82: {  	_ =	shalt  }
0x83: {  	_ =	shalt  }
0x84: {  	_ =	shalt  }
0x85: {  	_ =	shalt  }
0x86: {  	_ =	shalt  }
0x87: {  	_ =	shalt  }
.Lfunc_end0:
.L_simem_size_0:
called_computation.1_lowered:
.L_overlay_start_0:
0x88: {  	s2 =	sld [smem:$0x3FD9]  }
0x89: {  	s3 =	sld [smem:$0x3FFE];
	_ =	sdelay $0x1  }
0x8a: {  	s1 =	srdreg.scid  }
0x8b: {  	s0 =	sand.u32 $0x1, s1  }
0x8c: {  	s16 =	sshll.u32 s0, $0xA;
	s2 =	sadd.s32 s3, s2  }
0x8d: {  	s2 =	sadd.s32 s2, s16  }
0x8e: {  	[smem:$0x3FB9] =	sst s2  }
0x8f: {  	_ = 	snop  }
0x90: {  	(tm) =	ssettm $0x1  }
0x91: {  	s17 =	sld [smem:$0x3FFB];
	_ =	sdelay $0x3  }
0x92: {  	_ =	strace s17  }
0x93: {  	s2 =	sld [smem:$0x3FFC];
	_ =	sdelay $0x3  }
0x94: {  	_ =	strace s2  }
0x95: {  	s2 =	sld [smem:$0x3FFD];
	_ =	sdelay $0x3  }
0x96: {  	_ =	strace s2  }
0x97: {  	_ =	strace $0x8FFFFFFF  }
0x98: {  	s18 =	sld [smem:$0x3FDB];
	_ =	sdelay $0x1  }
0x99: {  	s19 =	simm.s32 $_scs_section_size  }
0x9a: {  	s4 =	simm.s32 $_size__tile_overlayer_lowered;
	s5 =	simm.s32 $_tile_overlayer_lowered  }
0x9b: {  	s22 =	simm.s32 $0x1BFF;
	s21 =	sshll.u32 s5, $0x1;
	s2 =	sadd.s32 s19, s18  }
0x9c: {  	s6 =	simm.s32 $0x0;
	s20 =	sshll.u32 s4, $0x1;
	s4 =	sadd.s32 s21, s2  }
0x9d: {  	[timem:s6], [sflag:s22] =	dma.local [hbm:s4], s20  }
0x9e: {  	_ =	swait.ge [sflag:s22], s20  }
0x9f: {  	s3 =	ssub.s32 $0x0, s20;
	[sflag:s22] =	ssyncset.done $0x0  }
0xa0: {  	[sflag:s22] =	ssyncadd.s32 s3;
	_ =	sdelay $0x1  }
0xa1: {  	s23 =	simm.s32 $0x1B8B  }
0xa2: {  	_ =	swait.ge [sflag:s23], $0x1  }
0xa3: {  	[sflag:s23] =	ssyncset.done $0x0  }
0xa4: {  	s25 =	simm.s32 $0x1B8E;
	s24 =	sld [smem:$0x3FFE];
	[sflag:s23] =	ssyncadd.s32 $0xFFFFFFFF  }
0xa5: {  	s26 =	simm.s32 $execute0_lowered;
	[smem:$0x3FD2] =	sst s25  }
0xa6: {  	s4 =	sshll.u32 s26, $0x1;
	_ =	strace $0x80000049;
	[dreg:$0x1] =	wrdreg $0xFFFFFFFF  }
0xa7: {  	s28 =	simm.s32 $_size_execute0_lowered;
	s2 =	sadd.s32 s2, s4;
	[dreg:$0x0] =	wrdreg $0x0  }
0xa8: {  	s4 =	sshll.u32 s28, $0x1;
	[dreg:$0x2] =	wrdreg s2  }
0xa9: {  	[dreg:$0x3] =	wrdreg s4  }
0xaa: {  	[dreg:$0x4] =	wrdreg $0xC0  }
0xab: {  	_ =	task [dreg:s6], $0x5FFFF  }
0xac: {  	[dreg:$0x1] =	wrdreg $0xFFFFFFFF  }
0xad: {  	[dreg:$0x0] =	wrdreg $0x60  }
0xae: {  	[dreg:$0x2] =	wrdreg s24  }
0xaf: {  	[dreg:$0x3] =	wrdreg $0xB8000  }
0xb0: {  	[dreg:$0x4] =	wrdreg $0x9  }
0xb1: {  	_ =	task.clear_ibuf [dreg:s6], $0x5FFFF;
	_ =	strace $0x90000049  }
0xb2: {  	s29 =	simm.s32 $0x9;
	_ =	strace $0x8000004B  }
0xb3: {  	_ =	swait.ge [sflag:s29], $0x1  }
0xb4: {  	[sflag:s29] =	ssyncadd.s32 $0xFFFFFFFF  }
0xb5: {  	_ =	strace $0x9000004B  }
0xb6: {  	_ =	sfence  }
0xb7: {  	s30 =	sld [smem:$0x0];
	_ =	sdelay $0x2  }
0xb8: {  	s31 =	sshll.u32 s1, $0xD;
	s1 =	sshrl.u32 s1, $0x2  }
0xb9: {  	s3 =	sand.u32 $0x4000, s31;
	s1 =	sadd.s32 s1, s30  }
0xba: {  	s0 =	sor.u32 s3, s0;
	s1 =	sshll.u32 s1, $0x11  }
0xbb: {  	s0 =	sor.u32 s1, s0  }
0xbc: {  	s0 =	sadd.s32 $0x8F2B, s0  }
0xbd: {  	[sflag:s0] =	ssyncadd.remote.s32 $0x1  }
0xbe: {  	_ =	sfence.sel $0xFFFF  }
0xbf: {  	[dreg:$0x0] =	wrdreg $0xFFFFFFFF;
	(pc) =	sbr.abs _section_cstart, $3  }
0xc0: {  	[dreg:$0x1] =	wrdreg $0xFFFFFFFF  }
0xc1: {  	_ =	task.clear_ibuf [dreg:s6], $0x2FFFF;
	_ =	strace $0x9FFFFFFF  }
0xc2: {  	(tm) =	ssettm $0x7FFFFFFF  }
0xc3: {  	_ =	shalt  }
tec
execute0_lowered:
.L_overlay_start_1:
0x0: {  	(tag) =	ssettag $0x1  }
0x1: {  	s5 =	rddreg [dreg:$0x0]  }
0x2: {  	s1 =	rddreg [dreg:$0x1]  }
0x3: {  	s2 =	srdreg.scid;
	s0 =	rddreg [dreg:$0x2];
	s3 =	simm.s32 $0x0  }
0x4: {  	s18 =	simm.s32 $0x3C00;
	s19 =	simm.s32 $0x80;
	s10 =	sand.u32 $0x1, s2  }
0x5: {  	s20 =	simm.s32 $0x1;
	s2 =	stileid.u32;
	s6 =	smul.u32 $0x13C000, s10  }
0x6: {  	[smem:$0x7FF] =	sst s3;
	s4 =	sadd.s32 $0x12E00, s5;
	s7 =	smul.u32 $0x13C00, s2  }
0x7: {  	s12 =	sadd.s32 $0x61E00, s5;
	s13 =	sadd.s32 $0x8600, s5;
	s8 =	smul.u32 $0x4F000, s2  }
0x8: {  	_ =	strace $0x8000004A;
	s29 =	ssub.s32 $0x2, s10;
	s11 =	smul.u32 $0x1400, s2  }
0x9: {  	s16 =	smul.u32 $0x780, s2;
	p0 =	seq.s32 s10, $0x1;
	s30 =	sshrl.u32 s29, $0x1  }
0xa: {  	s6 =	sadd.s32 s7, s6;
	s8 =	sshrl.u32 s8, $0x2;
	s15 =	ssub.s32 s29, s30  }
0xb: {  	s17 =	sshrl.u32 s11, $0x3;
	s10 =	sadd.s32 s12, s16;
	s11 =	sadd.s32 s13, s16  }
.Ltmp0:
0xc: {  	s16 =	simm.s32 $0x7800;
	s6 =	sshrl.u32 s6, $0x3;
	(pc) =	sbr.rel .LBB2_1-.Ltmp0, $4  }
0xd: {  	s31 =	sadd.s32 $0x7800, s17;
	s15 =	smax.u32 s15, $0x1;
	s17 =	simm.s32 $0x2  }
0xe: {  	s14 =	sadd.s32 s6, s5;
	s5 =	sadd.s32 s8, s1;
	s12 =	sadd.s32 s12, s31  }
0xf: {  	s13 =	sadd.s32 s13, s31;
	s6 =	sadd.s32 $0x4000, s5;
	s7 =	sadd.s32 $0x8000, s5  }
0x10: {  	v0 =	vimm.f32 $0.0e+00;
	s8 =	sadd.s32 $0xC000, s5;
	s9 =	sadd.s32 $0x10000, s5;
	s14 =	sadd.s32 $0x6C600, s14  }
.LBB2_6:
0x11: {  	s21 =	sshra.s32 s21, $0x2;
	[sflag:s17] =	ssyncadd.s32 $0xFFFFC000  }
0x12: {  	[tilespmem:s16], [sflag:$0x1] =	stream.indirect.gather [hbm4b:s4+s19], $0x80, s21, s19, $0xb8;
	[tilespmem:$0x1F400] =	vst v63  }
0x13: {  	_ =	swait.ge [sflag:s20], $0x4000  }
0x14: {  	[sflag:s20] =	ssyncset.done $0x0  }
0x15: {  	s21 =	sadd.s32 $0x3C00, s21;
	[sflag:s20] =	ssyncadd.s32 $0xFFFFC000  }
0x16: {  	[spmem:s1] =	stream.indirect.scatter.add.f32 [tilespmem:s16], [sflag:$0x2], $0x80, s21, s19, $0xb8;
	[tilespmem:$0x1F400] =	vst v63  }
0x17: {  	_ =	swait.ge [sflag:s17], $0x4000  }
0x18: {  	[sflag:s17] =	ssyncset.done $0x0  }
0x19: {  	[sflag:s17] =	ssyncadd.s32 $0xFFFFC000  }
.LBB2_10:
0x1a: {  	s3 =	sadd.s32 $0x1, s3  }
0x1b: {  	s21 =	sshll.u32 s2, $0x6;
	[bflag:$0x0] =	sbarrier.arrive $0xFFFF;
	p1 =	sne.s32 s3, s15  }
.Ltmp1:
0x1c: {  	s22 =	sshrl.u32 s5, $0x3;
	s21 =	sor.u32 $0x1C02, s21;
	(pc) =	sbr.rel @!p1 .LBB2_11-.Ltmp1, $4  }
0x1d: {  	[hbm:s14], [sflag:s21] =	dma.local [spmem:s22], $0x2780  }
0x1e: {  	_ =	swait.ge [sflag:s17], $0x2780  }
0x1f: {  	[sflag:s17] =	ssyncset.done $0x0  }
0x20: {  	[sflag:s17] =	ssyncadd.s32 $0xFFFFD880  }
.LBB2_1:
0x21: {  	s21 =	simm.s32 $0x0;
	s22 =	simm.s32 $0x200  }
.LBB2_2:
0x22: {  	p1 =	sne.s32 s22, $0xFE00;
	[tilespmem:s21+$0x7870] =	vst v0  }
0x23: {  	[tilespmem:s21+$0x7800] =	vst v0  }
0x24: {  	[tilespmem:s21+$0x7810] =	vst v0  }
.Ltmp2:
0x25: {  	[tilespmem:s21+$0x7820] =	vst v0;
	(pc) =	sbr.rel @p1 .LBB2_2-.Ltmp2, $4  }
0x26: {  	[tilespmem:s21+$0x7830] =	vst v0  }
0x27: {  	[tilespmem:s21+$0x7840] =	vst v0  }
0x28: {  	[tilespmem:s21+$0x7850] =	vst v0  }
0x29: {  	[tilespmem:s21+$0x7860] =	vst v0;
	s21 =	sshra.s32 s22, $0x2;
	s22 =	sadd.s32 $0x200, s22  }
0x2a: {  	[tilespmem:s21+$0x7870] =	vst v0  }
0x2b: {  	[tilespmem:s21+$0x7800] =	vst v0  }
0x2c: {  	[tilespmem:s21+$0x7810] =	vst v0  }
0x2d: {  	[tilespmem:s21+$0x7820] =	vst v0  }
0x2e: {  	[tilespmem:s21+$0x7830] =	vst v0  }
0x2f: {  	[tilespmem:s21+$0x7840] =	vst v0  }
0x30: {  	[tilespmem:s21+$0x7850] =	vst v0  }
0x31: {  	[tilespmem:s21+$0x7860] =	vst v0  }
0x32: {  	[spmem:s5] =	stream.linear.scatter [tilespmem:s16], [sflag:$0x2], $0x4000, $0x38;
	[tilespmem:$0x1F400] =	vst v63  }
0x33: {  	_ =	swait.ge [sflag:s17], $0x4000  }
0x34: {  	[sflag:s17] =	ssyncset.done $0x0  }
0x35: {  	[sflag:s17] =	ssyncadd.s32 $0xFFFFC000  }
0x36: {  	[spmem:s6] =	stream.linear.scatter [tilespmem:s16], [sflag:$0x2], $0x4000, $0x38;
	[tilespmem:$0x1F400] =	vst v63  }
0x37: {  	_ =	swait.ge [sflag:s17], $0x4000  }
0x38: {  	[sflag:s17] =	ssyncset.done $0x0  }
0x39: {  	[sflag:s17] =	ssyncadd.s32 $0xFFFFC000  }
0x3a: {  	[spmem:s7] =	stream.linear.scatter [tilespmem:s16], [sflag:$0x2], $0x4000, $0x38;
	[tilespmem:$0x1F400] =	vst v63  }
0x3b: {  	_ =	swait.ge [sflag:s17], $0x4000  }
0x3c: {  	[sflag:s17] =	ssyncset.done $0x0  }
0x3d: {  	[sflag:s17] =	ssyncadd.s32 $0xFFFFC000  }
0x3e: {  	[spmem:s8] =	stream.linear.scatter [tilespmem:s16], [sflag:$0x2], $0x4000, $0x38;
	[tilespmem:$0x1F400] =	vst v63  }
0x3f: {  	_ =	swait.ge [sflag:s17], $0x4000  }
0x40: {  	[sflag:s17] =	ssyncset.done $0x0  }
0x41: {  	[sflag:s17] =	ssyncadd.s32 $0xFFFFC000  }
0x42: {  	[spmem:s9] =	stream.linear.scatter [tilespmem:s16], [sflag:$0x2], $0x3C00, $0x38;
	[tilespmem:$0x1F400] =	vst v63  }
.Ltmp3:
0x43: {  	_ =	swait.ge [sflag:s17], $0x3C00;
	(pc) =	sbr.rel @!p0 .LBB2_4-.Ltmp3, $4  }
0x44: {  	[sflag:s17] =	ssyncset.done $0x0  }
0x45: {  	[sflag:s17] =	ssyncadd.s32 $0xFFFFC400  }
0x46: {  	[bflag:$0x0] =	sbarrier.arrive $0xFFFF  }
0x47: {  	s21 =	simm.s32 $0x0  }
0x48: {  	[tilespmem:s21], [sflag:$0x2] =	stream.linear.gather [hbm4b:s12+s21], $0x1400, $0x38;
	[tilespmem:$0x1F400] =	vst v63  }
0x49: {  	_ =	swait.ge [sflag:s17], $0x1400  }
0x4a: {  	[sflag:s17] =	ssyncset.done $0x0  }
0x4b: {  	[sflag:s17] =	ssyncadd.s32 $0xFFFFEC00  }
0x4c: {  	[tilespmem:s18], [sflag:$0x2] =	stream.linear.gather [hbm4b:s13+s21], $0x1400, $0x38;
	[tilespmem:$0x1F400] =	vst v63  }
0x4d: {  	_ =	swait.ge [sflag:s17], $0x1400  }
0x4e: {  	[sflag:s17] =	ssyncset.done $0x0  }
0x4f: {  	s30 =	simm.s32 $0x0;
	[sflag:s17] =	ssyncadd.s32 $0xFFFFEC00  }
0x50: {  	[tilespmem:s16], [sflag:$0x1] =	stream.indirect.gather [hbm4b:s4+s19], $0x80, s30, s19, $0xb8;
	[tilespmem:$0x1F400] =	vst v63  }
0x51: {  	_ =	swait.ge [sflag:s20], $0x4000  }
0x52: {  	[sflag:s20] =	ssyncset.done $0x0  }
0x53: {  	s31 =	simm.s32 $0x3C00;
	[sflag:s20] =	ssyncadd.s32 $0xFFFFC000  }
0x54: {  	[spmem:s1] =	stream.indirect.scatter.add.f32 [tilespmem:s16], [sflag:$0x2], $0x80, s31, s19, $0xb8;
	[tilespmem:$0x1F400] =	vst v63  }
0x55: {  	_ =	swait.ge [sflag:s17], $0x4000  }
0x56: {  	s22 =	simm.s32 $0x400;
	s21 =	simm.s32 $0x200;
	[sflag:s17] =	ssyncset.done $0x0  }
.LBB2_8:
0x57: {  	s23 =	sshra.s32 s21, $0x2  }
0x58: {  	[sflag:s17] =	ssyncadd.s32 $0xFFFFC000;
	s21 =	smov.u32 s22;
	s24 =	sadd.s32 $0x200, s22  }
0x59: {  	[tilespmem:s16], [sflag:$0x1] =	stream.indirect.gather [hbm4b:s4+s19], $0x80, s23, s19, $0xb8;
	[tilespmem:$0x1F400] =	vst v63  }
0x5a: {  	p1 =	sne.s32 s22, $0x4E00;
	_ =	swait.ge [sflag:s20], $0x4000  }
.Ltmp4:
0x5b: {  	[sflag:s20] =	ssyncset.done $0x0;
	(pc) =	sbr.rel @p1 .LBB2_8-.Ltmp4, $4  }
0x5c: {  	s22 =	sadd.s32 $0x3C00, s23;
	[sflag:s20] =	ssyncadd.s32 $0xFFFFC000  }
0x5d: {  	[spmem:s1] =	stream.indirect.scatter.add.f32 [tilespmem:s16], [sflag:$0x2], $0x80, s22, s19, $0xb8;
	[tilespmem:$0x1F400] =	vst v63  }
0x5e: {  	_ =	swait.ge [sflag:s17], $0x4000  }
0x5f: {  	s22 =	smov.u32 s24;
	[sflag:s17] =	ssyncset.done $0x0  }
0x60: {  	s21 =	sshra.s32 s21, $0x2;
	[sflag:s17] =	ssyncadd.s32 $0xFFFFC000  }
0x61: {  	[tilespmem:s16], [sflag:$0x1] =	stream.indirect.gather [hbm4b:s4+s19], $0x80, s21, s19, $0xb8;
	[tilespmem:$0x1F400] =	vst v63  }
0x62: {  	_ =	swait.ge [sflag:s20], $0x4000  }
0x63: {  	[sflag:s20] =	ssyncset.done $0x0  }
.Ltmp5:
0x64: {  	s21 =	sadd.s32 $0x3C00, s21;
	[sflag:s20] =	ssyncadd.s32 $0xFFFFC000;
	(pc) =	sbr.rel .LBB2_10-.Ltmp5, $4  }
0x65: {  	[spmem:s1] =	stream.indirect.scatter.add.f32 [tilespmem:s16], [sflag:$0x2], $0x80, s21, s19, $0xb8;
	[tilespmem:$0x1F400] =	vst v63  }
0x66: {  	_ =	swait.ge [sflag:s17], $0x4000  }
0x67: {  	[sflag:s17] =	ssyncset.done $0x0  }
0x68: {  	[sflag:s17] =	ssyncadd.s32 $0xFFFFC000  }
.LBB2_4:
0x69: {  	[tilespmem:s21], [sflag:$0x2] =	stream.linear.gather [hbm4b:s10+s21], $0x3C00, $0x38;
	[tilespmem:$0x1F400] =	vst v63  }
0x6a: {  	_ =	swait.ge [sflag:s17], $0x3C00  }
0x6b: {  	[sflag:s17] =	ssyncset.done $0x0  }
0x6c: {  	[sflag:s17] =	ssyncadd.s32 $0xFFFFC400  }
0x6d: {  	[tilespmem:s18], [sflag:$0x2] =	stream.linear.gather [hbm4b:s11+s21], $0x3C00, $0x38;
	[tilespmem:$0x1F400] =	vst v63  }
0x6e: {  	_ =	swait.ge [sflag:s17], $0x3C00  }
0x6f: {  	[sflag:s17] =	ssyncset.done $0x0  }
0x70: {  	s30 =	simm.s32 $0x0;
	[sflag:s17] =	ssyncadd.s32 $0xFFFFC400  }
0x71: {  	[tilespmem:s16], [sflag:$0x1] =	stream.indirect.gather [hbm4b:s4+s19], $0x80, s30, s19, $0xb8;
	[tilespmem:$0x1F400] =	vst v63  }
0x72: {  	_ =	swait.ge [sflag:s20], $0x4000  }
0x73: {  	[sflag:s20] =	ssyncset.done $0x0  }
0x74: {  	s31 =	simm.s32 $0x3C00;
	[sflag:s20] =	ssyncadd.s32 $0xFFFFC000  }
0x75: {  	[spmem:s1] =	stream.indirect.scatter.add.f32 [tilespmem:s16], [sflag:$0x2], $0x80, s31, s19, $0xb8;
	[tilespmem:$0x1F400] =	vst v63  }
0x76: {  	_ =	swait.ge [sflag:s17], $0x4000  }
0x77: {  	s22 =	simm.s32 $0x400;
	s21 =	simm.s32 $0x200;
	[sflag:s17] =	ssyncset.done $0x0  }
.LBB2_5:
0x78: {  	s23 =	sshra.s32 s21, $0x2  }
0x79: {  	[sflag:s17] =	ssyncadd.s32 $0xFFFFC000;
	s21 =	smov.u32 s22;
	s24 =	sadd.s32 $0x200, s22  }
0x7a: {  	[tilespmem:s16], [sflag:$0x1] =	stream.indirect.gather [hbm4b:s4+s19], $0x80, s23, s19, $0xb8;
	[tilespmem:$0x1F400] =	vst v63  }
0x7b: {  	p1 =	seq.s32 s22, $0xEE00;
	_ =	swait.ge [sflag:s20], $0x4000  }
.Ltmp6:
0x7c: {  	[sflag:s20] =	ssyncset.done $0x0;
	(pc) =	sbr.rel @!p1 .LBB2_5-.Ltmp6, $4  }
0x7d: {  	s22 =	sadd.s32 $0x3C00, s23;
	[sflag:s20] =	ssyncadd.s32 $0xFFFFC000  }
0x7e: {  	[spmem:s1] =	stream.indirect.scatter.add.f32 [tilespmem:s16], [sflag:$0x2], $0x80, s22, s19, $0xb8;
	[tilespmem:$0x1F400] =	vst v63  }
0x7f: {  	_ =	swait.ge [sflag:s17], $0x4000  }
0x80: {  	s22 =	smov.u32 s24;
	[sflag:s17] =	ssyncset.done $0x0  }
.Ltmp7:
0x81: {  	_ = 	snop;
	(pc) =	sbr.rel .LBB2_6-.Ltmp7, $1  }
0x82: {  	_ =	sdelay $0x3  }
.LBB2_11:
0x83: {  	_ =	sfence.sel $0x180000  }
0x84: {  	[bflag:$0x0] =	sbarrier.arrive $0xFFFF  }
0x85: {  	p0 =	sne.s32 s2, $0x0;
	_ =	strace $0x9000004A  }
0x86: {  	s0 =	sadd.s32 @!p0 $0x100000, s0;
	[bflag:$0x2] =	sbarrier.arrive $0xFFFF  }
0x87: {  	[sflag:s0] =	ssyncadd.tile.s32 @!p0 $0x1;
	_ =	shalt  }
.Lfunc_end2:
_tile_overlayer_lowered:
.L_overlay_start_2:
0x88: {  	(tag) =	ssettag $0x2  }
0x89: {  	s0 =	rddreg [dreg:$0x0];
	s2 =	stileid.u32  }
0x8a: {  	s1 =	rddreg [dreg:$0x1];
	p0 =	sne.s32 s2, $0x0  }
0x8b: {  	s3 =	rddreg [dreg:$0x2];
	[bflag:$0x3] =	sbarrier.arrive $0xFFFF;
	s2 =	simm.s32 @!p0 $0x1C02  }
0x8c: {  	[timem:s3], [sflag:s2] =	dma.local @!p0 [hbm:s0], s1  }
0x8d: {  	s0 =	simm.s32 @!p0 $0x2  }
0x8e: {  	_ =	swait.ge @!p0 [sflag:s0], s1  }
0x8f: {  	s1 =	ssub.s32 @!p0 $0x0, s1;
	[sflag:s0] =	ssyncset.done @!p0 $0x0  }
0x90: {  	[sflag:s0] =	ssyncadd.s32 @!p0 s1  }
0x91: {  	[bflag:$0x3] =	sbarrier.arrive $0xFFFF  }
0x92: {  	_ =	shalt  }

// kernel: kernel.21.cloned.1.call-start
scs
__scs_entry_jumppad:
0x0: {  	(pc) =	sbr.rel $0x88, $3  }
0x1: {  	(tag) =	ssettag $0x0;
	lr =	simm.s32 $0x1  }
0x2: {  	[smem:$0x3F92] =	sst lr;
	_ =	strace $0xD0000000  }
0x3: {  	_ = 	snop  }
0x4: {  	_ = 	snop  }
0x5: {  	_ = 	snop  }
0x6: {  	_ = 	snop  }
0x7: {  	_ = 	snop  }
__scs_overlays_trampoline_lowered:
0x8: {  	[smem:$0x3FA1] =	sst s0  }
0x9: {  	[smem:$0x3FA2] =	sst s1  }
0xa: {  	[smem:$0x3FA3] =	sst s2  }
0xb: {  	[smem:$0x3FA4] =	sst s3  }
0xc: {  	[smem:$0x3FA5] =	sst s4  }
0xd: {  	[smem:$0x3FA6] =	sst s5  }
0xe: {  	[smem:$0x3FA7] =	sst s6  }
0xf: {  	[smem:$0x3FA8] =	sst s7  }
0x10: {  	[smem:$0x3FA9] =	sst s8  }
0x11: {  	[smem:$0x3FAA] =	sst s9;
	s0 =	simm.s32 @!p0 $0x0  }
0x12: {  	s1 =	sld [smem:$0x3F90];
	s0 =	simm.s32 @p0 $0x1  }
0x13: {  	[smem:$0x3FAB] =	sst s0;
	s0 =	simm.s32 @!p1 $0x0  }
0x14: {  	s2 =	sld [smem:$0x3F8F];
	s0 =	simm.s32 @p1 $0x1  }
0x15: {  	[smem:$0x3FAC] =	sst s0;
	s0 =	simm.s32 @!p2 $0x0  }
0x16: {  	s3 =	sld [smem:$0x3FDB];
	s0 =	simm.s32 @p2 $0x1  }
0x17: {  	s4 =	simm.s32 $0x1BF5;
	[smem:$0x3FAE] =	sst s0  }
0x18: {  	s0 =	sld [smem:$0x3F91];
	_ =	swait.ge [sflag:s4], $0x0  }
0x19: {  	s7 =	sld [smem:$0x3F92]  }
0x1a: {  	s8 =	sadd.s32 $0xFFFFE003, lr  }
0x1b: {  	s9 =	sadd.s32 $0xFFFFFEF7, lr;
	s5 =	simm.s32 $0xFFFFFFFF;
	p2 =	slt.u32 s8, $0xFFFFF086  }
0x1c: {  	p1 =	slt.u32 s9, $0xF7A;
	s5 =	simm.s32 @!p2 $0x0  }
0x1d: {  	s5 =	simm.s32 @p1 $0x1;
	p0 =	seq.s32 s7, s2  }
0x1e: {  	s7 =	smul.u32 @!p0 $0xF7A, s2;
	p2 =	seq.s32 @!p0 s5, $0x0  }
0x1f: {  	s9 =	smul.u32 $0xF7A, s1;
	s8 =	simm.s32 @!p0 $0x1BF5;
	p2 =	por !p2, p0  }
0x20: {  	[sflag:s8] =	ssyncset.s32 @!p0 $0xFFFFF086;
	s6 =	sadd.s32 @!p0 s3, s7;
	s7 =	simm.s32 @!p0 $0x108  }
0x21: {  	s3 =	sadd.s32 s3, s9;
	s6 =	sadd.s32 @!p0 $0x88, s6;
	s7 =	simm.s32 @p2 $0x1082  }
0x22: {  	[simem:s7], [sflag:s8] =	dma.local @!p0 [hbm:s6], $0xF7A  }
0x23: {  	s9 =	sor.u32 $0xD0000000, s2;
	s6 =	simm.s32 $0x108;
	_ =	swait.ge @!p0 [sflag:s8], $0x0  }
0x24: {  	s3 =	sadd.s32 $0x88, s3;
	s6 =	simm.s32 @!p1 $0x1082;
	[sflag:s4] =	ssyncset.s32 $0xFFFFF086  }
0x25: {  	[simem:s6], [sflag:s4] =	dma.local [hbm:s3], $0xF7A  }
0x26: {  	[smem:$0x3F92] =	sst s1;
	(tag) =	ssettag s2;
	_ =	strace s9  }
0x27: {  	s1 =	sld [smem:$0x3FA2]  }
0x28: {  	s2 =	sld [smem:$0x3FA3]  }
0x29: {  	s4 =	sld [smem:$0x3FA5]  }
0x2a: {  	p0 =	seq.s32 s5, $0x0;
	s5 =	sld [smem:$0x3FA6]  }
0x2b: {  	s6 =	sld [smem:$0x3FA7]  }
0x2c: {  	s7 =	sld [smem:$0x3FA8]  }
0x2d: {  	s3 =	simm.s32 $0x108;
	s8 =	sld [smem:$0x3FA9]  }
0x2e: {  	s3 =	simm.s32 @!p0 $0x1082;
	s9 =	sld [smem:$0x3FAA]  }
0x2f: {  	lr =	sadd.s32 s0, s3;
	s0 =	sld [smem:$0x3FA1]  }
0x30: {  	s3 =	sld [smem:$0x3FA4]  }
0x31: {  	[smem:$0x3FAD] =	sst s10  }
0x32: {  	s10 =	sld [smem:$0x3FAB];
	_ =	sdelay $0x3  }
0x33: {  	p0 =	seq.s32 s10, $0x1;
	s10 =	sld [smem:$0x3FAD];
	_ =	sdelay $0x3  }
0x34: {  	[smem:$0x3FAD] =	sst s10  }
0x35: {  	s10 =	sld [smem:$0x3FAC];
	_ =	sdelay $0x3  }
0x36: {  	p1 =	seq.s32 s10, $0x1;
	s10 =	sld [smem:$0x3FAD];
	_ =	sdelay $0x3  }
0x37: {  	[smem:$0x3FAD] =	sst s10  }
0x38: {  	s10 =	sld [smem:$0x3FAE]  }
0x39: {  	_ = 	snop;
	(pc) =	sbr.ind lr, $3  }
0x3a: {  	_ = 	snop  }
0x3b: {  	_ = 	snop  }
0x3c: {  	p2 =	seq.s32 s10, $0x1;
	s10 =	sld [smem:$0x3FAD]  }
0x3d: {  	_ =	shalt  }
0x3e: {  	_ =	shalt  }
0x3f: {  	_ =	shalt  }
0x40: {  	_ =	shalt  }
0x41: {  	_ =	shalt  }
0x42: {  	_ =	shalt  }
0x43: {  	_ =	shalt  }
0x44: {  	_ =	shalt  }
0x45: {  	_ =	shalt  }
0x46: {  	_ =	shalt  }
0x47: {  	_ =	shalt  }
0x48: {  	_ =	shalt  }
0x49: {  	_ =	shalt  }
0x4a: {  	_ =	shalt  }
0x4b: {  	_ =	shalt  }
0x4c: {  	_ =	shalt  }
0x4d: {  	_ =	shalt  }
0x4e: {  	_ =	shalt  }
0x4f: {  	_ =	shalt  }
0x50: {  	_ =	shalt  }
0x51: {  	_ =	shalt  }
0x52: {  	_ =	shalt  }
0x53: {  	_ =	shalt  }
0x54: {  	_ =	shalt  }
0x55: {  	_ =	shalt  }
0x56: {  	_ =	shalt  }
0x57: {  	_ =	shalt  }
0x58: {  	_ =	shalt  }
0x59: {  	_ =	shalt  }
0x5a: {  	_ =	shalt  }
0x5b: {  	_ =	shalt  }
0x5c: {  	_ =	shalt  }
0x5d: {  	_ =	shalt  }
0x5e: {  	_ =	shalt  }
0x5f: {  	_ =	shalt  }
0x60: {  	_ =	shalt  }
0x61: {  	_ =	shalt  }
0x62: {  	_ =	shalt  }
0x63: {  	_ =	shalt  }
0x64: {  	_ =	shalt  }
0x65: {  	_ =	shalt  }
0x66: {  	_ =	shalt  }
0x67: {  	_ =	shalt  }
0x68: {  	_ =	shalt  }
0x69: {  	_ =	shalt  }
0x6a: {  	_ =	shalt  }
0x6b: {  	_ =	shalt  }
0x6c: {  	_ =	shalt  }
0x6d: {  	_ =	shalt  }
0x6e: {  	_ =	shalt  }
0x6f: {  	_ =	shalt  }
0x70: {  	_ =	shalt  }
0x71: {  	_ =	shalt  }
0x72: {  	_ =	shalt  }
0x73: {  	_ =	shalt  }
0x74: {  	_ =	shalt  }
0x75: {  	_ =	shalt  }
0x76: {  	_ =	shalt  }
0x77: {  	_ =	shalt  }
0x78: {  	_ =	shalt  }
0x79: {  	_ =	shalt  }
0x7a: {  	_ =	shalt  }
0x7b: {  	_ =	shalt  }
0x7c: {  	_ =	shalt  }
0x7d: {  	_ =	shalt  }
0x7e: {  	_ =	shalt  }
0x7f: {  	_ =	shalt  }
0x80: {  	_ =	shalt  }
0x81: {  	_ =	shalt  }
0x82: {  	_ =	shalt  }
0x83: {  	_ =	shalt  }
0x84: {  	_ =	shalt  }
0x85: {  	_ =	shalt  }
0x86: {  	_ =	shalt  }
0x87: {  	_ =	shalt  }
.Lfunc_end0:
.L_simem_size_0:
called_computation.2_lowered:
.L_overlay_start_0:
0x88: {  	s2 =	sld [smem:$0x3FD9]  }
0x89: {  	s3 =	sld [smem:$0x3FFE];
	_ =	sdelay $0x1  }
0x8a: {  	s1 =	srdreg.scid  }
0x8b: {  	s0 =	sand.u32 $0x1, s1  }
0x8c: {  	s16 =	sshll.u32 s0, $0xA;
	s2 =	sadd.s32 s3, s2  }
0x8d: {  	s2 =	sadd.s32 s2, s16  }
0x8e: {  	[smem:$0x3FB9] =	sst s2  }
0x8f: {  	_ = 	snop  }
0x90: {  	(tm) =	ssettm $0x1  }
0x91: {  	s17 =	sld [smem:$0x3FFB];
	_ =	sdelay $0x3  }
0x92: {  	_ =	strace s17  }
0x93: {  	s2 =	sld [smem:$0x3FFC];
	_ =	sdelay $0x3  }
0x94: {  	_ =	strace s2  }
0x95: {  	s2 =	sld [smem:$0x3FFD];
	_ =	sdelay $0x3  }
0x96: {  	_ =	strace s2  }
0x97: {  	_ =	strace $0x8FFFFFFF  }
0x98: {  	s18 =	sld [smem:$0x3FDB];
	_ =	sdelay $0x1  }
0x99: {  	s19 =	simm.s32 $_scs_section_size  }
0x9a: {  	s4 =	simm.s32 $_size__tile_overlayer_lowered;
	s5 =	simm.s32 $_tile_overlayer_lowered  }
0x9b: {  	s22 =	simm.s32 $0x1BFF;
	s21 =	sshll.u32 s5, $0x1;
	s2 =	sadd.s32 s19, s18  }
0x9c: {  	s6 =	simm.s32 $0x0;
	s20 =	sshll.u32 s4, $0x1;
	s4 =	sadd.s32 s21, s2  }
0x9d: {  	[timem:s6], [sflag:s22] =	dma.local [hbm:s4], s20  }
0x9e: {  	_ =	swait.ge [sflag:s22], s20  }
0x9f: {  	s3 =	ssub.s32 $0x0, s20;
	[sflag:s22] =	ssyncset.done $0x0  }
0xa0: {  	[sflag:s22] =	ssyncadd.s32 s3;
	_ =	sdelay $0x1  }
0xa1: {  	s23 =	simm.s32 $0x1B8B  }
0xa2: {  	_ =	swait.ge [sflag:s23], $0x1  }
0xa3: {  	[sflag:s23] =	ssyncset.done $0x0  }
0xa4: {  	s25 =	simm.s32 $0x1B8E;
	s24 =	sld [smem:$0x3FFE];
	[sflag:s23] =	ssyncadd.s32 $0xFFFFFFFF  }
0xa5: {  	s26 =	simm.s32 $execute0_lowered;
	[smem:$0x3FD2] =	sst s25  }
0xa6: {  	s4 =	sshll.u32 s26, $0x1;
	_ =	strace $0x8000004C;
	[dreg:$0x1] =	wrdreg $0xFFFFFFFF  }
0xa7: {  	s28 =	simm.s32 $_size_execute0_lowered;
	s2 =	sadd.s32 s2, s4;
	[dreg:$0x0] =	wrdreg $0x0  }
0xa8: {  	s4 =	sshll.u32 s28, $0x1;
	[dreg:$0x2] =	wrdreg s2  }
0xa9: {  	[dreg:$0x3] =	wrdreg s4  }
0xaa: {  	[dreg:$0x4] =	wrdreg $0xC0  }
0xab: {  	_ =	task [dreg:s6], $0x5FFFF  }
0xac: {  	[dreg:$0x1] =	wrdreg $0xFFFFFFFF  }
0xad: {  	[dreg:$0x0] =	wrdreg $0x60  }
0xae: {  	[dreg:$0x2] =	wrdreg s24  }
0xaf: {  	[dreg:$0x3] =	wrdreg $0xB8000  }
0xb0: {  	[dreg:$0x4] =	wrdreg $0x9  }
0xb1: {  	_ =	task.clear_ibuf [dreg:s6], $0x5FFFF;
	_ =	strace $0x9000004C  }
0xb2: {  	s29 =	simm.s32 $0x9;
	_ =	strace $0x8000004E  }
0xb3: {  	_ =	swait.ge [sflag:s29], $0x1  }
0xb4: {  	[sflag:s29] =	ssyncadd.s32 $0xFFFFFFFF  }
0xb5: {  	_ =	strace $0x9000004E  }
0xb6: {  	_ =	sfence  }
0xb7: {  	s30 =	sld [smem:$0x0];
	_ =	sdelay $0x2  }
0xb8: {  	s31 =	sshll.u32 s1, $0xD;
	s1 =	sshrl.u32 s1, $0x2  }
0xb9: {  	s3 =	sand.u32 $0x4000, s31;
	s1 =	sadd.s32 s1, s30  }
0xba: {  	s0 =	sor.u32 s3, s0;
	s1 =	sshll.u32 s1, $0x11  }
0xbb: {  	s0 =	sor.u32 s1, s0  }
0xbc: {  	s0 =	sadd.s32 $0x8F2B, s0  }
0xbd: {  	[sflag:s0] =	ssyncadd.remote.s32 $0x1  }
0xbe: {  	_ =	sfence.sel $0xFFFF  }
0xbf: {  	[dreg:$0x0] =	wrdreg $0xFFFFFFFF;
	(pc) =	sbr.abs _section_cstart, $3  }
0xc0: {  	[dreg:$0x1] =	wrdreg $0xFFFFFFFF  }
0xc1: {  	_ =	task.clear_ibuf [dreg:s6], $0x2FFFF;
	_ =	strace $0x9FFFFFFF  }
0xc2: {  	(tm) =	ssettm $0x7FFFFFFF  }
0xc3: {  	_ =	shalt  }
tec
execute0_lowered:
.L_overlay_start_1:
0x0: {  	(tag) =	ssettag $0x1  }
0x1: {  	s5 =	rddreg [dreg:$0x0]  }
0x2: {  	s1 =	rddreg [dreg:$0x1]  }
0x3: {  	s2 =	srdreg.scid;
	s0 =	rddreg [dreg:$0x2];
	s3 =	simm.s32 $0x0  }
0x4: {  	s18 =	simm.s32 $0x3C00;
	s19 =	simm.s32 $0x80;
	s10 =	sand.u32 $0x1, s2  }
0x5: {  	s20 =	simm.s32 $0x1;
	s2 =	stileid.u32;
	s6 =	smul.u32 $0x13C000, s10  }
0x6: {  	[smem:$0x7FF] =	sst s3;
	s4 =	sadd.s32 $0x12E00, s5;
	s7 =	smul.u32 $0x13C00, s2  }
0x7: {  	s12 =	sadd.s32 $0x61E00, s5;
	s13 =	sadd.s32 $0x8600, s5;
	s8 =	smul.u32 $0x4F000, s2  }
0x8: {  	_ =	strace $0x8000004D;
	s29 =	ssub.s32 $0x2, s10;
	s11 =	smul.u32 $0x1400, s2  }
0x9: {  	s16 =	smul.u32 $0x780, s2;
	p0 =	seq.s32 s10, $0x1;
	s30 =	sshrl.u32 s29, $0x1  }
0xa: {  	s6 =	sadd.s32 s7, s6;
	s8 =	sshrl.u32 s8, $0x2;
	s15 =	ssub.s32 s29, s30  }
0xb: {  	s17 =	sshrl.u32 s11, $0x3;
	s10 =	sadd.s32 s12, s16;
	s11 =	sadd.s32 s13, s16  }
.Ltmp0:
0xc: {  	s16 =	simm.s32 $0x7800;
	s6 =	sshrl.u32 s6, $0x3;
	(pc) =	sbr.rel .LBB2_1-.Ltmp0, $4  }
0xd: {  	s31 =	sadd.s32 $0x7800, s17;
	s15 =	smax.u32 s15, $0x1;
	s17 =	simm.s32 $0x2  }
0xe: {  	s14 =	sadd.s32 s6, s5;
	s5 =	sadd.s32 s8, s1;
	s12 =	sadd.s32 s12, s31  }
0xf: {  	s13 =	sadd.s32 s13, s31;
	s6 =	sadd.s32 $0x4000, s5;
	s7 =	sadd.s32 $0x8000, s5  }
0x10: {  	v0 =	vimm.f32 $0.0e+00;
	s8 =	sadd.s32 $0xC000, s5;
	s9 =	sadd.s32 $0x10000, s5;
	s14 =	sadd.s32 $0x93E00, s14  }
.LBB2_6:
0x11: {  	s21 =	sshra.s32 s21, $0x2;
	[sflag:s17] =	ssyncadd.s32 $0xFFFFC000  }
0x12: {  	[tilespmem:s16], [sflag:$0x1] =	stream.indirect.gather [hbm4b:s4+s19], $0x80, s21, s19, $0xb8;
	[tilespmem:$0x1F400] =	vst v63  }
0x13: {  	_ =	swait.ge [sflag:s20], $0x4000  }
0x14: {  	[sflag:s20] =	ssyncset.done $0x0  }
0x15: {  	s21 =	sadd.s32 $0x3C00, s21;
	[sflag:s20] =	ssyncadd.s32 $0xFFFFC000  }
0x16: {  	[spmem:s1] =	stream.indirect.scatter.add.f32 [tilespmem:s16], [sflag:$0x2], $0x80, s21, s19, $0xb8;
	[tilespmem:$0x1F400] =	vst v63  }
0x17: {  	_ =	swait.ge [sflag:s17], $0x4000  }
0x18: {  	[sflag:s17] =	ssyncset.done $0x0  }
0x19: {  	[sflag:s17] =	ssyncadd.s32 $0xFFFFC000  }
.LBB2_10:
0x1a: {  	s3 =	sadd.s32 $0x1, s3  }
0x1b: {  	s21 =	sshll.u32 s2, $0x6;
	[bflag:$0x0] =	sbarrier.arrive $0xFFFF;
	p1 =	sne.s32 s3, s15  }
.Ltmp1:
0x1c: {  	s22 =	sshrl.u32 s5, $0x3;
	s21 =	sor.u32 $0x1C02, s21;
	(pc) =	sbr.rel @!p1 .LBB2_11-.Ltmp1, $4  }
0x1d: {  	[hbm:s14], [sflag:s21] =	dma.local [spmem:s22], $0x2780  }
0x1e: {  	_ =	swait.ge [sflag:s17], $0x2780  }
0x1f: {  	[sflag:s17] =	ssyncset.done $0x0  }
0x20: {  	[sflag:s17] =	ssyncadd.s32 $0xFFFFD880  }
.LBB2_1:
0x21: {  	s21 =	simm.s32 $0x0;
	s22 =	simm.s32 $0x200  }
.LBB2_2:
0x22: {  	p1 =	sne.s32 s22, $0xFE00;
	[tilespmem:s21+$0x7870] =	vst v0  }
0x23: {  	[tilespmem:s21+$0x7800] =	vst v0  }
0x24: {  	[tilespmem:s21+$0x7810] =	vst v0  }
.Ltmp2:
0x25: {  	[tilespmem:s21+$0x7820] =	vst v0;
	(pc) =	sbr.rel @p1 .LBB2_2-.Ltmp2, $4  }
0x26: {  	[tilespmem:s21+$0x7830] =	vst v0  }
0x27: {  	[tilespmem:s21+$0x7840] =	vst v0  }
0x28: {  	[tilespmem:s21+$0x7850] =	vst v0  }
0x29: {  	[tilespmem:s21+$0x7860] =	vst v0;
	s21 =	sshra.s32 s22, $0x2;
	s22 =	sadd.s32 $0x200, s22  }
0x2a: {  	[tilespmem:s21+$0x7870] =	vst v0  }
0x2b: {  	[tilespmem:s21+$0x7800] =	vst v0  }
0x2c: {  	[tilespmem:s21+$0x7810] =	vst v0  }
0x2d: {  	[tilespmem:s21+$0x7820] =	vst v0  }
0x2e: {  	[tilespmem:s21+$0x7830] =	vst v0  }
0x2f: {  	[tilespmem:s21+$0x7840] =	vst v0  }
0x30: {  	[tilespmem:s21+$0x7850] =	vst v0  }
0x31: {  	[tilespmem:s21+$0x7860] =	vst v0  }
0x32: {  	[spmem:s5] =	stream.linear.scatter [tilespmem:s16], [sflag:$0x2], $0x4000, $0x38;
	[tilespmem:$0x1F400] =	vst v63  }
0x33: {  	_ =	swait.ge [sflag:s17], $0x4000  }
0x34: {  	[sflag:s17] =	ssyncset.done $0x0  }
0x35: {  	[sflag:s17] =	ssyncadd.s32 $0xFFFFC000  }
0x36: {  	[spmem:s6] =	stream.linear.scatter [tilespmem:s16], [sflag:$0x2], $0x4000, $0x38;
	[tilespmem:$0x1F400] =	vst v63  }
0x37: {  	_ =	swait.ge [sflag:s17], $0x4000  }
0x38: {  	[sflag:s17] =	ssyncset.done $0x0  }
0x39: {  	[sflag:s17] =	ssyncadd.s32 $0xFFFFC000  }
0x3a: {  	[spmem:s7] =	stream.linear.scatter [tilespmem:s16], [sflag:$0x2], $0x4000, $0x38;
	[tilespmem:$0x1F400] =	vst v63  }
0x3b: {  	_ =	swait.ge [sflag:s17], $0x4000  }
0x3c: {  	[sflag:s17] =	ssyncset.done $0x0  }
0x3d: {  	[sflag:s17] =	ssyncadd.s32 $0xFFFFC000  }
0x3e: {  	[spmem:s8] =	stream.linear.scatter [tilespmem:s16], [sflag:$0x2], $0x4000, $0x38;
	[tilespmem:$0x1F400] =	vst v63  }
0x3f: {  	_ =	swait.ge [sflag:s17], $0x4000  }
0x40: {  	[sflag:s17] =	ssyncset.done $0x0  }
0x41: {  	[sflag:s17] =	ssyncadd.s32 $0xFFFFC000  }
0x42: {  	[spmem:s9] =	stream.linear.scatter [tilespmem:s16], [sflag:$0x2], $0x3C00, $0x38;
	[tilespmem:$0x1F400] =	vst v63  }
.Ltmp3:
0x43: {  	_ =	swait.ge [sflag:s17], $0x3C00;
	(pc) =	sbr.rel @!p0 .LBB2_4-.Ltmp3, $4  }
0x44: {  	[sflag:s17] =	ssyncset.done $0x0  }
0x45: {  	[sflag:s17] =	ssyncadd.s32 $0xFFFFC400  }
0x46: {  	[bflag:$0x0] =	sbarrier.arrive $0xFFFF  }
0x47: {  	s21 =	simm.s32 $0x0  }
0x48: {  	[tilespmem:s21], [sflag:$0x2] =	stream.linear.gather [hbm4b:s12+s21], $0x1400, $0x38;
	[tilespmem:$0x1F400] =	vst v63  }
0x49: {  	_ =	swait.ge [sflag:s17], $0x1400  }
0x4a: {  	[sflag:s17] =	ssyncset.done $0x0  }
0x4b: {  	[sflag:s17] =	ssyncadd.s32 $0xFFFFEC00  }
0x4c: {  	[tilespmem:s18], [sflag:$0x2] =	stream.linear.gather [hbm4b:s13+s21], $0x1400, $0x38;
	[tilespmem:$0x1F400] =	vst v63  }
0x4d: {  	_ =	swait.ge [sflag:s17], $0x1400  }
0x4e: {  	[sflag:s17] =	ssyncset.done $0x0  }
0x4f: {  	s30 =	simm.s32 $0x0;
	[sflag:s17] =	ssyncadd.s32 $0xFFFFEC00  }
0x50: {  	[tilespmem:s16], [sflag:$0x1] =	stream.indirect.gather [hbm4b:s4+s19], $0x80, s30, s19, $0xb8;
	[tilespmem:$0x1F400] =	vst v63  }
0x51: {  	_ =	swait.ge [sflag:s20], $0x4000  }
0x52: {  	[sflag:s20] =	ssyncset.done $0x0  }
0x53: {  	s31 =	simm.s32 $0x3C00;
	[sflag:s20] =	ssyncadd.s32 $0xFFFFC000  }
0x54: {  	[spmem:s1] =	stream.indirect.scatter.add.f32 [tilespmem:s16], [sflag:$0x2], $0x80, s31, s19, $0xb8;
	[tilespmem:$0x1F400] =	vst v63  }
0x55: {  	_ =	swait.ge [sflag:s17], $0x4000  }
0x56: {  	s22 =	simm.s32 $0x400;
	s21 =	simm.s32 $0x200;
	[sflag:s17] =	ssyncset.done $0x0  }
.LBB2_8:
0x57: {  	s23 =	sshra.s32 s21, $0x2  }
0x58: {  	[sflag:s17] =	ssyncadd.s32 $0xFFFFC000;
	s21 =	smov.u32 s22;
	s24 =	sadd.s32 $0x200, s22  }
0x59: {  	[tilespmem:s16], [sflag:$0x1] =	stream.indirect.gather [hbm4b:s4+s19], $0x80, s23, s19, $0xb8;
	[tilespmem:$0x1F400] =	vst v63  }
0x5a: {  	p1 =	sne.s32 s22, $0x4E00;
	_ =	swait.ge [sflag:s20], $0x4000  }
.Ltmp4:
0x5b: {  	[sflag:s20] =	ssyncset.done $0x0;
	(pc) =	sbr.rel @p1 .LBB2_8-.Ltmp4, $4  }
0x5c: {  	s22 =	sadd.s32 $0x3C00, s23;
	[sflag:s20] =	ssyncadd.s32 $0xFFFFC000  }
0x5d: {  	[spmem:s1] =	stream.indirect.scatter.add.f32 [tilespmem:s16], [sflag:$0x2], $0x80, s22, s19, $0xb8;
	[tilespmem:$0x1F400] =	vst v63  }
0x5e: {  	_ =	swait.ge [sflag:s17], $0x4000  }
0x5f: {  	s22 =	smov.u32 s24;
	[sflag:s17] =	ssyncset.done $0x0  }
0x60: {  	s21 =	sshra.s32 s21, $0x2;
	[sflag:s17] =	ssyncadd.s32 $0xFFFFC000  }
0x61: {  	[tilespmem:s16], [sflag:$0x1] =	stream.indirect.gather [hbm4b:s4+s19], $0x80, s21, s19, $0xb8;
	[tilespmem:$0x1F400] =	vst v63  }
0x62: {  	_ =	swait.ge [sflag:s20], $0x4000  }
0x63: {  	[sflag:s20] =	ssyncset.done $0x0  }
.Ltmp5:
0x64: {  	s21 =	sadd.s32 $0x3C00, s21;
	[sflag:s20] =	ssyncadd.s32 $0xFFFFC000;
	(pc) =	sbr.rel .LBB2_10-.Ltmp5, $4  }
0x65: {  	[spmem:s1] =	stream.indirect.scatter.add.f32 [tilespmem:s16], [sflag:$0x2], $0x80, s21, s19, $0xb8;
	[tilespmem:$0x1F400] =	vst v63  }
0x66: {  	_ =	swait.ge [sflag:s17], $0x4000  }
0x67: {  	[sflag:s17] =	ssyncset.done $0x0  }
0x68: {  	[sflag:s17] =	ssyncadd.s32 $0xFFFFC000  }
.LBB2_4:
0x69: {  	[tilespmem:s21], [sflag:$0x2] =	stream.linear.gather [hbm4b:s10+s21], $0x3C00, $0x38;
	[tilespmem:$0x1F400] =	vst v63  }
0x6a: {  	_ =	swait.ge [sflag:s17], $0x3C00  }
0x6b: {  	[sflag:s17] =	ssyncset.done $0x0  }
0x6c: {  	[sflag:s17] =	ssyncadd.s32 $0xFFFFC400  }
0x6d: {  	[tilespmem:s18], [sflag:$0x2] =	stream.linear.gather [hbm4b:s11+s21], $0x3C00, $0x38;
	[tilespmem:$0x1F400] =	vst v63  }
0x6e: {  	_ =	swait.ge [sflag:s17], $0x3C00  }
0x6f: {  	[sflag:s17] =	ssyncset.done $0x0  }
0x70: {  	s30 =	simm.s32 $0x0;
	[sflag:s17] =	ssyncadd.s32 $0xFFFFC400  }
0x71: {  	[tilespmem:s16], [sflag:$0x1] =	stream.indirect.gather [hbm4b:s4+s19], $0x80, s30, s19, $0xb8;
	[tilespmem:$0x1F400] =	vst v63  }
0x72: {  	_ =	swait.ge [sflag:s20], $0x4000  }
0x73: {  	[sflag:s20] =	ssyncset.done $0x0  }
0x74: {  	s31 =	simm.s32 $0x3C00;
	[sflag:s20] =	ssyncadd.s32 $0xFFFFC000  }
0x75: {  	[spmem:s1] =	stream.indirect.scatter.add.f32 [tilespmem:s16], [sflag:$0x2], $0x80, s31, s19, $0xb8;
	[tilespmem:$0x1F400] =	vst v63  }
0x76: {  	_ =	swait.ge [sflag:s17], $0x4000  }
0x77: {  	s22 =	simm.s32 $0x400;
	s21 =	simm.s32 $0x200;
	[sflag:s17] =	ssyncset.done $0x0  }
.LBB2_5:
0x78: {  	s23 =	sshra.s32 s21, $0x2  }
0x79: {  	[sflag:s17] =	ssyncadd.s32 $0xFFFFC000;
	s21 =	smov.u32 s22;
	s24 =	sadd.s32 $0x200, s22  }
0x7a: {  	[tilespmem:s16], [sflag:$0x1] =	stream.indirect.gather [hbm4b:s4+s19], $0x80, s23, s19, $0xb8;
	[tilespmem:$0x1F400] =	vst v63  }
0x7b: {  	p1 =	seq.s32 s22, $0xEE00;
	_ =	swait.ge [sflag:s20], $0x4000  }
.Ltmp6:
0x7c: {  	[sflag:s20] =	ssyncset.done $0x0;
	(pc) =	sbr.rel @!p1 .LBB2_5-.Ltmp6, $4  }
0x7d: {  	s22 =	sadd.s32 $0x3C00, s23;
	[sflag:s20] =	ssyncadd.s32 $0xFFFFC000  }
0x7e: {  	[spmem:s1] =	stream.indirect.scatter.add.f32 [tilespmem:s16], [sflag:$0x2], $0x80, s22, s19, $0xb8;
	[tilespmem:$0x1F400] =	vst v63  }
0x7f: {  	_ =	swait.ge [sflag:s17], $0x4000  }
0x80: {  	s22 =	smov.u32 s24;
	[sflag:s17] =	ssyncset.done $0x0  }
.Ltmp7:
0x81: {  	_ = 	snop;
	(pc) =	sbr.rel .LBB2_6-.Ltmp7, $1  }
0x82: {  	_ =	sdelay $0x3  }
.LBB2_11:
0x83: {  	_ =	sfence.sel $0x180000  }
0x84: {  	[bflag:$0x0] =	sbarrier.arrive $0xFFFF  }
0x85: {  	p0 =	sne.s32 s2, $0x0;
	_ =	strace $0x9000004D  }
0x86: {  	s0 =	sadd.s32 @!p0 $0x100000, s0;
	[bflag:$0x2] =	sbarrier.arrive $0xFFFF  }
0x87: {  	[sflag:s0] =	ssyncadd.tile.s32 @!p0 $0x1;
	_ =	shalt  }
.Lfunc_end2:
_tile_overlayer_lowered:
.L_overlay_start_2:
0x88: {  	(tag) =	ssettag $0x2  }
0x89: {  	s0 =	rddreg [dreg:$0x0];
	s2 =	stileid.u32  }
0x8a: {  	s1 =	rddreg [dreg:$0x1];
	p0 =	sne.s32 s2, $0x0  }
0x8b: {  	s3 =	rddreg [dreg:$0x2];
	[bflag:$0x3] =	sbarrier.arrive $0xFFFF;
	s2 =	simm.s32 @!p0 $0x1C02  }
0x8c: {  	[timem:s3], [sflag:s2] =	dma.local @!p0 [hbm:s0], s1  }
0x8d: {  	s0 =	simm.s32 @!p0 $0x2  }
0x8e: {  	_ =	swait.ge @!p0 [sflag:s0], s1  }
0x8f: {  	s1 =	ssub.s32 @!p0 $0x0, s1;
	[sflag:s0] =	ssyncset.done @!p0 $0x0  }
0x90: {  	[sflag:s0] =	ssyncadd.s32 @!p0 s1  }
0x91: {  	[bflag:$0x3] =	sbarrier.arrive $0xFFFF  }
0x92: {  	_ =	shalt  }

// kernel: kernel.24.cloned.1.call-start
scs
__scs_entry_jumppad:
0x0: {  	(pc) =	sbr.rel $0x88, $3  }
0x1: {  	(tag) =	ssettag $0x0;
	lr =	simm.s32 $0x1  }
0x2: {  	[smem:$0x3F92] =	sst lr;
	_ =	strace $0xD0000000  }
0x3: {  	_ = 	snop  }
0x4: {  	_ = 	snop  }
0x5: {  	_ = 	snop  }
0x6: {  	_ = 	snop  }
0x7: {  	_ = 	snop  }
__scs_overlays_trampoline_lowered:
0x8: {  	[smem:$0x3FA1] =	sst s0  }
0x9: {  	[smem:$0x3FA2] =	sst s1  }
0xa: {  	[smem:$0x3FA3] =	sst s2  }
0xb: {  	[smem:$0x3FA4] =	sst s3  }
0xc: {  	[smem:$0x3FA5] =	sst s4  }
0xd: {  	[smem:$0x3FA6] =	sst s5  }
0xe: {  	[smem:$0x3FA7] =	sst s6  }
0xf: {  	[smem:$0x3FA8] =	sst s7  }
0x10: {  	[smem:$0x3FA9] =	sst s8  }
0x11: {  	[smem:$0x3FAA] =	sst s9;
	s0 =	simm.s32 @!p0 $0x0  }
0x12: {  	s1 =	sld [smem:$0x3F90];
	s0 =	simm.s32 @p0 $0x1  }
0x13: {  	[smem:$0x3FAB] =	sst s0;
	s0 =	simm.s32 @!p1 $0x0  }
0x14: {  	s2 =	sld [smem:$0x3F8F];
	s0 =	simm.s32 @p1 $0x1  }
0x15: {  	[smem:$0x3FAC] =	sst s0;
	s0 =	simm.s32 @!p2 $0x0  }
0x16: {  	s3 =	sld [smem:$0x3FDB];
	s0 =	simm.s32 @p2 $0x1  }
0x17: {  	s4 =	simm.s32 $0x1BF5;
	[smem:$0x3FAE] =	sst s0  }
0x18: {  	s0 =	sld [smem:$0x3F91];
	_ =	swait.ge [sflag:s4], $0x0  }
0x19: {  	s7 =	sld [smem:$0x3F92]  }
0x1a: {  	s8 =	sadd.s32 $0xFFFFE003, lr  }
0x1b: {  	s9 =	sadd.s32 $0xFFFFFEF7, lr;
	s5 =	simm.s32 $0xFFFFFFFF;
	p2 =	slt.u32 s8, $0xFFFFF086  }
0x1c: {  	p1 =	slt.u32 s9, $0xF7A;
	s5 =	simm.s32 @!p2 $0x0  }
0x1d: {  	s5 =	simm.s32 @p1 $0x1;
	p0 =	seq.s32 s7, s2  }
0x1e: {  	s7 =	smul.u32 @!p0 $0xF7A, s2;
	p2 =	seq.s32 @!p0 s5, $0x0  }
0x1f: {  	s9 =	smul.u32 $0xF7A, s1;
	s8 =	simm.s32 @!p0 $0x1BF5;
	p2 =	por !p2, p0  }
0x20: {  	[sflag:s8] =	ssyncset.s32 @!p0 $0xFFFFF086;
	s6 =	sadd.s32 @!p0 s3, s7;
	s7 =	simm.s32 @!p0 $0x108  }
0x21: {  	s3 =	sadd.s32 s3, s9;
	s6 =	sadd.s32 @!p0 $0x88, s6;
	s7 =	simm.s32 @p2 $0x1082  }
0x22: {  	[simem:s7], [sflag:s8] =	dma.local @!p0 [hbm:s6], $0xF7A  }
0x23: {  	s9 =	sor.u32 $0xD0000000, s2;
	s6 =	simm.s32 $0x108;
	_ =	swait.ge @!p0 [sflag:s8], $0x0  }
0x24: {  	s3 =	sadd.s32 $0x88, s3;
	s6 =	simm.s32 @!p1 $0x1082;
	[sflag:s4] =	ssyncset.s32 $0xFFFFF086  }
0x25: {  	[simem:s6], [sflag:s4] =	dma.local [hbm:s3], $0xF7A  }
0x26: {  	[smem:$0x3F92] =	sst s1;
	(tag) =	ssettag s2;
	_ =	strace s9  }
0x27: {  	s1 =	sld [smem:$0x3FA2]  }
0x28: {  	s2 =	sld [smem:$0x3FA3]  }
0x29: {  	s4 =	sld [smem:$0x3FA5]  }
0x2a: {  	p0 =	seq.s32 s5, $0x0;
	s5 =	sld [smem:$0x3FA6]  }
0x2b: {  	s6 =	sld [smem:$0x3FA7]  }
0x2c: {  	s7 =	sld [smem:$0x3FA8]  }
0x2d: {  	s3 =	simm.s32 $0x108;
	s8 =	sld [smem:$0x3FA9]  }
0x2e: {  	s3 =	simm.s32 @!p0 $0x1082;
	s9 =	sld [smem:$0x3FAA]  }
0x2f: {  	lr =	sadd.s32 s0, s3;
	s0 =	sld [smem:$0x3FA1]  }
0x30: {  	s3 =	sld [smem:$0x3FA4]  }
0x31: {  	[smem:$0x3FAD] =	sst s10  }
0x32: {  	s10 =	sld [smem:$0x3FAB];
	_ =	sdelay $0x3  }
0x33: {  	p0 =	seq.s32 s10, $0x1;
	s10 =	sld [smem:$0x3FAD];
	_ =	sdelay $0x3  }
0x34: {  	[smem:$0x3FAD] =	sst s10  }
0x35: {  	s10 =	sld [smem:$0x3FAC];
	_ =	sdelay $0x3  }
0x36: {  	p1 =	seq.s32 s10, $0x1;
	s10 =	sld [smem:$0x3FAD];
	_ =	sdelay $0x3  }
0x37: {  	[smem:$0x3FAD] =	sst s10  }
0x38: {  	s10 =	sld [smem:$0x3FAE]  }
0x39: {  	_ = 	snop;
	(pc) =	sbr.ind lr, $3  }
0x3a: {  	_ = 	snop  }
0x3b: {  	_ = 	snop  }
0x3c: {  	p2 =	seq.s32 s10, $0x1;
	s10 =	sld [smem:$0x3FAD]  }
0x3d: {  	_ =	shalt  }
0x3e: {  	_ =	shalt  }
0x3f: {  	_ =	shalt  }
0x40: {  	_ =	shalt  }
0x41: {  	_ =	shalt  }
0x42: {  	_ =	shalt  }
0x43: {  	_ =	shalt  }
0x44: {  	_ =	shalt  }
0x45: {  	_ =	shalt  }
0x46: {  	_ =	shalt  }
0x47: {  	_ =	shalt  }
0x48: {  	_ =	shalt  }
0x49: {  	_ =	shalt  }
0x4a: {  	_ =	shalt  }
0x4b: {  	_ =	shalt  }
0x4c: {  	_ =	shalt  }
0x4d: {  	_ =	shalt  }
0x4e: {  	_ =	shalt  }
0x4f: {  	_ =	shalt  }
0x50: {  	_ =	shalt  }
0x51: {  	_ =	shalt  }
0x52: {  	_ =	shalt  }
0x53: {  	_ =	shalt  }
0x54: {  	_ =	shalt  }
0x55: {  	_ =	shalt  }
0x56: {  	_ =	shalt  }
0x57: {  	_ =	shalt  }
0x58: {  	_ =	shalt  }
0x59: {  	_ =	shalt  }
0x5a: {  	_ =	shalt  }
0x5b: {  	_ =	shalt  }
0x5c: {  	_ =	shalt  }
0x5d: {  	_ =	shalt  }
0x5e: {  	_ =	shalt  }
0x5f: {  	_ =	shalt  }
0x60: {  	_ =	shalt  }
0x61: {  	_ =	shalt  }
0x62: {  	_ =	shalt  }
0x63: {  	_ =	shalt  }
0x64: {  	_ =	shalt  }
0x65: {  	_ =	shalt  }
0x66: {  	_ =	shalt  }
0x67: {  	_ =	shalt  }
0x68: {  	_ =	shalt  }
0x69: {  	_ =	shalt  }
0x6a: {  	_ =	shalt  }
0x6b: {  	_ =	shalt  }
0x6c: {  	_ =	shalt  }
0x6d: {  	_ =	shalt  }
0x6e: {  	_ =	shalt  }
0x6f: {  	_ =	shalt  }
0x70: {  	_ =	shalt  }
0x71: {  	_ =	shalt  }
0x72: {  	_ =	shalt  }
0x73: {  	_ =	shalt  }
0x74: {  	_ =	shalt  }
0x75: {  	_ =	shalt  }
0x76: {  	_ =	shalt  }
0x77: {  	_ =	shalt  }
0x78: {  	_ =	shalt  }
0x79: {  	_ =	shalt  }
0x7a: {  	_ =	shalt  }
0x7b: {  	_ =	shalt  }
0x7c: {  	_ =	shalt  }
0x7d: {  	_ =	shalt  }
0x7e: {  	_ =	shalt  }
0x7f: {  	_ =	shalt  }
0x80: {  	_ =	shalt  }
0x81: {  	_ =	shalt  }
0x82: {  	_ =	shalt  }
0x83: {  	_ =	shalt  }
0x84: {  	_ =	shalt  }
0x85: {  	_ =	shalt  }
0x86: {  	_ =	shalt  }
0x87: {  	_ =	shalt  }
.Lfunc_end0:
.L_simem_size_0:
called_computation.3_lowered:
.L_overlay_start_0:
0x88: {  	s2 =	sld [smem:$0x3FD9]  }
0x89: {  	s3 =	sld [smem:$0x3FFE];
	_ =	sdelay $0x1  }
0x8a: {  	s1 =	srdreg.scid  }
0x8b: {  	s0 =	sand.u32 $0x1, s1  }
0x8c: {  	s16 =	sshll.u32 s0, $0xA;
	s2 =	sadd.s32 s3, s2  }
0x8d: {  	s2 =	sadd.s32 s2, s16  }
0x8e: {  	[smem:$0x3FB9] =	sst s2  }
0x8f: {  	_ = 	snop  }
0x90: {  	(tm) =	ssettm $0x1  }
0x91: {  	s17 =	sld [smem:$0x3FFB];
	_ =	sdelay $0x3  }
0x92: {  	_ =	strace s17  }
0x93: {  	s2 =	sld [smem:$0x3FFC];
	_ =	sdelay $0x3  }
0x94: {  	_ =	strace s2  }
0x95: {  	s2 =	sld [smem:$0x3FFD];
	_ =	sdelay $0x3  }
0x96: {  	_ =	strace s2  }
0x97: {  	_ =	strace $0x8FFFFFFF  }
0x98: {  	s18 =	sld [smem:$0x3FDB];
	_ =	sdelay $0x1  }
0x99: {  	s19 =	simm.s32 $_scs_section_size  }
0x9a: {  	s4 =	simm.s32 $_size__tile_overlayer_lowered;
	s5 =	simm.s32 $_tile_overlayer_lowered  }
0x9b: {  	s22 =	simm.s32 $0x1BFF;
	s21 =	sshll.u32 s5, $0x1;
	s2 =	sadd.s32 s19, s18  }
0x9c: {  	s6 =	simm.s32 $0x0;
	s20 =	sshll.u32 s4, $0x1;
	s4 =	sadd.s32 s21, s2  }
0x9d: {  	[timem:s6], [sflag:s22] =	dma.local [hbm:s4], s20  }
0x9e: {  	_ =	swait.ge [sflag:s22], s20  }
0x9f: {  	s3 =	ssub.s32 $0x0, s20;
	[sflag:s22] =	ssyncset.done $0x0  }
0xa0: {  	[sflag:s22] =	ssyncadd.s32 s3;
	_ =	sdelay $0x1  }
0xa1: {  	s23 =	simm.s32 $0x1B8B  }
0xa2: {  	_ =	swait.ge [sflag:s23], $0x1  }
0xa3: {  	[sflag:s23] =	ssyncset.done $0x0  }
0xa4: {  	s25 =	simm.s32 $0x1B8E;
	s24 =	sld [smem:$0x3FFE];
	[sflag:s23] =	ssyncadd.s32 $0xFFFFFFFF  }
0xa5: {  	s26 =	simm.s32 $execute0_lowered;
	[smem:$0x3FD2] =	sst s25  }
0xa6: {  	s4 =	sshll.u32 s26, $0x1;
	_ =	strace $0x8000004F;
	[dreg:$0x1] =	wrdreg $0xFFFFFFFF  }
0xa7: {  	s28 =	simm.s32 $_size_execute0_lowered;
	s2 =	sadd.s32 s2, s4;
	[dreg:$0x0] =	wrdreg $0x0  }
0xa8: {  	s4 =	sshll.u32 s28, $0x1;
	[dreg:$0x2] =	wrdreg s2  }
0xa9: {  	[dreg:$0x3] =	wrdreg s4  }
0xaa: {  	[dreg:$0x4] =	wrdreg $0xC0  }
0xab: {  	_ =	task [dreg:s6], $0x5FFFF  }
0xac: {  	[dreg:$0x1] =	wrdreg $0xFFFFFFFF  }
0xad: {  	[dreg:$0x0] =	wrdreg $0x60  }
0xae: {  	[dreg:$0x2] =	wrdreg s24  }
0xaf: {  	[dreg:$0x3] =	wrdreg $0xB8000  }
0xb0: {  	[dreg:$0x4] =	wrdreg $0x9  }
0xb1: {  	_ =	task.clear_ibuf [dreg:s6], $0x5FFFF;
	_ =	strace $0x9000004F  }
0xb2: {  	s29 =	simm.s32 $0x9;
	_ =	strace $0x80000051  }
0xb3: {  	_ =	swait.ge [sflag:s29], $0x1  }
0xb4: {  	[sflag:s29] =	ssyncadd.s32 $0xFFFFFFFF  }
0xb5: {  	_ =	strace $0x90000051  }
0xb6: {  	_ =	sfence  }
0xb7: {  	s30 =	sld [smem:$0x0];
	_ =	sdelay $0x2  }
0xb8: {  	s31 =	sshll.u32 s1, $0xD;
	s1 =	sshrl.u32 s1, $0x2  }
0xb9: {  	s3 =	sand.u32 $0x4000, s31;
	s1 =	sadd.s32 s1, s30  }
0xba: {  	s0 =	sor.u32 s3, s0;
	s1 =	sshll.u32 s1, $0x11  }
0xbb: {  	s0 =	sor.u32 s1, s0  }
0xbc: {  	s0 =	sadd.s32 $0x8F2B, s0  }
0xbd: {  	[sflag:s0] =	ssyncadd.remote.s32 $0x1  }
0xbe: {  	_ =	sfence.sel $0xFFFF  }
0xbf: {  	[dreg:$0x0] =	wrdreg $0xFFFFFFFF;
	(pc) =	sbr.abs _section_cstart, $3  }
0xc0: {  	[dreg:$0x1] =	wrdreg $0xFFFFFFFF  }
0xc1: {  	_ =	task.clear_ibuf [dreg:s6], $0x2FFFF;
	_ =	strace $0x9FFFFFFF  }
0xc2: {  	(tm) =	ssettm $0x7FFFFFFF  }
0xc3: {  	_ =	shalt  }
tec
execute0_lowered:
.L_overlay_start_1:
0x0: {  	(tag) =	ssettag $0x1  }
0x1: {  	s5 =	rddreg [dreg:$0x0]  }
0x2: {  	s1 =	rddreg [dreg:$0x1]  }
0x3: {  	s2 =	srdreg.scid;
	s0 =	rddreg [dreg:$0x2];
	s3 =	simm.s32 $0x0  }
0x4: {  	s18 =	simm.s32 $0x3C00;
	s19 =	simm.s32 $0x80;
	s10 =	sand.u32 $0x1, s2  }
0x5: {  	s20 =	simm.s32 $0x1;
	s2 =	stileid.u32;
	s6 =	smul.u32 $0x13C000, s10  }
0x6: {  	[smem:$0x7FF] =	sst s3;
	s4 =	sadd.s32 $0x12E00, s5;
	s7 =	smul.u32 $0x13C00, s2  }
0x7: {  	s12 =	sadd.s32 $0x61E00, s5;
	s13 =	sadd.s32 $0x8600, s5;
	s8 =	smul.u32 $0x4F000, s2  }
0x8: {  	_ =	strace $0x80000050;
	s29 =	ssub.s32 $0x2, s10;
	s11 =	smul.u32 $0x1400, s2  }
0x9: {  	s16 =	smul.u32 $0x780, s2;
	p0 =	seq.s32 s10, $0x1;
	s30 =	sshrl.u32 s29, $0x1  }
0xa: {  	s6 =	sadd.s32 s7, s6;
	s8 =	sshrl.u32 s8, $0x2;
	s15 =	ssub.s32 s29, s30  }
0xb: {  	s17 =	sshrl.u32 s11, $0x3;
	s10 =	sadd.s32 s12, s16;
	s11 =	sadd.s32 s13, s16  }
.Ltmp0:
0xc: {  	s16 =	simm.s32 $0x7800;
	s6 =	sshrl.u32 s6, $0x3;
	(pc) =	sbr.rel .LBB2_1-.Ltmp0, $4  }
0xd: {  	s31 =	sadd.s32 $0x7800, s17;
	s15 =	smax.u32 s15, $0x1;
	s17 =	simm.s32 $0x2  }
0xe: {  	s14 =	sadd.s32 s6, s5;
	s5 =	sadd.s32 s8, s1;
	s12 =	sadd.s32 s12, s31  }
0xf: {  	s13 =	sadd.s32 s13, s31;
	s6 =	sadd.s32 $0x4000, s5;
	s7 =	sadd.s32 $0x8000, s5  }
0x10: {  	v0 =	vimm.f32 $0.0e+00;
	s8 =	sadd.s32 $0xC000, s5;
	s9 =	sadd.s32 $0x10000, s5;
	s14 =	sadd.s32 $0xBB600, s14  }
.LBB2_6:
0x11: {  	s21 =	sshra.s32 s21, $0x2;
	[sflag:s17] =	ssyncadd.s32 $0xFFFFC000  }
0x12: {  	[tilespmem:s16], [sflag:$0x1] =	stream.indirect.gather [hbm4b:s4+s19], $0x80, s21, s19, $0xb8;
	[tilespmem:$0x1F400] =	vst v63  }
0x13: {  	_ =	swait.ge [sflag:s20], $0x4000  }
0x14: {  	[sflag:s20] =	ssyncset.done $0x0  }
0x15: {  	s21 =	sadd.s32 $0x3C00, s21;
	[sflag:s20] =	ssyncadd.s32 $0xFFFFC000  }
0x16: {  	[spmem:s1] =	stream.indirect.scatter.add.f32 [tilespmem:s16], [sflag:$0x2], $0x80, s21, s19, $0xb8;
	[tilespmem:$0x1F400] =	vst v63  }
0x17: {  	_ =	swait.ge [sflag:s17], $0x4000  }
0x18: {  	[sflag:s17] =	ssyncset.done $0x0  }
0x19: {  	[sflag:s17] =	ssyncadd.s32 $0xFFFFC000  }
.LBB2_10:
0x1a: {  	s3 =	sadd.s32 $0x1, s3  }
0x1b: {  	s21 =	sshll.u32 s2, $0x6;
	[bflag:$0x0] =	sbarrier.arrive $0xFFFF;
	p1 =	sne.s32 s3, s15  }
.Ltmp1:
0x1c: {  	s22 =	sshrl.u32 s5, $0x3;
	s21 =	sor.u32 $0x1C02, s21;
	(pc) =	sbr.rel @!p1 .LBB2_11-.Ltmp1, $4  }
0x1d: {  	[hbm:s14], [sflag:s21] =	dma.local [spmem:s22], $0x2780  }
0x1e: {  	_ =	swait.ge [sflag:s17], $0x2780  }
0x1f: {  	[sflag:s17] =	ssyncset.done $0x0  }
0x20: {  	[sflag:s17] =	ssyncadd.s32 $0xFFFFD880  }
.LBB2_1:
0x21: {  	s21 =	simm.s32 $0x0;
	s22 =	simm.s32 $0x200  }
.LBB2_2:
0x22: {  	p1 =	sne.s32 s22, $0xFE00;
	[tilespmem:s21+$0x7870] =	vst v0  }
0x23: {  	[tilespmem:s21+$0x7800] =	vst v0  }
0x24: {  	[tilespmem:s21+$0x7810] =	vst v0  }
.Ltmp2:
0x25: {  	[tilespmem:s21+$0x7820] =	vst v0;
	(pc) =	sbr.rel @p1 .LBB2_2-.Ltmp2, $4  }
0x26: {  	[tilespmem:s21+$0x7830] =	vst v0  }
0x27: {  	[tilespmem:s21+$0x7840] =	vst v0  }
0x28: {  	[tilespmem:s21+$0x7850] =	vst v0  }
0x29: {  	[tilespmem:s21+$0x7860] =	vst v0;
	s21 =	sshra.s32 s22, $0x2;
	s22 =	sadd.s32 $0x200, s22  }
0x2a: {  	[tilespmem:s21+$0x7870] =	vst v0  }
0x2b: {  	[tilespmem:s21+$0x7800] =	vst v0  }
0x2c: {  	[tilespmem:s21+$0x7810] =	vst v0  }
0x2d: {  	[tilespmem:s21+$0x7820] =	vst v0  }
0x2e: {  	[tilespmem:s21+$0x7830] =	vst v0  }
0x2f: {  	[tilespmem:s21+$0x7840] =	vst v0  }
0x30: {  	[tilespmem:s21+$0x7850] =	vst v0  }
0x31: {  	[tilespmem:s21+$0x7860] =	vst v0  }
0x32: {  	[spmem:s5] =	stream.linear.scatter [tilespmem:s16], [sflag:$0x2], $0x4000, $0x38;
	[tilespmem:$0x1F400] =	vst v63  }
0x33: {  	_ =	swait.ge [sflag:s17], $0x4000  }
0x34: {  	[sflag:s17] =	ssyncset.done $0x0  }
0x35: {  	[sflag:s17] =	ssyncadd.s32 $0xFFFFC000  }
0x36: {  	[spmem:s6] =	stream.linear.scatter [tilespmem:s16], [sflag:$0x2], $0x4000, $0x38;
	[tilespmem:$0x1F400] =	vst v63  }
0x37: {  	_ =	swait.ge [sflag:s17], $0x4000  }
0x38: {  	[sflag:s17] =	ssyncset.done $0x0  }
0x39: {  	[sflag:s17] =	ssyncadd.s32 $0xFFFFC000  }
0x3a: {  	[spmem:s7] =	stream.linear.scatter [tilespmem:s16], [sflag:$0x2], $0x4000, $0x38;
	[tilespmem:$0x1F400] =	vst v63  }
0x3b: {  	_ =	swait.ge [sflag:s17], $0x4000  }
0x3c: {  	[sflag:s17] =	ssyncset.done $0x0  }
0x3d: {  	[sflag:s17] =	ssyncadd.s32 $0xFFFFC000  }
0x3e: {  	[spmem:s8] =	stream.linear.scatter [tilespmem:s16], [sflag:$0x2], $0x4000, $0x38;
	[tilespmem:$0x1F400] =	vst v63  }
0x3f: {  	_ =	swait.ge [sflag:s17], $0x4000  }
0x40: {  	[sflag:s17] =	ssyncset.done $0x0  }
0x41: {  	[sflag:s17] =	ssyncadd.s32 $0xFFFFC000  }
0x42: {  	[spmem:s9] =	stream.linear.scatter [tilespmem:s16], [sflag:$0x2], $0x3C00, $0x38;
	[tilespmem:$0x1F400] =	vst v63  }
.Ltmp3:
0x43: {  	_ =	swait.ge [sflag:s17], $0x3C00;
	(pc) =	sbr.rel @!p0 .LBB2_4-.Ltmp3, $4  }
0x44: {  	[sflag:s17] =	ssyncset.done $0x0  }
0x45: {  	[sflag:s17] =	ssyncadd.s32 $0xFFFFC400  }
0x46: {  	[bflag:$0x0] =	sbarrier.arrive $0xFFFF  }
0x47: {  	s21 =	simm.s32 $0x0  }
0x48: {  	[tilespmem:s21], [sflag:$0x2] =	stream.linear.gather [hbm4b:s12+s21], $0x1400, $0x38;
	[tilespmem:$0x1F400] =	vst v63  }
0x49: {  	_ =	swait.ge [sflag:s17], $0x1400  }
0x4a: {  	[sflag:s17] =	ssyncset.done $0x0  }
0x4b: {  	[sflag:s17] =	ssyncadd.s32 $0xFFFFEC00  }
0x4c: {  	[tilespmem:s18], [sflag:$0x2] =	stream.linear.gather [hbm4b:s13+s21], $0x1400, $0x38;
	[tilespmem:$0x1F400] =	vst v63  }
0x4d: {  	_ =	swait.ge [sflag:s17], $0x1400  }
0x4e: {  	[sflag:s17] =	ssyncset.done $0x0  }
0x4f: {  	s30 =	simm.s32 $0x0;
	[sflag:s17] =	ssyncadd.s32 $0xFFFFEC00  }
0x50: {  	[tilespmem:s16], [sflag:$0x1] =	stream.indirect.gather [hbm4b:s4+s19], $0x80, s30, s19, $0xb8;
	[tilespmem:$0x1F400] =	vst v63  }
0x51: {  	_ =	swait.ge [sflag:s20], $0x4000  }
0x52: {  	[sflag:s20] =	ssyncset.done $0x0  }
0x53: {  	s31 =	simm.s32 $0x3C00;
	[sflag:s20] =	ssyncadd.s32 $0xFFFFC000  }
0x54: {  	[spmem:s1] =	stream.indirect.scatter.add.f32 [tilespmem:s16], [sflag:$0x2], $0x80, s31, s19, $0xb8;
	[tilespmem:$0x1F400] =	vst v63  }
0x55: {  	_ =	swait.ge [sflag:s17], $0x4000  }
0x56: {  	s22 =	simm.s32 $0x400;
	s21 =	simm.s32 $0x200;
	[sflag:s17] =	ssyncset.done $0x0  }
.LBB2_8:
0x57: {  	s23 =	sshra.s32 s21, $0x2  }
0x58: {  	[sflag:s17] =	ssyncadd.s32 $0xFFFFC000;
	s21 =	smov.u32 s22;
	s24 =	sadd.s32 $0x200, s22  }
0x59: {  	[tilespmem:s16], [sflag:$0x1] =	stream.indirect.gather [hbm4b:s4+s19], $0x80, s23, s19, $0xb8;
	[tilespmem:$0x1F400] =	vst v63  }
0x5a: {  	p1 =	sne.s32 s22, $0x4E00;
	_ =	swait.ge [sflag:s20], $0x4000  }
.Ltmp4:
0x5b: {  	[sflag:s20] =	ssyncset.done $0x0;
	(pc) =	sbr.rel @p1 .LBB2_8-.Ltmp4, $4  }
0x5c: {  	s22 =	sadd.s32 $0x3C00, s23;
	[sflag:s20] =	ssyncadd.s32 $0xFFFFC000  }
0x5d: {  	[spmem:s1] =	stream.indirect.scatter.add.f32 [tilespmem:s16], [sflag:$0x2], $0x80, s22, s19, $0xb8;
	[tilespmem:$0x1F400] =	vst v63  }
0x5e: {  	_ =	swait.ge [sflag:s17], $0x4000  }
0x5f: {  	s22 =	smov.u32 s24;
	[sflag:s17] =	ssyncset.done $0x0  }
0x60: {  	s21 =	sshra.s32 s21, $0x2;
	[sflag:s17] =	ssyncadd.s32 $0xFFFFC000  }
0x61: {  	[tilespmem:s16], [sflag:$0x1] =	stream.indirect.gather [hbm4b:s4+s19], $0x80, s21, s19, $0xb8;
	[tilespmem:$0x1F400] =	vst v63  }
0x62: {  	_ =	swait.ge [sflag:s20], $0x4000  }
0x63: {  	[sflag:s20] =	ssyncset.done $0x0  }
.Ltmp5:
0x64: {  	s21 =	sadd.s32 $0x3C00, s21;
	[sflag:s20] =	ssyncadd.s32 $0xFFFFC000;
	(pc) =	sbr.rel .LBB2_10-.Ltmp5, $4  }
0x65: {  	[spmem:s1] =	stream.indirect.scatter.add.f32 [tilespmem:s16], [sflag:$0x2], $0x80, s21, s19, $0xb8;
	[tilespmem:$0x1F400] =	vst v63  }
0x66: {  	_ =	swait.ge [sflag:s17], $0x4000  }
0x67: {  	[sflag:s17] =	ssyncset.done $0x0  }
0x68: {  	[sflag:s17] =	ssyncadd.s32 $0xFFFFC000  }
.LBB2_4:
0x69: {  	[tilespmem:s21], [sflag:$0x2] =	stream.linear.gather [hbm4b:s10+s21], $0x3C00, $0x38;
	[tilespmem:$0x1F400] =	vst v63  }
0x6a: {  	_ =	swait.ge [sflag:s17], $0x3C00  }
0x6b: {  	[sflag:s17] =	ssyncset.done $0x0  }
0x6c: {  	[sflag:s17] =	ssyncadd.s32 $0xFFFFC400  }
0x6d: {  	[tilespmem:s18], [sflag:$0x2] =	stream.linear.gather [hbm4b:s11+s21], $0x3C00, $0x38;
	[tilespmem:$0x1F400] =	vst v63  }
0x6e: {  	_ =	swait.ge [sflag:s17], $0x3C00  }
0x6f: {  	[sflag:s17] =	ssyncset.done $0x0  }
0x70: {  	s30 =	simm.s32 $0x0;
	[sflag:s17] =	ssyncadd.s32 $0xFFFFC400  }
0x71: {  	[tilespmem:s16], [sflag:$0x1] =	stream.indirect.gather [hbm4b:s4+s19], $0x80, s30, s19, $0xb8;
	[tilespmem:$0x1F400] =	vst v63  }
0x72: {  	_ =	swait.ge [sflag:s20], $0x4000  }
0x73: {  	[sflag:s20] =	ssyncset.done $0x0  }
0x74: {  	s31 =	simm.s32 $0x3C00;
	[sflag:s20] =	ssyncadd.s32 $0xFFFFC000  }
0x75: {  	[spmem:s1] =	stream.indirect.scatter.add.f32 [tilespmem:s16], [sflag:$0x2], $0x80, s31, s19, $0xb8;
	[tilespmem:$0x1F400] =	vst v63  }
0x76: {  	_ =	swait.ge [sflag:s17], $0x4000  }
0x77: {  	s22 =	simm.s32 $0x400;
	s21 =	simm.s32 $0x200;
	[sflag:s17] =	ssyncset.done $0x0  }
.LBB2_5:
0x78: {  	s23 =	sshra.s32 s21, $0x2  }
0x79: {  	[sflag:s17] =	ssyncadd.s32 $0xFFFFC000;
	s21 =	smov.u32 s22;
	s24 =	sadd.s32 $0x200, s22  }
0x7a: {  	[tilespmem:s16], [sflag:$0x1] =	stream.indirect.gather [hbm4b:s4+s19], $0x80, s23, s19, $0xb8;
	[tilespmem:$0x1F400] =	vst v63  }
0x7b: {  	p1 =	seq.s32 s22, $0xEE00;
	_ =	swait.ge [sflag:s20], $0x4000  }
.Ltmp6:
0x7c: {  	[sflag:s20] =	ssyncset.done $0x0;
	(pc) =	sbr.rel @!p1 .LBB2_5-.Ltmp6, $4  }
0x7d: {  	s22 =	sadd.s32 $0x3C00, s23;
	[sflag:s20] =	ssyncadd.s32 $0xFFFFC000  }
0x7e: {  	[spmem:s1] =	stream.indirect.scatter.add.f32 [tilespmem:s16], [sflag:$0x2], $0x80, s22, s19, $0xb8;
	[tilespmem:$0x1F400] =	vst v63  }
0x7f: {  	_ =	swait.ge [sflag:s17], $0x4000  }
0x80: {  	s22 =	smov.u32 s24;
	[sflag:s17] =	ssyncset.done $0x0  }
.Ltmp7:
0x81: {  	_ = 	snop;
	(pc) =	sbr.rel .LBB2_6-.Ltmp7, $1  }
0x82: {  	_ =	sdelay $0x3  }
.LBB2_11:
0x83: {  	_ =	sfence.sel $0x180000  }
0x84: {  	[bflag:$0x0] =	sbarrier.arrive $0xFFFF  }
0x85: {  	p0 =	sne.s32 s2, $0x0;
	_ =	strace $0x90000050  }
0x86: {  	s0 =	sadd.s32 @!p0 $0x100000, s0;
	[bflag:$0x2] =	sbarrier.arrive $0xFFFF  }
0x87: {  	[sflag:s0] =	ssyncadd.tile.s32 @!p0 $0x1;
	_ =	shalt  }
.Lfunc_end2:
_tile_overlayer_lowered:
.L_overlay_start_2:
0x88: {  	(tag) =	ssettag $0x2  }
0x89: {  	s0 =	rddreg [dreg:$0x0];
	s2 =	stileid.u32  }
0x8a: {  	s1 =	rddreg [dreg:$0x1];
	p0 =	sne.s32 s2, $0x0  }
0x8b: {  	s3 =	rddreg [dreg:$0x2];
	[bflag:$0x3] =	sbarrier.arrive $0xFFFF;
	s2 =	simm.s32 @!p0 $0x1C02  }
0x8c: {  	[timem:s3], [sflag:s2] =	dma.local @!p0 [hbm:s0], s1  }
0x8d: {  	s0 =	simm.s32 @!p0 $0x2  }
0x8e: {  	_ =	swait.ge @!p0 [sflag:s0], s1  }
0x8f: {  	s1 =	ssub.s32 @!p0 $0x0, s1;
	[sflag:s0] =	ssyncset.done @!p0 $0x0  }
0x90: {  	[sflag:s0] =	ssyncadd.s32 @!p0 s1  }
0x91: {  	[bflag:$0x3] =	sbarrier.arrive $0xFFFF  }
0x92: {  	_ =	shalt  }

// kernel: kernel.27.cloned.1.call-start
scs
__scs_entry_jumppad:
0x0: {  	(pc) =	sbr.rel $0x88, $3  }
0x1: {  	(tag) =	ssettag $0x0;
	lr =	simm.s32 $0x1  }
0x2: {  	[smem:$0x3F92] =	sst lr;
	_ =	strace $0xD0000000  }
0x3: {  	_ = 	snop  }
0x4: {  	_ = 	snop  }
0x5: {  	_ = 	snop  }
0x6: {  	_ = 	snop  }
0x7: {  	_ = 	snop  }
__scs_overlays_trampoline_lowered:
0x8: {  	[smem:$0x3FA1] =	sst s0  }
0x9: {  	[smem:$0x3FA2] =	sst s1  }
0xa: {  	[smem:$0x3FA3] =	sst s2  }
0xb: {  	[smem:$0x3FA4] =	sst s3  }
0xc: {  	[smem:$0x3FA5] =	sst s4  }
0xd: {  	[smem:$0x3FA6] =	sst s5  }
0xe: {  	[smem:$0x3FA7] =	sst s6  }
0xf: {  	[smem:$0x3FA8] =	sst s7  }
0x10: {  	[smem:$0x3FA9] =	sst s8  }
0x11: {  	[smem:$0x3FAA] =	sst s9;
	s0 =	simm.s32 @!p0 $0x0  }
0x12: {  	s1 =	sld [smem:$0x3F90];
	s0 =	simm.s32 @p0 $0x1  }
0x13: {  	[smem:$0x3FAB] =	sst s0;
	s0 =	simm.s32 @!p1 $0x0  }
0x14: {  	s2 =	sld [smem:$0x3F8F];
	s0 =	simm.s32 @p1 $0x1  }
0x15: {  	[smem:$0x3FAC] =	sst s0;
	s0 =	simm.s32 @!p2 $0x0  }
0x16: {  	s3 =	sld [smem:$0x3FDB];
	s0 =	simm.s32 @p2 $0x1  }
0x17: {  	s4 =	simm.s32 $0x1BF5;
	[smem:$0x3FAE] =	sst s0  }
0x18: {  	s0 =	sld [smem:$0x3F91];
	_ =	swait.ge [sflag:s4], $0x0  }
0x19: {  	s7 =	sld [smem:$0x3F92]  }
0x1a: {  	s8 =	sadd.s32 $0xFFFFE003, lr  }
0x1b: {  	s9 =	sadd.s32 $0xFFFFFEF7, lr;
	s5 =	simm.s32 $0xFFFFFFFF;
	p2 =	slt.u32 s8, $0xFFFFF086  }
0x1c: {  	p1 =	slt.u32 s9, $0xF7A;
	s5 =	simm.s32 @!p2 $0x0  }
0x1d: {  	s5 =	simm.s32 @p1 $0x1;
	p0 =	seq.s32 s7, s2  }
0x1e: {  	s7 =	smul.u32 @!p0 $0xF7A, s2;
	p2 =	seq.s32 @!p0 s5, $0x0  }
0x1f: {  	s9 =	smul.u32 $0xF7A, s1;
	s8 =	simm.s32 @!p0 $0x1BF5;
	p2 =	por !p2, p0  }
0x20: {  	[sflag:s8] =	ssyncset.s32 @!p0 $0xFFFFF086;
	s6 =	sadd.s32 @!p0 s3, s7;
	s7 =	simm.s32 @!p0 $0x108  }
0x21: {  	s3 =	sadd.s32 s3, s9;
	s6 =	sadd.s32 @!p0 $0x88, s6;
	s7 =	simm.s32 @p2 $0x1082  }
0x22: {  	[simem:s7], [sflag:s8] =	dma.local @!p0 [hbm:s6], $0xF7A  }
0x23: {  	s9 =	sor.u32 $0xD0000000, s2;
	s6 =	simm.s32 $0x108;
	_ =	swait.ge @!p0 [sflag:s8], $0x0  }
0x24: {  	s3 =	sadd.s32 $0x88, s3;
	s6 =	simm.s32 @!p1 $0x1082;
	[sflag:s4] =	ssyncset.s32 $0xFFFFF086  }
0x25: {  	[simem:s6], [sflag:s4] =	dma.local [hbm:s3], $0xF7A  }
0x26: {  	[smem:$0x3F92] =	sst s1;
	(tag) =	ssettag s2;
	_ =	strace s9  }
0x27: {  	s1 =	sld [smem:$0x3FA2]  }
0x28: {  	s2 =	sld [smem:$0x3FA3]  }
0x29: {  	s4 =	sld [smem:$0x3FA5]  }
0x2a: {  	p0 =	seq.s32 s5, $0x0;
	s5 =	sld [smem:$0x3FA6]  }
0x2b: {  	s6 =	sld [smem:$0x3FA7]  }
0x2c: {  	s7 =	sld [smem:$0x3FA8]  }
0x2d: {  	s3 =	simm.s32 $0x108;
	s8 =	sld [smem:$0x3FA9]  }
0x2e: {  	s3 =	simm.s32 @!p0 $0x1082;
	s9 =	sld [smem:$0x3FAA]  }
0x2f: {  	lr =	sadd.s32 s0, s3;
	s0 =	sld [smem:$0x3FA1]  }
0x30: {  	s3 =	sld [smem:$0x3FA4]  }
0x31: {  	[smem:$0x3FAD] =	sst s10  }
0x32: {  	s10 =	sld [smem:$0x3FAB];
	_ =	sdelay $0x3  }
0x33: {  	p0 =	seq.s32 s10, $0x1;
	s10 =	sld [smem:$0x3FAD];
	_ =	sdelay $0x3  }
0x34: {  	[smem:$0x3FAD] =	sst s10  }
0x35: {  	s10 =	sld [smem:$0x3FAC];
	_ =	sdelay $0x3  }
0x36: {  	p1 =	seq.s32 s10, $0x1;
	s10 =	sld [smem:$0x3FAD];
	_ =	sdelay $0x3  }
0x37: {  	[smem:$0x3FAD] =	sst s10  }
0x38: {  	s10 =	sld [smem:$0x3FAE]  }
0x39: {  	_ = 	snop;
	(pc) =	sbr.ind lr, $3  }
0x3a: {  	_ = 	snop  }
0x3b: {  	_ = 	snop  }
0x3c: {  	p2 =	seq.s32 s10, $0x1;
	s10 =	sld [smem:$0x3FAD]  }
0x3d: {  	_ =	shalt  }
0x3e: {  	_ =	shalt  }
0x3f: {  	_ =	shalt  }
0x40: {  	_ =	shalt  }
0x41: {  	_ =	shalt  }
0x42: {  	_ =	shalt  }
0x43: {  	_ =	shalt  }
0x44: {  	_ =	shalt  }
0x45: {  	_ =	shalt  }
0x46: {  	_ =	shalt  }
0x47: {  	_ =	shalt  }
0x48: {  	_ =	shalt  }
0x49: {  	_ =	shalt  }
0x4a: {  	_ =	shalt  }
0x4b: {  	_ =	shalt  }
0x4c: {  	_ =	shalt  }
0x4d: {  	_ =	shalt  }
0x4e: {  	_ =	shalt  }
0x4f: {  	_ =	shalt  }
0x50: {  	_ =	shalt  }
0x51: {  	_ =	shalt  }
0x52: {  	_ =	shalt  }
0x53: {  	_ =	shalt  }
0x54: {  	_ =	shalt  }
0x55: {  	_ =	shalt  }
0x56: {  	_ =	shalt  }
0x57: {  	_ =	shalt  }
0x58: {  	_ =	shalt  }
0x59: {  	_ =	shalt  }
0x5a: {  	_ =	shalt  }
0x5b: {  	_ =	shalt  }
0x5c: {  	_ =	shalt  }
0x5d: {  	_ =	shalt  }
0x5e: {  	_ =	shalt  }
0x5f: {  	_ =	shalt  }
0x60: {  	_ =	shalt  }
0x61: {  	_ =	shalt  }
0x62: {  	_ =	shalt  }
0x63: {  	_ =	shalt  }
0x64: {  	_ =	shalt  }
0x65: {  	_ =	shalt  }
0x66: {  	_ =	shalt  }
0x67: {  	_ =	shalt  }
0x68: {  	_ =	shalt  }
0x69: {  	_ =	shalt  }
0x6a: {  	_ =	shalt  }
0x6b: {  	_ =	shalt  }
0x6c: {  	_ =	shalt  }
0x6d: {  	_ =	shalt  }
0x6e: {  	_ =	shalt  }
0x6f: {  	_ =	shalt  }
0x70: {  	_ =	shalt  }
0x71: {  	_ =	shalt  }
0x72: {  	_ =	shalt  }
0x73: {  	_ =	shalt  }
0x74: {  	_ =	shalt  }
0x75: {  	_ =	shalt  }
0x76: {  	_ =	shalt  }
0x77: {  	_ =	shalt  }
0x78: {  	_ =	shalt  }
0x79: {  	_ =	shalt  }
0x7a: {  	_ =	shalt  }
0x7b: {  	_ =	shalt  }
0x7c: {  	_ =	shalt  }
0x7d: {  	_ =	shalt  }
0x7e: {  	_ =	shalt  }
0x7f: {  	_ =	shalt  }
0x80: {  	_ =	shalt  }
0x81: {  	_ =	shalt  }
0x82: {  	_ =	shalt  }
0x83: {  	_ =	shalt  }
0x84: {  	_ =	shalt  }
0x85: {  	_ =	shalt  }
0x86: {  	_ =	shalt  }
0x87: {  	_ =	shalt  }
.Lfunc_end0:
.L_simem_size_0:
called_computation.4_lowered:
.L_overlay_start_0:
0x88: {  	s2 =	sld [smem:$0x3FD9]  }
0x89: {  	s3 =	sld [smem:$0x3FFE];
	_ =	sdelay $0x1  }
0x8a: {  	s1 =	srdreg.scid  }
0x8b: {  	s0 =	sand.u32 $0x1, s1  }
0x8c: {  	s16 =	sshll.u32 s0, $0xA;
	s2 =	sadd.s32 s3, s2  }
0x8d: {  	s2 =	sadd.s32 s2, s16  }
0x8e: {  	[smem:$0x3FB9] =	sst s2  }
0x8f: {  	_ = 	snop  }
0x90: {  	(tm) =	ssettm $0x1  }
0x91: {  	s17 =	sld [smem:$0x3FFB];
	_ =	sdelay $0x3  }
0x92: {  	_ =	strace s17  }
0x93: {  	s2 =	sld [smem:$0x3FFC];
	_ =	sdelay $0x3  }
0x94: {  	_ =	strace s2  }
0x95: {  	s2 =	sld [smem:$0x3FFD];
	_ =	sdelay $0x3  }
0x96: {  	_ =	strace s2  }
0x97: {  	_ =	strace $0x8FFFFFFF  }
0x98: {  	s18 =	sld [smem:$0x3FDB];
	_ =	sdelay $0x1  }
0x99: {  	s19 =	simm.s32 $_scs_section_size  }
0x9a: {  	s4 =	simm.s32 $_size__tile_overlayer_lowered;
	s5 =	simm.s32 $_tile_overlayer_lowered  }
0x9b: {  	s22 =	simm.s32 $0x1BFF;
	s21 =	sshll.u32 s5, $0x1;
	s2 =	sadd.s32 s19, s18  }
0x9c: {  	s6 =	simm.s32 $0x0;
	s20 =	sshll.u32 s4, $0x1;
	s4 =	sadd.s32 s21, s2  }
0x9d: {  	[timem:s6], [sflag:s22] =	dma.local [hbm:s4], s20  }
0x9e: {  	_ =	swait.ge [sflag:s22], s20  }
0x9f: {  	s3 =	ssub.s32 $0x0, s20;
	[sflag:s22] =	ssyncset.done $0x0  }
0xa0: {  	[sflag:s22] =	ssyncadd.s32 s3;
	_ =	sdelay $0x1  }
0xa1: {  	s23 =	simm.s32 $0x1B8B  }
0xa2: {  	_ =	swait.ge [sflag:s23], $0x1  }
0xa3: {  	[sflag:s23] =	ssyncset.done $0x0  }
0xa4: {  	s25 =	simm.s32 $0x1B8E;
	s24 =	sld [smem:$0x3FFE];
	[sflag:s23] =	ssyncadd.s32 $0xFFFFFFFF  }
0xa5: {  	s26 =	simm.s32 $execute0_lowered;
	[smem:$0x3FD2] =	sst s25  }
0xa6: {  	s4 =	sshll.u32 s26, $0x1;
	_ =	strace $0x80000052;
	[dreg:$0x1] =	wrdreg $0xFFFFFFFF  }
0xa7: {  	s28 =	simm.s32 $_size_execute0_lowered;
	s2 =	sadd.s32 s2, s4;
	[dreg:$0x0] =	wrdreg $0x0  }
0xa8: {  	s4 =	sshll.u32 s28, $0x1;
	[dreg:$0x2] =	wrdreg s2  }
0xa9: {  	[dreg:$0x3] =	wrdreg s4  }
0xaa: {  	[dreg:$0x4] =	wrdreg $0xC0  }
0xab: {  	_ =	task [dreg:s6], $0x5FFFF  }
0xac: {  	[dreg:$0x1] =	wrdreg $0xFFFFFFFF  }
0xad: {  	[dreg:$0x0] =	wrdreg $0x60  }
0xae: {  	[dreg:$0x2] =	wrdreg s24  }
0xaf: {  	[dreg:$0x3] =	wrdreg $0xB8000  }
0xb0: {  	[dreg:$0x4] =	wrdreg $0x9  }
0xb1: {  	_ =	task.clear_ibuf [dreg:s6], $0x5FFFF;
	_ =	strace $0x90000052  }
0xb2: {  	s29 =	simm.s32 $0x9;
	_ =	strace $0x80000054  }
0xb3: {  	_ =	swait.ge [sflag:s29], $0x1  }
0xb4: {  	[sflag:s29] =	ssyncadd.s32 $0xFFFFFFFF  }
0xb5: {  	_ =	strace $0x90000054  }
0xb6: {  	_ =	sfence  }
0xb7: {  	s30 =	sld [smem:$0x0];
	_ =	sdelay $0x2  }
0xb8: {  	s31 =	sshll.u32 s1, $0xD;
	s1 =	sshrl.u32 s1, $0x2  }
0xb9: {  	s3 =	sand.u32 $0x4000, s31;
	s1 =	sadd.s32 s1, s30  }
0xba: {  	s0 =	sor.u32 s3, s0;
	s1 =	sshll.u32 s1, $0x11  }
0xbb: {  	s0 =	sor.u32 s1, s0  }
0xbc: {  	s0 =	sadd.s32 $0x8F2B, s0  }
0xbd: {  	[sflag:s0] =	ssyncadd.remote.s32 $0x1  }
0xbe: {  	_ =	sfence.sel $0xFFFF  }
0xbf: {  	[dreg:$0x0] =	wrdreg $0xFFFFFFFF;
	(pc) =	sbr.abs _section_cstart, $3  }
0xc0: {  	[dreg:$0x1] =	wrdreg $0xFFFFFFFF  }
0xc1: {  	_ =	task.clear_ibuf [dreg:s6], $0x2FFFF;
	_ =	strace $0x9FFFFFFF  }
0xc2: {  	(tm) =	ssettm $0x7FFFFFFF  }
0xc3: {  	_ =	shalt  }
tec
execute0_lowered:
.L_overlay_start_1:
0x0: {  	(tag) =	ssettag $0x1  }
0x1: {  	s5 =	rddreg [dreg:$0x0]  }
0x2: {  	s1 =	rddreg [dreg:$0x1]  }
0x3: {  	s2 =	srdreg.scid;
	s0 =	rddreg [dreg:$0x2];
	s3 =	simm.s32 $0x0  }
0x4: {  	s18 =	simm.s32 $0x3C00;
	s19 =	simm.s32 $0x80;
	s10 =	sand.u32 $0x1, s2  }
0x5: {  	s20 =	simm.s32 $0x1;
	s2 =	stileid.u32;
	s6 =	smul.u32 $0x13C000, s10  }
0x6: {  	[smem:$0x7FF] =	sst s3;
	s4 =	sadd.s32 $0x12E00, s5;
	s7 =	smul.u32 $0x13C00, s2  }
0x7: {  	s12 =	sadd.s32 $0x61E00, s5;
	s13 =	sadd.s32 $0x8600, s5;
	s8 =	smul.u32 $0x4F000, s2  }
0x8: {  	_ =	strace $0x80000053;
	s29 =	ssub.s32 $0x2, s10;
	s11 =	smul.u32 $0x1400, s2  }
0x9: {  	s16 =	smul.u32 $0x780, s2;
	p0 =	seq.s32 s10, $0x1;
	s30 =	sshrl.u32 s29, $0x1  }
0xa: {  	s6 =	sadd.s32 s7, s6;
	s8 =	sshrl.u32 s8, $0x2;
	s15 =	ssub.s32 s29, s30  }
0xb: {  	s17 =	sshrl.u32 s11, $0x3;
	s10 =	sadd.s32 s12, s16;
	s11 =	sadd.s32 s13, s16  }
.Ltmp0:
0xc: {  	s16 =	simm.s32 $0x7800;
	s6 =	sshrl.u32 s6, $0x3;
	(pc) =	sbr.rel .LBB2_1-.Ltmp0, $4  }
0xd: {  	s31 =	sadd.s32 $0x7800, s17;
	s15 =	smax.u32 s15, $0x1;
	s17 =	simm.s32 $0x2  }
0xe: {  	s14 =	sadd.s32 s6, s5;
	s5 =	sadd.s32 s8, s1;
	s12 =	sadd.s32 s12, s31  }
0xf: {  	s13 =	sadd.s32 s13, s31;
	s6 =	sadd.s32 $0x4000, s5;
	s7 =	sadd.s32 $0x8000, s5  }
0x10: {  	v0 =	vimm.f32 $0.0e+00;
	s8 =	sadd.s32 $0xC000, s5;
	s9 =	sadd.s32 $0x10000, s5;
	s14 =	sadd.s32 $0xE2E00, s14  }
.LBB2_6:
0x11: {  	s21 =	sshra.s32 s21, $0x2;
	[sflag:s17] =	ssyncadd.s32 $0xFFFFC000  }
0x12: {  	[tilespmem:s16], [sflag:$0x1] =	stream.indirect.gather [hbm4b:s4+s19], $0x80, s21, s19, $0xb8;
	[tilespmem:$0x1F400] =	vst v63  }
0x13: {  	_ =	swait.ge [sflag:s20], $0x4000  }
0x14: {  	[sflag:s20] =	ssyncset.done $0x0  }
0x15: {  	s21 =	sadd.s32 $0x3C00, s21;
	[sflag:s20] =	ssyncadd.s32 $0xFFFFC000  }
0x16: {  	[spmem:s1] =	stream.indirect.scatter.add.f32 [tilespmem:s16], [sflag:$0x2], $0x80, s21, s19, $0xb8;
	[tilespmem:$0x1F400] =	vst v63  }
0x17: {  	_ =	swait.ge [sflag:s17], $0x4000  }
0x18: {  	[sflag:s17] =	ssyncset.done $0x0  }
0x19: {  	[sflag:s17] =	ssyncadd.s32 $0xFFFFC000  }
.LBB2_10:
0x1a: {  	s3 =	sadd.s32 $0x1, s3  }
0x1b: {  	s21 =	sshll.u32 s2, $0x6;
	[bflag:$0x0] =	sbarrier.arrive $0xFFFF;
	p1 =	sne.s32 s3, s15  }
.Ltmp1:
0x1c: {  	s22 =	sshrl.u32 s5, $0x3;
	s21 =	sor.u32 $0x1C02, s21;
	(pc) =	sbr.rel @!p1 .LBB2_11-.Ltmp1, $4  }
0x1d: {  	[hbm:s14], [sflag:s21] =	dma.local [spmem:s22], $0x2780  }
0x1e: {  	_ =	swait.ge [sflag:s17], $0x2780  }
0x1f: {  	[sflag:s17] =	ssyncset.done $0x0  }
0x20: {  	[sflag:s17] =	ssyncadd.s32 $0xFFFFD880  }
.LBB2_1:
0x21: {  	s21 =	simm.s32 $0x0;
	s22 =	simm.s32 $0x200  }
.LBB2_2:
0x22: {  	p1 =	sne.s32 s22, $0xFE00;
	[tilespmem:s21+$0x7870] =	vst v0  }
0x23: {  	[tilespmem:s21+$0x7800] =	vst v0  }
0x24: {  	[tilespmem:s21+$0x7810] =	vst v0  }
.Ltmp2:
0x25: {  	[tilespmem:s21+$0x7820] =	vst v0;
	(pc) =	sbr.rel @p1 .LBB2_2-.Ltmp2, $4  }
0x26: {  	[tilespmem:s21+$0x7830] =	vst v0  }
0x27: {  	[tilespmem:s21+$0x7840] =	vst v0  }
0x28: {  	[tilespmem:s21+$0x7850] =	vst v0  }
0x29: {  	[tilespmem:s21+$0x7860] =	vst v0;
	s21 =	sshra.s32 s22, $0x2;
	s22 =	sadd.s32 $0x200, s22  }
0x2a: {  	[tilespmem:s21+$0x7870] =	vst v0  }
0x2b: {  	[tilespmem:s21+$0x7800] =	vst v0  }
0x2c: {  	[tilespmem:s21+$0x7810] =	vst v0  }
0x2d: {  	[tilespmem:s21+$0x7820] =	vst v0  }
0x2e: {  	[tilespmem:s21+$0x7830] =	vst v0  }
0x2f: {  	[tilespmem:s21+$0x7840] =	vst v0  }
0x30: {  	[tilespmem:s21+$0x7850] =	vst v0  }
0x31: {  	[tilespmem:s21+$0x7860] =	vst v0  }
0x32: {  	[spmem:s5] =	stream.linear.scatter [tilespmem:s16], [sflag:$0x2], $0x4000, $0x38;
	[tilespmem:$0x1F400] =	vst v63  }
0x33: {  	_ =	swait.ge [sflag:s17], $0x4000  }
0x34: {  	[sflag:s17] =	ssyncset.done $0x0  }
0x35: {  	[sflag:s17] =	ssyncadd.s32 $0xFFFFC000  }
0x36: {  	[spmem:s6] =	stream.linear.scatter [tilespmem:s16], [sflag:$0x2], $0x4000, $0x38;
	[tilespmem:$0x1F400] =	vst v63  }
0x37: {  	_ =	swait.ge [sflag:s17], $0x4000  }
0x38: {  	[sflag:s17] =	ssyncset.done $0x0  }
0x39: {  	[sflag:s17] =	ssyncadd.s32 $0xFFFFC000  }
0x3a: {  	[spmem:s7] =	stream.linear.scatter [tilespmem:s16], [sflag:$0x2], $0x4000, $0x38;
	[tilespmem:$0x1F400] =	vst v63  }
0x3b: {  	_ =	swait.ge [sflag:s17], $0x4000  }
0x3c: {  	[sflag:s17] =	ssyncset.done $0x0  }
0x3d: {  	[sflag:s17] =	ssyncadd.s32 $0xFFFFC000  }
0x3e: {  	[spmem:s8] =	stream.linear.scatter [tilespmem:s16], [sflag:$0x2], $0x4000, $0x38;
	[tilespmem:$0x1F400] =	vst v63  }
0x3f: {  	_ =	swait.ge [sflag:s17], $0x4000  }
0x40: {  	[sflag:s17] =	ssyncset.done $0x0  }
0x41: {  	[sflag:s17] =	ssyncadd.s32 $0xFFFFC000  }
0x42: {  	[spmem:s9] =	stream.linear.scatter [tilespmem:s16], [sflag:$0x2], $0x3C00, $0x38;
	[tilespmem:$0x1F400] =	vst v63  }
.Ltmp3:
0x43: {  	_ =	swait.ge [sflag:s17], $0x3C00;
	(pc) =	sbr.rel @!p0 .LBB2_4-.Ltmp3, $4  }
0x44: {  	[sflag:s17] =	ssyncset.done $0x0  }
0x45: {  	[sflag:s17] =	ssyncadd.s32 $0xFFFFC400  }
0x46: {  	[bflag:$0x0] =	sbarrier.arrive $0xFFFF  }
0x47: {  	s21 =	simm.s32 $0x0  }
0x48: {  	[tilespmem:s21], [sflag:$0x2] =	stream.linear.gather [hbm4b:s12+s21], $0x1400, $0x38;
	[tilespmem:$0x1F400] =	vst v63  }
0x49: {  	_ =	swait.ge [sflag:s17], $0x1400  }
0x4a: {  	[sflag:s17] =	ssyncset.done $0x0  }
0x4b: {  	[sflag:s17] =	ssyncadd.s32 $0xFFFFEC00  }
0x4c: {  	[tilespmem:s18], [sflag:$0x2] =	stream.linear.gather [hbm4b:s13+s21], $0x1400, $0x38;
	[tilespmem:$0x1F400] =	vst v63  }
0x4d: {  	_ =	swait.ge [sflag:s17], $0x1400  }
0x4e: {  	[sflag:s17] =	ssyncset.done $0x0  }
0x4f: {  	s30 =	simm.s32 $0x0;
	[sflag:s17] =	ssyncadd.s32 $0xFFFFEC00  }
0x50: {  	[tilespmem:s16], [sflag:$0x1] =	stream.indirect.gather [hbm4b:s4+s19], $0x80, s30, s19, $0xb8;
	[tilespmem:$0x1F400] =	vst v63  }
0x51: {  	_ =	swait.ge [sflag:s20], $0x4000  }
0x52: {  	[sflag:s20] =	ssyncset.done $0x0  }
0x53: {  	s31 =	simm.s32 $0x3C00;
	[sflag:s20] =	ssyncadd.s32 $0xFFFFC000  }
0x54: {  	[spmem:s1] =	stream.indirect.scatter.add.f32 [tilespmem:s16], [sflag:$0x2], $0x80, s31, s19, $0xb8;
	[tilespmem:$0x1F400] =	vst v63  }
0x55: {  	_ =	swait.ge [sflag:s17], $0x4000  }
0x56: {  	s22 =	simm.s32 $0x400;
	s21 =	simm.s32 $0x200;
	[sflag:s17] =	ssyncset.done $0x0  }
.LBB2_8:
0x57: {  	s23 =	sshra.s32 s21, $0x2  }
0x58: {  	[sflag:s17] =	ssyncadd.s32 $0xFFFFC000;
	s21 =	smov.u32 s22;
	s24 =	sadd.s32 $0x200, s22  }
0x59: {  	[tilespmem:s16], [sflag:$0x1] =	stream.indirect.gather [hbm4b:s4+s19], $0x80, s23, s19, $0xb8;
	[tilespmem:$0x1F400] =	vst v63  }
0x5a: {  	p1 =	sne.s32 s22, $0x4E00;
	_ =	swait.ge [sflag:s20], $0x4000  }
.Ltmp4:
0x5b: {  	[sflag:s20] =	ssyncset.done $0x0;
	(pc) =	sbr.rel @p1 .LBB2_8-.Ltmp4, $4  }
0x5c: {  	s22 =	sadd.s32 $0x3C00, s23;
	[sflag:s20] =	ssyncadd.s32 $0xFFFFC000  }
0x5d: {  	[spmem:s1] =	stream.indirect.scatter.add.f32 [tilespmem:s16], [sflag:$0x2], $0x80, s22, s19, $0xb8;
	[tilespmem:$0x1F400] =	vst v63  }
0x5e: {  	_ =	swait.ge [sflag:s17], $0x4000  }
0x5f: {  	s22 =	smov.u32 s24;
	[sflag:s17] =	ssyncset.done $0x0  }
0x60: {  	s21 =	sshra.s32 s21, $0x2;
	[sflag:s17] =	ssyncadd.s32 $0xFFFFC000  }
0x61: {  	[tilespmem:s16], [sflag:$0x1] =	stream.indirect.gather [hbm4b:s4+s19], $0x80, s21, s19, $0xb8;
	[tilespmem:$0x1F400] =	vst v63  }
0x62: {  	_ =	swait.ge [sflag:s20], $0x4000  }
0x63: {  	[sflag:s20] =	ssyncset.done $0x0  }
.Ltmp5:
0x64: {  	s21 =	sadd.s32 $0x3C00, s21;
	[sflag:s20] =	ssyncadd.s32 $0xFFFFC000;
	(pc) =	sbr.rel .LBB2_10-.Ltmp5, $4  }
0x65: {  	[spmem:s1] =	stream.indirect.scatter.add.f32 [tilespmem:s16], [sflag:$0x2], $0x80, s21, s19, $0xb8;
	[tilespmem:$0x1F400] =	vst v63  }
0x66: {  	_ =	swait.ge [sflag:s17], $0x4000  }
0x67: {  	[sflag:s17] =	ssyncset.done $0x0  }
0x68: {  	[sflag:s17] =	ssyncadd.s32 $0xFFFFC000  }
.LBB2_4:
0x69: {  	[tilespmem:s21], [sflag:$0x2] =	stream.linear.gather [hbm4b:s10+s21], $0x3C00, $0x38;
	[tilespmem:$0x1F400] =	vst v63  }
0x6a: {  	_ =	swait.ge [sflag:s17], $0x3C00  }
0x6b: {  	[sflag:s17] =	ssyncset.done $0x0  }
0x6c: {  	[sflag:s17] =	ssyncadd.s32 $0xFFFFC400  }
0x6d: {  	[tilespmem:s18], [sflag:$0x2] =	stream.linear.gather [hbm4b:s11+s21], $0x3C00, $0x38;
	[tilespmem:$0x1F400] =	vst v63  }
0x6e: {  	_ =	swait.ge [sflag:s17], $0x3C00  }
0x6f: {  	[sflag:s17] =	ssyncset.done $0x0  }
0x70: {  	s30 =	simm.s32 $0x0;
	[sflag:s17] =	ssyncadd.s32 $0xFFFFC400  }
0x71: {  	[tilespmem:s16], [sflag:$0x1] =	stream.indirect.gather [hbm4b:s4+s19], $0x80, s30, s19, $0xb8;
	[tilespmem:$0x1F400] =	vst v63  }
0x72: {  	_ =	swait.ge [sflag:s20], $0x4000  }
0x73: {  	[sflag:s20] =	ssyncset.done $0x0  }
0x74: {  	s31 =	simm.s32 $0x3C00;
	[sflag:s20] =	ssyncadd.s32 $0xFFFFC000  }
0x75: {  	[spmem:s1] =	stream.indirect.scatter.add.f32 [tilespmem:s16], [sflag:$0x2], $0x80, s31, s19, $0xb8;
	[tilespmem:$0x1F400] =	vst v63  }
0x76: {  	_ =	swait.ge [sflag:s17], $0x4000  }
0x77: {  	s22 =	simm.s32 $0x400;
	s21 =	simm.s32 $0x200;
	[sflag:s17] =	ssyncset.done $0x0  }
.LBB2_5:
0x78: {  	s23 =	sshra.s32 s21, $0x2  }
0x79: {  	[sflag:s17] =	ssyncadd.s32 $0xFFFFC000;
	s21 =	smov.u32 s22;
	s24 =	sadd.s32 $0x200, s22  }
0x7a: {  	[tilespmem:s16], [sflag:$0x1] =	stream.indirect.gather [hbm4b:s4+s19], $0x80, s23, s19, $0xb8;
	[tilespmem:$0x1F400] =	vst v63  }
0x7b: {  	p1 =	seq.s32 s22, $0xEE00;
	_ =	swait.ge [sflag:s20], $0x4000  }
.Ltmp6:
0x7c: {  	[sflag:s20] =	ssyncset.done $0x0;
	(pc) =	sbr.rel @!p1 .LBB2_5-.Ltmp6, $4  }
0x7d: {  	s22 =	sadd.s32 $0x3C00, s23;
	[sflag:s20] =	ssyncadd.s32 $0xFFFFC000  }
0x7e: {  	[spmem:s1] =	stream.indirect.scatter.add.f32 [tilespmem:s16], [sflag:$0x2], $0x80, s22, s19, $0xb8;
	[tilespmem:$0x1F400] =	vst v63  }
0x7f: {  	_ =	swait.ge [sflag:s17], $0x4000  }
0x80: {  	s22 =	smov.u32 s24;
	[sflag:s17] =	ssyncset.done $0x0  }
.Ltmp7:
0x81: {  	_ = 	snop;
	(pc) =	sbr.rel .LBB2_6-.Ltmp7, $1  }
0x82: {  	_ =	sdelay $0x3  }
.LBB2_11:
0x83: {  	_ =	sfence.sel $0x180000  }
0x84: {  	[bflag:$0x0] =	sbarrier.arrive $0xFFFF  }
0x85: {  	p0 =	sne.s32 s2, $0x0;
	_ =	strace $0x90000053  }
0x86: {  	s0 =	sadd.s32 @!p0 $0x100000, s0;
	[bflag:$0x2] =	sbarrier.arrive $0xFFFF  }
0x87: {  	[sflag:s0] =	ssyncadd.tile.s32 @!p0 $0x1;
	_ =	shalt  }
.Lfunc_end2:
_tile_overlayer_lowered:
.L_overlay_start_2:
0x88: {  	(tag) =	ssettag $0x2  }
0x89: {  	s0 =	rddreg [dreg:$0x0];
	s2 =	stileid.u32  }
0x8a: {  	s1 =	rddreg [dreg:$0x1];
	p0 =	sne.s32 s2, $0x0  }
0x8b: {  	s3 =	rddreg [dreg:$0x2];
	[bflag:$0x3] =	sbarrier.arrive $0xFFFF;
	s2 =	simm.s32 @!p0 $0x1C02  }
0x8c: {  	[timem:s3], [sflag:s2] =	dma.local @!p0 [hbm:s0], s1  }
0x8d: {  	s0 =	simm.s32 @!p0 $0x2  }
0x8e: {  	_ =	swait.ge @!p0 [sflag:s0], s1  }
0x8f: {  	s1 =	ssub.s32 @!p0 $0x0, s1;
	[sflag:s0] =	ssyncset.done @!p0 $0x0  }
0x90: {  	[sflag:s0] =	ssyncadd.s32 @!p0 s1  }
0x91: {  	[bflag:$0x3] =	sbarrier.arrive $0xFFFF  }
0x92: {  	_ =	shalt  }

// kernel: kernel.30.cloned.1.call-start
scs
__scs_entry_jumppad:
0x0: {  	(pc) =	sbr.rel $0x88, $3  }
0x1: {  	(tag) =	ssettag $0x0;
	lr =	simm.s32 $0x1  }
0x2: {  	[smem:$0x3F92] =	sst lr;
	_ =	strace $0xD0000000  }
0x3: {  	_ = 	snop  }
0x4: {  	_ = 	snop  }
0x5: {  	_ = 	snop  }
0x6: {  	_ = 	snop  }
0x7: {  	_ = 	snop  }
__scs_overlays_trampoline_lowered:
0x8: {  	[smem:$0x3FA1] =	sst s0  }
0x9: {  	[smem:$0x3FA2] =	sst s1  }
0xa: {  	[smem:$0x3FA3] =	sst s2  }
0xb: {  	[smem:$0x3FA4] =	sst s3  }
0xc: {  	[smem:$0x3FA5] =	sst s4  }
0xd: {  	[smem:$0x3FA6] =	sst s5  }
0xe: {  	[smem:$0x3FA7] =	sst s6  }
0xf: {  	[smem:$0x3FA8] =	sst s7  }
0x10: {  	[smem:$0x3FA9] =	sst s8  }
0x11: {  	[smem:$0x3FAA] =	sst s9;
	s0 =	simm.s32 @!p0 $0x0  }
0x12: {  	s1 =	sld [smem:$0x3F90];
	s0 =	simm.s32 @p0 $0x1  }
0x13: {  	[smem:$0x3FAB] =	sst s0;
	s0 =	simm.s32 @!p1 $0x0  }
0x14: {  	s2 =	sld [smem:$0x3F8F];
	s0 =	simm.s32 @p1 $0x1  }
0x15: {  	[smem:$0x3FAC] =	sst s0;
	s0 =	simm.s32 @!p2 $0x0  }
0x16: {  	s3 =	sld [smem:$0x3FDB];
	s0 =	simm.s32 @p2 $0x1  }
0x17: {  	s4 =	simm.s32 $0x1BF5;
	[smem:$0x3FAE] =	sst s0  }
0x18: {  	s0 =	sld [smem:$0x3F91];
	_ =	swait.ge [sflag:s4], $0x0  }
0x19: {  	s7 =	sld [smem:$0x3F92]  }
0x1a: {  	s8 =	sadd.s32 $0xFFFFE003, lr  }
0x1b: {  	s9 =	sadd.s32 $0xFFFFFEF7, lr;
	s5 =	simm.s32 $0xFFFFFFFF;
	p2 =	slt.u32 s8, $0xFFFFF086  }
0x1c: {  	p1 =	slt.u32 s9, $0xF7A;
	s5 =	simm.s32 @!p2 $0x0  }
0x1d: {  	s5 =	simm.s32 @p1 $0x1;
	p0 =	seq.s32 s7, s2  }
0x1e: {  	s7 =	smul.u32 @!p0 $0xF7A, s2;
	p2 =	seq.s32 @!p0 s5, $0x0  }
0x1f: {  	s9 =	smul.u32 $0xF7A, s1;
	s8 =	simm.s32 @!p0 $0x1BF5;
	p2 =	por !p2, p0  }
0x20: {  	[sflag:s8] =	ssyncset.s32 @!p0 $0xFFFFF086;
	s6 =	sadd.s32 @!p0 s3, s7;
	s7 =	simm.s32 @!p0 $0x108  }
0x21: {  	s3 =	sadd.s32 s3, s9;
	s6 =	sadd.s32 @!p0 $0x88, s6;
	s7 =	simm.s32 @p2 $0x1082  }
0x22: {  	[simem:s7], [sflag:s8] =	dma.local @!p0 [hbm:s6], $0xF7A  }
0x23: {  	s9 =	sor.u32 $0xD0000000, s2;
	s6 =	simm.s32 $0x108;
	_ =	swait.ge @!p0 [sflag:s8], $0x0  }
0x24: {  	s3 =	sadd.s32 $0x88, s3;
	s6 =	simm.s32 @!p1 $0x1082;
	[sflag:s4] =	ssyncset.s32 $0xFFFFF086  }
0x25: {  	[simem:s6], [sflag:s4] =	dma.local [hbm:s3], $0xF7A  }
0x26: {  	[smem:$0x3F92] =	sst s1;
	(tag) =	ssettag s2;
	_ =	strace s9  }
0x27: {  	s1 =	sld [smem:$0x3FA2]  }
0x28: {  	s2 =	sld [smem:$0x3FA3]  }
0x29: {  	s4 =	sld [smem:$0x3FA5]  }
0x2a: {  	p0 =	seq.s32 s5, $0x0;
	s5 =	sld [smem:$0x3FA6]  }
0x2b: {  	s6 =	sld [smem:$0x3FA7]  }
0x2c: {  	s7 =	sld [smem:$0x3FA8]  }
0x2d: {  	s3 =	simm.s32 $0x108;
	s8 =	sld [smem:$0x3FA9]  }
0x2e: {  	s3 =	simm.s32 @!p0 $0x1082;
	s9 =	sld [smem:$0x3FAA]  }
0x2f: {  	lr =	sadd.s32 s0, s3;
	s0 =	sld [smem:$0x3FA1]  }
0x30: {  	s3 =	sld [smem:$0x3FA4]  }
0x31: {  	[smem:$0x3FAD] =	sst s10  }
0x32: {  	s10 =	sld [smem:$0x3FAB];
	_ =	sdelay $0x3  }
0x33: {  	p0 =	seq.s32 s10, $0x1;
	s10 =	sld [smem:$0x3FAD];
	_ =	sdelay $0x3  }
0x34: {  	[smem:$0x3FAD] =	sst s10  }
0x35: {  	s10 =	sld [smem:$0x3FAC];
	_ =	sdelay $0x3  }
0x36: {  	p1 =	seq.s32 s10, $0x1;
	s10 =	sld [smem:$0x3FAD];
	_ =	sdelay $0x3  }
0x37: {  	[smem:$0x3FAD] =	sst s10  }
0x38: {  	s10 =	sld [smem:$0x3FAE]  }
0x39: {  	_ = 	snop;
	(pc) =	sbr.ind lr, $3  }
0x3a: {  	_ = 	snop  }
0x3b: {  	_ = 	snop  }
0x3c: {  	p2 =	seq.s32 s10, $0x1;
	s10 =	sld [smem:$0x3FAD]  }
0x3d: {  	_ =	shalt  }
0x3e: {  	_ =	shalt  }
0x3f: {  	_ =	shalt  }
0x40: {  	_ =	shalt  }
0x41: {  	_ =	shalt  }
0x42: {  	_ =	shalt  }
0x43: {  	_ =	shalt  }
0x44: {  	_ =	shalt  }
0x45: {  	_ =	shalt  }
0x46: {  	_ =	shalt  }
0x47: {  	_ =	shalt  }
0x48: {  	_ =	shalt  }
0x49: {  	_ =	shalt  }
0x4a: {  	_ =	shalt  }
0x4b: {  	_ =	shalt  }
0x4c: {  	_ =	shalt  }
0x4d: {  	_ =	shalt  }
0x4e: {  	_ =	shalt  }
0x4f: {  	_ =	shalt  }
0x50: {  	_ =	shalt  }
0x51: {  	_ =	shalt  }
0x52: {  	_ =	shalt  }
0x53: {  	_ =	shalt  }
0x54: {  	_ =	shalt  }
0x55: {  	_ =	shalt  }
0x56: {  	_ =	shalt  }
0x57: {  	_ =	shalt  }
0x58: {  	_ =	shalt  }
0x59: {  	_ =	shalt  }
0x5a: {  	_ =	shalt  }
0x5b: {  	_ =	shalt  }
0x5c: {  	_ =	shalt  }
0x5d: {  	_ =	shalt  }
0x5e: {  	_ =	shalt  }
0x5f: {  	_ =	shalt  }
0x60: {  	_ =	shalt  }
0x61: {  	_ =	shalt  }
0x62: {  	_ =	shalt  }
0x63: {  	_ =	shalt  }
0x64: {  	_ =	shalt  }
0x65: {  	_ =	shalt  }
0x66: {  	_ =	shalt  }
0x67: {  	_ =	shalt  }
0x68: {  	_ =	shalt  }
0x69: {  	_ =	shalt  }
0x6a: {  	_ =	shalt  }
0x6b: {  	_ =	shalt  }
0x6c: {  	_ =	shalt  }
0x6d: {  	_ =	shalt  }
0x6e: {  	_ =	shalt  }
0x6f: {  	_ =	shalt  }
0x70: {  	_ =	shalt  }
0x71: {  	_ =	shalt  }
0x72: {  	_ =	shalt  }
0x73: {  	_ =	shalt  }
0x74: {  	_ =	shalt  }
0x75: {  	_ =	shalt  }
0x76: {  	_ =	shalt  }
0x77: {  	_ =	shalt  }
0x78: {  	_ =	shalt  }
0x79: {  	_ =	shalt  }
0x7a: {  	_ =	shalt  }
0x7b: {  	_ =	shalt  }
0x7c: {  	_ =	shalt  }
0x7d: {  	_ =	shalt  }
0x7e: {  	_ =	shalt  }
0x7f: {  	_ =	shalt  }
0x80: {  	_ =	shalt  }
0x81: {  	_ =	shalt  }
0x82: {  	_ =	shalt  }
0x83: {  	_ =	shalt  }
0x84: {  	_ =	shalt  }
0x85: {  	_ =	shalt  }
0x86: {  	_ =	shalt  }
0x87: {  	_ =	shalt  }
.Lfunc_end0:
.L_simem_size_0:
called_computation.5_lowered:
.L_overlay_start_0:
0x88: {  	s2 =	sld [smem:$0x3FD9]  }
0x89: {  	s3 =	sld [smem:$0x3FFE];
	_ =	sdelay $0x1  }
0x8a: {  	s1 =	srdreg.scid  }
0x8b: {  	s0 =	sand.u32 $0x1, s1  }
0x8c: {  	s16 =	sshll.u32 s0, $0xA;
	s2 =	sadd.s32 s3, s2  }
0x8d: {  	s2 =	sadd.s32 s2, s16  }
0x8e: {  	[smem:$0x3FB9] =	sst s2  }
0x8f: {  	_ = 	snop  }
0x90: {  	(tm) =	ssettm $0x1  }
0x91: {  	s17 =	sld [smem:$0x3FFB];
	_ =	sdelay $0x3  }
0x92: {  	_ =	strace s17  }
0x93: {  	s2 =	sld [smem:$0x3FFC];
	_ =	sdelay $0x3  }
0x94: {  	_ =	strace s2  }
0x95: {  	s2 =	sld [smem:$0x3FFD];
	_ =	sdelay $0x3  }
0x96: {  	_ =	strace s2  }
0x97: {  	_ =	strace $0x8FFFFFFF  }
0x98: {  	s18 =	sld [smem:$0x3FDB];
	_ =	sdelay $0x1  }
0x99: {  	s19 =	simm.s32 $_scs_section_size  }
0x9a: {  	s4 =	simm.s32 $_size__tile_overlayer_lowered;
	s5 =	simm.s32 $_tile_overlayer_lowered  }
0x9b: {  	s22 =	simm.s32 $0x1BFF;
	s21 =	sshll.u32 s5, $0x1;
	s2 =	sadd.s32 s19, s18  }
0x9c: {  	s6 =	simm.s32 $0x0;
	s20 =	sshll.u32 s4, $0x1;
	s4 =	sadd.s32 s21, s2  }
0x9d: {  	[timem:s6], [sflag:s22] =	dma.local [hbm:s4], s20  }
0x9e: {  	_ =	swait.ge [sflag:s22], s20  }
0x9f: {  	s3 =	ssub.s32 $0x0, s20;
	[sflag:s22] =	ssyncset.done $0x0  }
0xa0: {  	[sflag:s22] =	ssyncadd.s32 s3;
	_ =	sdelay $0x1  }
0xa1: {  	s23 =	simm.s32 $0x1B8B  }
0xa2: {  	_ =	swait.ge [sflag:s23], $0x1  }
0xa3: {  	[sflag:s23] =	ssyncset.done $0x0  }
0xa4: {  	s25 =	simm.s32 $0x1B8E;
	s24 =	sld [smem:$0x3FFE];
	[sflag:s23] =	ssyncadd.s32 $0xFFFFFFFF  }
0xa5: {  	s26 =	simm.s32 $execute0_lowered;
	[smem:$0x3FD2] =	sst s25  }
0xa6: {  	s4 =	sshll.u32 s26, $0x1;
	_ =	strace $0x80000055;
	[dreg:$0x1] =	wrdreg $0xFFFFFFFF  }
0xa7: {  	s28 =	simm.s32 $_size_execute0_lowered;
	s2 =	sadd.s32 s2, s4;
	[dreg:$0x0] =	wrdreg $0x0  }
0xa8: {  	s4 =	sshll.u32 s28, $0x1;
	[dreg:$0x2] =	wrdreg s2  }
0xa9: {  	[dreg:$0x3] =	wrdreg s4  }
0xaa: {  	[dreg:$0x4] =	wrdreg $0xC0  }
0xab: {  	_ =	task [dreg:s6], $0x5FFFF  }
0xac: {  	[dreg:$0x1] =	wrdreg $0xFFFFFFFF  }
0xad: {  	[dreg:$0x0] =	wrdreg $0x60  }
0xae: {  	[dreg:$0x2] =	wrdreg s24  }
0xaf: {  	[dreg:$0x3] =	wrdreg $0xB8000  }
0xb0: {  	[dreg:$0x4] =	wrdreg $0x9  }
0xb1: {  	_ =	task.clear_ibuf [dreg:s6], $0x5FFFF;
	_ =	strace $0x90000055  }
0xb2: {  	s29 =	simm.s32 $0x9;
	_ =	strace $0x80000057  }
0xb3: {  	_ =	swait.ge [sflag:s29], $0x1  }
0xb4: {  	[sflag:s29] =	ssyncadd.s32 $0xFFFFFFFF  }
0xb5: {  	_ =	strace $0x90000057  }
0xb6: {  	_ =	sfence  }
0xb7: {  	s30 =	sld [smem:$0x0];
	_ =	sdelay $0x2  }
0xb8: {  	s31 =	sshll.u32 s1, $0xD;
	s1 =	sshrl.u32 s1, $0x2  }
0xb9: {  	s3 =	sand.u32 $0x4000, s31;
	s1 =	sadd.s32 s1, s30  }
0xba: {  	s0 =	sor.u32 s3, s0;
	s1 =	sshll.u32 s1, $0x11  }
0xbb: {  	s0 =	sor.u32 s1, s0  }
0xbc: {  	s0 =	sadd.s32 $0x8F2B, s0  }
0xbd: {  	[sflag:s0] =	ssyncadd.remote.s32 $0x1  }
0xbe: {  	_ =	sfence.sel $0xFFFF  }
0xbf: {  	[dreg:$0x0] =	wrdreg $0xFFFFFFFF;
	(pc) =	sbr.abs _section_cstart, $3  }
0xc0: {  	[dreg:$0x1] =	wrdreg $0xFFFFFFFF  }
0xc1: {  	_ =	task.clear_ibuf [dreg:s6], $0x2FFFF;
	_ =	strace $0x9FFFFFFF  }
0xc2: {  	(tm) =	ssettm $0x7FFFFFFF  }
0xc3: {  	_ =	shalt  }
tec
execute0_lowered:
.L_overlay_start_1:
0x0: {  	(tag) =	ssettag $0x1  }
0x1: {  	s5 =	rddreg [dreg:$0x0]  }
0x2: {  	s1 =	rddreg [dreg:$0x1]  }
0x3: {  	s2 =	srdreg.scid;
	s0 =	rddreg [dreg:$0x2];
	s3 =	simm.s32 $0x0  }
0x4: {  	s18 =	simm.s32 $0x3C00;
	s19 =	simm.s32 $0x80;
	s10 =	sand.u32 $0x1, s2  }
0x5: {  	s20 =	simm.s32 $0x1;
	s2 =	stileid.u32;
	s6 =	smul.u32 $0x13C000, s10  }
0x6: {  	[smem:$0x7FF] =	sst s3;
	s4 =	sadd.s32 $0x12E00, s5;
	s7 =	smul.u32 $0x13C00, s2  }
0x7: {  	s12 =	sadd.s32 $0x61E00, s5;
	s13 =	sadd.s32 $0x8600, s5;
	s8 =	smul.u32 $0x4F000, s2  }
0x8: {  	_ =	strace $0x80000056;
	s29 =	ssub.s32 $0x2, s10;
	s11 =	smul.u32 $0x1400, s2  }
0x9: {  	s16 =	smul.u32 $0x780, s2;
	p0 =	seq.s32 s10, $0x1;
	s30 =	sshrl.u32 s29, $0x1  }
0xa: {  	s6 =	sadd.s32 s7, s6;
	s8 =	sshrl.u32 s8, $0x2;
	s15 =	ssub.s32 s29, s30  }
0xb: {  	s17 =	sshrl.u32 s11, $0x3;
	s10 =	sadd.s32 s12, s16;
	s11 =	sadd.s32 s13, s16  }
.Ltmp0:
0xc: {  	s16 =	simm.s32 $0x7800;
	s6 =	sshrl.u32 s6, $0x3;
	(pc) =	sbr.rel .LBB2_1-.Ltmp0, $4  }
0xd: {  	s31 =	sadd.s32 $0x7800, s17;
	s15 =	smax.u32 s15, $0x1;
	s17 =	simm.s32 $0x2  }
0xe: {  	s14 =	sadd.s32 s6, s5;
	s5 =	sadd.s32 s8, s1;
	s12 =	sadd.s32 s12, s31  }
0xf: {  	s13 =	sadd.s32 s13, s31;
	s6 =	sadd.s32 $0x4000, s5;
	s7 =	sadd.s32 $0x8000, s5  }
0x10: {  	v0 =	vimm.f32 $0.0e+00;
	s8 =	sadd.s32 $0xC000, s5;
	s9 =	sadd.s32 $0x10000, s5;
	s14 =	sadd.s32 $0x10A600, s14  }
.LBB2_6:
0x11: {  	s21 =	sshra.s32 s21, $0x2;
	[sflag:s17] =	ssyncadd.s32 $0xFFFFC000  }
0x12: {  	[tilespmem:s16], [sflag:$0x1] =	stream.indirect.gather [hbm4b:s4+s19], $0x80, s21, s19, $0xb8;
	[tilespmem:$0x1F400] =	vst v63  }
0x13: {  	_ =	swait.ge [sflag:s20], $0x4000  }
0x14: {  	[sflag:s20] =	ssyncset.done $0x0  }
0x15: {  	s21 =	sadd.s32 $0x3C00, s21;
	[sflag:s20] =	ssyncadd.s32 $0xFFFFC000  }
0x16: {  	[spmem:s1] =	stream.indirect.scatter.add.f32 [tilespmem:s16], [sflag:$0x2], $0x80, s21, s19, $0xb8;
	[tilespmem:$0x1F400] =	vst v63  }
0x17: {  	_ =	swait.ge [sflag:s17], $0x4000  }
0x18: {  	[sflag:s17] =	ssyncset.done $0x0  }
0x19: {  	[sflag:s17] =	ssyncadd.s32 $0xFFFFC000  }
.LBB2_10:
0x1a: {  	s3 =	sadd.s32 $0x1, s3  }
0x1b: {  	s21 =	sshll.u32 s2, $0x6;
	[bflag:$0x0] =	sbarrier.arrive $0xFFFF;
	p1 =	sne.s32 s3, s15  }
.Ltmp1:
0x1c: {  	s22 =	sshrl.u32 s5, $0x3;
	s21 =	sor.u32 $0x1C02, s21;
	(pc) =	sbr.rel @!p1 .LBB2_11-.Ltmp1, $4  }
0x1d: {  	[hbm:s14], [sflag:s21] =	dma.local [spmem:s22], $0x2780  }
0x1e: {  	_ =	swait.ge [sflag:s17], $0x2780  }
0x1f: {  	[sflag:s17] =	ssyncset.done $0x0  }
0x20: {  	[sflag:s17] =	ssyncadd.s32 $0xFFFFD880  }
.LBB2_1:
0x21: {  	s21 =	simm.s32 $0x0;
	s22 =	simm.s32 $0x200  }
.LBB2_2:
0x22: {  	p1 =	sne.s32 s22, $0xFE00;
	[tilespmem:s21+$0x7870] =	vst v0  }
0x23: {  	[tilespmem:s21+$0x7800] =	vst v0  }
0x24: {  	[tilespmem:s21+$0x7810] =	vst v0  }
.Ltmp2:
0x25: {  	[tilespmem:s21+$0x7820] =	vst v0;
	(pc) =	sbr.rel @p1 .LBB2_2-.Ltmp2, $4  }
0x26: {  	[tilespmem:s21+$0x7830] =	vst v0  }
0x27: {  	[tilespmem:s21+$0x7840] =	vst v0  }
0x28: {  	[tilespmem:s21+$0x7850] =	vst v0  }
0x29: {  	[tilespmem:s21+$0x7860] =	vst v0;
	s21 =	sshra.s32 s22, $0x2;
	s22 =	sadd.s32 $0x200, s22  }
0x2a: {  	[tilespmem:s21+$0x7870] =	vst v0  }
0x2b: {  	[tilespmem:s21+$0x7800] =	vst v0  }
0x2c: {  	[tilespmem:s21+$0x7810] =	vst v0  }
0x2d: {  	[tilespmem:s21+$0x7820] =	vst v0  }
0x2e: {  	[tilespmem:s21+$0x7830] =	vst v0  }
0x2f: {  	[tilespmem:s21+$0x7840] =	vst v0  }
0x30: {  	[tilespmem:s21+$0x7850] =	vst v0  }
0x31: {  	[tilespmem:s21+$0x7860] =	vst v0  }
0x32: {  	[spmem:s5] =	stream.linear.scatter [tilespmem:s16], [sflag:$0x2], $0x4000, $0x38;
	[tilespmem:$0x1F400] =	vst v63  }
0x33: {  	_ =	swait.ge [sflag:s17], $0x4000  }
0x34: {  	[sflag:s17] =	ssyncset.done $0x0  }
0x35: {  	[sflag:s17] =	ssyncadd.s32 $0xFFFFC000  }
0x36: {  	[spmem:s6] =	stream.linear.scatter [tilespmem:s16], [sflag:$0x2], $0x4000, $0x38;
	[tilespmem:$0x1F400] =	vst v63  }
0x37: {  	_ =	swait.ge [sflag:s17], $0x4000  }
0x38: {  	[sflag:s17] =	ssyncset.done $0x0  }
0x39: {  	[sflag:s17] =	ssyncadd.s32 $0xFFFFC000  }
0x3a: {  	[spmem:s7] =	stream.linear.scatter [tilespmem:s16], [sflag:$0x2], $0x4000, $0x38;
	[tilespmem:$0x1F400] =	vst v63  }
0x3b: {  	_ =	swait.ge [sflag:s17], $0x4000  }
0x3c: {  	[sflag:s17] =	ssyncset.done $0x0  }
0x3d: {  	[sflag:s17] =	ssyncadd.s32 $0xFFFFC000  }
0x3e: {  	[spmem:s8] =	stream.linear.scatter [tilespmem:s16], [sflag:$0x2], $0x4000, $0x38;
	[tilespmem:$0x1F400] =	vst v63  }
0x3f: {  	_ =	swait.ge [sflag:s17], $0x4000  }
0x40: {  	[sflag:s17] =	ssyncset.done $0x0  }
0x41: {  	[sflag:s17] =	ssyncadd.s32 $0xFFFFC000  }
0x42: {  	[spmem:s9] =	stream.linear.scatter [tilespmem:s16], [sflag:$0x2], $0x3C00, $0x38;
	[tilespmem:$0x1F400] =	vst v63  }
.Ltmp3:
0x43: {  	_ =	swait.ge [sflag:s17], $0x3C00;
	(pc) =	sbr.rel @!p0 .LBB2_4-.Ltmp3, $4  }
0x44: {  	[sflag:s17] =	ssyncset.done $0x0  }
0x45: {  	[sflag:s17] =	ssyncadd.s32 $0xFFFFC400  }
0x46: {  	[bflag:$0x0] =	sbarrier.arrive $0xFFFF  }
0x47: {  	s21 =	simm.s32 $0x0  }
0x48: {  	[tilespmem:s21], [sflag:$0x2] =	stream.linear.gather [hbm4b:s12+s21], $0x1400, $0x38;
	[tilespmem:$0x1F400] =	vst v63  }
0x49: {  	_ =	swait.ge [sflag:s17], $0x1400  }
0x4a: {  	[sflag:s17] =	ssyncset.done $0x0  }
0x4b: {  	[sflag:s17] =	ssyncadd.s32 $0xFFFFEC00  }
0x4c: {  	[tilespmem:s18], [sflag:$0x2] =	stream.linear.gather [hbm4b:s13+s21], $0x1400, $0x38;
	[tilespmem:$0x1F400] =	vst v63  }
0x4d: {  	_ =	swait.ge [sflag:s17], $0x1400  }
0x4e: {  	[sflag:s17] =	ssyncset.done $0x0  }
0x4f: {  	s30 =	simm.s32 $0x0;
	[sflag:s17] =	ssyncadd.s32 $0xFFFFEC00  }
0x50: {  	[tilespmem:s16], [sflag:$0x1] =	stream.indirect.gather [hbm4b:s4+s19], $0x80, s30, s19, $0xb8;
	[tilespmem:$0x1F400] =	vst v63  }
0x51: {  	_ =	swait.ge [sflag:s20], $0x4000  }
0x52: {  	[sflag:s20] =	ssyncset.done $0x0  }
0x53: {  	s31 =	simm.s32 $0x3C00;
	[sflag:s20] =	ssyncadd.s32 $0xFFFFC000  }
0x54: {  	[spmem:s1] =	stream.indirect.scatter.add.f32 [tilespmem:s16], [sflag:$0x2], $0x80, s31, s19, $0xb8;
	[tilespmem:$0x1F400] =	vst v63  }
0x55: {  	_ =	swait.ge [sflag:s17], $0x4000  }
0x56: {  	s22 =	simm.s32 $0x400;
	s21 =	simm.s32 $0x200;
	[sflag:s17] =	ssyncset.done $0x0  }
.LBB2_8:
0x57: {  	s23 =	sshra.s32 s21, $0x2  }
0x58: {  	[sflag:s17] =	ssyncadd.s32 $0xFFFFC000;
	s21 =	smov.u32 s22;
	s24 =	sadd.s32 $0x200, s22  }
0x59: {  	[tilespmem:s16], [sflag:$0x1] =	stream.indirect.gather [hbm4b:s4+s19], $0x80, s23, s19, $0xb8;
	[tilespmem:$0x1F400] =	vst v63  }
0x5a: {  	p1 =	sne.s32 s22, $0x4E00;
	_ =	swait.ge [sflag:s20], $0x4000  }
.Ltmp4:
0x5b: {  	[sflag:s20] =	ssyncset.done $0x0;
	(pc) =	sbr.rel @p1 .LBB2_8-.Ltmp4, $4  }
0x5c: {  	s22 =	sadd.s32 $0x3C00, s23;
	[sflag:s20] =	ssyncadd.s32 $0xFFFFC000  }
0x5d: {  	[spmem:s1] =	stream.indirect.scatter.add.f32 [tilespmem:s16], [sflag:$0x2], $0x80, s22, s19, $0xb8;
	[tilespmem:$0x1F400] =	vst v63  }
0x5e: {  	_ =	swait.ge [sflag:s17], $0x4000  }
0x5f: {  	s22 =	smov.u32 s24;
	[sflag:s17] =	ssyncset.done $0x0  }
0x60: {  	s21 =	sshra.s32 s21, $0x2;
	[sflag:s17] =	ssyncadd.s32 $0xFFFFC000  }
0x61: {  	[tilespmem:s16], [sflag:$0x1] =	stream.indirect.gather [hbm4b:s4+s19], $0x80, s21, s19, $0xb8;
	[tilespmem:$0x1F400] =	vst v63  }
0x62: {  	_ =	swait.ge [sflag:s20], $0x4000  }
0x63: {  	[sflag:s20] =	ssyncset.done $0x0  }
.Ltmp5:
0x64: {  	s21 =	sadd.s32 $0x3C00, s21;
	[sflag:s20] =	ssyncadd.s32 $0xFFFFC000;
	(pc) =	sbr.rel .LBB2_10-.Ltmp5, $4  }
0x65: {  	[spmem:s1] =	stream.indirect.scatter.add.f32 [tilespmem:s16], [sflag:$0x2], $0x80, s21, s19, $0xb8;
	[tilespmem:$0x1F400] =	vst v63  }
0x66: {  	_ =	swait.ge [sflag:s17], $0x4000  }
0x67: {  	[sflag:s17] =	ssyncset.done $0x0  }
0x68: {  	[sflag:s17] =	ssyncadd.s32 $0xFFFFC000  }
.LBB2_4:
0x69: {  	[tilespmem:s21], [sflag:$0x2] =	stream.linear.gather [hbm4b:s10+s21], $0x3C00, $0x38;
	[tilespmem:$0x1F400] =	vst v63  }
0x6a: {  	_ =	swait.ge [sflag:s17], $0x3C00  }
0x6b: {  	[sflag:s17] =	ssyncset.done $0x0  }
0x6c: {  	[sflag:s17] =	ssyncadd.s32 $0xFFFFC400  }
0x6d: {  	[tilespmem:s18], [sflag:$0x2] =	stream.linear.gather [hbm4b:s11+s21], $0x3C00, $0x38;
	[tilespmem:$0x1F400] =	vst v63  }
0x6e: {  	_ =	swait.ge [sflag:s17], $0x3C00  }
0x6f: {  	[sflag:s17] =	ssyncset.done $0x0  }
0x70: {  	s30 =	simm.s32 $0x0;
	[sflag:s17] =	ssyncadd.s32 $0xFFFFC400  }
0x71: {  	[tilespmem:s16], [sflag:$0x1] =	stream.indirect.gather [hbm4b:s4+s19], $0x80, s30, s19, $0xb8;
	[tilespmem:$0x1F400] =	vst v63  }
0x72: {  	_ =	swait.ge [sflag:s20], $0x4000  }
0x73: {  	[sflag:s20] =	ssyncset.done $0x0  }
0x74: {  	s31 =	simm.s32 $0x3C00;
	[sflag:s20] =	ssyncadd.s32 $0xFFFFC000  }
0x75: {  	[spmem:s1] =	stream.indirect.scatter.add.f32 [tilespmem:s16], [sflag:$0x2], $0x80, s31, s19, $0xb8;
	[tilespmem:$0x1F400] =	vst v63  }
0x76: {  	_ =	swait.ge [sflag:s17], $0x4000  }
0x77: {  	s22 =	simm.s32 $0x400;
	s21 =	simm.s32 $0x200;
	[sflag:s17] =	ssyncset.done $0x0  }
.LBB2_5:
0x78: {  	s23 =	sshra.s32 s21, $0x2  }
0x79: {  	[sflag:s17] =	ssyncadd.s32 $0xFFFFC000;
	s21 =	smov.u32 s22;
	s24 =	sadd.s32 $0x200, s22  }
0x7a: {  	[tilespmem:s16], [sflag:$0x1] =	stream.indirect.gather [hbm4b:s4+s19], $0x80, s23, s19, $0xb8;
	[tilespmem:$0x1F400] =	vst v63  }
0x7b: {  	p1 =	seq.s32 s22, $0xEE00;
	_ =	swait.ge [sflag:s20], $0x4000  }
.Ltmp6:
0x7c: {  	[sflag:s20] =	ssyncset.done $0x0;
	(pc) =	sbr.rel @!p1 .LBB2_5-.Ltmp6, $4  }
0x7d: {  	s22 =	sadd.s32 $0x3C00, s23;
	[sflag:s20] =	ssyncadd.s32 $0xFFFFC000  }
0x7e: {  	[spmem:s1] =	stream.indirect.scatter.add.f32 [tilespmem:s16], [sflag:$0x2], $0x80, s22, s19, $0xb8;
	[tilespmem:$0x1F400] =	vst v63  }
0x7f: {  	_ =	swait.ge [sflag:s17], $0x4000  }
0x80: {  	s22 =	smov.u32 s24;
	[sflag:s17] =	ssyncset.done $0x0  }
.Ltmp7:
0x81: {  	_ = 	snop;
	(pc) =	sbr.rel .LBB2_6-.Ltmp7, $1  }
0x82: {  	_ =	sdelay $0x3  }
.LBB2_11:
0x83: {  	_ =	sfence.sel $0x180000  }
0x84: {  	[bflag:$0x0] =	sbarrier.arrive $0xFFFF  }
0x85: {  	p0 =	sne.s32 s2, $0x0;
	_ =	strace $0x90000056  }
0x86: {  	s0 =	sadd.s32 @!p0 $0x100000, s0;
	[bflag:$0x2] =	sbarrier.arrive $0xFFFF  }
0x87: {  	[sflag:s0] =	ssyncadd.tile.s32 @!p0 $0x1;
	_ =	shalt  }
.Lfunc_end2:
_tile_overlayer_lowered:
.L_overlay_start_2:
0x88: {  	(tag) =	ssettag $0x2  }
0x89: {  	s0 =	rddreg [dreg:$0x0];
	s2 =	stileid.u32  }
0x8a: {  	s1 =	rddreg [dreg:$0x1];
	p0 =	sne.s32 s2, $0x0  }
0x8b: {  	s3 =	rddreg [dreg:$0x2];
	[bflag:$0x3] =	sbarrier.arrive $0xFFFF;
	s2 =	simm.s32 @!p0 $0x1C02  }
0x8c: {  	[timem:s3], [sflag:s2] =	dma.local @!p0 [hbm:s0], s1  }
0x8d: {  	s0 =	simm.s32 @!p0 $0x2  }
0x8e: {  	_ =	swait.ge @!p0 [sflag:s0], s1  }
0x8f: {  	s1 =	ssub.s32 @!p0 $0x0, s1;
	[sflag:s0] =	ssyncset.done @!p0 $0x0  }
0x90: {  	[sflag:s0] =	ssyncadd.s32 @!p0 s1  }
0x91: {  	[bflag:$0x3] =	sbarrier.arrive $0xFFFF  }
0x92: {  	_ =	shalt  }

</sc_bundles>
